<compile_context>
chip_gen: v7x
topology: tpu7x:2x2x1
jax: 0.10.2.dev20260603
libtpu: 0.0.44.dev20260713+nightly
codegen_flags: <defaults>
</compile_context>

<pallas_src>
import functools

import jax
import jax.numpy as jnp
from jax import lax
from jax.experimental import pallas as pl
from jax.experimental.pallas import tpu as pltpu
from jax.experimental.pallas import tpu_sc as plsc

N = 10000
E = 160000
ND = 128
ED = 16
H = 16
B = 8
DEPTH = 3
STEPS = 3

NC = 2
NS = 16
NW = NC * NS
N_PAD = 10016
EPW = 5120
E_PAD = EPW * NW
CH = 128
NCH = EPW // CH
RPT = N_PAD // NS

_SC_PARAMS = pltpu.CompilerParams(use_tc_tiling_on_sc=False)
_TC_BIG_VMEM = pltpu.CompilerParams(vmem_limit_bytes=100 * 1024 * 1024)



def _sc_gather(table, idx3):
    mesh = plsc.VectorSubcoreMesh(core_axis_name="c", subcore_axis_name="s")

    @functools.partial(
        pl.kernel, mesh=mesh,
        out_type=jax.ShapeDtypeStruct((E_PAD, H), jnp.float32),
        scratch_types=[
            pltpu.VMEM((NCH, CH), jnp.int32),
            pltpu.VMEM((EPW, H), jnp.float32),
            pltpu.VMEM((RPT, H), jnp.float32),
            pltpu.VMEM_SHARED((N_PAD, H), jnp.float32),
            pltpu.SemaphoreType.DMA,
        ],
        compiler_params=_SC_PARAMS,
    )
    def k(table_hbm, idx_hbm, out_hbm, idx_v, rows_v, stage_v, tab_s, sem):
        cid = lax.axis_index("c")
        sid = lax.axis_index("s")
        wid = sid * NC + cid
        pltpu.sync_copy(table_hbm.at[pl.ds(sid * RPT, RPT)], stage_v)
        pltpu.sync_copy(stage_v, tab_s.at[pl.ds(sid * RPT, RPT)])
        pltpu.sync_copy(idx_hbm.at[wid], idx_v)
        plsc.subcore_barrier()

        GP = 8

        def grp(g, carry):
            for j in range(GP):
                pltpu.async_copy(
                    tab_s.at[idx_v.at[g * GP + j]],
                    rows_v.at[pl.ds((g * GP + j) * CH, CH)], sem)
            for j in range(GP):
                pltpu.make_async_copy(
                    tab_s.at[idx_v.at[g * GP + j]],
                    rows_v.at[pl.ds((g * GP + j) * CH, CH)], sem).wait()
            return carry

        lax.fori_loop(0, NCH // GP, grp, 0)
        pltpu.sync_copy(rows_v, out_hbm.at[pl.ds(wid * EPW, EPW)])

    return k(table, idx3)


def _sc_scatter(vals, idx3, zeros_np):
    mesh = plsc.VectorSubcoreMesh(core_axis_name="c", subcore_axis_name="s")

    @functools.partial(
        pl.kernel, mesh=mesh,
        out_type=jax.ShapeDtypeStruct((NC * N_PAD, H), jnp.float32),
        scratch_types=[
            pltpu.VMEM((NCH, CH), jnp.int32),
            pltpu.VMEM((EPW, H), jnp.float32),
            pltpu.VMEM((RPT, H), jnp.float32),
            pltpu.VMEM_SHARED((N_PAD, H), jnp.float32),
            pltpu.SemaphoreType.DMA,
        ],
        compiler_params=_SC_PARAMS,
    )
    def k(vals_hbm, idx_hbm, zero_hbm, out_hbm, idx_v, vals_v, row_v, shared, sem):
        cid = lax.axis_index("c")
        sid = lax.axis_index("s")
        wid = sid * NC + cid
        pltpu.sync_copy(zero_hbm.at[pl.ds(sid * RPT, RPT)], row_v)
        pltpu.sync_copy(row_v, shared.at[pl.ds(sid * RPT, RPT)])
        pltpu.sync_copy(idx_hbm.at[wid], idx_v)
        pltpu.sync_copy(vals_hbm.at[pl.ds(wid * EPW, EPW)], vals_v)
        plsc.subcore_barrier()

        def chunk(c, carry):
            pltpu.sync_copy(vals_v.at[pl.ds(c * CH, CH)],
                            shared.at[idx_v.at[c]], add=True)
            return carry

        lax.fori_loop(0, NCH, chunk, 0)
        plsc.subcore_barrier()
        pltpu.sync_copy(shared.at[pl.ds(sid * RPT, RPT)], row_v)
        pltpu.sync_copy(row_v, out_hbm.at[pl.ds(cid * N_PAD + sid * RPT, RPT)])

    return k(vals, idx3, zeros_np)



MB = 8192
NMB = E_PAD // MB
MR = MB // 8
NPK = N_PAD * H // 128


def _lanes(v, j, w):
    return v[:, j * w:(j + 1) * w]


def _tc_prep(x_pad, W0, b0):
    def body(x_ref, w_ref, b_ref, o_ref):
        o_ref[...] = jnp.maximum(
            jnp.dot(x_ref[...], w_ref[...],
                    preferred_element_type=jnp.float32) + b_ref[...], 0.0)

    return pl.pallas_call(
        body,
        out_shape=jax.ShapeDtypeStruct((N_PAD, H), jnp.float32),
    )(x_pad, W0, b0.reshape(1, H))


def _tc_msg(ea128, src128, Wnn1, bnn1, Wnn2, bnn2, Rm, Sm):
    def body(e_ref, s_ref, w1_ref, b1_ref, w2_ref, b2_ref, r_ref, sm_ref,
             o_ref):
        eb = e_ref[...]
        sb = s_ref[...]
        ecat = jnp.concatenate([_lanes(eb, j, H) for j in range(8)], axis=0)
        scat = jnp.concatenate([_lanes(sb, j, H) for j in range(8)], axis=0)
        z = jnp.maximum(
            jnp.dot(ecat, w1_ref[...],
                    preferred_element_type=jnp.float32) + b1_ref[...], 0.0)
        ew = jnp.dot(z, w2_ref[...],
                     preferred_element_type=jnp.float32) + b2_ref[...]
        rep = jnp.dot(scat, r_ref[...], preferred_element_type=jnp.float32)
        pm = jnp.dot(ew * rep, sm_ref[...],
                     preferred_element_type=jnp.float32)
        o_ref[...] = jnp.concatenate(
            [pm[j * MR:(j + 1) * MR] for j in range(8)], axis=1)

    return pl.pallas_call(
        body,
        grid=(NMB,),
        in_specs=[
            pl.BlockSpec((MR, 128), lambda i: (i, 0)),
            pl.BlockSpec((MR, 128), lambda i: (i, 0)),
            pl.BlockSpec((ED, 2 * H), lambda i: (0, 0)),
            pl.BlockSpec((1, 2 * H), lambda i: (0, 0)),
            pl.BlockSpec((2 * H, H * H), lambda i: (0, 0)),
            pl.BlockSpec((1, H * H), lambda i: (0, 0)),
            pl.BlockSpec((H, H * H), lambda i: (0, 0)),
            pl.BlockSpec((H * H, H), lambda i: (0, 0)),
        ],
        out_specs=pl.BlockSpec((MR, 128), lambda i: (i, 0)),
        out_shape=jax.ShapeDtypeStruct((E_PAD * H // 128, 128), jnp.float32),
        compiler_params=_TC_BIG_VMEM,
    )(ea128, src128, Wnn1, bnn1.reshape(1, 2 * H),
      Wnn2, bnn2.reshape(1, H * H), Rm, Sm)


def _tc_update(agg128, deg128, h128, root, cb, WihT, WhhT, bih, bhh):
    def body(a_ref, d_ref, h_ref, root_ref, cb_ref,
             wi_ref, wh_ref, bi_ref, bh_ref, o_ref):
        av = a_ref[...]
        dv = d_ref[...]
        hv = h_ref[...]
        outs = []
        for j in range(8):
            a0 = _lanes(av[:NPK], j, H)
            a1 = _lanes(av[NPK:], j, H)
            d0 = _lanes(dv[:NPK], j, H)
            d1 = _lanes(dv[NPK:], j, H)
            hj = _lanes(hv, j, H)
            dinv = 1.0 / jnp.maximum(d0 + d1, 1.0)
            m = jnp.maximum(
                (a0 + a1) * dinv
                + jnp.dot(hj, root_ref[...],
                          preferred_element_type=jnp.float32) + cb_ref[...],
                0.0)
            gi = jnp.dot(m, wi_ref[...],
                         preferred_element_type=jnp.float32) + bi_ref[...]
            gh = jnp.dot(hj, wh_ref[...],
                         preferred_element_type=jnp.float32) + bh_ref[...]
            r = jax.nn.sigmoid(gi[:, :H] + gh[:, :H])
            zg = jax.nn.sigmoid(gi[:, H:2 * H] + gh[:, H:2 * H])
            ng = jnp.tanh(gi[:, 2 * H:] + r * gh[:, 2 * H:])
            outs.append((1.0 - zg) * ng + zg * hj)
        o_ref[...] = jnp.concatenate(outs, axis=1)

    return pl.pallas_call(
        body,
        out_shape=jax.ShapeDtypeStruct((NPK, 128), jnp.float32),
        compiler_params=_TC_BIG_VMEM,
    )(agg128, deg128, h128, root, cb.reshape(1, H), WihT, WhhT,
      bih.reshape(1, 3 * H), bhh.reshape(1, 3 * H))


def _tc_final(h, batch2, lWihT, lWhhT, lbih, lbhh, W1, b1, W2, b2,
              W3, b3, W4, b4):
    NPG = N // B

    def body(h_ref, b_ref, wi_ref, wh_ref, bi_ref, bh_ref,
             w1_ref, b1_ref, w2_ref, b2_ref, w3_ref, b3_ref, w4_ref, b4_ref,
             pr_ref, val_ref):
        hv = h_ref[...]
        bvec = b_ref[...]
        seg = lax.broadcasted_iota(jnp.int32, (N_PAD, B), 1)
        M = (bvec == seg).astype(jnp.float32)
        valid = (bvec < B)

        q_star = jnp.zeros((B, 2 * H), jnp.float32)
        hs = jnp.zeros((B, H), jnp.float32)
        cs = jnp.zeros((B, H), jnp.float32)
        for _ in range(STEPS):
            g = (jnp.dot(q_star, wi_ref[...],
                         preferred_element_type=jnp.float32) + bi_ref[...]
                 + jnp.dot(hs, wh_ref[...],
                           preferred_element_type=jnp.float32) + bh_ref[...])
            i_g = jax.nn.sigmoid(g[:, :H])
            f_g = jax.nn.sigmoid(g[:, H:2 * H])
            g_g = jnp.tanh(g[:, 2 * H:3 * H])
            o_g = jax.nn.sigmoid(g[:, 3 * H:])
            cs = f_g * cs + i_g * g_g
            hs = o_g * jnp.tanh(cs)
            q = hs
            qn = jnp.dot(M, q, preferred_element_type=jnp.float32)
            e = jnp.sum(hv * qn, axis=1, keepdims=True)
            em8 = jnp.max(jnp.where(M > 0, e, -jnp.inf), axis=0, keepdims=True)
            em8 = jnp.where(jnp.isfinite(em8), em8, 0.0)
            emn = jnp.sum(M * em8, axis=1, keepdims=True)
            ex = jnp.exp(jnp.where(valid, e - emn, -1e30))
            den8 = jnp.sum(M * ex, axis=0, keepdims=True)
            denn = jnp.sum(M * den8, axis=1, keepdims=True)
            a = ex / jnp.maximum(denn, 1e-16)
            r_read = lax.dot_general(M * a, hv, (((0,), (0,)), ((), ())),
                                     preferred_element_type=jnp.float32)
            q_star = jnp.concatenate([q, r_read], axis=1)

        v1 = jnp.maximum(
            jnp.dot(q_star, w1_ref[...],
                    preferred_element_type=jnp.float32) + b1_ref[...], 0.0)
        val_ref[...] = jnp.dot(v1, w2_ref[...],
                               preferred_element_type=jnp.float32) + b2_ref[...]

        l1 = jnp.maximum(
            jnp.dot(hv, w3_ref[...],
                    preferred_element_type=jnp.float32) + b3_ref[...], 0.0)
        logits = jnp.dot(l1, w4_ref[...],
                         preferred_element_type=jnp.float32) + b4_ref[...]
        gid = lax.broadcasted_iota(jnp.int32, (N_PAD, 1), 0) // NPG
        G = (gid == seg).astype(jnp.float32)
        lm = jnp.max(logits, axis=1, keepdims=True)
        m8 = jnp.max(jnp.where(G > 0, lm, -jnp.inf), axis=0, keepdims=True)
        m8 = jnp.where(jnp.isfinite(m8), m8, 0.0)
        mn = jnp.sum(G * m8, axis=1, keepdims=True)
        ex2 = jnp.exp(jnp.where(gid < B, logits - mn, -1e30))
        srow = jnp.sum(ex2, axis=1, keepdims=True)
        s8 = jnp.sum(G * srow, axis=0, keepdims=True)
        sn = jnp.sum(G * s8, axis=1, keepdims=True)
        pr = ex2 / jnp.maximum(sn, 1e-30)
        pr_ref[...] = pr[:N, :]

    return pl.pallas_call(
        body,
        out_shape=(
            jax.ShapeDtypeStruct((N, 2), jnp.float32),
            jax.ShapeDtypeStruct((B, 1), jnp.float32),
        ),
        compiler_params=_TC_BIG_VMEM,
    )(h, batch2, lWihT, lWhhT, lbih.reshape(1, 4 * H), lbhh.reshape(1, 4 * H),
      W1, b1.reshape(1, H), W2, b2.reshape(1, 1),
      W3, b3.reshape(1, 36), W4, b4.reshape(1, 2))



def kernel(x, edge_index, edge_attr, batch, W0, b0, Wnn1, bnn1, Wnn2, bnn2,
           root, conv_bias, gru_Wih, gru_Whh, gru_bih, gru_bhh,
           lstm_Wih, lstm_Whh, lstm_bih, lstm_bhh,
           W1, b1, W2, b2, W3, b3, W4, b4):
    f32 = jnp.float32
    x_pad = jnp.pad(x, ((0, N_PAD - N), (0, 0)))
    src = jnp.pad(edge_index[0], (0, E_PAD - E)).reshape(NW, NCH, CH)
    dst = jnp.pad(edge_index[1], (0, E_PAD - E),
                  constant_values=N).reshape(NW, NCH, CH)
    batch2 = jnp.pad(batch, (0, N_PAD - N), constant_values=B).reshape(N_PAD, 1)
    zeros_np = jnp.zeros((N_PAD, H), f32)
    onesE = jnp.ones((E_PAD, H), f32)

    Rm = jnp.kron(jnp.eye(H, dtype=f32), jnp.ones((1, H), f32))
    Sm = jnp.kron(jnp.ones((H, 1), f32), jnp.eye(H, dtype=f32))

    def to_flat(a128, rows):
        return a128.reshape(rows, H)

    def to_packed(aflat):
        return aflat.reshape(-1, 128)

    ea128 = jnp.pad(edge_attr.reshape(E * ED // 128, 128),
                    ((0, (E_PAD - E) * ED // 128), (0, 0)))

    h0 = _tc_prep(x_pad, W0, b0)
    h128 = to_packed(h0)

    deg2 = _sc_scatter(onesE, dst, zeros_np)
    deg128 = to_packed(deg2)

    for _ in range(DEPTH):
        out_src = _sc_gather(to_flat(h128, N_PAD), src)
        msg128 = _tc_msg(ea128, to_packed(out_src), Wnn1, bnn1, Wnn2, bnn2,
                         Rm, Sm)
        agg2 = _sc_scatter(to_flat(msg128, E_PAD), dst, zeros_np)
        h128 = _tc_update(to_packed(agg2), deg128, h128,
                          root, conv_bias, gru_Wih.T, gru_Whh.T,
                          gru_bih, gru_bhh)

    pr, value = _tc_final(to_flat(h128, N_PAD), batch2, lstm_Wih.T,
                          lstm_Whh.T, lstm_bih, lstm_bhh,
                          W1, b1, W2, b2, W3, b3, W4, b4)
    probs = pr.reshape(B, -1)
    return probs, value

# --- scband reference (transcript-rebuilt; emitter-appended) ---
"""Pipeline reference for scband-net-36421322670406 (READ-ONLY COPY).

The authoritative reference and input builder live on the scoring server;
editing this copy changes nothing except your own understanding.
"""

import jax, jax.numpy as jnp
import numpy as np

N = 10000
E = 160000
ND = 128
ED = 16
H = 16
B = 8
DEPTH = 3
STEPS = 3


def setup_inputs(seed: int = 0):
    key = jax.random.key(seed)
    ks = jax.random.split(key, 24)

    def w(k, shape):
        return jax.random.normal(k, shape, dtype=jnp.float32) * 0.1

    inp = {}
    inp['x'] = jax.random.normal(ks[0], (N, ND), dtype=jnp.float32)
    inp['edge_index'] = jax.random.randint(ks[1], (2, E), 0, N, dtype=jnp.int32)
    inp['edge_attr'] = jax.random.normal(ks[2], (E, ED), dtype=jnp.float32)
    inp['batch'] = jnp.sort(jax.random.randint(ks[3], (N,), 0, B, dtype=jnp.int32))
    inp['W0'] = w(ks[4], (ND, H)); inp['b0'] = jnp.full((H,), 0.1, jnp.float32)
    inp['Wnn1'] = w(ks[5], (ED, 2 * H)); inp['bnn1'] = jnp.full((2 * H,), 0.1, jnp.float32)
    inp['Wnn2'] = w(ks[6], (2 * H, H * H)); inp['bnn2'] = jnp.full((H * H,), 0.1, jnp.float32)
    inp['root'] = w(ks[7], (H, H)); inp['conv_bias'] = jnp.zeros((H,), jnp.float32)
    inp['gru_Wih'] = w(ks[8], (3 * H, H)); inp['gru_Whh'] = w(ks[9], (3 * H, H))
    inp['gru_bih'] = jnp.zeros((3 * H,), jnp.float32); inp['gru_bhh'] = jnp.zeros((3 * H,), jnp.float32)
    inp['lstm_Wih'] = w(ks[10], (4 * H, 2 * H)); inp['lstm_Whh'] = w(ks[11], (4 * H, H))
    inp['lstm_bih'] = jnp.zeros((4 * H,), jnp.float32); inp['lstm_bhh'] = jnp.zeros((4 * H,), jnp.float32)
    inp['W1'] = w(ks[12], (2 * H, H)); inp['b1'] = jnp.full((H,), 0.1, jnp.float32)
    inp['W2'] = w(ks[13], (H, 1)); inp['b2'] = jnp.full((1,), 0.1, jnp.float32)
    inp['W3'] = w(ks[14], (H, 36)); inp['b3'] = jnp.full((36,), 0.1, jnp.float32)
    inp['W4'] = w(ks[15], (36, 2)); inp['b4'] = jnp.full((2,), 0.1, jnp.float32)
    return inp


def _forward(x, edge_attr, W0, b0, Wnn1, bnn1, Wnn2, bnn2, root, conv_bias,
             gru_Wih, gru_Whh, gru_bih, gru_bhh,
             lstm_Wih, lstm_Whh, lstm_bih, lstm_bhh,
             W1, b1, W2, b2, W3, b3, W4, b4, edge_index, batch):
    src = edge_index[0]
    dst = edge_index[1]
    # lin0 + relu
    out = jax.nn.relu(x @ W0 + b0)
    h = out
    # NNConv edge network (same edge_attr every depth iter -> compute once)
    ew = (jax.nn.relu(edge_attr @ Wnn1 + bnn1) @ Wnn2 + bnn2).reshape(E, H, H)
    deg = jax.ops.segment_sum(jnp.ones((E,), jnp.float32), dst, num_segments=N)
    deg = jnp.maximum(deg, 1.0)
    for _ in range(DEPTH):
        # NNConv: message = x_j @ W(e), aggr='mean' over dst, plus root weight + bias
        msg = jnp.einsum('eh,eho->eo', out[src], ew)
        agg = jax.ops.segment_sum(msg, dst, num_segments=N) / deg[:, None]
        m = jax.nn.relu(agg + out @ root + conv_bias)
        # single-step GRU (torch.nn.GRU gate equations)
        gi = m @ gru_Wih.T + gru_bih
        gh = h @ gru_Whh.T + gru_bhh
        r = jax.nn.sigmoid(gi[:, :H] + gh[:, :H])
        z = jax.nn.sigmoid(gi[:, H:2 * H] + gh[:, H:2 * H])
        n = jnp.tanh(gi[:, 2 * H:] + r * gh[:, 2 * H:])
        h = (1.0 - z) * n + z * h
        out = h
    # Set2Set global pooling (critic branch)
    q_star = jnp.zeros((B, 2 * H), jnp.float32)
    hs = jnp.zeros((B, H), jnp.float32)
    cs = jnp.zeros((B, H), jnp.float32)
    for _ in range(STEPS):
        g = q_star @ lstm_Wih.T + lstm_bih + hs @ lstm_Whh.T + lstm_bhh
        i_g = jax.nn.sigmoid(g[:, :H])
        f_g = jax.nn.sigmoid(g[:, H:2 * H])
        g_g = jnp.tanh(g[:, 2 * H:3 * H])
        o_g = jax.nn.sigmoid(g[:, 3 * H:])
        cs = f_g * cs + i_g * g_g
        hs = o_g * jnp.tanh(cs)
        q = hs
        e = jnp.sum(out * q[batch], axis=-1)
        emax = jax.ops.segment_max(e, batch, num_segments=B)
        emax = jnp.where(jnp.isfinite(emax), emax, 0.0)
        ex = jnp.exp(e - emax[batch])
        den = jax.ops.segment_sum(ex, batch, num_segments=B)
        a = ex / jnp.maximum(den[batch], 1e-16)
        r_read = jax.ops.segment_sum(a[:, None] * out, batch, num_segments=B)
        q_star = jnp.concatenate([q, r_read], axis=-1)
    # critic head
    value = jax.nn.relu(q_star @ W1 + b1) @ W2 + b2
    # actor head: Categorical probs over per-node actions, reshaped per graph
    logits = jax.nn.relu(out @ W3 + b3) @ W4 + b4
    probs = jax.nn.softmax(logits.reshape(B, -1), axis=-1)
    return probs, value


def reference(x, edge_index, edge_attr, batch, W0, b0, Wnn1, bnn1, Wnn2, bnn2, root, conv_bias,
              gru_Wih, gru_Whh, gru_bih, gru_bhh, lstm_Wih, lstm_Whh, lstm_bih, lstm_bhh,
              W1, b1, W2, b2, W3, b3, W4, b4):
    return _forward(x, edge_attr, W0, b0, Wnn1, bnn1, Wnn2, bnn2, root, conv_bias,
                    gru_Wih, gru_Whh, gru_bih, gru_bhh,
                    lstm_Wih, lstm_Whh, lstm_bih, lstm_bhh,
                    W1, b1, W2, b2, W3, b3, W4, b4, edge_index, batch)

if __name__ == "__main__":
    import jax
    _d = setup_inputs()
    print(jax.jit(kernel)(*tuple(_d.values())))

</pallas_src>

<mosaic_0001>
#map = affine_map<(d0, d1) -> (0, 0)>
#map1 = affine_map<(d0, d1) -> (0, 0, 0)>
module attributes {stable_mosaic.version = 14 : i64} {
  func.func @k(%arg0: i32, %arg1: i32, %arg2: memref<163840x16xf32, #tpu.memory_space<hbm>>, %arg3: memref<32x40x128xi32, #tpu.memory_space<hbm>>, %arg4: memref<10016x16xf32, #tpu.memory_space<hbm>>, %arg5: memref<20032x16xf32, #tpu.memory_space<hbm>>, %arg6: memref<40x128xi32, #tpu.memory_space<vmem>>, %arg7: memref<5120x16xf32, #tpu.memory_space<vmem>>, %arg8: memref<626x16xf32, #tpu.memory_space<vmem>>, %arg9: memref<10016x16xf32, #tpu.memory_space<vmem_shared>>, %arg10: memref<!tpu.dma_semaphore, #tpu.memory_space<semaphore_mem>>) attributes {dimension_semantics = [#tpu.dimension_semantics<core_parallel>, #tpu.dimension_semantics<subcore_parallel>], iteration_bounds = array<i64: 2, 16>, scalar_prefetch = 0 : i64, scratch_operands = 5 : i64, tpu.core_type = #tpu.core_type<sc_vector_subcore>, window_params = [{transform_indices = #map}, {transform_indices = #map1}, {transform_indices = #map}, {transform_indices = #map}]} {
    %mul3A = arith.constant 2 : i32
    %mul3A_0 = arith.muli %arg1, %mul3A : i32
    %add3A = arith.addi %mul3A_0, %arg0 : i32
    %mul3A_1 = arith.constant 626 : i32
    %mul3A_2 = arith.muli %arg1, %mul3A_1 : i32
    "tpu.region"() ({
      %run_scoped3A = tpu.sem_alloc : memref<!tpu.dma_semaphore, #tpu.memory_space<semaphore_mem>>
      %dma_start3A = arith.constant 0 : i32
      %dma_start3A_20 = tpu.memref_slice %arg4[%mul3A_2, %dma_start3A] : memref<10016x16xf32, #tpu.memory_space<hbm>> -> memref<626x16xf32, #tpu.memory_space<hbm>>
      %dma_start3A_21 = arith.constant 0 : i32
      %dma_start3A_22 = tpu.memref_slice %arg4[%mul3A_2, %dma_start3A_21] : memref<10016x16xf32, #tpu.memory_space<hbm>> -> memref<626x16xf32, #tpu.memory_space<hbm>>
      tpu.enqueue_dma source(%dma_start3A_22 : memref<626x16xf32, #tpu.memory_space<hbm>>) target(%arg8 : memref<626x16xf32, #tpu.memory_space<vmem>>) target_semaphore(%run_scoped3A : memref<!tpu.dma_semaphore, #tpu.memory_space<semaphore_mem>>)
      %dma_wait3A = arith.constant 0 : i32
      %dma_wait3A_23 = tpu.memref_slice %arg4[%mul3A_2, %dma_wait3A] : memref<10016x16xf32, #tpu.memory_space<hbm>> -> memref<626x16xf32, #tpu.memory_space<hbm>>
      %dma_wait3A_24 = arith.constant 0 : i32
      %dma_wait3A_25 = tpu.memref_slice %arg4[%mul3A_2, %dma_wait3A_24] : memref<10016x16xf32, #tpu.memory_space<hbm>> -> memref<626x16xf32, #tpu.memory_space<hbm>>
      tpu.wait_dma2 semaphore(%run_scoped3A : memref<!tpu.dma_semaphore, #tpu.memory_space<semaphore_mem>>) src(%dma_wait3A_25 : memref<626x16xf32, #tpu.memory_space<hbm>>) dst(%arg8 : memref<626x16xf32, #tpu.memory_space<vmem>>)
      tpu.yield
    }) : () -> ()
    %mul3A_3 = arith.constant 626 : i32
    %mul3A_4 = arith.muli %arg1, %mul3A_3 : i32
    "tpu.region"() ({
      %run_scoped3A = tpu.sem_alloc : memref<!tpu.dma_semaphore, #tpu.memory_space<semaphore_mem>>
      %dma_start3A = arith.constant 0 : i32
      %dma_start3A_20 = tpu.memref_slice %arg9[%mul3A_4, %dma_start3A] : memref<10016x16xf32, #tpu.memory_space<vmem_shared>> -> memref<626x16xf32, #tpu.memory_space<vmem_shared>>
      %dma_start3A_21 = arith.constant 0 : i32
      %dma_start3A_22 = tpu.memref_slice %arg9[%mul3A_4, %dma_start3A_21] : memref<10016x16xf32, #tpu.memory_space<vmem_shared>> -> memref<626x16xf32, #tpu.memory_space<vmem_shared>>
      tpu.enqueue_dma source(%arg8 : memref<626x16xf32, #tpu.memory_space<vmem>>) target(%dma_start3A_22 : memref<626x16xf32, #tpu.memory_space<vmem_shared>>) target_semaphore(%run_scoped3A : memref<!tpu.dma_semaphore, #tpu.memory_space<semaphore_mem>>)
      %dma_wait3A = arith.constant 0 : i32
      %dma_wait3A_23 = tpu.memref_slice %arg9[%mul3A_4, %dma_wait3A] : memref<10016x16xf32, #tpu.memory_space<vmem_shared>> -> memref<626x16xf32, #tpu.memory_space<vmem_shared>>
      %dma_wait3A_24 = arith.constant 0 : i32
      %dma_wait3A_25 = tpu.memref_slice %arg9[%mul3A_4, %dma_wait3A_24] : memref<10016x16xf32, #tpu.memory_space<vmem_shared>> -> memref<626x16xf32, #tpu.memory_space<vmem_shared>>
      tpu.wait_dma2 semaphore(%run_scoped3A : memref<!tpu.dma_semaphore, #tpu.memory_space<semaphore_mem>>) src(%arg8 : memref<626x16xf32, #tpu.memory_space<vmem>>) dst(%dma_wait3A_25 : memref<626x16xf32, #tpu.memory_space<vmem_shared>>)
      tpu.yield
    }) : () -> ()
    "tpu.region"() ({
      %run_scoped3A = tpu.sem_alloc : memref<!tpu.dma_semaphore, #tpu.memory_space<semaphore_mem>>
      %dma_start3A = arith.constant 0 : i32
      %dma_start3A_20 = arith.constant 0 : i32
      %dma_start3A_21 = tpu.memref_slice %arg3[%add3A, %dma_start3A, %dma_start3A_20] : memref<32x40x128xi32, #tpu.memory_space<hbm>> -> memref<1x40x128xi32, #tpu.memory_space<hbm>>
      %dma_start3A_22 = tpu.memref_squeeze %dma_start3A_21 : memref<1x40x128xi32, #tpu.memory_space<hbm>> -> memref<40x128xi32, #tpu.memory_space<hbm>>
      %dma_start3A_23 = arith.constant 0 : i32
      %dma_start3A_24 = arith.constant 0 : i32
      %dma_start3A_25 = tpu.memref_slice %arg3[%add3A, %dma_start3A_23, %dma_start3A_24] : memref<32x40x128xi32, #tpu.memory_space<hbm>> -> memref<1x40x128xi32, #tpu.memory_space<hbm>>
      %dma_start3A_26 = tpu.memref_squeeze %dma_start3A_25 : memref<1x40x128xi32, #tpu.memory_space<hbm>> -> memref<40x128xi32, #tpu.memory_space<hbm>>
      tpu.enqueue_dma source(%dma_start3A_26 : memref<40x128xi32, #tpu.memory_space<hbm>>) target(%arg6 : memref<40x128xi32, #tpu.memory_space<vmem>>) target_semaphore(%run_scoped3A : memref<!tpu.dma_semaphore, #tpu.memory_space<semaphore_mem>>)
      %dma_wait3A = arith.constant 0 : i32
      %dma_wait3A_27 = arith.constant 0 : i32
      %dma_wait3A_28 = tpu.memref_slice %arg3[%add3A, %dma_wait3A, %dma_wait3A_27] : memref<32x40x128xi32, #tpu.memory_space<hbm>> -> memref<1x40x128xi32, #tpu.memory_space<hbm>>
      %dma_wait3A_29 = tpu.memref_squeeze %dma_wait3A_28 : memref<1x40x128xi32, #tpu.memory_space<hbm>> -> memref<40x128xi32, #tpu.memory_space<hbm>>
      %dma_wait3A_30 = arith.constant 0 : i32
      %dma_wait3A_31 = arith.constant 0 : i32
      %dma_wait3A_32 = tpu.memref_slice %arg3[%add3A, %dma_wait3A_30, %dma_wait3A_31] : memref<32x40x128xi32, #tpu.memory_space<hbm>> -> memref<1x40x128xi32, #tpu.memory_space<hbm>>
      %dma_wait3A_33 = tpu.memref_squeeze %dma_wait3A_32 : memref<1x40x128xi32, #tpu.memory_space<hbm>> -> memref<40x128xi32, #tpu.memory_space<hbm>>
      tpu.wait_dma2 semaphore(%run_scoped3A : memref<!tpu.dma_semaphore, #tpu.memory_space<semaphore_mem>>) src(%dma_wait3A_33 : memref<40x128xi32, #tpu.memory_space<hbm>>) dst(%arg6 : memref<40x128xi32, #tpu.memory_space<vmem>>)
      tpu.yield
    }) : () -> ()
    %mul3A_5 = arith.constant 5120 : i32
    %mul3A_6 = arith.muli %add3A, %mul3A_5 : i32
    "tpu.region"() ({
      %run_scoped3A = tpu.sem_alloc : memref<!tpu.dma_semaphore, #tpu.memory_space<semaphore_mem>>
      %dma_start3A = arith.constant 0 : i32
      %dma_start3A_20 = tpu.memref_slice %arg2[%mul3A_6, %dma_start3A] : memref<163840x16xf32, #tpu.memory_space<hbm>> -> memref<5120x16xf32, #tpu.memory_space<hbm>>
      %dma_start3A_21 = arith.constant 0 : i32
      %dma_start3A_22 = tpu.memref_slice %arg2[%mul3A_6, %dma_start3A_21] : memref<163840x16xf32, #tpu.memory_space<hbm>> -> memref<5120x16xf32, #tpu.memory_space<hbm>>
      tpu.enqueue_dma source(%dma_start3A_22 : memref<5120x16xf32, #tpu.memory_space<hbm>>) target(%arg7 : memref<5120x16xf32, #tpu.memory_space<vmem>>) target_semaphore(%run_scoped3A : memref<!tpu.dma_semaphore, #tpu.memory_space<semaphore_mem>>)
      %dma_wait3A = arith.constant 0 : i32
      %dma_wait3A_23 = tpu.memref_slice %arg2[%mul3A_6, %dma_wait3A] : memref<163840x16xf32, #tpu.memory_space<hbm>> -> memref<5120x16xf32, #tpu.memory_space<hbm>>
      %dma_wait3A_24 = arith.constant 0 : i32
      %dma_wait3A_25 = tpu.memref_slice %arg2[%mul3A_6, %dma_wait3A_24] : memref<163840x16xf32, #tpu.memory_space<hbm>> -> memref<5120x16xf32, #tpu.memory_space<hbm>>
      tpu.wait_dma2 semaphore(%run_scoped3A : memref<!tpu.dma_semaphore, #tpu.memory_space<semaphore_mem>>) src(%dma_wait3A_25 : memref<5120x16xf32, #tpu.memory_space<hbm>>) dst(%arg7 : memref<5120x16xf32, #tpu.memory_space<vmem>>)
      tpu.yield
    }) : () -> ()
    %barrier3A = arith.constant 0 : index
    tpu.barrier barrier_id(%barrier3A)
    %scan3A = arith.constant 0 : i32
    %scan3A_7 = arith.constant 0 : i32
    %scan3A_8 = arith.constant 40 : i32
    %scan3A_9 = arith.addi %scan3A_7, %scan3A_8 : i32
    %scan3A_10 = arith.constant 1 : i32
    scf.for %scan3A_20 = %scan3A_7 to %scan3A_9 step %scan3A_10  : i32 {
      %mul3A_21 = arith.constant 128 : i32
      %mul3A_22 = arith.muli %scan3A_20, %mul3A_21 : i32
      "tpu.region"() ({
        %run_scoped3A = tpu.sem_alloc : memref<!tpu.dma_semaphore, #tpu.memory_space<semaphore_mem>>
        %dma_start3A = arith.constant 0 : i32
        %dma_start3A_23 = tpu.memref_slice %arg7[%mul3A_22, %dma_start3A] : memref<5120x16xf32, #tpu.memory_space<vmem>> -> memref<128x16xf32, #tpu.memory_space<vmem>>
        %dma_start3A_24 = arith.constant 0 : i32
        %dma_start3A_25 = tpu.memref_slice %arg6[%scan3A_20, %dma_start3A_24] : memref<40x128xi32, #tpu.memory_space<vmem>> -> memref<1x128xi32, #tpu.memory_space<vmem>>
        %dma_start3A_26 = tpu.memref_squeeze %dma_start3A_25 : memref<1x128xi32, #tpu.memory_space<vmem>> -> memref<128xi32, #tpu.memory_space<vmem>>
        %dma_start3A_27 = arith.constant 0 : i32
        %dma_start3A_28 = arith.constant 0 : i32
        %dma_start3A_29 = tpu.memref_slice %arg9[%dma_start3A_27, %dma_start3A_28] : memref<10016x16xf32, #tpu.memory_space<vmem_shared>> -> memref<10016x16xf32, #tpu.memory_space<vmem_shared>>
        tpu.enqueue_indirect_dma source(%dma_start3A_23 : memref<128x16xf32, #tpu.memory_space<vmem>>) target(%dma_start3A_29 : memref<10016x16xf32, #tpu.memory_space<vmem_shared>>) offsets(%dma_start3A_26 : memref<128xi32, #tpu.memory_space<vmem>>) semaphore(%run_scoped3A : memref<!tpu.dma_semaphore, #tpu.memory_space<semaphore_mem>>) {add = true}
        %dma_wait3A = arith.constant 0 : i32
        %dma_wait3A_30 = tpu.memref_slice %arg7[%mul3A_22, %dma_wait3A] : memref<5120x16xf32, #tpu.memory_space<vmem>> -> memref<128x16xf32, #tpu.memory_space<vmem>>
        %dma_wait3A_31 = arith.constant 0 : i32
        %dma_wait3A_32 = tpu.memref_slice %arg6[%scan3A_20, %dma_wait3A_31] : memref<40x128xi32, #tpu.memory_space<vmem>> -> memref<1x128xi32, #tpu.memory_space<vmem>>
        %dma_wait3A_33 = tpu.memref_squeeze %dma_wait3A_32 : memref<1x128xi32, #tpu.memory_space<vmem>> -> memref<128xi32, #tpu.memory_space<vmem>>
        %dma_wait3A_34 = arith.constant 0 : i32
        %dma_wait3A_35 = arith.constant 0 : i32
        %dma_wait3A_36 = tpu.memref_slice %arg9[%dma_wait3A_34, %dma_wait3A_35] : memref<10016x16xf32, #tpu.memory_space<vmem_shared>> -> memref<10016x16xf32, #tpu.memory_space<vmem_shared>>
        tpu.wait_indirect_dma semaphore(%run_scoped3A : memref<!tpu.dma_semaphore, #tpu.memory_space<semaphore_mem>>) src(%dma_wait3A_30 : memref<128x16xf32, #tpu.memory_space<vmem>>) dst(%dma_wait3A_36 : memref<10016x16xf32, #tpu.memory_space<vmem_shared>>)
        tpu.yield
      }) : () -> ()
    }
    %scan3A_11 = arith.constant 40 : i32
    %barrier3A_12 = arith.constant 0 : index
    tpu.barrier barrier_id(%barrier3A_12)
    %mul3A_13 = arith.constant 626 : i32
    %mul3A_14 = arith.muli %arg1, %mul3A_13 : i32
    "tpu.region"() ({
      %run_scoped3A = tpu.sem_alloc : memref<!tpu.dma_semaphore, #tpu.memory_space<semaphore_mem>>
      %dma_start3A = arith.constant 0 : i32
      %dma_start3A_20 = tpu.memref_slice %arg9[%mul3A_14, %dma_start3A] : memref<10016x16xf32, #tpu.memory_space<vmem_shared>> -> memref<626x16xf32, #tpu.memory_space<vmem_shared>>
      %dma_start3A_21 = arith.constant 0 : i32
      %dma_start3A_22 = tpu.memref_slice %arg9[%mul3A_14, %dma_start3A_21] : memref<10016x16xf32, #tpu.memory_space<vmem_shared>> -> memref<626x16xf32, #tpu.memory_space<vmem_shared>>
      tpu.enqueue_dma source(%dma_start3A_22 : memref<626x16xf32, #tpu.memory_space<vmem_shared>>) target(%arg8 : memref<626x16xf32, #tpu.memory_space<vmem>>) target_semaphore(%run_scoped3A : memref<!tpu.dma_semaphore, #tpu.memory_space<semaphore_mem>>)
      %dma_wait3A = arith.constant 0 : i32
      %dma_wait3A_23 = tpu.memref_slice %arg9[%mul3A_14, %dma_wait3A] : memref<10016x16xf32, #tpu.memory_space<vmem_shared>> -> memref<626x16xf32, #tpu.memory_space<vmem_shared>>
      %dma_wait3A_24 = arith.constant 0 : i32
      %dma_wait3A_25 = tpu.memref_slice %arg9[%mul3A_14, %dma_wait3A_24] : memref<10016x16xf32, #tpu.memory_space<vmem_shared>> -> memref<626x16xf32, #tpu.memory_space<vmem_shared>>
      tpu.wait_dma2 semaphore(%run_scoped3A : memref<!tpu.dma_semaphore, #tpu.memory_space<semaphore_mem>>) src(%dma_wait3A_25 : memref<626x16xf32, #tpu.memory_space<vmem_shared>>) dst(%arg8 : memref<626x16xf32, #tpu.memory_space<vmem>>)
      tpu.yield
    }) : () -> ()
    %mul3A_15 = arith.constant 10016 : i32
    %mul3A_16 = arith.muli %arg0, %mul3A_15 : i32
    %mul3A_17 = arith.constant 626 : i32
    %mul3A_18 = arith.muli %arg1, %mul3A_17 : i32
    %add3A_19 = arith.addi %mul3A_16, %mul3A_18 : i32
    "tpu.region"() ({
      %run_scoped3A = tpu.sem_alloc : memref<!tpu.dma_semaphore, #tpu.memory_space<semaphore_mem>>
      %dma_start3A = arith.constant 0 : i32
      %dma_start3A_20 = tpu.memref_slice %arg5[%add3A_19, %dma_start3A] : memref<20032x16xf32, #tpu.memory_space<hbm>> -> memref<626x16xf32, #tpu.memory_space<hbm>>
      %dma_start3A_21 = arith.constant 0 : i32
      %dma_start3A_22 = tpu.memref_slice %arg5[%add3A_19, %dma_start3A_21] : memref<20032x16xf32, #tpu.memory_space<hbm>> -> memref<626x16xf32, #tpu.memory_space<hbm>>
      tpu.enqueue_dma source(%arg8 : memref<626x16xf32, #tpu.memory_space<vmem>>) target(%dma_start3A_22 : memref<626x16xf32, #tpu.memory_space<hbm>>) target_semaphore(%run_scoped3A : memref<!tpu.dma_semaphore, #tpu.memory_space<semaphore_mem>>)
      %dma_wait3A = arith.constant 0 : i32
      %dma_wait3A_23 = tpu.memref_slice %arg5[%add3A_19, %dma_wait3A] : memref<20032x16xf32, #tpu.memory_space<hbm>> -> memref<626x16xf32, #tpu.memory_space<hbm>>
      %dma_wait3A_24 = arith.constant 0 : i32
      %dma_wait3A_25 = tpu.memref_slice %arg5[%add3A_19, %dma_wait3A_24] : memref<20032x16xf32, #tpu.memory_space<hbm>> -> memref<626x16xf32, #tpu.memory_space<hbm>>
      tpu.wait_dma2 semaphore(%run_scoped3A : memref<!tpu.dma_semaphore, #tpu.memory_space<semaphore_mem>>) src(%arg8 : memref<626x16xf32, #tpu.memory_space<vmem>>) dst(%dma_wait3A_25 : memref<626x16xf32, #tpu.memory_space<hbm>>)
      tpu.yield
    }) : () -> ()
    return
  }
}

#map = affine_map<(d0, d1) -> (0, 0)>
#map1 = affine_map<(d0, d1) -> (0, 0, 0)>
module attributes {stable_mosaic.version = 14 : i64} {
  func.func @k(%arg0: i32, %arg1: i32, %arg2: memref<10016x16xf32, #tpu.memory_space<hbm>>, %arg3: memref<32x40x128xi32, #tpu.memory_space<hbm>>, %arg4: memref<163840x16xf32, #tpu.memory_space<hbm>>, %arg5: memref<40x128xi32, #tpu.memory_space<vmem>>, %arg6: memref<5120x16xf32, #tpu.memory_space<vmem>>, %arg7: memref<626x16xf32, #tpu.memory_space<vmem>>, %arg8: memref<10016x16xf32, #tpu.memory_space<vmem_shared>>, %arg9: memref<!tpu.dma_semaphore, #tpu.memory_space<semaphore_mem>>) attributes {dimension_semantics = [#tpu.dimension_semantics<core_parallel>, #tpu.dimension_semantics<subcore_parallel>], iteration_bounds = array<i64: 2, 16>, scalar_prefetch = 0 : i64, scratch_operands = 5 : i64, tpu.core_type = #tpu.core_type<sc_vector_subcore>, window_params = [{transform_indices = #map}, {transform_indices = #map1}, {transform_indices = #map}]} {
    %mul3A = arith.constant 2 : i32
    %mul3A_0 = arith.muli %arg1, %mul3A : i32
    %add3A = arith.addi %mul3A_0, %arg0 : i32
    %mul3A_1 = arith.constant 626 : i32
    %mul3A_2 = arith.muli %arg1, %mul3A_1 : i32
    "tpu.region"() ({
      %run_scoped3A = tpu.sem_alloc : memref<!tpu.dma_semaphore, #tpu.memory_space<semaphore_mem>>
      %dma_start3A = arith.constant 0 : i32
      %dma_start3A_12 = tpu.memref_slice %arg2[%mul3A_2, %dma_start3A] : memref<10016x16xf32, #tpu.memory_space<hbm>> -> memref<626x16xf32, #tpu.memory_space<hbm>>
      %dma_start3A_13 = arith.constant 0 : i32
      %dma_start3A_14 = tpu.memref_slice %arg2[%mul3A_2, %dma_start3A_13] : memref<10016x16xf32, #tpu.memory_space<hbm>> -> memref<626x16xf32, #tpu.memory_space<hbm>>
      tpu.enqueue_dma source(%dma_start3A_14 : memref<626x16xf32, #tpu.memory_space<hbm>>) target(%arg7 : memref<626x16xf32, #tpu.memory_space<vmem>>) target_semaphore(%run_scoped3A : memref<!tpu.dma_semaphore, #tpu.memory_space<semaphore_mem>>)
      %dma_wait3A = arith.constant 0 : i32
      %dma_wait3A_15 = tpu.memref_slice %arg2[%mul3A_2, %dma_wait3A] : memref<10016x16xf32, #tpu.memory_space<hbm>> -> memref<626x16xf32, #tpu.memory_space<hbm>>
      %dma_wait3A_16 = arith.constant 0 : i32
      %dma_wait3A_17 = tpu.memref_slice %arg2[%mul3A_2, %dma_wait3A_16] : memref<10016x16xf32, #tpu.memory_space<hbm>> -> memref<626x16xf32, #tpu.memory_space<hbm>>
      tpu.wait_dma2 semaphore(%run_scoped3A : memref<!tpu.dma_semaphore, #tpu.memory_space<semaphore_mem>>) src(%dma_wait3A_17 : memref<626x16xf32, #tpu.memory_space<hbm>>) dst(%arg7 : memref<626x16xf32, #tpu.memory_space<vmem>>)
      tpu.yield
    }) : () -> ()
    %mul3A_3 = arith.constant 626 : i32
    %mul3A_4 = arith.muli %arg1, %mul3A_3 : i32
    "tpu.region"() ({
      %run_scoped3A = tpu.sem_alloc : memref<!tpu.dma_semaphore, #tpu.memory_space<semaphore_mem>>
      %dma_start3A = arith.constant 0 : i32
      %dma_start3A_12 = tpu.memref_slice %arg8[%mul3A_4, %dma_start3A] : memref<10016x16xf32, #tpu.memory_space<vmem_shared>> -> memref<626x16xf32, #tpu.memory_space<vmem_shared>>
      %dma_start3A_13 = arith.constant 0 : i32
      %dma_start3A_14 = tpu.memref_slice %arg8[%mul3A_4, %dma_start3A_13] : memref<10016x16xf32, #tpu.memory_space<vmem_shared>> -> memref<626x16xf32, #tpu.memory_space<vmem_shared>>
      tpu.enqueue_dma source(%arg7 : memref<626x16xf32, #tpu.memory_space<vmem>>) target(%dma_start3A_14 : memref<626x16xf32, #tpu.memory_space<vmem_shared>>) target_semaphore(%run_scoped3A : memref<!tpu.dma_semaphore, #tpu.memory_space<semaphore_mem>>)
      %dma_wait3A = arith.constant 0 : i32
      %dma_wait3A_15 = tpu.memref_slice %arg8[%mul3A_4, %dma_wait3A] : memref<10016x16xf32, #tpu.memory_space<vmem_shared>> -> memref<626x16xf32, #tpu.memory_space<vmem_shared>>
      %dma_wait3A_16 = arith.constant 0 : i32
      %dma_wait3A_17 = tpu.memref_slice %arg8[%mul3A_4, %dma_wait3A_16] : memref<10016x16xf32, #tpu.memory_space<vmem_shared>> -> memref<626x16xf32, #tpu.memory_space<vmem_shared>>
      tpu.wait_dma2 semaphore(%run_scoped3A : memref<!tpu.dma_semaphore, #tpu.memory_space<semaphore_mem>>) src(%arg7 : memref<626x16xf32, #tpu.memory_space<vmem>>) dst(%dma_wait3A_17 : memref<626x16xf32, #tpu.memory_space<vmem_shared>>)
      tpu.yield
    }) : () -> ()
    "tpu.region"() ({
      %run_scoped3A = tpu.sem_alloc : memref<!tpu.dma_semaphore, #tpu.memory_space<semaphore_mem>>
      %dma_start3A = arith.constant 0 : i32
      %dma_start3A_12 = arith.constant 0 : i32
      %dma_start3A_13 = tpu.memref_slice %arg3[%add3A, %dma_start3A, %dma_start3A_12] : memref<32x40x128xi32, #tpu.memory_space<hbm>> -> memref<1x40x128xi32, #tpu.memory_space<hbm>>
      %dma_start3A_14 = tpu.memref_squeeze %dma_start3A_13 : memref<1x40x128xi32, #tpu.memory_space<hbm>> -> memref<40x128xi32, #tpu.memory_space<hbm>>
      %dma_start3A_15 = arith.constant 0 : i32
      %dma_start3A_16 = arith.constant 0 : i32
      %dma_start3A_17 = tpu.memref_slice %arg3[%add3A, %dma_start3A_15, %dma_start3A_16] : memref<32x40x128xi32, #tpu.memory_space<hbm>> -> memref<1x40x128xi32, #tpu.memory_space<hbm>>
      %dma_start3A_18 = tpu.memref_squeeze %dma_start3A_17 : memref<1x40x128xi32, #tpu.memory_space<hbm>> -> memref<40x128xi32, #tpu.memory_space<hbm>>
      tpu.enqueue_dma source(%dma_start3A_18 : memref<40x128xi32, #tpu.memory_space<hbm>>) target(%arg5 : memref<40x128xi32, #tpu.memory_space<vmem>>) target_semaphore(%run_scoped3A : memref<!tpu.dma_semaphore, #tpu.memory_space<semaphore_mem>>)
      %dma_wait3A = arith.constant 0 : i32
      %dma_wait3A_19 = arith.constant 0 : i32
      %dma_wait3A_20 = tpu.memref_slice %arg3[%add3A, %dma_wait3A, %dma_wait3A_19] : memref<32x40x128xi32, #tpu.memory_space<hbm>> -> memref<1x40x128xi32, #tpu.memory_space<hbm>>
      %dma_wait3A_21 = tpu.memref_squeeze %dma_wait3A_20 : memref<1x40x128xi32, #tpu.memory_space<hbm>> -> memref<40x128xi32, #tpu.memory_space<hbm>>
      %dma_wait3A_22 = arith.constant 0 : i32
      %dma_wait3A_23 = arith.constant 0 : i32
      %dma_wait3A_24 = tpu.memref_slice %arg3[%add3A, %dma_wait3A_22, %dma_wait3A_23] : memref<32x40x128xi32, #tpu.memory_space<hbm>> -> memref<1x40x128xi32, #tpu.memory_space<hbm>>
      %dma_wait3A_25 = tpu.memref_squeeze %dma_wait3A_24 : memref<1x40x128xi32, #tpu.memory_space<hbm>> -> memref<40x128xi32, #tpu.memory_space<hbm>>
      tpu.wait_dma2 semaphore(%run_scoped3A : memref<!tpu.dma_semaphore, #tpu.memory_space<semaphore_mem>>) src(%dma_wait3A_25 : memref<40x128xi32, #tpu.memory_space<hbm>>) dst(%arg5 : memref<40x128xi32, #tpu.memory_space<vmem>>)
      tpu.yield
    }) : () -> ()
    %barrier3A = arith.constant 0 : index
    tpu.barrier barrier_id(%barrier3A)
    %scan3A = arith.constant 0 : i32
    %scan3A_5 = arith.constant 0 : i32
    %scan3A_6 = arith.constant 5 : i32
    %scan3A_7 = arith.addi %scan3A_5, %scan3A_6 : i32
    %scan3A_8 = arith.constant 1 : i32
    scf.for %scan3A_12 = %scan3A_5 to %scan3A_7 step %scan3A_8  : i32 {
      %mul3A_13 = arith.constant 8 : i32
      %mul3A_14 = arith.muli %scan3A_12, %mul3A_13 : i32
      %add3A_15 = arith.constant 0 : i32
      %add3A_16 = arith.addi %mul3A_14, %add3A_15 : i32
      %mul3A_17 = arith.constant 8 : i32
      %mul3A_18 = arith.muli %scan3A_12, %mul3A_17 : i32
      %add3A_19 = arith.constant 0 : i32
      %add3A_20 = arith.addi %mul3A_18, %add3A_19 : i32
      %mul3A_21 = arith.constant 128 : i32
      %mul3A_22 = arith.muli %add3A_20, %mul3A_21 : i32
      %dma_start3A = arith.constant 0 : i32
      %dma_start3A_23 = tpu.memref_slice %arg6[%mul3A_22, %dma_start3A] : memref<5120x16xf32, #tpu.memory_space<vmem>> -> memref<128x16xf32, #tpu.memory_space<vmem>>
      %dma_start3A_24 = arith.constant 0 : i32
      %dma_start3A_25 = tpu.memref_slice %arg5[%add3A_16, %dma_start3A_24] : memref<40x128xi32, #tpu.memory_space<vmem>> -> memref<1x128xi32, #tpu.memory_space<vmem>>
      %dma_start3A_26 = tpu.memref_squeeze %dma_start3A_25 : memref<1x128xi32, #tpu.memory_space<vmem>> -> memref<128xi32, #tpu.memory_space<vmem>>
      %dma_start3A_27 = arith.constant 0 : i32
      %dma_start3A_28 = arith.constant 0 : i32
      %dma_start3A_29 = tpu.memref_slice %arg8[%dma_start3A_27, %dma_start3A_28] : memref<10016x16xf32, #tpu.memory_space<vmem_shared>> -> memref<10016x16xf32, #tpu.memory_space<vmem_shared>>
      tpu.enqueue_indirect_dma source(%dma_start3A_29 : memref<10016x16xf32, #tpu.memory_space<vmem_shared>>) target(%dma_start3A_23 : memref<128x16xf32, #tpu.memory_space<vmem>>) offsets(%dma_start3A_26 : memref<128xi32, #tpu.memory_space<vmem>>) semaphore(%arg9 : memref<!tpu.dma_semaphore, #tpu.memory_space<semaphore_mem>>)
      %mul3A_30 = arith.constant 8 : i32
      %mul3A_31 = arith.muli %scan3A_12, %mul3A_30 : i32
      %add3A_32 = arith.constant 1 : i32
      %add3A_33 = arith.addi %mul3A_31, %add3A_32 : i32
      %mul3A_34 = arith.constant 8 : i32
      %mul3A_35 = arith.muli %scan3A_12, %mul3A_34 : i32
      %add3A_36 = arith.constant 1 : i32
      %add3A_37 = arith.addi %mul3A_35, %add3A_36 : i32
      %mul3A_38 = arith.constant 128 : i32
      %mul3A_39 = arith.muli %add3A_37, %mul3A_38 : i32
      %dma_start3A_40 = arith.constant 0 : i32
      %dma_start3A_41 = tpu.memref_slice %arg6[%mul3A_39, %dma_start3A_40] : memref<5120x16xf32, #tpu.memory_space<vmem>> -> memref<128x16xf32, #tpu.memory_space<vmem>>
      %dma_start3A_42 = arith.constant 0 : i32
      %dma_start3A_43 = tpu.memref_slice %arg5[%add3A_33, %dma_start3A_42] : memref<40x128xi32, #tpu.memory_space<vmem>> -> memref<1x128xi32, #tpu.memory_space<vmem>>
      %dma_start3A_44 = tpu.memref_squeeze %dma_start3A_43 : memref<1x128xi32, #tpu.memory_space<vmem>> -> memref<128xi32, #tpu.memory_space<vmem>>
      %dma_start3A_45 = arith.constant 0 : i32
      %dma_start3A_46 = arith.constant 0 : i32
      %dma_start3A_47 = tpu.memref_slice %arg8[%dma_start3A_45, %dma_start3A_46] : memref<10016x16xf32, #tpu.memory_space<vmem_shared>> -> memref<10016x16xf32, #tpu.memory_space<vmem_shared>>
      tpu.enqueue_indirect_dma source(%dma_start3A_47 : memref<10016x16xf32, #tpu.memory_space<vmem_shared>>) target(%dma_start3A_41 : memref<128x16xf32, #tpu.memory_space<vmem>>) offsets(%dma_start3A_44 : memref<128xi32, #tpu.memory_space<vmem>>) semaphore(%arg9 : memref<!tpu.dma_semaphore, #tpu.memory_space<semaphore_mem>>)
      %mul3A_48 = arith.constant 8 : i32
      %mul3A_49 = arith.muli %scan3A_12, %mul3A_48 : i32
      %add3A_50 = arith.constant 2 : i32
      %add3A_51 = arith.addi %mul3A_49, %add3A_50 : i32
      %mul3A_52 = arith.constant 8 : i32
      %mul3A_53 = arith.muli %scan3A_12, %mul3A_52 : i32
      %add3A_54 = arith.constant 2 : i32
      %add3A_55 = arith.addi %mul3A_53, %add3A_54 : i32
      %mul3A_56 = arith.constant 128 : i32
      %mul3A_57 = arith.muli %add3A_55, %mul3A_56 : i32
      %dma_start3A_58 = arith.constant 0 : i32
      %dma_start3A_59 = tpu.memref_slice %arg6[%mul3A_57, %dma_start3A_58] : memref<5120x16xf32, #tpu.memory_space<vmem>> -> memref<128x16xf32, #tpu.memory_space<vmem>>
      %dma_start3A_60 = arith.constant 0 : i32
      %dma_start3A_61 = tpu.memref_slice %arg5[%add3A_51, %dma_start3A_60] : memref<40x128xi32, #tpu.memory_space<vmem>> -> memref<1x128xi32, #tpu.memory_space<vmem>>
      %dma_start3A_62 = tpu.memref_squeeze %dma_start3A_61 : memref<1x128xi32, #tpu.memory_space<vmem>> -> memref<128xi32, #tpu.memory_space<vmem>>
      %dma_start3A_63 = arith.constant 0 : i32
      %dma_start3A_64 = arith.constant 0 : i32
      %dma_start3A_65 = tpu.memref_slice %arg8[%dma_start3A_63, %dma_start3A_64] : memref<10016x16xf32, #tpu.memory_space<vmem_shared>> -> memref<10016x16xf32, #tpu.memory_space<vmem_shared>>
      tpu.enqueue_indirect_dma source(%dma_start3A_65 : memref<10016x16xf32, #tpu.memory_space<vmem_shared>>) target(%dma_start3A_59 : memref<128x16xf32, #tpu.memory_space<vmem>>) offsets(%dma_start3A_62 : memref<128xi32, #tpu.memory_space<vmem>>) semaphore(%arg9 : memref<!tpu.dma_semaphore, #tpu.memory_space<semaphore_mem>>)
      %mul3A_66 = arith.constant 8 : i32
      %mul3A_67 = arith.muli %scan3A_12, %mul3A_66 : i32
      %add3A_68 = arith.constant 3 : i32
      %add3A_69 = arith.addi %mul3A_67, %add3A_68 : i32
      %mul3A_70 = arith.constant 8 : i32
      %mul3A_71 = arith.muli %scan3A_12, %mul3A_70 : i32
      %add3A_72 = arith.constant 3 : i32
      %add3A_73 = arith.addi %mul3A_71, %add3A_72 : i32
      %mul3A_74 = arith.constant 128 : i32
      %mul3A_75 = arith.muli %add3A_73, %mul3A_74 : i32
      %dma_start3A_76 = arith.constant 0 : i32
      %dma_start3A_77 = tpu.memref_slice %arg6[%mul3A_75, %dma_start3A_76] : memref<5120x16xf32, #tpu.memory_space<vmem>> -> memref<128x16xf32, #tpu.memory_space<vmem>>
      %dma_start3A_78 = arith.constant 0 : i32
      %dma_start3A_79 = tpu.memref_slice %arg5[%add3A_69, %dma_start3A_78] : memref<40x128xi32, #tpu.memory_space<vmem>> -> memref<1x128xi32, #tpu.memory_space<vmem>>
      %dma_start3A_80 = tpu.memref_squeeze %dma_start3A_79 : memref<1x128xi32, #tpu.memory_space<vmem>> -> memref<128xi32, #tpu.memory_space<vmem>>
      %dma_start3A_81 = arith.constant 0 : i32
      %dma_start3A_82 = arith.constant 0 : i32
      %dma_start3A_83 = tpu.memref_slice %arg8[%dma_start3A_81, %dma_start3A_82] : memref<10016x16xf32, #tpu.memory_space<vmem_shared>> -> memref<10016x16xf32, #tpu.memory_space<vmem_shared>>
      tpu.enqueue_indirect_dma source(%dma_start3A_83 : memref<10016x16xf32, #tpu.memory_space<vmem_shared>>) target(%dma_start3A_77 : memref<128x16xf32, #tpu.memory_space<vmem>>) offsets(%dma_start3A_80 : memref<128xi32, #tpu.memory_space<vmem>>) semaphore(%arg9 : memref<!tpu.dma_semaphore, #tpu.memory_space<semaphore_mem>>)
      %mul3A_84 = arith.constant 8 : i32
      %mul3A_85 = arith.muli %scan3A_12, %mul3A_84 : i32
      %add3A_86 = arith.constant 4 : i32
      %add3A_87 = arith.addi %mul3A_85, %add3A_86 : i32
      %mul3A_88 = arith.constant 8 : i32
      %mul3A_89 = arith.muli %scan3A_12, %mul3A_88 : i32
      %add3A_90 = arith.constant 4 : i32
      %add3A_91 = arith.addi %mul3A_89, %add3A_90 : i32
      %mul3A_92 = arith.constant 128 : i32
      %mul3A_93 = arith.muli %add3A_91, %mul3A_92 : i32
      %dma_start3A_94 = arith.constant 0 : i32
      %dma_start3A_95 = tpu.memref_slice %arg6[%mul3A_93, %dma_start3A_94] : memref<5120x16xf32, #tpu.memory_space<vmem>> -> memref<128x16xf32, #tpu.memory_space<vmem>>
      %dma_start3A_96 = arith.constant 0 : i32
      %dma_start3A_97 = tpu.memref_slice %arg5[%add3A_87, %dma_start3A_96] : memref<40x128xi32, #tpu.memory_space<vmem>> -> memref<1x128xi32, #tpu.memory_space<vmem>>
      %dma_start3A_98 = tpu.memref_squeeze %dma_start3A_97 : memref<1x128xi32, #tpu.memory_space<vmem>> -> memref<128xi32, #tpu.memory_space<vmem>>
      %dma_start3A_99 = arith.constant 0 : i32
      %dma_start3A_100 = arith.constant 0 : i32
      %dma_start3A_101 = tpu.memref_slice %arg8[%dma_start3A_99, %dma_start3A_100] : memref<10016x16xf32, #tpu.memory_space<vmem_shared>> -> memref<10016x16xf32, #tpu.memory_space<vmem_shared>>
      tpu.enqueue_indirect_dma source(%dma_start3A_101 : memref<10016x16xf32, #tpu.memory_space<vmem_shared>>) target(%dma_start3A_95 : memref<128x16xf32, #tpu.memory_space<vmem>>) offsets(%dma_start3A_98 : memref<128xi32, #tpu.memory_space<vmem>>) semaphore(%arg9 : memref<!tpu.dma_semaphore, #tpu.memory_space<semaphore_mem>>)
      %mul3A_102 = arith.constant 8 : i32
      %mul3A_103 = arith.muli %scan3A_12, %mul3A_102 : i32
      %add3A_104 = arith.constant 5 : i32
      %add3A_105 = arith.addi %mul3A_103, %add3A_104 : i32
      %mul3A_106 = arith.constant 8 : i32
      %mul3A_107 = arith.muli %scan3A_12, %mul3A_106 : i32
      %add3A_108 = arith.constant 5 : i32
      %add3A_109 = arith.addi %mul3A_107, %add3A_108 : i32
      %mul3A_110 = arith.constant 128 : i32
      %mul3A_111 = arith.muli %add3A_109, %mul3A_110 : i32
      %dma_start3A_112 = arith.constant 0 : i32
      %dma_start3A_113 = tpu.memref_slice %arg6[%mul3A_111, %dma_start3A_112] : memref<5120x16xf32, #tpu.memory_space<vmem>> -> memref<128x16xf32, #tpu.memory_space<vmem>>
      %dma_start3A_114 = arith.constant 0 : i32
      %dma_start3A_115 = tpu.memref_slice %arg5[%add3A_105, %dma_start3A_114] : memref<40x128xi32, #tpu.memory_space<vmem>> -> memref<1x128xi32, #tpu.memory_space<vmem>>
      %dma_start3A_116 = tpu.memref_squeeze %dma_start3A_115 : memref<1x128xi32, #tpu.memory_space<vmem>> -> memref<128xi32, #tpu.memory_space<vmem>>
      %dma_start3A_117 = arith.constant 0 : i32
      %dma_start3A_118 = arith.constant 0 : i32
      %dma_start3A_119 = tpu.memref_slice %arg8[%dma_start3A_117, %dma_start3A_118] : memref<10016x16xf32, #tpu.memory_space<vmem_shared>> -> memref<10016x16xf32, #tpu.memory_space<vmem_shared>>
      tpu.enqueue_indirect_dma source(%dma_start3A_119 : memref<10016x16xf32, #tpu.memory_space<vmem_shared>>) target(%dma_start3A_113 : memref<128x16xf32, #tpu.memory_space<vmem>>) offsets(%dma_start3A_116 : memref<128xi32, #tpu.memory_space<vmem>>) semaphore(%arg9 : memref<!tpu.dma_semaphore, #tpu.memory_space<semaphore_mem>>)
      %mul3A_120 = arith.constant 8 : i32
      %mul3A_121 = arith.muli %scan3A_12, %mul3A_120 : i32
      %add3A_122 = arith.constant 6 : i32
      %add3A_123 = arith.addi %mul3A_121, %add3A_122 : i32
      %mul3A_124 = arith.constant 8 : i32
      %mul3A_125 = arith.muli %scan3A_12, %mul3A_124 : i32
      %add3A_126 = arith.constant 6 : i32
      %add3A_127 = arith.addi %mul3A_125, %add3A_126 : i32
      %mul3A_128 = arith.constant 128 : i32
      %mul3A_129 = arith.muli %add3A_127, %mul3A_128 : i32
      %dma_start3A_130 = arith.constant 0 : i32
      %dma_start3A_131 = tpu.memref_slice %arg6[%mul3A_129, %dma_start3A_130] : memref<5120x16xf32, #tpu.memory_space<vmem>> -> memref<128x16xf32, #tpu.memory_space<vmem>>
      %dma_start3A_132 = arith.constant 0 : i32
      %dma_start3A_133 = tpu.memref_slice %arg5[%add3A_123, %dma_start3A_132] : memref<40x128xi32, #tpu.memory_space<vmem>> -> memref<1x128xi32, #tpu.memory_space<vmem>>
      %dma_start3A_134 = tpu.memref_squeeze %dma_start3A_133 : memref<1x128xi32, #tpu.memory_space<vmem>> -> memref<128xi32, #tpu.memory_space<vmem>>
      %dma_start3A_135 = arith.constant 0 : i32
      %dma_start3A_136 = arith.constant 0 : i32
      %dma_start3A_137 = tpu.memref_slice %arg8[%dma_start3A_135, %dma_start3A_136] : memref<10016x16xf32, #tpu.memory_space<vmem_shared>> -> memref<10016x16xf32, #tpu.memory_space<vmem_shared>>
      tpu.enqueue_indirect_dma source(%dma_start3A_137 : memref<10016x16xf32, #tpu.memory_space<vmem_shared>>) target(%dma_start3A_131 : memref<128x16xf32, #tpu.memory_space<vmem>>) offsets(%dma_start3A_134 : memref<128xi32, #tpu.memory_space<vmem>>) semaphore(%arg9 : memref<!tpu.dma_semaphore, #tpu.memory_space<semaphore_mem>>)
      %mul3A_138 = arith.constant 8 : i32
      %mul3A_139 = arith.muli %scan3A_12, %mul3A_138 : i32
      %add3A_140 = arith.constant 7 : i32
      %add3A_141 = arith.addi %mul3A_139, %add3A_140 : i32
      %mul3A_142 = arith.constant 8 : i32
      %mul3A_143 = arith.muli %scan3A_12, %mul3A_142 : i32
      %add3A_144 = arith.constant 7 : i32
      %add3A_145 = arith.addi %mul3A_143, %add3A_144 : i32
      %mul3A_146 = arith.constant 128 : i32
      %mul3A_147 = arith.muli %add3A_145, %mul3A_146 : i32
      %dma_start3A_148 = arith.constant 0 : i32
      %dma_start3A_149 = tpu.memref_slice %arg6[%mul3A_147, %dma_start3A_148] : memref<5120x16xf32, #tpu.memory_space<vmem>> -> memref<128x16xf32, #tpu.memory_space<vmem>>
      %dma_start3A_150 = arith.constant 0 : i32
      %dma_start3A_151 = tpu.memref_slice %arg5[%add3A_141, %dma_start3A_150] : memref<40x128xi32, #tpu.memory_space<vmem>> -> memref<1x128xi32, #tpu.memory_space<vmem>>
      %dma_start3A_152 = tpu.memref_squeeze %dma_start3A_151 : memref<1x128xi32, #tpu.memory_space<vmem>> -> memref<128xi32, #tpu.memory_space<vmem>>
      %dma_start3A_153 = arith.constant 0 : i32
      %dma_start3A_154 = arith.constant 0 : i32
      %dma_start3A_155 = tpu.memref_slice %arg8[%dma_start3A_153, %dma_start3A_154] : memref<10016x16xf32, #tpu.memory_space<vmem_shared>> -> memref<10016x16xf32, #tpu.memory_space<vmem_shared>>
      tpu.enqueue_indirect_dma source(%dma_start3A_155 : memref<10016x16xf32, #tpu.memory_space<vmem_shared>>) target(%dma_start3A_149 : memref<128x16xf32, #tpu.memory_space<vmem>>) offsets(%dma_start3A_152 : memref<128xi32, #tpu.memory_space<vmem>>) semaphore(%arg9 : memref<!tpu.dma_semaphore, #tpu.memory_space<semaphore_mem>>)
      %mul3A_156 = arith.constant 8 : i32
      %mul3A_157 = arith.muli %scan3A_12, %mul3A_156 : i32
      %add3A_158 = arith.constant 0 : i32
      %add3A_159 = arith.addi %mul3A_157, %add3A_158 : i32
      %mul3A_160 = arith.constant 8 : i32
      %mul3A_161 = arith.muli %scan3A_12, %mul3A_160 : i32
      %add3A_162 = arith.constant 0 : i32
      %add3A_163 = arith.addi %mul3A_161, %add3A_162 : i32
      %mul3A_164 = arith.constant 128 : i32
      %mul3A_165 = arith.muli %add3A_163, %mul3A_164 : i32
      %dma_wait3A = arith.constant 0 : i32
      %dma_wait3A_166 = tpu.memref_slice %arg6[%mul3A_165, %dma_wait3A] : memref<5120x16xf32, #tpu.memory_space<vmem>> -> memref<128x16xf32, #tpu.memory_space<vmem>>
      %dma_wait3A_167 = arith.constant 0 : i32
      %dma_wait3A_168 = tpu.memref_slice %arg5[%add3A_159, %dma_wait3A_167] : memref<40x128xi32, #tpu.memory_space<vmem>> -> memref<1x128xi32, #tpu.memory_space<vmem>>
      %dma_wait3A_169 = tpu.memref_squeeze %dma_wait3A_168 : memref<1x128xi32, #tpu.memory_space<vmem>> -> memref<128xi32, #tpu.memory_space<vmem>>
      %dma_wait3A_170 = arith.constant 0 : i32
      %dma_wait3A_171 = arith.constant 0 : i32
      %dma_wait3A_172 = tpu.memref_slice %arg8[%dma_wait3A_170, %dma_wait3A_171] : memref<10016x16xf32, #tpu.memory_space<vmem_shared>> -> memref<10016x16xf32, #tpu.memory_space<vmem_shared>>
      tpu.wait_indirect_dma semaphore(%arg9 : memref<!tpu.dma_semaphore, #tpu.memory_space<semaphore_mem>>) src(%dma_wait3A_172 : memref<10016x16xf32, #tpu.memory_space<vmem_shared>>) dst(%dma_wait3A_166 : memref<128x16xf32, #tpu.memory_space<vmem>>)
      %mul3A_173 = arith.constant 8 : i32
      %mul3A_174 = arith.muli %scan3A_12, %mul3A_173 : i32
      %add3A_175 = arith.constant 1 : i32
      %add3A_176 = arith.addi %mul3A_174, %add3A_175 : i32
      %mul3A_177 = arith.constant 8 : i32
      %mul3A_178 = arith.muli %scan3A_12, %mul3A_177 : i32
      %add3A_179 = arith.constant 1 : i32
      %add3A_180 = arith.addi %mul3A_178, %add3A_179 : i32
      %mul3A_181 = arith.constant 128 : i32
      %mul3A_182 = arith.muli %add3A_180, %mul3A_181 : i32
      %dma_wait3A_183 = arith.constant 0 : i32
      %dma_wait3A_184 = tpu.memref_slice %arg6[%mul3A_182, %dma_wait3A_183] : memref<5120x16xf32, #tpu.memory_space<vmem>> -> memref<128x16xf32, #tpu.memory_space<vmem>>
      %dma_wait3A_185 = arith.constant 0 : i32
      %dma_wait3A_186 = tpu.memref_slice %arg5[%add3A_176, %dma_wait3A_185] : memref<40x128xi32, #tpu.memory_space<vmem>> -> memref<1x128xi32, #tpu.memory_space<vmem>>
      %dma_wait3A_187 = tpu.memref_squeeze %dma_wait3A_186 : memref<1x128xi32, #tpu.memory_space<vmem>> -> memref<128xi32, #tpu.memory_space<vmem>>
      %dma_wait3A_188 = arith.constant 0 : i32
      %dma_wait3A_189 = arith.constant 0 : i32
      %dma_wait3A_190 = tpu.memref_slice %arg8[%dma_wait3A_188, %dma_wait3A_189] : memref<10016x16xf32, #tpu.memory_space<vmem_shared>> -> memref<10016x16xf32, #tpu.memory_space<vmem_shared>>
      tpu.wait_indirect_dma semaphore(%arg9 : memref<!tpu.dma_semaphore, #tpu.memory_space<semaphore_mem>>) src(%dma_wait3A_190 : memref<10016x16xf32, #tpu.memory_space<vmem_shared>>) dst(%dma_wait3A_184 : memref<128x16xf32, #tpu.memory_space<vmem>>)
      %mul3A_191 = arith.constant 8 : i32
      %mul3A_192 = arith.muli %scan3A_12, %mul3A_191 : i32
      %add3A_193 = arith.constant 2 : i32
      %add3A_194 = arith.addi %mul3A_192, %add3A_193 : i32
      %mul3A_195 = arith.constant 8 : i32
      %mul3A_196 = arith.muli %scan3A_12, %mul3A_195 : i32
      %add3A_197 = arith.constant 2 : i32
      %add3A_198 = arith.addi %mul3A_196, %add3A_197 : i32
      %mul3A_199 = arith.constant 128 : i32
      %mul3A_200 = arith.muli %add3A_198, %mul3A_199 : i32
      %dma_wait3A_201 = arith.constant 0 : i32
      %dma_wait3A_202 = tpu.memref_slice %arg6[%mul3A_200, %dma_wait3A_201] : memref<5120x16xf32, #tpu.memory_space<vmem>> -> memref<128x16xf32, #tpu.memory_space<vmem>>
      %dma_wait3A_203 = arith.constant 0 : i32
      %dma_wait3A_204 = tpu.memref_slice %arg5[%add3A_194, %dma_wait3A_203] : memref<40x128xi32, #tpu.memory_space<vmem>> -> memref<1x128xi32, #tpu.memory_space<vmem>>
      %dma_wait3A_205 = tpu.memref_squeeze %dma_wait3A_204 : memref<1x128xi32, #tpu.memory_space<vmem>> -> memref<128xi32, #tpu.memory_space<vmem>>
      %dma_wait3A_206 = arith.constant 0 : i32
      %dma_wait3A_207 = arith.constant 0 : i32
      %dma_wait3A_208 = tpu.memref_slice %arg8[%dma_wait3A_206, %dma_wait3A_207] : memref<10016x16xf32, #tpu.memory_space<vmem_shared>> -> memref<10016x16xf32, #tpu.memory_space<vmem_shared>>
      tpu.wait_indirect_dma semaphore(%arg9 : memref<!tpu.dma_semaphore, #tpu.memory_space<semaphore_mem>>) src(%dma_wait3A_208 : memref<10016x16xf32, #tpu.memory_space<vmem_shared>>) dst(%dma_wait3A_202 : memref<128x16xf32, #tpu.memory_space<vmem>>)
      %mul3A_209 = arith.constant 8 : i32
      %mul3A_210 = arith.muli %scan3A_12, %mul3A_209 : i32
      %add3A_211 = arith.constant 3 : i32
      %add3A_212 = arith.addi %mul3A_210, %add3A_211 : i32
      %mul3A_213 = arith.constant 8 : i32
      %mul3A_214 = arith.muli %scan3A_12, %mul3A_213 : i32
      %add3A_215 = arith.constant 3 : i32
      %add3A_216 = arith.addi %mul3A_214, %add3A_215 : i32
      %mul3A_217 = arith.constant 128 : i32
      %mul3A_218 = arith.muli %add3A_216, %mul3A_217 : i32
      %dma_wait3A_219 = arith.constant 0 : i32
      %dma_wait3A_220 = tpu.memref_slice %arg6[%mul3A_218, %dma_wait3A_219] : memref<5120x16xf32, #tpu.memory_space<vmem>> -> memref<128x16xf32, #tpu.memory_space<vmem>>
      %dma_wait3A_221 = arith.constant 0 : i32
      %dma_wait3A_222 = tpu.memref_slice %arg5[%add3A_212, %dma_wait3A_221] : memref<40x128xi32, #tpu.memory_space<vmem>> -> memref<1x128xi32, #tpu.memory_space<vmem>>
      %dma_wait3A_223 = tpu.memref_squeeze %dma_wait3A_222 : memref<1x128xi32, #tpu.memory_space<vmem>> -> memref<128xi32, #tpu.memory_space<vmem>>
      %dma_wait3A_224 = arith.constant 0 : i32
      %dma_wait3A_225 = arith.constant 0 : i32
      %dma_wait3A_226 = tpu.memref_slice %arg8[%dma_wait3A_224, %dma_wait3A_225] : memref<10016x16xf32, #tpu.memory_space<vmem_shared>> -> memref<10016x16xf32, #tpu.memory_space<vmem_shared>>
      tpu.wait_indirect_dma semaphore(%arg9 : memref<!tpu.dma_semaphore, #tpu.memory_space<semaphore_mem>>) src(%dma_wait3A_226 : memref<10016x16xf32, #tpu.memory_space<vmem_shared>>) dst(%dma_wait3A_220 : memref<128x16xf32, #tpu.memory_space<vmem>>)
      %mul3A_227 = arith.constant 8 : i32
      %mul3A_228 = arith.muli %scan3A_12, %mul3A_227 : i32
      %add3A_229 = arith.constant 4 : i32
      %add3A_230 = arith.addi %mul3A_228, %add3A_229 : i32
      %mul3A_231 = arith.constant 8 : i32
      %mul3A_232 = arith.muli %scan3A_12, %mul3A_231 : i32
      %add3A_233 = arith.constant 4 : i32
      %add3A_234 = arith.addi %mul3A_232, %add3A_233 : i32
      %mul3A_235 = arith.constant 128 : i32
      %mul3A_236 = arith.muli %add3A_234, %mul3A_235 : i32
      %dma_wait3A_237 = arith.constant 0 : i32
      %dma_wait3A_238 = tpu.memref_slice %arg6[%mul3A_236, %dma_wait3A_237] : memref<5120x16xf32, #tpu.memory_space<vmem>> -> memref<128x16xf32, #tpu.memory_space<vmem>>
      %dma_wait3A_239 = arith.constant 0 : i32
      %dma_wait3A_240 = tpu.memref_slice %arg5[%add3A_230, %dma_wait3A_239] : memref<40x128xi32, #tpu.memory_space<vmem>> -> memref<1x128xi32, #tpu.memory_space<vmem>>
      %dma_wait3A_241 = tpu.memref_squeeze %dma_wait3A_240 : memref<1x128xi32, #tpu.memory_space<vmem>> -> memref<128xi32, #tpu.memory_space<vmem>>
      %dma_wait3A_242 = arith.constant 0 : i32
      %dma_wait3A_243 = arith.constant 0 : i32
      %dma_wait3A_244 = tpu.memref_slice %arg8[%dma_wait3A_242, %dma_wait3A_243] : memref<10016x16xf32, #tpu.memory_space<vmem_shared>> -> memref<10016x16xf32, #tpu.memory_space<vmem_shared>>
      tpu.wait_indirect_dma semaphore(%arg9 : memref<!tpu.dma_semaphore, #tpu.memory_space<semaphore_mem>>) src(%dma_wait3A_244 : memref<10016x16xf32, #tpu.memory_space<vmem_shared>>) dst(%dma_wait3A_238 : memref<128x16xf32, #tpu.memory_space<vmem>>)
      %mul3A_245 = arith.constant 8 : i32
      %mul3A_246 = arith.muli %scan3A_12, %mul3A_245 : i32
      %add3A_247 = arith.constant 5 : i32
      %add3A_248 = arith.addi %mul3A_246, %add3A_247 : i32
      %mul3A_249 = arith.constant 8 : i32
      %mul3A_250 = arith.muli %scan3A_12, %mul3A_249 : i32
      %add3A_251 = arith.constant 5 : i32
      %add3A_252 = arith.addi %mul3A_250, %add3A_251 : i32
      %mul3A_253 = arith.constant 128 : i32
      %mul3A_254 = arith.muli %add3A_252, %mul3A_253 : i32
      %dma_wait3A_255 = arith.constant 0 : i32
      %dma_wait3A_256 = tpu.memref_slice %arg6[%mul3A_254, %dma_wait3A_255] : memref<5120x16xf32, #tpu.memory_space<vmem>> -> memref<128x16xf32, #tpu.memory_space<vmem>>
      %dma_wait3A_257 = arith.constant 0 : i32
      %dma_wait3A_258 = tpu.memref_slice %arg5[%add3A_248, %dma_wait3A_257] : memref<40x128xi32, #tpu.memory_space<vmem>> -> memref<1x128xi32, #tpu.memory_space<vmem>>
      %dma_wait3A_259 = tpu.memref_squeeze %dma_wait3A_258 : memref<1x128xi32, #tpu.memory_space<vmem>> -> memref<128xi32, #tpu.memory_space<vmem>>
      %dma_wait3A_260 = arith.constant 0 : i32
      %dma_wait3A_261 = arith.constant 0 : i32
      %dma_wait3A_262 = tpu.memref_slice %arg8[%dma_wait3A_260, %dma_wait3A_261] : memref<10016x16xf32, #tpu.memory_space<vmem_shared>> -> memref<10016x16xf32, #tpu.memory_space<vmem_shared>>
      tpu.wait_indirect_dma semaphore(%arg9 : memref<!tpu.dma_semaphore, #tpu.memory_space<semaphore_mem>>) src(%dma_wait3A_262 : memref<10016x16xf32, #tpu.memory_space<vmem_shared>>) dst(%dma_wait3A_256 : memref<128x16xf32, #tpu.memory_space<vmem>>)
      %mul3A_263 = arith.constant 8 : i32
      %mul3A_264 = arith.muli %scan3A_12, %mul3A_263 : i32
      %add3A_265 = arith.constant 6 : i32
      %add3A_266 = arith.addi %mul3A_264, %add3A_265 : i32
      %mul3A_267 = arith.constant 8 : i32
      %mul3A_268 = arith.muli %scan3A_12, %mul3A_267 : i32
      %add3A_269 = arith.constant 6 : i32
      %add3A_270 = arith.addi %mul3A_268, %add3A_269 : i32
      %mul3A_271 = arith.constant 128 : i32
      %mul3A_272 = arith.muli %add3A_270, %mul3A_271 : i32
      %dma_wait3A_273 = arith.constant 0 : i32
      %dma_wait3A_274 = tpu.memref_slice %arg6[%mul3A_272, %dma_wait3A_273] : memref<5120x16xf32, #tpu.memory_space<vmem>> -> memref<128x16xf32, #tpu.memory_space<vmem>>
      %dma_wait3A_275 = arith.constant 0 : i32
      %dma_wait3A_276 = tpu.memref_slice %arg5[%add3A_266, %dma_wait3A_275] : memref<40x128xi32, #tpu.memory_space<vmem>> -> memref<1x128xi32, #tpu.memory_space<vmem>>
      %dma_wait3A_277 = tpu.memref_squeeze %dma_wait3A_276 : memref<1x128xi32, #tpu.memory_space<vmem>> -> memref<128xi32, #tpu.memory_space<vmem>>
      %dma_wait3A_278 = arith.constant 0 : i32
      %dma_wait3A_279 = arith.constant 0 : i32
      %dma_wait3A_280 = tpu.memref_slice %arg8[%dma_wait3A_278, %dma_wait3A_279] : memref<10016x16xf32, #tpu.memory_space<vmem_shared>> -> memref<10016x16xf32, #tpu.memory_space<vmem_shared>>
      tpu.wait_indirect_dma semaphore(%arg9 : memref<!tpu.dma_semaphore, #tpu.memory_space<semaphore_mem>>) src(%dma_wait3A_280 : memref<10016x16xf32, #tpu.memory_space<vmem_shared>>) dst(%dma_wait3A_274 : memref<128x16xf32, #tpu.memory_space<vmem>>)
      %mul3A_281 = arith.constant 8 : i32
      %mul3A_282 = arith.muli %scan3A_12, %mul3A_281 : i32
      %add3A_283 = arith.constant 7 : i32
      %add3A_284 = arith.addi %mul3A_282, %add3A_283 : i32
      %mul3A_285 = arith.constant 8 : i32
      %mul3A_286 = arith.muli %scan3A_12, %mul3A_285 : i32
      %add3A_287 = arith.constant 7 : i32
      %add3A_288 = arith.addi %mul3A_286, %add3A_287 : i32
      %mul3A_289 = arith.constant 128 : i32
      %mul3A_290 = arith.muli %add3A_288, %mul3A_289 : i32
      %dma_wait3A_291 = arith.constant 0 : i32
      %dma_wait3A_292 = tpu.memref_slice %arg6[%mul3A_290, %dma_wait3A_291] : memref<5120x16xf32, #tpu.memory_space<vmem>> -> memref<128x16xf32, #tpu.memory_space<vmem>>
      %dma_wait3A_293 = arith.constant 0 : i32
      %dma_wait3A_294 = tpu.memref_slice %arg5[%add3A_284, %dma_wait3A_293] : memref<40x128xi32, #tpu.memory_space<vmem>> -> memref<1x128xi32, #tpu.memory_space<vmem>>
      %dma_wait3A_295 = tpu.memref_squeeze %dma_wait3A_294 : memref<1x128xi32, #tpu.memory_space<vmem>> -> memref<128xi32, #tpu.memory_space<vmem>>
      %dma_wait3A_296 = arith.constant 0 : i32
      %dma_wait3A_297 = arith.constant 0 : i32
      %dma_wait3A_298 = tpu.memref_slice %arg8[%dma_wait3A_296, %dma_wait3A_297] : memref<10016x16xf32, #tpu.memory_space<vmem_shared>> -> memref<10016x16xf32, #tpu.memory_space<vmem_shared>>
      tpu.wait_indirect_dma semaphore(%arg9 : memref<!tpu.dma_semaphore, #tpu.memory_space<semaphore_mem>>) src(%dma_wait3A_298 : memref<10016x16xf32, #tpu.memory_space<vmem_shared>>) dst(%dma_wait3A_292 : memref<128x16xf32, #tpu.memory_space<vmem>>)
    }
    %scan3A_9 = arith.constant 5 : i32
    %mul3A_10 = arith.constant 5120 : i32
    %mul3A_11 = arith.muli %add3A, %mul3A_10 : i32
    "tpu.region"() ({
      %run_scoped3A = tpu.sem_alloc : memref<!tpu.dma_semaphore, #tpu.memory_space<semaphore_mem>>
      %dma_start3A = arith.constant 0 : i32
      %dma_start3A_12 = tpu.memref_slice %arg4[%mul3A_11, %dma_start3A] : memref<163840x16xf32, #tpu.memory_space<hbm>> -> memref<5120x16xf32, #tpu.memory_space<hbm>>
      %dma_start3A_13 = arith.constant 0 : i32
      %dma_start3A_14 = tpu.memref_slice %arg4[%mul3A_11, %dma_start3A_13] : memref<163840x16xf32, #tpu.memory_space<hbm>> -> memref<5120x16xf32, #tpu.memory_space<hbm>>
      tpu.enqueue_dma source(%arg6 : memref<5120x16xf32, #tpu.memory_space<vmem>>) target(%dma_start3A_14 : memref<5120x16xf32, #tpu.memory_space<hbm>>) target_semaphore(%run_scoped3A : memref<!tpu.dma_semaphore, #tpu.memory_space<semaphore_mem>>)
      %dma_wait3A = arith.constant 0 : i32
      %dma_wait3A_15 = tpu.memref_slice %arg4[%mul3A_11, %dma_wait3A] : memref<163840x16xf32, #tpu.memory_space<hbm>> -> memref<5120x16xf32, #tpu.memory_space<hbm>>
      %dma_wait3A_16 = arith.constant 0 : i32
      %dma_wait3A_17 = tpu.memref_slice %arg4[%mul3A_11, %dma_wait3A_16] : memref<163840x16xf32, #tpu.memory_space<hbm>> -> memref<5120x16xf32, #tpu.memory_space<hbm>>
      tpu.wait_dma2 semaphore(%run_scoped3A : memref<!tpu.dma_semaphore, #tpu.memory_space<semaphore_mem>>) src(%arg6 : memref<5120x16xf32, #tpu.memory_space<vmem>>) dst(%dma_wait3A_17 : memref<5120x16xf32, #tpu.memory_space<hbm>>)
      tpu.yield
    }) : () -> ()
    return
  }
}

#map = affine_map<(d0, d1) -> (0, 0)>
#map1 = affine_map<(d0, d1) -> (0, 0, 0)>
module attributes {stable_mosaic.version = 14 : i64} {
  func.func @k(%arg0: i32, %arg1: i32, %arg2: memref<10016x16xf32, #tpu.memory_space<hbm>>, %arg3: memref<32x40x128xi32, #tpu.memory_space<hbm>>, %arg4: memref<163840x16xf32, #tpu.memory_space<hbm>>, %arg5: memref<40x128xi32, #tpu.memory_space<vmem>>, %arg6: memref<5120x16xf32, #tpu.memory_space<vmem>>, %arg7: memref<626x16xf32, #tpu.memory_space<vmem>>, %arg8: memref<10016x16xf32, #tpu.memory_space<vmem_shared>>, %arg9: memref<!tpu.dma_semaphore, #tpu.memory_space<semaphore_mem>>) attributes {dimension_semantics = [#tpu.dimension_semantics<core_parallel>, #tpu.dimension_semantics<subcore_parallel>], iteration_bounds = array<i64: 2, 16>, scalar_prefetch = 0 : i64, scratch_operands = 5 : i64, tpu.core_type = #tpu.core_type<sc_vector_subcore>, window_params = [{transform_indices = #map}, {transform_indices = #map1}, {transform_indices = #map}]} {
    %mul3A = arith.constant 2 : i32
    %mul3A_0 = arith.muli %arg1, %mul3A : i32
    %add3A = arith.addi %mul3A_0, %arg0 : i32
    %mul3A_1 = arith.constant 626 : i32
    %mul3A_2 = arith.muli %arg1, %mul3A_1 : i32
    "tpu.region"() ({
      %run_scoped3A = tpu.sem_alloc : memref<!tpu.dma_semaphore, #tpu.memory_space<semaphore_mem>>
      %dma_start3A = arith.constant 0 : i32
      %dma_start3A_12 = tpu.memref_slice %arg2[%mul3A_2, %dma_start3A] : memref<10016x16xf32, #tpu.memory_space<hbm>> -> memref<626x16xf32, #tpu.memory_space<hbm>>
      %dma_start3A_13 = arith.constant 0 : i32
      %dma_start3A_14 = tpu.memref_slice %arg2[%mul3A_2, %dma_start3A_13] : memref<10016x16xf32, #tpu.memory_space<hbm>> -> memref<626x16xf32, #tpu.memory_space<hbm>>
      tpu.enqueue_dma source(%dma_start3A_14 : memref<626x16xf32, #tpu.memory_space<hbm>>) target(%arg7 : memref<626x16xf32, #tpu.memory_space<vmem>>) target_semaphore(%run_scoped3A : memref<!tpu.dma_semaphore, #tpu.memory_space<semaphore_mem>>)
      %dma_wait3A = arith.constant 0 : i32
      %dma_wait3A_15 = tpu.memref_slice %arg2[%mul3A_2, %dma_wait3A] : memref<10016x16xf32, #tpu.memory_space<hbm>> -> memref<626x16xf32, #tpu.memory_space<hbm>>
      %dma_wait3A_16 = arith.constant 0 : i32
      %dma_wait3A_17 = tpu.memref_slice %arg2[%mul3A_2, %dma_wait3A_16] : memref<10016x16xf32, #tpu.memory_space<hbm>> -> memref<626x16xf32, #tpu.memory_space<hbm>>
      tpu.wait_dma2 semaphore(%run_scoped3A : memref<!tpu.dma_semaphore, #tpu.memory_space<semaphore_mem>>) src(%dma_wait3A_17 : memref<626x16xf32, #tpu.memory_space<hbm>>) dst(%arg7 : memref<626x16xf32, #tpu.memory_space<vmem>>)
      tpu.yield
    }) : () -> ()
    %mul3A_3 = arith.constant 626 : i32
    %mul3A_4 = arith.muli %arg1, %mul3A_3 : i32
    "tpu.region"() ({
      %run_scoped3A = tpu.sem_alloc : memref<!tpu.dma_semaphore, #tpu.memory_space<semaphore_mem>>
      %dma_start3A = arith.constant 0 : i32
      %dma_start3A_12 = tpu.memref_slice %arg8[%mul3A_4, %dma_start3A] : memref<10016x16xf32, #tpu.memory_space<vmem_shared>> -> memref<626x16xf32, #tpu.memory_space<vmem_shared>>
      %dma_start3A_13 = arith.constant 0 : i32
      %dma_start3A_14 = tpu.memref_slice %arg8[%mul3A_4, %dma_start3A_13] : memref<10016x16xf32, #tpu.memory_space<vmem_shared>> -> memref<626x16xf32, #tpu.memory_space<vmem_shared>>
      tpu.enqueue_dma source(%arg7 : memref<626x16xf32, #tpu.memory_space<vmem>>) target(%dma_start3A_14 : memref<626x16xf32, #tpu.memory_space<vmem_shared>>) target_semaphore(%run_scoped3A : memref<!tpu.dma_semaphore, #tpu.memory_space<semaphore_mem>>)
      %dma_wait3A = arith.constant 0 : i32
      %dma_wait3A_15 = tpu.memref_slice %arg8[%mul3A_4, %dma_wait3A] : memref<10016x16xf32, #tpu.memory_space<vmem_shared>> -> memref<626x16xf32, #tpu.memory_space<vmem_shared>>
      %dma_wait3A_16 = arith.constant 0 : i32
      %dma_wait3A_17 = tpu.memref_slice %arg8[%mul3A_4, %dma_wait3A_16] : memref<10016x16xf32, #tpu.memory_space<vmem_shared>> -> memref<626x16xf32, #tpu.memory_space<vmem_shared>>
      tpu.wait_dma2 semaphore(%run_scoped3A : memref<!tpu.dma_semaphore, #tpu.memory_space<semaphore_mem>>) src(%arg7 : memref<626x16xf32, #tpu.memory_space<vmem>>) dst(%dma_wait3A_17 : memref<626x16xf32, #tpu.memory_space<vmem_shared>>)
      tpu.yield
    }) : () -> ()
    "tpu.region"() ({
      %run_scoped3A = tpu.sem_alloc : memref<!tpu.dma_semaphore, #tpu.memory_space<semaphore_mem>>
      %dma_start3A = arith.constant 0 : i32
      %dma_start3A_12 = arith.constant 0 : i32
      %dma_start3A_13 = tpu.memref_slice %arg3[%add3A, %dma_start3A, %dma_start3A_12] : memref<32x40x128xi32, #tpu.memory_space<hbm>> -> memref<1x40x128xi32, #tpu.memory_space<hbm>>
      %dma_start3A_14 = tpu.memref_squeeze %dma_start3A_13 : memref<1x40x128xi32, #tpu.memory_space<hbm>> -> memref<40x128xi32, #tpu.memory_space<hbm>>
      %dma_start3A_15 = arith.constant 0 : i32
      %dma_start3A_16 = arith.constant 0 : i32
      %dma_start3A_17 = tpu.memref_slice %arg3[%add3A, %dma_start3A_15, %dma_start3A_16] : memref<32x40x128xi32, #tpu.memory_space<hbm>> -> memref<1x40x128xi32, #tpu.memory_space<hbm>>
      %dma_start3A_18 = tpu.memref_squeeze %dma_start3A_17 : memref<1x40x128xi32, #tpu.memory_space<hbm>> -> memref<40x128xi32, #tpu.memory_space<hbm>>
      tpu.enqueue_dma source(%dma_start3A_18 : memref<40x128xi32, #tpu.memory_space<hbm>>) target(%arg5 : memref<40x128xi32, #tpu.memory_space<vmem>>) target_semaphore(%run_scoped3A : memref<!tpu.dma_semaphore, #tpu.memory_space<semaphore_mem>>)
      %dma_wait3A = arith.constant 0 : i32
      %dma_wait3A_19 = arith.constant 0 : i32
      %dma_wait3A_20 = tpu.memref_slice %arg3[%add3A, %dma_wait3A, %dma_wait3A_19] : memref<32x40x128xi32, #tpu.memory_space<hbm>> -> memref<1x40x128xi32, #tpu.memory_space<hbm>>
      %dma_wait3A_21 = tpu.memref_squeeze %dma_wait3A_20 : memref<1x40x128xi32, #tpu.memory_space<hbm>> -> memref<40x128xi32, #tpu.memory_space<hbm>>
      %dma_wait3A_22 = arith.constant 0 : i32
      %dma_wait3A_23 = arith.constant 0 : i32
      %dma_wait3A_24 = tpu.memref_slice %arg3[%add3A, %dma_wait3A_22, %dma_wait3A_23] : memref<32x40x128xi32, #tpu.memory_space<hbm>> -> memref<1x40x128xi32, #tpu.memory_space<hbm>>
      %dma_wait3A_25 = tpu.memref_squeeze %dma_wait3A_24 : memref<1x40x128xi32, #tpu.memory_space<hbm>> -> memref<40x128xi32, #tpu.memory_space<hbm>>
      tpu.wait_dma2 semaphore(%run_scoped3A : memref<!tpu.dma_semaphore, #tpu.memory_space<semaphore_mem>>) src(%dma_wait3A_25 : memref<40x128xi32, #tpu.memory_space<hbm>>) dst(%arg5 : memref<40x128xi32, #tpu.memory_space<vmem>>)
      tpu.yield
    }) : () -> ()
    %barrier3A = arith.constant 0 : index
    tpu.barrier barrier_id(%barrier3A)
    %scan3A = arith.constant 0 : i32
    %scan3A_5 = arith.constant 0 : i32
    %scan3A_6 = arith.constant 5 : i32
    %scan3A_7 = arith.addi %scan3A_5, %scan3A_6 : i32
    %scan3A_8 = arith.constant 1 : i32
    scf.for %scan3A_12 = %scan3A_5 to %scan3A_7 step %scan3A_8  : i32 {
      %mul3A_13 = arith.constant 8 : i32
      %mul3A_14 = arith.muli %scan3A_12, %mul3A_13 : i32
      %add3A_15 = arith.constant 0 : i32
      %add3A_16 = arith.addi %mul3A_14, %add3A_15 : i32
      %mul3A_17 = arith.constant 8 : i32
      %mul3A_18 = arith.muli %scan3A_12, %mul3A_17 : i32
      %add3A_19 = arith.constant 0 : i32
      %add3A_20 = arith.addi %mul3A_18, %add3A_19 : i32
      %mul3A_21 = arith.constant 128 : i32
      %mul3A_22 = arith.muli %add3A_20, %mul3A_21 : i32
      %dma_start3A = arith.constant 0 : i32
      %dma_start3A_23 = tpu.memref_slice %arg6[%mul3A_22, %dma_start3A] : memref<5120x16xf32, #tpu.memory_space<vmem>> -> memref<128x16xf32, #tpu.memory_space<vmem>>
      %dma_start3A_24 = arith.constant 0 : i32
      %dma_start3A_25 = tpu.memref_slice %arg5[%add3A_16, %dma_start3A_24] : memref<40x128xi32, #tpu.memory_space<vmem>> -> memref<1x128xi32, #tpu.memory_space<vmem>>
      %dma_start3A_26 = tpu.memref_squeeze %dma_start3A_25 : memref<1x128xi32, #tpu.memory_space<vmem>> -> memref<128xi32, #tpu.memory_space<vmem>>
      %dma_start3A_27 = arith.constant 0 : i32
      %dma_start3A_28 = arith.constant 0 : i32
      %dma_start3A_29 = tpu.memref_slice %arg8[%dma_start3A_27, %dma_start3A_28] : memref<10016x16xf32, #tpu.memory_space<vmem_shared>> -> memref<10016x16xf32, #tpu.memory_space<vmem_shared>>
      tpu.enqueue_indirect_dma source(%dma_start3A_29 : memref<10016x16xf32, #tpu.memory_space<vmem_shared>>) target(%dma_start3A_23 : memref<128x16xf32, #tpu.memory_space<vmem>>) offsets(%dma_start3A_26 : memref<128xi32, #tpu.memory_space<vmem>>) semaphore(%arg9 : memref<!tpu.dma_semaphore, #tpu.memory_space<semaphore_mem>>)
      %mul3A_30 = arith.constant 8 : i32
      %mul3A_31 = arith.muli %scan3A_12, %mul3A_30 : i32
      %add3A_32 = arith.constant 1 : i32
      %add3A_33 = arith.addi %mul3A_31, %add3A_32 : i32
      %mul3A_34 = arith.constant 8 : i32
      %mul3A_35 = arith.muli %scan3A_12, %mul3A_34 : i32
      %add3A_36 = arith.constant 1 : i32
      %add3A_37 = arith.addi %mul3A_35, %add3A_36 : i32
      %mul3A_38 = arith.constant 128 : i32
      %mul3A_39 = arith.muli %add3A_37, %mul3A_38 : i32
      %dma_start3A_40 = arith.constant 0 : i32
      %dma_start3A_41 = tpu.memref_slice %arg6[%mul3A_39, %dma_start3A_40] : memref<5120x16xf32, #tpu.memory_space<vmem>> -> memref<128x16xf32, #tpu.memory_space<vmem>>
      %dma_start3A_42 = arith.constant 0 : i32
      %dma_start3A_43 = tpu.memref_slice %arg5[%add3A_33, %dma_start3A_42] : memref<40x128xi32, #tpu.memory_space<vmem>> -> memref<1x128xi32, #tpu.memory_space<vmem>>
      %dma_start3A_44 = tpu.memref_squeeze %dma_start3A_43 : memref<1x128xi32, #tpu.memory_space<vmem>> -> memref<128xi32, #tpu.memory_space<vmem>>
      %dma_start3A_45 = arith.constant 0 : i32
      %dma_start3A_46 = arith.constant 0 : i32
      %dma_start3A_47 = tpu.memref_slice %arg8[%dma_start3A_45, %dma_start3A_46] : memref<10016x16xf32, #tpu.memory_space<vmem_shared>> -> memref<10016x16xf32, #tpu.memory_space<vmem_shared>>
      tpu.enqueue_indirect_dma source(%dma_start3A_47 : memref<10016x16xf32, #tpu.memory_space<vmem_shared>>) target(%dma_start3A_41 : memref<128x16xf32, #tpu.memory_space<vmem>>) offsets(%dma_start3A_44 : memref<128xi32, #tpu.memory_space<vmem>>) semaphore(%arg9 : memref<!tpu.dma_semaphore, #tpu.memory_space<semaphore_mem>>)
      %mul3A_48 = arith.constant 8 : i32
      %mul3A_49 = arith.muli %scan3A_12, %mul3A_48 : i32
      %add3A_50 = arith.constant 2 : i32
      %add3A_51 = arith.addi %mul3A_49, %add3A_50 : i32
      %mul3A_52 = arith.constant 8 : i32
      %mul3A_53 = arith.muli %scan3A_12, %mul3A_52 : i32
      %add3A_54 = arith.constant 2 : i32
      %add3A_55 = arith.addi %mul3A_53, %add3A_54 : i32
      %mul3A_56 = arith.constant 128 : i32
      %mul3A_57 = arith.muli %add3A_55, %mul3A_56 : i32
      %dma_start3A_58 = arith.constant 0 : i32
      %dma_start3A_59 = tpu.memref_slice %arg6[%mul3A_57, %dma_start3A_58] : memref<5120x16xf32, #tpu.memory_space<vmem>> -> memref<128x16xf32, #tpu.memory_space<vmem>>
      %dma_start3A_60 = arith.constant 0 : i32
      %dma_start3A_61 = tpu.memref_slice %arg5[%add3A_51, %dma_start3A_60] : memref<40x128xi32, #tpu.memory_space<vmem>> -> memref<1x128xi32, #tpu.memory_space<vmem>>
      %dma_start3A_62 = tpu.memref_squeeze %dma_start3A_61 : memref<1x128xi32, #tpu.memory_space<vmem>> -> memref<128xi32, #tpu.memory_space<vmem>>
      %dma_start3A_63 = arith.constant 0 : i32
      %dma_start3A_64 = arith.constant 0 : i32
      %dma_start3A_65 = tpu.memref_slice %arg8[%dma_start3A_63, %dma_start3A_64] : memref<10016x16xf32, #tpu.memory_space<vmem_shared>> -> memref<10016x16xf32, #tpu.memory_space<vmem_shared>>
      tpu.enqueue_indirect_dma source(%dma_start3A_65 : memref<10016x16xf32, #tpu.memory_space<vmem_shared>>) target(%dma_start3A_59 : memref<128x16xf32, #tpu.memory_space<vmem>>) offsets(%dma_start3A_62 : memref<128xi32, #tpu.memory_space<vmem>>) semaphore(%arg9 : memref<!tpu.dma_semaphore, #tpu.memory_space<semaphore_mem>>)
      %mul3A_66 = arith.constant 8 : i32
      %mul3A_67 = arith.muli %scan3A_12, %mul3A_66 : i32
      %add3A_68 = arith.constant 3 : i32
      %add3A_69 = arith.addi %mul3A_67, %add3A_68 : i32
      %mul3A_70 = arith.constant 8 : i32
      %mul3A_71 = arith.muli %scan3A_12, %mul3A_70 : i32
      %add3A_72 = arith.constant 3 : i32
      %add3A_73 = arith.addi %mul3A_71, %add3A_72 : i32
      %mul3A_74 = arith.constant 128 : i32
      %mul3A_75 = arith.muli %add3A_73, %mul3A_74 : i32
      %dma_start3A_76 = arith.constant 0 : i32
      %dma_start3A_77 = tpu.memref_slice %arg6[%mul3A_75, %dma_start3A_76] : memref<5120x16xf32, #tpu.memory_space<vmem>> -> memref<128x16xf32, #tpu.memory_space<vmem>>
      %dma_start3A_78 = arith.constant 0 : i32
      %dma_start3A_79 = tpu.memref_slice %arg5[%add3A_69, %dma_start3A_78] : memref<40x128xi32, #tpu.memory_space<vmem>> -> memref<1x128xi32, #tpu.memory_space<vmem>>
      %dma_start3A_80 = tpu.memref_squeeze %dma_start3A_79 : memref<1x128xi32, #tpu.memory_space<vmem>> -> memref<128xi32, #tpu.memory_space<vmem>>
      %dma_start3A_81 = arith.constant 0 : i32
      %dma_start3A_82 = arith.constant 0 : i32
      %dma_start3A_83 = tpu.memref_slice %arg8[%dma_start3A_81, %dma_start3A_82] : memref<10016x16xf32, #tpu.memory_space<vmem_shared>> -> memref<10016x16xf32, #tpu.memory_space<vmem_shared>>
      tpu.enqueue_indirect_dma source(%dma_start3A_83 : memref<10016x16xf32, #tpu.memory_space<vmem_shared>>) target(%dma_start3A_77 : memref<128x16xf32, #tpu.memory_space<vmem>>) offsets(%dma_start3A_80 : memref<128xi32, #tpu.memory_space<vmem>>) semaphore(%arg9 : memref<!tpu.dma_semaphore, #tpu.memory_space<semaphore_mem>>)
      %mul3A_84 = arith.constant 8 : i32
      %mul3A_85 = arith.muli %scan3A_12, %mul3A_84 : i32
      %add3A_86 = arith.constant 4 : i32
      %add3A_87 = arith.addi %mul3A_85, %add3A_86 : i32
      %mul3A_88 = arith.constant 8 : i32
      %mul3A_89 = arith.muli %scan3A_12, %mul3A_88 : i32
      %add3A_90 = arith.constant 4 : i32
      %add3A_91 = arith.addi %mul3A_89, %add3A_90 : i32
      %mul3A_92 = arith.constant 128 : i32
      %mul3A_93 = arith.muli %add3A_91, %mul3A_92 : i32
      %dma_start3A_94 = arith.constant 0 : i32
      %dma_start3A_95 = tpu.memref_slice %arg6[%mul3A_93, %dma_start3A_94] : memref<5120x16xf32, #tpu.memory_space<vmem>> -> memref<128x16xf32, #tpu.memory_space<vmem>>
      %dma_start3A_96 = arith.constant 0 : i32
      %dma_start3A_97 = tpu.memref_slice %arg5[%add3A_87, %dma_start3A_96] : memref<40x128xi32, #tpu.memory_space<vmem>> -> memref<1x128xi32, #tpu.memory_space<vmem>>
      %dma_start3A_98 = tpu.memref_squeeze %dma_start3A_97 : memref<1x128xi32, #tpu.memory_space<vmem>> -> memref<128xi32, #tpu.memory_space<vmem>>
      %dma_start3A_99 = arith.constant 0 : i32
      %dma_start3A_100 = arith.constant 0 : i32
      %dma_start3A_101 = tpu.memref_slice %arg8[%dma_start3A_99, %dma_start3A_100] : memref<10016x16xf32, #tpu.memory_space<vmem_shared>> -> memref<10016x16xf32, #tpu.memory_space<vmem_shared>>
      tpu.enqueue_indirect_dma source(%dma_start3A_101 : memref<10016x16xf32, #tpu.memory_space<vmem_shared>>) target(%dma_start3A_95 : memref<128x16xf32, #tpu.memory_space<vmem>>) offsets(%dma_start3A_98 : memref<128xi32, #tpu.memory_space<vmem>>) semaphore(%arg9 : memref<!tpu.dma_semaphore, #tpu.memory_space<semaphore_mem>>)
      %mul3A_102 = arith.constant 8 : i32
      %mul3A_103 = arith.muli %scan3A_12, %mul3A_102 : i32
      %add3A_104 = arith.constant 5 : i32
      %add3A_105 = arith.addi %mul3A_103, %add3A_104 : i32
      %mul3A_106 = arith.constant 8 : i32
      %mul3A_107 = arith.muli %scan3A_12, %mul3A_106 : i32
      %add3A_108 = arith.constant 5 : i32
      %add3A_109 = arith.addi %mul3A_107, %add3A_108 : i32
      %mul3A_110 = arith.constant 128 : i32
      %mul3A_111 = arith.muli %add3A_109, %mul3A_110 : i32
      %dma_start3A_112 = arith.constant 0 : i32
      %dma_start3A_113 = tpu.memref_slice %arg6[%mul3A_111, %dma_start3A_112] : memref<5120x16xf32, #tpu.memory_space<vmem>> -> memref<128x16xf32, #tpu.memory_space<vmem>>
      %dma_start3A_114 = arith.constant 0 : i32
      %dma_start3A_115 = tpu.memref_slice %arg5[%add3A_105, %dma_start3A_114] : memref<40x128xi32, #tpu.memory_space<vmem>> -> memref<1x128xi32, #tpu.memory_space<vmem>>
      %dma_start3A_116 = tpu.memref_squeeze %dma_start3A_115 : memref<1x128xi32, #tpu.memory_space<vmem>> -> memref<128xi32, #tpu.memory_space<vmem>>
      %dma_start3A_117 = arith.constant 0 : i32
      %dma_start3A_118 = arith.constant 0 : i32
      %dma_start3A_119 = tpu.memref_slice %arg8[%dma_start3A_117, %dma_start3A_118] : memref<10016x16xf32, #tpu.memory_space<vmem_shared>> -> memref<10016x16xf32, #tpu.memory_space<vmem_shared>>
      tpu.enqueue_indirect_dma source(%dma_start3A_119 : memref<10016x16xf32, #tpu.memory_space<vmem_shared>>) target(%dma_start3A_113 : memref<128x16xf32, #tpu.memory_space<vmem>>) offsets(%dma_start3A_116 : memref<128xi32, #tpu.memory_space<vmem>>) semaphore(%arg9 : memref<!tpu.dma_semaphore, #tpu.memory_space<semaphore_mem>>)
      %mul3A_120 = arith.constant 8 : i32
      %mul3A_121 = arith.muli %scan3A_12, %mul3A_120 : i32
      %add3A_122 = arith.constant 6 : i32
      %add3A_123 = arith.addi %mul3A_121, %add3A_122 : i32
      %mul3A_124 = arith.constant 8 : i32
      %mul3A_125 = arith.muli %scan3A_12, %mul3A_124 : i32
      %add3A_126 = arith.constant 6 : i32
      %add3A_127 = arith.addi %mul3A_125, %add3A_126 : i32
      %mul3A_128 = arith.constant 128 : i32
      %mul3A_129 = arith.muli %add3A_127, %mul3A_128 : i32
      %dma_start3A_130 = arith.constant 0 : i32
      %dma_start3A_131 = tpu.memref_slice %arg6[%mul3A_129, %dma_start3A_130] : memref<5120x16xf32, #tpu.memory_space<vmem>> -> memref<128x16xf32, #tpu.memory_space<vmem>>
      %dma_start3A_132 = arith.constant 0 : i32
      %dma_start3A_133 = tpu.memref_slice %arg5[%add3A_123, %dma_start3A_132] : memref<40x128xi32, #tpu.memory_space<vmem>> -> memref<1x128xi32, #tpu.memory_space<vmem>>
      %dma_start3A_134 = tpu.memref_squeeze %dma_start3A_133 : memref<1x128xi32, #tpu.memory_space<vmem>> -> memref<128xi32, #tpu.memory_space<vmem>>
      %dma_start3A_135 = arith.constant 0 : i32
      %dma_start3A_136 = arith.constant 0 : i32
      %dma_start3A_137 = tpu.memref_slice %arg8[%dma_start3A_135, %dma_start3A_136] : memref<10016x16xf32, #tpu.memory_space<vmem_shared>> -> memref<10016x16xf32, #tpu.memory_space<vmem_shared>>
      tpu.enqueue_indirect_dma source(%dma_start3A_137 : memref<10016x16xf32, #tpu.memory_space<vmem_shared>>) target(%dma_start3A_131 : memref<128x16xf32, #tpu.memory_space<vmem>>) offsets(%dma_start3A_134 : memref<128xi32, #tpu.memory_space<vmem>>) semaphore(%arg9 : memref<!tpu.dma_semaphore, #tpu.memory_space<semaphore_mem>>)
      %mul3A_138 = arith.constant 8 : i32
      %mul3A_139 = arith.muli %scan3A_12, %mul3A_138 : i32
      %add3A_140 = arith.constant 7 : i32
      %add3A_141 = arith.addi %mul3A_139, %add3A_140 : i32
      %mul3A_142 = arith.constant 8 : i32
      %mul3A_143 = arith.muli %scan3A_12, %mul3A_142 : i32
      %add3A_144 = arith.constant 7 : i32
      %add3A_145 = arith.addi %mul3A_143, %add3A_144 : i32
      %mul3A_146 = arith.constant 128 : i32
      %mul3A_147 = arith.muli %add3A_145, %mul3A_146 : i32
      %dma_start3A_148 = arith.constant 0 : i32
      %dma_start3A_149 = tpu.memref_slice %arg6[%mul3A_147, %dma_start3A_148] : memref<5120x16xf32, #tpu.memory_space<vmem>> -> memref<128x16xf32, #tpu.memory_space<vmem>>
      %dma_start3A_150 = arith.constant 0 : i32
      %dma_start3A_151 = tpu.memref_slice %arg5[%add3A_141, %dma_start3A_150] : memref<40x128xi32, #tpu.memory_space<vmem>> -> memref<1x128xi32, #tpu.memory_space<vmem>>
      %dma_start3A_152 = tpu.memref_squeeze %dma_start3A_151 : memref<1x128xi32, #tpu.memory_space<vmem>> -> memref<128xi32, #tpu.memory_space<vmem>>
      %dma_start3A_153 = arith.constant 0 : i32
      %dma_start3A_154 = arith.constant 0 : i32
      %dma_start3A_155 = tpu.memref_slice %arg8[%dma_start3A_153, %dma_start3A_154] : memref<10016x16xf32, #tpu.memory_space<vmem_shared>> -> memref<10016x16xf32, #tpu.memory_space<vmem_shared>>
      tpu.enqueue_indirect_dma source(%dma_start3A_155 : memref<10016x16xf32, #tpu.memory_space<vmem_shared>>) target(%dma_start3A_149 : memref<128x16xf32, #tpu.memory_space<vmem>>) offsets(%dma_start3A_152 : memref<128xi32, #tpu.memory_space<vmem>>) semaphore(%arg9 : memref<!tpu.dma_semaphore, #tpu.memory_space<semaphore_mem>>)
      %mul3A_156 = arith.constant 8 : i32
      %mul3A_157 = arith.muli %scan3A_12, %mul3A_156 : i32
      %add3A_158 = arith.constant 0 : i32
      %add3A_159 = arith.addi %mul3A_157, %add3A_158 : i32
      %mul3A_160 = arith.constant 8 : i32
      %mul3A_161 = arith.muli %scan3A_12, %mul3A_160 : i32
      %add3A_162 = arith.constant 0 : i32
      %add3A_163 = arith.addi %mul3A_161, %add3A_162 : i32
      %mul3A_164 = arith.constant 128 : i32
      %mul3A_165 = arith.muli %add3A_163, %mul3A_164 : i32
      %dma_wait3A = arith.constant 0 : i32
      %dma_wait3A_166 = tpu.memref_slice %arg6[%mul3A_165, %dma_wait3A] : memref<5120x16xf32, #tpu.memory_space<vmem>> -> memref<128x16xf32, #tpu.memory_space<vmem>>
      %dma_wait3A_167 = arith.constant 0 : i32
      %dma_wait3A_168 = tpu.memref_slice %arg5[%add3A_159, %dma_wait3A_167] : memref<40x128xi32, #tpu.memory_space<vmem>> -> memref<1x128xi32, #tpu.memory_space<vmem>>
      %dma_wait3A_169 = tpu.memref_squeeze %dma_wait3A_168 : memref<1x128xi32, #tpu.memory_space<vmem>> -> memref<128xi32, #tpu.memory_space<vmem>>
      %dma_wait3A_170 = arith.constant 0 : i32
      %dma_wait3A_171 = arith.constant 0 : i32
      %dma_wait3A_172 = tpu.memref_slice %arg8[%dma_wait3A_170, %dma_wait3A_171] : memref<10016x16xf32, #tpu.memory_space<vmem_shared>> -> memref<10016x16xf32, #tpu.memory_space<vmem_shared>>
      tpu.wait_indirect_dma semaphore(%arg9 : memref<!tpu.dma_semaphore, #tpu.memory_space<semaphore_mem>>) src(%dma_wait3A_172 : memref<10016x16xf32, #tpu.memory_space<vmem_shared>>) dst(%dma_wait3A_166 : memref<128x16xf32, #tpu.memory_space<vmem>>)
      %mul3A_173 = arith.constant 8 : i32
      %mul3A_174 = arith.muli %scan3A_12, %mul3A_173 : i32
      %add3A_175 = arith.constant 1 : i32
      %add3A_176 = arith.addi %mul3A_174, %add3A_175 : i32
      %mul3A_177 = arith.constant 8 : i32
      %mul3A_178 = arith.muli %scan3A_12, %mul3A_177 : i32
      %add3A_179 = arith.constant 1 : i32
      %add3A_180 = arith.addi %mul3A_178, %add3A_179 : i32
      %mul3A_181 = arith.constant 128 : i32
      %mul3A_182 = arith.muli %add3A_180, %mul3A_181 : i32
      %dma_wait3A_183 = arith.constant 0 : i32
      %dma_wait3A_184 = tpu.memref_slice %arg6[%mul3A_182, %dma_wait3A_183] : memref<5120x16xf32, #tpu.memory_space<vmem>> -> memref<128x16xf32, #tpu.memory_space<vmem>>
      %dma_wait3A_185 = arith.constant 0 : i32
      %dma_wait3A_186 = tpu.memref_slice %arg5[%add3A_176, %dma_wait3A_185] : memref<40x128xi32, #tpu.memory_space<vmem>> -> memref<1x128xi32, #tpu.memory_space<vmem>>
      %dma_wait3A_187 = tpu.memref_squeeze %dma_wait3A_186 : memref<1x128xi32, #tpu.memory_space<vmem>> -> memref<128xi32, #tpu.memory_space<vmem>>
      %dma_wait3A_188 = arith.constant 0 : i32
      %dma_wait3A_189 = arith.constant 0 : i32
      %dma_wait3A_190 = tpu.memref_slice %arg8[%dma_wait3A_188, %dma_wait3A_189] : memref<10016x16xf32, #tpu.memory_space<vmem_shared>> -> memref<10016x16xf32, #tpu.memory_space<vmem_shared>>
      tpu.wait_indirect_dma semaphore(%arg9 : memref<!tpu.dma_semaphore, #tpu.memory_space<semaphore_mem>>) src(%dma_wait3A_190 : memref<10016x16xf32, #tpu.memory_space<vmem_shared>>) dst(%dma_wait3A_184 : memref<128x16xf32, #tpu.memory_space<vmem>>)
      %mul3A_191 = arith.constant 8 : i32
      %mul3A_192 = arith.muli %scan3A_12, %mul3A_191 : i32
      %add3A_193 = arith.constant 2 : i32
      %add3A_194 = arith.addi %mul3A_192, %add3A_193 : i32
      %mul3A_195 = arith.constant 8 : i32
      %mul3A_196 = arith.muli %scan3A_12, %mul3A_195 : i32
      %add3A_197 = arith.constant 2 : i32
      %add3A_198 = arith.addi %mul3A_196, %add3A_197 : i32
      %mul3A_199 = arith.constant 128 : i32
      %mul3A_200 = arith.muli %add3A_198, %mul3A_199 : i32
      %dma_wait3A_201 = arith.constant 0 : i32
      %dma_wait3A_202 = tpu.memref_slice %arg6[%mul3A_200, %dma_wait3A_201] : memref<5120x16xf32, #tpu.memory_space<vmem>> -> memref<128x16xf32, #tpu.memory_space<vmem>>
      %dma_wait3A_203 = arith.constant 0 : i32
      %dma_wait3A_204 = tpu.memref_slice %arg5[%add3A_194, %dma_wait3A_203] : memref<40x128xi32, #tpu.memory_space<vmem>> -> memref<1x128xi32, #tpu.memory_space<vmem>>
      %dma_wait3A_205 = tpu.memref_squeeze %dma_wait3A_204 : memref<1x128xi32, #tpu.memory_space<vmem>> -> memref<128xi32, #tpu.memory_space<vmem>>
      %dma_wait3A_206 = arith.constant 0 : i32
      %dma_wait3A_207 = arith.constant 0 : i32
      %dma_wait3A_208 = tpu.memref_slice %arg8[%dma_wait3A_206, %dma_wait3A_207] : memref<10016x16xf32, #tpu.memory_space<vmem_shared>> -> memref<10016x16xf32, #tpu.memory_space<vmem_shared>>
      tpu.wait_indirect_dma semaphore(%arg9 : memref<!tpu.dma_semaphore, #tpu.memory_space<semaphore_mem>>) src(%dma_wait3A_208 : memref<10016x16xf32, #tpu.memory_space<vmem_shared>>) dst(%dma_wait3A_202 : memref<128x16xf32, #tpu.memory_space<vmem>>)
      %mul3A_209 = arith.constant 8 : i32
      %mul3A_210 = arith.muli %scan3A_12, %mul3A_209 : i32
      %add3A_211 = arith.constant 3 : i32
      %add3A_212 = arith.addi %mul3A_210, %add3A_211 : i32
      %mul3A_213 = arith.constant 8 : i32
      %mul3A_214 = arith.muli %scan3A_12, %mul3A_213 : i32
      %add3A_215 = arith.constant 3 : i32
      %add3A_216 = arith.addi %mul3A_214, %add3A_215 : i32
      %mul3A_217 = arith.constant 128 : i32
      %mul3A_218 = arith.muli %add3A_216, %mul3A_217 : i32
      %dma_wait3A_219 = arith.constant 0 : i32
      %dma_wait3A_220 = tpu.memref_slice %arg6[%mul3A_218, %dma_wait3A_219] : memref<5120x16xf32, #tpu.memory_space<vmem>> -> memref<128x16xf32, #tpu.memory_space<vmem>>
      %dma_wait3A_221 = arith.constant 0 : i32
      %dma_wait3A_222 = tpu.memref_slice %arg5[%add3A_212, %dma_wait3A_221] : memref<40x128xi32, #tpu.memory_space<vmem>> -> memref<1x128xi32, #tpu.memory_space<vmem>>
      %dma_wait3A_223 = tpu.memref_squeeze %dma_wait3A_222 : memref<1x128xi32, #tpu.memory_space<vmem>> -> memref<128xi32, #tpu.memory_space<vmem>>
      %dma_wait3A_224 = arith.constant 0 : i32
      %dma_wait3A_225 = arith.constant 0 : i32
      %dma_wait3A_226 = tpu.memref_slice %arg8[%dma_wait3A_224, %dma_wait3A_225] : memref<10016x16xf32, #tpu.memory_space<vmem_shared>> -> memref<10016x16xf32, #tpu.memory_space<vmem_shared>>
      tpu.wait_indirect_dma semaphore(%arg9 : memref<!tpu.dma_semaphore, #tpu.memory_space<semaphore_mem>>) src(%dma_wait3A_226 : memref<10016x16xf32, #tpu.memory_space<vmem_shared>>) dst(%dma_wait3A_220 : memref<128x16xf32, #tpu.memory_space<vmem>>)
      %mul3A_227 = arith.constant 8 : i32
      %mul3A_228 = arith.muli %scan3A_12, %mul3A_227 : i32
      %add3A_229 = arith.constant 4 : i32
      %add3A_230 = arith.addi %mul3A_228, %add3A_229 : i32
      %mul3A_231 = arith.constant 8 : i32
      %mul3A_232 = arith.muli %scan3A_12, %mul3A_231 : i32
      %add3A_233 = arith.constant 4 : i32
      %add3A_234 = arith.addi %mul3A_232, %add3A_233 : i32
      %mul3A_235 = arith.constant 128 : i32
      %mul3A_236 = arith.muli %add3A_234, %mul3A_235 : i32
      %dma_wait3A_237 = arith.constant 0 : i32
      %dma_wait3A_238 = tpu.memref_slice %arg6[%mul3A_236, %dma_wait3A_237] : memref<5120x16xf32, #tpu.memory_space<vmem>> -> memref<128x16xf32, #tpu.memory_space<vmem>>
      %dma_wait3A_239 = arith.constant 0 : i32
      %dma_wait3A_240 = tpu.memref_slice %arg5[%add3A_230, %dma_wait3A_239] : memref<40x128xi32, #tpu.memory_space<vmem>> -> memref<1x128xi32, #tpu.memory_space<vmem>>
      %dma_wait3A_241 = tpu.memref_squeeze %dma_wait3A_240 : memref<1x128xi32, #tpu.memory_space<vmem>> -> memref<128xi32, #tpu.memory_space<vmem>>
      %dma_wait3A_242 = arith.constant 0 : i32
      %dma_wait3A_243 = arith.constant 0 : i32
      %dma_wait3A_244 = tpu.memref_slice %arg8[%dma_wait3A_242, %dma_wait3A_243] : memref<10016x16xf32, #tpu.memory_space<vmem_shared>> -> memref<10016x16xf32, #tpu.memory_space<vmem_shared>>
      tpu.wait_indirect_dma semaphore(%arg9 : memref<!tpu.dma_semaphore, #tpu.memory_space<semaphore_mem>>) src(%dma_wait3A_244 : memref<10016x16xf32, #tpu.memory_space<vmem_shared>>) dst(%dma_wait3A_238 : memref<128x16xf32, #tpu.memory_space<vmem>>)
      %mul3A_245 = arith.constant 8 : i32
      %mul3A_246 = arith.muli %scan3A_12, %mul3A_245 : i32
      %add3A_247 = arith.constant 5 : i32
      %add3A_248 = arith.addi %mul3A_246, %add3A_247 : i32
      %mul3A_249 = arith.constant 8 : i32
      %mul3A_250 = arith.muli %scan3A_12, %mul3A_249 : i32
      %add3A_251 = arith.constant 5 : i32
      %add3A_252 = arith.addi %mul3A_250, %add3A_251 : i32
      %mul3A_253 = arith.constant 128 : i32
      %mul3A_254 = arith.muli %add3A_252, %mul3A_253 : i32
      %dma_wait3A_255 = arith.constant 0 : i32
      %dma_wait3A_256 = tpu.memref_slice %arg6[%mul3A_254, %dma_wait3A_255] : memref<5120x16xf32, #tpu.memory_space<vmem>> -> memref<128x16xf32, #tpu.memory_space<vmem>>
      %dma_wait3A_257 = arith.constant 0 : i32
      %dma_wait3A_258 = tpu.memref_slice %arg5[%add3A_248, %dma_wait3A_257] : memref<40x128xi32, #tpu.memory_space<vmem>> -> memref<1x128xi32, #tpu.memory_space<vmem>>
      %dma_wait3A_259 = tpu.memref_squeeze %dma_wait3A_258 : memref<1x128xi32, #tpu.memory_space<vmem>> -> memref<128xi32, #tpu.memory_space<vmem>>
      %dma_wait3A_260 = arith.constant 0 : i32
      %dma_wait3A_261 = arith.constant 0 : i32
      %dma_wait3A_262 = tpu.memref_slice %arg8[%dma_wait3A_260, %dma_wait3A_261] : memref<10016x16xf32, #tpu.memory_space<vmem_shared>> -> memref<10016x16xf32, #tpu.memory_space<vmem_shared>>
      tpu.wait_indirect_dma semaphore(%arg9 : memref<!tpu.dma_semaphore, #tpu.memory_space<semaphore_mem>>) src(%dma_wait3A_262 : memref<10016x16xf32, #tpu.memory_space<vmem_shared>>) dst(%dma_wait3A_256 : memref<128x16xf32, #tpu.memory_space<vmem>>)
      %mul3A_263 = arith.constant 8 : i32
      %mul3A_264 = arith.muli %scan3A_12, %mul3A_263 : i32
      %add3A_265 = arith.constant 6 : i32
      %add3A_266 = arith.addi %mul3A_264, %add3A_265 : i32
      %mul3A_267 = arith.constant 8 : i32
      %mul3A_268 = arith.muli %scan3A_12, %mul3A_267 : i32
      %add3A_269 = arith.constant 6 : i32
      %add3A_270 = arith.addi %mul3A_268, %add3A_269 : i32
      %mul3A_271 = arith.constant 128 : i32
      %mul3A_272 = arith.muli %add3A_270, %mul3A_271 : i32
      %dma_wait3A_273 = arith.constant 0 : i32
      %dma_wait3A_274 = tpu.memref_slice %arg6[%mul3A_272, %dma_wait3A_273] : memref<5120x16xf32, #tpu.memory_space<vmem>> -> memref<128x16xf32, #tpu.memory_space<vmem>>
      %dma_wait3A_275 = arith.constant 0 : i32
      %dma_wait3A_276 = tpu.memref_slice %arg5[%add3A_266, %dma_wait3A_275] : memref<40x128xi32, #tpu.memory_space<vmem>> -> memref<1x128xi32, #tpu.memory_space<vmem>>
      %dma_wait3A_277 = tpu.memref_squeeze %dma_wait3A_276 : memref<1x128xi32, #tpu.memory_space<vmem>> -> memref<128xi32, #tpu.memory_space<vmem>>
      %dma_wait3A_278 = arith.constant 0 : i32
      %dma_wait3A_279 = arith.constant 0 : i32
      %dma_wait3A_280 = tpu.memref_slice %arg8[%dma_wait3A_278, %dma_wait3A_279] : memref<10016x16xf32, #tpu.memory_space<vmem_shared>> -> memref<10016x16xf32, #tpu.memory_space<vmem_shared>>
      tpu.wait_indirect_dma semaphore(%arg9 : memref<!tpu.dma_semaphore, #tpu.memory_space<semaphore_mem>>) src(%dma_wait3A_280 : memref<10016x16xf32, #tpu.memory_space<vmem_shared>>) dst(%dma_wait3A_274 : memref<128x16xf32, #tpu.memory_space<vmem>>)
      %mul3A_281 = arith.constant 8 : i32
      %mul3A_282 = arith.muli %scan3A_12, %mul3A_281 : i32
      %add3A_283 = arith.constant 7 : i32
      %add3A_284 = arith.addi %mul3A_282, %add3A_283 : i32
      %mul3A_285 = arith.constant 8 : i32
      %mul3A_286 = arith.muli %scan3A_12, %mul3A_285 : i32
      %add3A_287 = arith.constant 7 : i32
      %add3A_288 = arith.addi %mul3A_286, %add3A_287 : i32
      %mul3A_289 = arith.constant 128 : i32
      %mul3A_290 = arith.muli %add3A_288, %mul3A_289 : i32
      %dma_wait3A_291 = arith.constant 0 : i32
      %dma_wait3A_292 = tpu.memref_slice %arg6[%mul3A_290, %dma_wait3A_291] : memref<5120x16xf32, #tpu.memory_space<vmem>> -> memref<128x16xf32, #tpu.memory_space<vmem>>
      %dma_wait3A_293 = arith.constant 0 : i32
      %dma_wait3A_294 = tpu.memref_slice %arg5[%add3A_284, %dma_wait3A_293] : memref<40x128xi32, #tpu.memory_space<vmem>> -> memref<1x128xi32, #tpu.memory_space<vmem>>
      %dma_wait3A_295 = tpu.memref_squeeze %dma_wait3A_294 : memref<1x128xi32, #tpu.memory_space<vmem>> -> memref<128xi32, #tpu.memory_space<vmem>>
      %dma_wait3A_296 = arith.constant 0 : i32
      %dma_wait3A_297 = arith.constant 0 : i32
      %dma_wait3A_298 = tpu.memref_slice %arg8[%dma_wait3A_296, %dma_wait3A_297] : memref<10016x16xf32, #tpu.memory_space<vmem_shared>> -> memref<10016x16xf32, #tpu.memory_space<vmem_shared>>
      tpu.wait_indirect_dma semaphore(%arg9 : memref<!tpu.dma_semaphore, #tpu.memory_space<semaphore_mem>>) src(%dma_wait3A_298 : memref<10016x16xf32, #tpu.memory_space<vmem_shared>>) dst(%dma_wait3A_292 : memref<128x16xf32, #tpu.memory_space<vmem>>)
    }
    %scan3A_9 = arith.constant 5 : i32
    %mul3A_10 = arith.constant 5120 : i32
    %mul3A_11 = arith.muli %add3A, %mul3A_10 : i32
    "tpu.region"() ({
      %run_scoped3A = tpu.sem_alloc : memref<!tpu.dma_semaphore, #tpu.memory_space<semaphore_mem>>
      %dma_start3A = arith.constant 0 : i32
      %dma_start3A_12 = tpu.memref_slice %arg4[%mul3A_11, %dma_start3A] : memref<163840x16xf32, #tpu.memory_space<hbm>> -> memref<5120x16xf32, #tpu.memory_space<hbm>>
      %dma_start3A_13 = arith.constant 0 : i32
      %dma_start3A_14 = tpu.memref_slice %arg4[%mul3A_11, %dma_start3A_13] : memref<163840x16xf32, #tpu.memory_space<hbm>> -> memref<5120x16xf32, #tpu.memory_space<hbm>>
      tpu.enqueue_dma source(%arg6 : memref<5120x16xf32, #tpu.memory_space<vmem>>) target(%dma_start3A_14 : memref<5120x16xf32, #tpu.memory_space<hbm>>) target_semaphore(%run_scoped3A : memref<!tpu.dma_semaphore, #tpu.memory_space<semaphore_mem>>)
      %dma_wait3A = arith.constant 0 : i32
      %dma_wait3A_15 = tpu.memref_slice %arg4[%mul3A_11, %dma_wait3A] : memref<163840x16xf32, #tpu.memory_space<hbm>> -> memref<5120x16xf32, #tpu.memory_space<hbm>>
      %dma_wait3A_16 = arith.constant 0 : i32
      %dma_wait3A_17 = tpu.memref_slice %arg4[%mul3A_11, %dma_wait3A_16] : memref<163840x16xf32, #tpu.memory_space<hbm>> -> memref<5120x16xf32, #tpu.memory_space<hbm>>
      tpu.wait_dma2 semaphore(%run_scoped3A : memref<!tpu.dma_semaphore, #tpu.memory_space<semaphore_mem>>) src(%arg6 : memref<5120x16xf32, #tpu.memory_space<vmem>>) dst(%dma_wait3A_17 : memref<5120x16xf32, #tpu.memory_space<hbm>>)
      tpu.yield
    }) : () -> ()
    return
  }
}

#map = affine_map<(d0, d1) -> (0, 0)>
#map1 = affine_map<(d0, d1) -> (0, 0, 0)>
module attributes {stable_mosaic.version = 14 : i64} {
  func.func @k(%arg0: i32, %arg1: i32, %arg2: memref<163840x16xf32, #tpu.memory_space<hbm>>, %arg3: memref<32x40x128xi32, #tpu.memory_space<hbm>>, %arg4: memref<10016x16xf32, #tpu.memory_space<hbm>>, %arg5: memref<20032x16xf32, #tpu.memory_space<hbm>>, %arg6: memref<40x128xi32, #tpu.memory_space<vmem>>, %arg7: memref<5120x16xf32, #tpu.memory_space<vmem>>, %arg8: memref<626x16xf32, #tpu.memory_space<vmem>>, %arg9: memref<10016x16xf32, #tpu.memory_space<vmem_shared>>, %arg10: memref<!tpu.dma_semaphore, #tpu.memory_space<semaphore_mem>>) attributes {dimension_semantics = [#tpu.dimension_semantics<core_parallel>, #tpu.dimension_semantics<subcore_parallel>], iteration_bounds = array<i64: 2, 16>, scalar_prefetch = 0 : i64, scratch_operands = 5 : i64, tpu.core_type = #tpu.core_type<sc_vector_subcore>, window_params = [{transform_indices = #map}, {transform_indices = #map1}, {transform_indices = #map}, {transform_indices = #map}]} {
    %mul3A = arith.constant 2 : i32
    %mul3A_0 = arith.muli %arg1, %mul3A : i32
    %add3A = arith.addi %mul3A_0, %arg0 : i32
    %mul3A_1 = arith.constant 626 : i32
    %mul3A_2 = arith.muli %arg1, %mul3A_1 : i32
    "tpu.region"() ({
      %run_scoped3A = tpu.sem_alloc : memref<!tpu.dma_semaphore, #tpu.memory_space<semaphore_mem>>
      %dma_start3A = arith.constant 0 : i32
      %dma_start3A_20 = tpu.memref_slice %arg4[%mul3A_2, %dma_start3A] : memref<10016x16xf32, #tpu.memory_space<hbm>> -> memref<626x16xf32, #tpu.memory_space<hbm>>
      %dma_start3A_21 = arith.constant 0 : i32
      %dma_start3A_22 = tpu.memref_slice %arg4[%mul3A_2, %dma_start3A_21] : memref<10016x16xf32, #tpu.memory_space<hbm>> -> memref<626x16xf32, #tpu.memory_space<hbm>>
      tpu.enqueue_dma source(%dma_start3A_22 : memref<626x16xf32, #tpu.memory_space<hbm>>) target(%arg8 : memref<626x16xf32, #tpu.memory_space<vmem>>) target_semaphore(%run_scoped3A : memref<!tpu.dma_semaphore, #tpu.memory_space<semaphore_mem>>)
      %dma_wait3A = arith.constant 0 : i32
      %dma_wait3A_23 = tpu.memref_slice %arg4[%mul3A_2, %dma_wait3A] : memref<10016x16xf32, #tpu.memory_space<hbm>> -> memref<626x16xf32, #tpu.memory_space<hbm>>
      %dma_wait3A_24 = arith.constant 0 : i32
      %dma_wait3A_25 = tpu.memref_slice %arg4[%mul3A_2, %dma_wait3A_24] : memref<10016x16xf32, #tpu.memory_space<hbm>> -> memref<626x16xf32, #tpu.memory_space<hbm>>
      tpu.wait_dma2 semaphore(%run_scoped3A : memref<!tpu.dma_semaphore, #tpu.memory_space<semaphore_mem>>) src(%dma_wait3A_25 : memref<626x16xf32, #tpu.memory_space<hbm>>) dst(%arg8 : memref<626x16xf32, #tpu.memory_space<vmem>>)
      tpu.yield
    }) : () -> ()
    %mul3A_3 = arith.constant 626 : i32
    %mul3A_4 = arith.muli %arg1, %mul3A_3 : i32
    "tpu.region"() ({
      %run_scoped3A = tpu.sem_alloc : memref<!tpu.dma_semaphore, #tpu.memory_space<semaphore_mem>>
      %dma_start3A = arith.constant 0 : i32
      %dma_start3A_20 = tpu.memref_slice %arg9[%mul3A_4, %dma_start3A] : memref<10016x16xf32, #tpu.memory_space<vmem_shared>> -> memref<626x16xf32, #tpu.memory_space<vmem_shared>>
      %dma_start3A_21 = arith.constant 0 : i32
      %dma_start3A_22 = tpu.memref_slice %arg9[%mul3A_4, %dma_start3A_21] : memref<10016x16xf32, #tpu.memory_space<vmem_shared>> -> memref<626x16xf32, #tpu.memory_space<vmem_shared>>
      tpu.enqueue_dma source(%arg8 : memref<626x16xf32, #tpu.memory_space<vmem>>) target(%dma_start3A_22 : memref<626x16xf32, #tpu.memory_space<vmem_shared>>) target_semaphore(%run_scoped3A : memref<!tpu.dma_semaphore, #tpu.memory_space<semaphore_mem>>)
      %dma_wait3A = arith.constant 0 : i32
      %dma_wait3A_23 = tpu.memref_slice %arg9[%mul3A_4, %dma_wait3A] : memref<10016x16xf32, #tpu.memory_space<vmem_shared>> -> memref<626x16xf32, #tpu.memory_space<vmem_shared>>
      %dma_wait3A_24 = arith.constant 0 : i32
      %dma_wait3A_25 = tpu.memref_slice %arg9[%mul3A_4, %dma_wait3A_24] : memref<10016x16xf32, #tpu.memory_space<vmem_shared>> -> memref<626x16xf32, #tpu.memory_space<vmem_shared>>
      tpu.wait_dma2 semaphore(%run_scoped3A : memref<!tpu.dma_semaphore, #tpu.memory_space<semaphore_mem>>) src(%arg8 : memref<626x16xf32, #tpu.memory_space<vmem>>) dst(%dma_wait3A_25 : memref<626x16xf32, #tpu.memory_space<vmem_shared>>)
      tpu.yield
    }) : () -> ()
    "tpu.region"() ({
      %run_scoped3A = tpu.sem_alloc : memref<!tpu.dma_semaphore, #tpu.memory_space<semaphore_mem>>
      %dma_start3A = arith.constant 0 : i32
      %dma_start3A_20 = arith.constant 0 : i32
      %dma_start3A_21 = tpu.memref_slice %arg3[%add3A, %dma_start3A, %dma_start3A_20] : memref<32x40x128xi32, #tpu.memory_space<hbm>> -> memref<1x40x128xi32, #tpu.memory_space<hbm>>
      %dma_start3A_22 = tpu.memref_squeeze %dma_start3A_21 : memref<1x40x128xi32, #tpu.memory_space<hbm>> -> memref<40x128xi32, #tpu.memory_space<hbm>>
      %dma_start3A_23 = arith.constant 0 : i32
      %dma_start3A_24 = arith.constant 0 : i32
      %dma_start3A_25 = tpu.memref_slice %arg3[%add3A, %dma_start3A_23, %dma_start3A_24] : memref<32x40x128xi32, #tpu.memory_space<hbm>> -> memref<1x40x128xi32, #tpu.memory_space<hbm>>
      %dma_start3A_26 = tpu.memref_squeeze %dma_start3A_25 : memref<1x40x128xi32, #tpu.memory_space<hbm>> -> memref<40x128xi32, #tpu.memory_space<hbm>>
      tpu.enqueue_dma source(%dma_start3A_26 : memref<40x128xi32, #tpu.memory_space<hbm>>) target(%arg6 : memref<40x128xi32, #tpu.memory_space<vmem>>) target_semaphore(%run_scoped3A : memref<!tpu.dma_semaphore, #tpu.memory_space<semaphore_mem>>)
      %dma_wait3A = arith.constant 0 : i32
      %dma_wait3A_27 = arith.constant 0 : i32
      %dma_wait3A_28 = tpu.memref_slice %arg3[%add3A, %dma_wait3A, %dma_wait3A_27] : memref<32x40x128xi32, #tpu.memory_space<hbm>> -> memref<1x40x128xi32, #tpu.memory_space<hbm>>
      %dma_wait3A_29 = tpu.memref_squeeze %dma_wait3A_28 : memref<1x40x128xi32, #tpu.memory_space<hbm>> -> memref<40x128xi32, #tpu.memory_space<hbm>>
      %dma_wait3A_30 = arith.constant 0 : i32
      %dma_wait3A_31 = arith.constant 0 : i32
      %dma_wait3A_32 = tpu.memref_slice %arg3[%add3A, %dma_wait3A_30, %dma_wait3A_31] : memref<32x40x128xi32, #tpu.memory_space<hbm>> -> memref<1x40x128xi32, #tpu.memory_space<hbm>>
      %dma_wait3A_33 = tpu.memref_squeeze %dma_wait3A_32 : memref<1x40x128xi32, #tpu.memory_space<hbm>> -> memref<40x128xi32, #tpu.memory_space<hbm>>
      tpu.wait_dma2 semaphore(%run_scoped3A : memref<!tpu.dma_semaphore, #tpu.memory_space<semaphore_mem>>) src(%dma_wait3A_33 : memref<40x128xi32, #tpu.memory_space<hbm>>) dst(%arg6 : memref<40x128xi32, #tpu.memory_space<vmem>>)
      tpu.yield
    }) : () -> ()
    %mul3A_5 = arith.constant 5120 : i32
    %mul3A_6 = arith.muli %add3A, %mul3A_5 : i32
    "tpu.region"() ({
      %run_scoped3A = tpu.sem_alloc : memref<!tpu.dma_semaphore, #tpu.memory_space<semaphore_mem>>
      %dma_start3A = arith.constant 0 : i32
      %dma_start3A_20 = tpu.memref_slice %arg2[%mul3A_6, %dma_start3A] : memref<163840x16xf32, #tpu.memory_space<hbm>> -> memref<5120x16xf32, #tpu.memory_space<hbm>>
      %dma_start3A_21 = arith.constant 0 : i32
      %dma_start3A_22 = tpu.memref_slice %arg2[%mul3A_6, %dma_start3A_21] : memref<163840x16xf32, #tpu.memory_space<hbm>> -> memref<5120x16xf32, #tpu.memory_space<hbm>>
      tpu.enqueue_dma source(%dma_start3A_22 : memref<5120x16xf32, #tpu.memory_space<hbm>>) target(%arg7 : memref<5120x16xf32, #tpu.memory_space<vmem>>) target_semaphore(%run_scoped3A : memref<!tpu.dma_semaphore, #tpu.memory_space<semaphore_mem>>)
      %dma_wait3A = arith.constant 0 : i32
      %dma_wait3A_23 = tpu.memref_slice %arg2[%mul3A_6, %dma_wait3A] : memref<163840x16xf32, #tpu.memory_space<hbm>> -> memref<5120x16xf32, #tpu.memory_space<hbm>>
      %dma_wait3A_24 = arith.constant 0 : i32
      %dma_wait3A_25 = tpu.memref_slice %arg2[%mul3A_6, %dma_wait3A_24] : memref<163840x16xf32, #tpu.memory_space<hbm>> -> memref<5120x16xf32, #tpu.memory_space<hbm>>
      tpu.wait_dma2 semaphore(%run_scoped3A : memref<!tpu.dma_semaphore, #tpu.memory_space<semaphore_mem>>) src(%dma_wait3A_25 : memref<5120x16xf32, #tpu.memory_space<hbm>>) dst(%arg7 : memref<5120x16xf32, #tpu.memory_space<vmem>>)
      tpu.yield
    }) : () -> ()
    %barrier3A = arith.constant 0 : index
    tpu.barrier barrier_id(%barrier3A)
    %scan3A = arith.constant 0 : i32
    %scan3A_7 = arith.constant 0 : i32
    %scan3A_8 = arith.constant 40 : i32
    %scan3A_9 = arith.addi %scan3A_7, %scan3A_8 : i32
    %scan3A_10 = arith.constant 1 : i32
    scf.for %scan3A_20 = %scan3A_7 to %scan3A_9 step %scan3A_10  : i32 {
      %mul3A_21 = arith.constant 128 : i32
      %mul3A_22 = arith.muli %scan3A_20, %mul3A_21 : i32
      "tpu.region"() ({
        %run_scoped3A = tpu.sem_alloc : memref<!tpu.dma_semaphore, #tpu.memory_space<semaphore_mem>>
        %dma_start3A = arith.constant 0 : i32
        %dma_start3A_23 = tpu.memref_slice %arg7[%mul3A_22, %dma_start3A] : memref<5120x16xf32, #tpu.memory_space<vmem>> -> memref<128x16xf32, #tpu.memory_space<vmem>>
        %dma_start3A_24 = arith.constant 0 : i32
        %dma_start3A_25 = tpu.memref_slice %arg6[%scan3A_20, %dma_start3A_24] : memref<40x128xi32, #tpu.memory_space<vmem>> -> memref<1x128xi32, #tpu.memory_space<vmem>>
        %dma_start3A_26 = tpu.memref_squeeze %dma_start3A_25 : memref<1x128xi32, #tpu.memory_space<vmem>> -> memref<128xi32, #tpu.memory_space<vmem>>
        %dma_start3A_27 = arith.constant 0 : i32
        %dma_start3A_28 = arith.constant 0 : i32
        %dma_start3A_29 = tpu.memref_slice %arg9[%dma_start3A_27, %dma_start3A_28] : memref<10016x16xf32, #tpu.memory_space<vmem_shared>> -> memref<10016x16xf32, #tpu.memory_space<vmem_shared>>
        tpu.enqueue_indirect_dma source(%dma_start3A_23 : memref<128x16xf32, #tpu.memory_space<vmem>>) target(%dma_start3A_29 : memref<10016x16xf32, #tpu.memory_space<vmem_shared>>) offsets(%dma_start3A_26 : memref<128xi32, #tpu.memory_space<vmem>>) semaphore(%run_scoped3A : memref<!tpu.dma_semaphore, #tpu.memory_space<semaphore_mem>>) {add = true}
        %dma_wait3A = arith.constant 0 : i32
        %dma_wait3A_30 = tpu.memref_slice %arg7[%mul3A_22, %dma_wait3A] : memref<5120x16xf32, #tpu.memory_space<vmem>> -> memref<128x16xf32, #tpu.memory_space<vmem>>
        %dma_wait3A_31 = arith.constant 0 : i32
        %dma_wait3A_32 = tpu.memref_slice %arg6[%scan3A_20, %dma_wait3A_31] : memref<40x128xi32, #tpu.memory_space<vmem>> -> memref<1x128xi32, #tpu.memory_space<vmem>>
        %dma_wait3A_33 = tpu.memref_squeeze %dma_wait3A_32 : memref<1x128xi32, #tpu.memory_space<vmem>> -> memref<128xi32, #tpu.memory_space<vmem>>
        %dma_wait3A_34 = arith.constant 0 : i32
        %dma_wait3A_35 = arith.constant 0 : i32
        %dma_wait3A_36 = tpu.memref_slice %arg9[%dma_wait3A_34, %dma_wait3A_35] : memref<10016x16xf32, #tpu.memory_space<vmem_shared>> -> memref<10016x16xf32, #tpu.memory_space<vmem_shared>>
        tpu.wait_indirect_dma semaphore(%run_scoped3A : memref<!tpu.dma_semaphore, #tpu.memory_space<semaphore_mem>>) src(%dma_wait3A_30 : memref<128x16xf32, #tpu.memory_space<vmem>>) dst(%dma_wait3A_36 : memref<10016x16xf32, #tpu.memory_space<vmem_shared>>)
        tpu.yield
      }) : () -> ()
    }
    %scan3A_11 = arith.constant 40 : i32
    %barrier3A_12 = arith.constant 0 : index
    tpu.barrier barrier_id(%barrier3A_12)
    %mul3A_13 = arith.constant 626 : i32
    %mul3A_14 = arith.muli %arg1, %mul3A_13 : i32
    "tpu.region"() ({
      %run_scoped3A = tpu.sem_alloc : memref<!tpu.dma_semaphore, #tpu.memory_space<semaphore_mem>>
      %dma_start3A = arith.constant 0 : i32
      %dma_start3A_20 = tpu.memref_slice %arg9[%mul3A_14, %dma_start3A] : memref<10016x16xf32, #tpu.memory_space<vmem_shared>> -> memref<626x16xf32, #tpu.memory_space<vmem_shared>>
      %dma_start3A_21 = arith.constant 0 : i32
      %dma_start3A_22 = tpu.memref_slice %arg9[%mul3A_14, %dma_start3A_21] : memref<10016x16xf32, #tpu.memory_space<vmem_shared>> -> memref<626x16xf32, #tpu.memory_space<vmem_shared>>
      tpu.enqueue_dma source(%dma_start3A_22 : memref<626x16xf32, #tpu.memory_space<vmem_shared>>) target(%arg8 : memref<626x16xf32, #tpu.memory_space<vmem>>) target_semaphore(%run_scoped3A : memref<!tpu.dma_semaphore, #tpu.memory_space<semaphore_mem>>)
      %dma_wait3A = arith.constant 0 : i32
      %dma_wait3A_23 = tpu.memref_slice %arg9[%mul3A_14, %dma_wait3A] : memref<10016x16xf32, #tpu.memory_space<vmem_shared>> -> memref<626x16xf32, #tpu.memory_space<vmem_shared>>
      %dma_wait3A_24 = arith.constant 0 : i32
      %dma_wait3A_25 = tpu.memref_slice %arg9[%mul3A_14, %dma_wait3A_24] : memref<10016x16xf32, #tpu.memory_space<vmem_shared>> -> memref<626x16xf32, #tpu.memory_space<vmem_shared>>
      tpu.wait_dma2 semaphore(%run_scoped3A : memref<!tpu.dma_semaphore, #tpu.memory_space<semaphore_mem>>) src(%dma_wait3A_25 : memref<626x16xf32, #tpu.memory_space<vmem_shared>>) dst(%arg8 : memref<626x16xf32, #tpu.memory_space<vmem>>)
      tpu.yield
    }) : () -> ()
    %mul3A_15 = arith.constant 10016 : i32
    %mul3A_16 = arith.muli %arg0, %mul3A_15 : i32
    %mul3A_17 = arith.constant 626 : i32
    %mul3A_18 = arith.muli %arg1, %mul3A_17 : i32
    %add3A_19 = arith.addi %mul3A_16, %mul3A_18 : i32
    "tpu.region"() ({
      %run_scoped3A = tpu.sem_alloc : memref<!tpu.dma_semaphore, #tpu.memory_space<semaphore_mem>>
      %dma_start3A = arith.constant 0 : i32
      %dma_start3A_20 = tpu.memref_slice %arg5[%add3A_19, %dma_start3A] : memref<20032x16xf32, #tpu.memory_space<hbm>> -> memref<626x16xf32, #tpu.memory_space<hbm>>
      %dma_start3A_21 = arith.constant 0 : i32
      %dma_start3A_22 = tpu.memref_slice %arg5[%add3A_19, %dma_start3A_21] : memref<20032x16xf32, #tpu.memory_space<hbm>> -> memref<626x16xf32, #tpu.memory_space<hbm>>
      tpu.enqueue_dma source(%arg8 : memref<626x16xf32, #tpu.memory_space<vmem>>) target(%dma_start3A_22 : memref<626x16xf32, #tpu.memory_space<hbm>>) target_semaphore(%run_scoped3A : memref<!tpu.dma_semaphore, #tpu.memory_space<semaphore_mem>>)
      %dma_wait3A = arith.constant 0 : i32
      %dma_wait3A_23 = tpu.memref_slice %arg5[%add3A_19, %dma_wait3A] : memref<20032x16xf32, #tpu.memory_space<hbm>> -> memref<626x16xf32, #tpu.memory_space<hbm>>
      %dma_wait3A_24 = arith.constant 0 : i32
      %dma_wait3A_25 = tpu.memref_slice %arg5[%add3A_19, %dma_wait3A_24] : memref<20032x16xf32, #tpu.memory_space<hbm>> -> memref<626x16xf32, #tpu.memory_space<hbm>>
      tpu.wait_dma2 semaphore(%run_scoped3A : memref<!tpu.dma_semaphore, #tpu.memory_space<semaphore_mem>>) src(%arg8 : memref<626x16xf32, #tpu.memory_space<vmem>>) dst(%dma_wait3A_25 : memref<626x16xf32, #tpu.memory_space<hbm>>)
      tpu.yield
    }) : () -> ()
    return
  }
}

#map = affine_map<(d0, d1) -> (0, 0)>
#map1 = affine_map<(d0, d1) -> (0, 0, 0)>
module attributes {stable_mosaic.version = 14 : i64} {
  func.func @k(%arg0: i32, %arg1: i32, %arg2: memref<163840x16xf32, #tpu.memory_space<hbm>>, %arg3: memref<32x40x128xi32, #tpu.memory_space<hbm>>, %arg4: memref<10016x16xf32, #tpu.memory_space<hbm>>, %arg5: memref<20032x16xf32, #tpu.memory_space<hbm>>, %arg6: memref<40x128xi32, #tpu.memory_space<vmem>>, %arg7: memref<5120x16xf32, #tpu.memory_space<vmem>>, %arg8: memref<626x16xf32, #tpu.memory_space<vmem>>, %arg9: memref<10016x16xf32, #tpu.memory_space<vmem_shared>>, %arg10: memref<!tpu.dma_semaphore, #tpu.memory_space<semaphore_mem>>) attributes {dimension_semantics = [#tpu.dimension_semantics<core_parallel>, #tpu.dimension_semantics<subcore_parallel>], iteration_bounds = array<i64: 2, 16>, scalar_prefetch = 0 : i64, scratch_operands = 5 : i64, tpu.core_type = #tpu.core_type<sc_vector_subcore>, window_params = [{transform_indices = #map}, {transform_indices = #map1}, {transform_indices = #map}, {transform_indices = #map}]} {
    %mul3A = arith.constant 2 : i32
    %mul3A_0 = arith.muli %arg1, %mul3A : i32
    %add3A = arith.addi %mul3A_0, %arg0 : i32
    %mul3A_1 = arith.constant 626 : i32
    %mul3A_2 = arith.muli %arg1, %mul3A_1 : i32
    "tpu.region"() ({
      %run_scoped3A = tpu.sem_alloc : memref<!tpu.dma_semaphore, #tpu.memory_space<semaphore_mem>>
      %dma_start3A = arith.constant 0 : i32
      %dma_start3A_20 = tpu.memref_slice %arg4[%mul3A_2, %dma_start3A] : memref<10016x16xf32, #tpu.memory_space<hbm>> -> memref<626x16xf32, #tpu.memory_space<hbm>>
      %dma_start3A_21 = arith.constant 0 : i32
      %dma_start3A_22 = tpu.memref_slice %arg4[%mul3A_2, %dma_start3A_21] : memref<10016x16xf32, #tpu.memory_space<hbm>> -> memref<626x16xf32, #tpu.memory_space<hbm>>
      tpu.enqueue_dma source(%dma_start3A_22 : memref<626x16xf32, #tpu.memory_space<hbm>>) target(%arg8 : memref<626x16xf32, #tpu.memory_space<vmem>>) target_semaphore(%run_scoped3A : memref<!tpu.dma_semaphore, #tpu.memory_space<semaphore_mem>>)
      %dma_wait3A = arith.constant 0 : i32
      %dma_wait3A_23 = tpu.memref_slice %arg4[%mul3A_2, %dma_wait3A] : memref<10016x16xf32, #tpu.memory_space<hbm>> -> memref<626x16xf32, #tpu.memory_space<hbm>>
      %dma_wait3A_24 = arith.constant 0 : i32
      %dma_wait3A_25 = tpu.memref_slice %arg4[%mul3A_2, %dma_wait3A_24] : memref<10016x16xf32, #tpu.memory_space<hbm>> -> memref<626x16xf32, #tpu.memory_space<hbm>>
      tpu.wait_dma2 semaphore(%run_scoped3A : memref<!tpu.dma_semaphore, #tpu.memory_space<semaphore_mem>>) src(%dma_wait3A_25 : memref<626x16xf32, #tpu.memory_space<hbm>>) dst(%arg8 : memref<626x16xf32, #tpu.memory_space<vmem>>)
      tpu.yield
    }) : () -> ()
    %mul3A_3 = arith.constant 626 : i32
    %mul3A_4 = arith.muli %arg1, %mul3A_3 : i32
    "tpu.region"() ({
      %run_scoped3A = tpu.sem_alloc : memref<!tpu.dma_semaphore, #tpu.memory_space<semaphore_mem>>
      %dma_start3A = arith.constant 0 : i32
      %dma_start3A_20 = tpu.memref_slice %arg9[%mul3A_4, %dma_start3A] : memref<10016x16xf32, #tpu.memory_space<vmem_shared>> -> memref<626x16xf32, #tpu.memory_space<vmem_shared>>
      %dma_start3A_21 = arith.constant 0 : i32
      %dma_start3A_22 = tpu.memref_slice %arg9[%mul3A_4, %dma_start3A_21] : memref<10016x16xf32, #tpu.memory_space<vmem_shared>> -> memref<626x16xf32, #tpu.memory_space<vmem_shared>>
      tpu.enqueue_dma source(%arg8 : memref<626x16xf32, #tpu.memory_space<vmem>>) target(%dma_start3A_22 : memref<626x16xf32, #tpu.memory_space<vmem_shared>>) target_semaphore(%run_scoped3A : memref<!tpu.dma_semaphore, #tpu.memory_space<semaphore_mem>>)
      %dma_wait3A = arith.constant 0 : i32
      %dma_wait3A_23 = tpu.memref_slice %arg9[%mul3A_4, %dma_wait3A] : memref<10016x16xf32, #tpu.memory_space<vmem_shared>> -> memref<626x16xf32, #tpu.memory_space<vmem_shared>>
      %dma_wait3A_24 = arith.constant 0 : i32
      %dma_wait3A_25 = tpu.memref_slice %arg9[%mul3A_4, %dma_wait3A_24] : memref<10016x16xf32, #tpu.memory_space<vmem_shared>> -> memref<626x16xf32, #tpu.memory_space<vmem_shared>>
      tpu.wait_dma2 semaphore(%run_scoped3A : memref<!tpu.dma_semaphore, #tpu.memory_space<semaphore_mem>>) src(%arg8 : memref<626x16xf32, #tpu.memory_space<vmem>>) dst(%dma_wait3A_25 : memref<626x16xf32, #tpu.memory_space<vmem_shared>>)
      tpu.yield
    }) : () -> ()
    "tpu.region"() ({
      %run_scoped3A = tpu.sem_alloc : memref<!tpu.dma_semaphore, #tpu.memory_space<semaphore_mem>>
      %dma_start3A = arith.constant 0 : i32
      %dma_start3A_20 = arith.constant 0 : i32
      %dma_start3A_21 = tpu.memref_slice %arg3[%add3A, %dma_start3A, %dma_start3A_20] : memref<32x40x128xi32, #tpu.memory_space<hbm>> -> memref<1x40x128xi32, #tpu.memory_space<hbm>>
      %dma_start3A_22 = tpu.memref_squeeze %dma_start3A_21 : memref<1x40x128xi32, #tpu.memory_space<hbm>> -> memref<40x128xi32, #tpu.memory_space<hbm>>
      %dma_start3A_23 = arith.constant 0 : i32
      %dma_start3A_24 = arith.constant 0 : i32
      %dma_start3A_25 = tpu.memref_slice %arg3[%add3A, %dma_start3A_23, %dma_start3A_24] : memref<32x40x128xi32, #tpu.memory_space<hbm>> -> memref<1x40x128xi32, #tpu.memory_space<hbm>>
      %dma_start3A_26 = tpu.memref_squeeze %dma_start3A_25 : memref<1x40x128xi32, #tpu.memory_space<hbm>> -> memref<40x128xi32, #tpu.memory_space<hbm>>
      tpu.enqueue_dma source(%dma_start3A_26 : memref<40x128xi32, #tpu.memory_space<hbm>>) target(%arg6 : memref<40x128xi32, #tpu.memory_space<vmem>>) target_semaphore(%run_scoped3A : memref<!tpu.dma_semaphore, #tpu.memory_space<semaphore_mem>>)
      %dma_wait3A = arith.constant 0 : i32
      %dma_wait3A_27 = arith.constant 0 : i32
      %dma_wait3A_28 = tpu.memref_slice %arg3[%add3A, %dma_wait3A, %dma_wait3A_27] : memref<32x40x128xi32, #tpu.memory_space<hbm>> -> memref<1x40x128xi32, #tpu.memory_space<hbm>>
      %dma_wait3A_29 = tpu.memref_squeeze %dma_wait3A_28 : memref<1x40x128xi32, #tpu.memory_space<hbm>> -> memref<40x128xi32, #tpu.memory_space<hbm>>
      %dma_wait3A_30 = arith.constant 0 : i32
      %dma_wait3A_31 = arith.constant 0 : i32
      %dma_wait3A_32 = tpu.memref_slice %arg3[%add3A, %dma_wait3A_30, %dma_wait3A_31] : memref<32x40x128xi32, #tpu.memory_space<hbm>> -> memref<1x40x128xi32, #tpu.memory_space<hbm>>
      %dma_wait3A_33 = tpu.memref_squeeze %dma_wait3A_32 : memref<1x40x128xi32, #tpu.memory_space<hbm>> -> memref<40x128xi32, #tpu.memory_space<hbm>>
      tpu.wait_dma2 semaphore(%run_scoped3A : memref<!tpu.dma_semaphore, #tpu.memory_space<semaphore_mem>>) src(%dma_wait3A_33 : memref<40x128xi32, #tpu.memory_space<hbm>>) dst(%arg6 : memref<40x128xi32, #tpu.memory_space<vmem>>)
      tpu.yield
    }) : () -> ()
    %mul3A_5 = arith.constant 5120 : i32
    %mul3A_6 = arith.muli %add3A, %mul3A_5 : i32
    "tpu.region"() ({
      %run_scoped3A = tpu.sem_alloc : memref<!tpu.dma_semaphore, #tpu.memory_space<semaphore_mem>>
      %dma_start3A = arith.constant 0 : i32
      %dma_start3A_20 = tpu.memref_slice %arg2[%mul3A_6, %dma_start3A] : memref<163840x16xf32, #tpu.memory_space<hbm>> -> memref<5120x16xf32, #tpu.memory_space<hbm>>
      %dma_start3A_21 = arith.constant 0 : i32
      %dma_start3A_22 = tpu.memref_slice %arg2[%mul3A_6, %dma_start3A_21] : memref<163840x16xf32, #tpu.memory_space<hbm>> -> memref<5120x16xf32, #tpu.memory_space<hbm>>
      tpu.enqueue_dma source(%dma_start3A_22 : memref<5120x16xf32, #tpu.memory_space<hbm>>) target(%arg7 : memref<5120x16xf32, #tpu.memory_space<vmem>>) target_semaphore(%run_scoped3A : memref<!tpu.dma_semaphore, #tpu.memory_space<semaphore_mem>>)
      %dma_wait3A = arith.constant 0 : i32
      %dma_wait3A_23 = tpu.memref_slice %arg2[%mul3A_6, %dma_wait3A] : memref<163840x16xf32, #tpu.memory_space<hbm>> -> memref<5120x16xf32, #tpu.memory_space<hbm>>
      %dma_wait3A_24 = arith.constant 0 : i32
      %dma_wait3A_25 = tpu.memref_slice %arg2[%mul3A_6, %dma_wait3A_24] : memref<163840x16xf32, #tpu.memory_space<hbm>> -> memref<5120x16xf32, #tpu.memory_space<hbm>>
      tpu.wait_dma2 semaphore(%run_scoped3A : memref<!tpu.dma_semaphore, #tpu.memory_space<semaphore_mem>>) src(%dma_wait3A_25 : memref<5120x16xf32, #tpu.memory_space<hbm>>) dst(%arg7 : memref<5120x16xf32, #tpu.memory_space<vmem>>)
      tpu.yield
    }) : () -> ()
    %barrier3A = arith.constant 0 : index
    tpu.barrier barrier_id(%barrier3A)
    %scan3A = arith.constant 0 : i32
    %scan3A_7 = arith.constant 0 : i32
    %scan3A_8 = arith.constant 40 : i32
    %scan3A_9 = arith.addi %scan3A_7, %scan3A_8 : i32
    %scan3A_10 = arith.constant 1 : i32
    scf.for %scan3A_20 = %scan3A_7 to %scan3A_9 step %scan3A_10  : i32 {
      %mul3A_21 = arith.constant 128 : i32
      %mul3A_22 = arith.muli %scan3A_20, %mul3A_21 : i32
      "tpu.region"() ({
        %run_scoped3A = tpu.sem_alloc : memref<!tpu.dma_semaphore, #tpu.memory_space<semaphore_mem>>
        %dma_start3A = arith.constant 0 : i32
        %dma_start3A_23 = tpu.memref_slice %arg7[%mul3A_22, %dma_start3A] : memref<5120x16xf32, #tpu.memory_space<vmem>> -> memref<128x16xf32, #tpu.memory_space<vmem>>
        %dma_start3A_24 = arith.constant 0 : i32
        %dma_start3A_25 = tpu.memref_slice %arg6[%scan3A_20, %dma_start3A_24] : memref<40x128xi32, #tpu.memory_space<vmem>> -> memref<1x128xi32, #tpu.memory_space<vmem>>
        %dma_start3A_26 = tpu.memref_squeeze %dma_start3A_25 : memref<1x128xi32, #tpu.memory_space<vmem>> -> memref<128xi32, #tpu.memory_space<vmem>>
        %dma_start3A_27 = arith.constant 0 : i32
        %dma_start3A_28 = arith.constant 0 : i32
        %dma_start3A_29 = tpu.memref_slice %arg9[%dma_start3A_27, %dma_start3A_28] : memref<10016x16xf32, #tpu.memory_space<vmem_shared>> -> memref<10016x16xf32, #tpu.memory_space<vmem_shared>>
        tpu.enqueue_indirect_dma source(%dma_start3A_23 : memref<128x16xf32, #tpu.memory_space<vmem>>) target(%dma_start3A_29 : memref<10016x16xf32, #tpu.memory_space<vmem_shared>>) offsets(%dma_start3A_26 : memref<128xi32, #tpu.memory_space<vmem>>) semaphore(%run_scoped3A : memref<!tpu.dma_semaphore, #tpu.memory_space<semaphore_mem>>) {add = true}
        %dma_wait3A = arith.constant 0 : i32
        %dma_wait3A_30 = tpu.memref_slice %arg7[%mul3A_22, %dma_wait3A] : memref<5120x16xf32, #tpu.memory_space<vmem>> -> memref<128x16xf32, #tpu.memory_space<vmem>>
        %dma_wait3A_31 = arith.constant 0 : i32
        %dma_wait3A_32 = tpu.memref_slice %arg6[%scan3A_20, %dma_wait3A_31] : memref<40x128xi32, #tpu.memory_space<vmem>> -> memref<1x128xi32, #tpu.memory_space<vmem>>
        %dma_wait3A_33 = tpu.memref_squeeze %dma_wait3A_32 : memref<1x128xi32, #tpu.memory_space<vmem>> -> memref<128xi32, #tpu.memory_space<vmem>>
        %dma_wait3A_34 = arith.constant 0 : i32
        %dma_wait3A_35 = arith.constant 0 : i32
        %dma_wait3A_36 = tpu.memref_slice %arg9[%dma_wait3A_34, %dma_wait3A_35] : memref<10016x16xf32, #tpu.memory_space<vmem_shared>> -> memref<10016x16xf32, #tpu.memory_space<vmem_shared>>
        tpu.wait_indirect_dma semaphore(%run_scoped3A : memref<!tpu.dma_semaphore, #tpu.memory_space<semaphore_mem>>) src(%dma_wait3A_30 : memref<128x16xf32, #tpu.memory_space<vmem>>) dst(%dma_wait3A_36 : memref<10016x16xf32, #tpu.memory_space<vmem_shared>>)
        tpu.yield
      }) : () -> ()
    }
    %scan3A_11 = arith.constant 40 : i32
    %barrier3A_12 = arith.constant 0 : index
    tpu.barrier barrier_id(%barrier3A_12)
    %mul3A_13 = arith.constant 626 : i32
    %mul3A_14 = arith.muli %arg1, %mul3A_13 : i32
    "tpu.region"() ({
      %run_scoped3A = tpu.sem_alloc : memref<!tpu.dma_semaphore, #tpu.memory_space<semaphore_mem>>
      %dma_start3A = arith.constant 0 : i32
      %dma_start3A_20 = tpu.memref_slice %arg9[%mul3A_14, %dma_start3A] : memref<10016x16xf32, #tpu.memory_space<vmem_shared>> -> memref<626x16xf32, #tpu.memory_space<vmem_shared>>
      %dma_start3A_21 = arith.constant 0 : i32
      %dma_start3A_22 = tpu.memref_slice %arg9[%mul3A_14, %dma_start3A_21] : memref<10016x16xf32, #tpu.memory_space<vmem_shared>> -> memref<626x16xf32, #tpu.memory_space<vmem_shared>>
      tpu.enqueue_dma source(%dma_start3A_22 : memref<626x16xf32, #tpu.memory_space<vmem_shared>>) target(%arg8 : memref<626x16xf32, #tpu.memory_space<vmem>>) target_semaphore(%run_scoped3A : memref<!tpu.dma_semaphore, #tpu.memory_space<semaphore_mem>>)
      %dma_wait3A = arith.constant 0 : i32
      %dma_wait3A_23 = tpu.memref_slice %arg9[%mul3A_14, %dma_wait3A] : memref<10016x16xf32, #tpu.memory_space<vmem_shared>> -> memref<626x16xf32, #tpu.memory_space<vmem_shared>>
      %dma_wait3A_24 = arith.constant 0 : i32
      %dma_wait3A_25 = tpu.memref_slice %arg9[%mul3A_14, %dma_wait3A_24] : memref<10016x16xf32, #tpu.memory_space<vmem_shared>> -> memref<626x16xf32, #tpu.memory_space<vmem_shared>>
      tpu.wait_dma2 semaphore(%run_scoped3A : memref<!tpu.dma_semaphore, #tpu.memory_space<semaphore_mem>>) src(%dma_wait3A_25 : memref<626x16xf32, #tpu.memory_space<vmem_shared>>) dst(%arg8 : memref<626x16xf32, #tpu.memory_space<vmem>>)
      tpu.yield
    }) : () -> ()
    %mul3A_15 = arith.constant 10016 : i32
    %mul3A_16 = arith.muli %arg0, %mul3A_15 : i32
    %mul3A_17 = arith.constant 626 : i32
    %mul3A_18 = arith.muli %arg1, %mul3A_17 : i32
    %add3A_19 = arith.addi %mul3A_16, %mul3A_18 : i32
    "tpu.region"() ({
      %run_scoped3A = tpu.sem_alloc : memref<!tpu.dma_semaphore, #tpu.memory_space<semaphore_mem>>
      %dma_start3A = arith.constant 0 : i32
      %dma_start3A_20 = tpu.memref_slice %arg5[%add3A_19, %dma_start3A] : memref<20032x16xf32, #tpu.memory_space<hbm>> -> memref<626x16xf32, #tpu.memory_space<hbm>>
      %dma_start3A_21 = arith.constant 0 : i32
      %dma_start3A_22 = tpu.memref_slice %arg5[%add3A_19, %dma_start3A_21] : memref<20032x16xf32, #tpu.memory_space<hbm>> -> memref<626x16xf32, #tpu.memory_space<hbm>>
      tpu.enqueue_dma source(%arg8 : memref<626x16xf32, #tpu.memory_space<vmem>>) target(%dma_start3A_22 : memref<626x16xf32, #tpu.memory_space<hbm>>) target_semaphore(%run_scoped3A : memref<!tpu.dma_semaphore, #tpu.memory_space<semaphore_mem>>)
      %dma_wait3A = arith.constant 0 : i32
      %dma_wait3A_23 = tpu.memref_slice %arg5[%add3A_19, %dma_wait3A] : memref<20032x16xf32, #tpu.memory_space<hbm>> -> memref<626x16xf32, #tpu.memory_space<hbm>>
      %dma_wait3A_24 = arith.constant 0 : i32
      %dma_wait3A_25 = tpu.memref_slice %arg5[%add3A_19, %dma_wait3A_24] : memref<20032x16xf32, #tpu.memory_space<hbm>> -> memref<626x16xf32, #tpu.memory_space<hbm>>
      tpu.wait_dma2 semaphore(%run_scoped3A : memref<!tpu.dma_semaphore, #tpu.memory_space<semaphore_mem>>) src(%arg8 : memref<626x16xf32, #tpu.memory_space<vmem>>) dst(%dma_wait3A_25 : memref<626x16xf32, #tpu.memory_space<hbm>>)
      tpu.yield
    }) : () -> ()
    return
  }
}

#map = affine_map<(d0, d1) -> (0, 0)>
#map1 = affine_map<(d0, d1) -> (0, 0, 0)>
module attributes {stable_mosaic.version = 14 : i64} {
  func.func @k(%arg0: i32, %arg1: i32, %arg2: memref<10016x16xf32, #tpu.memory_space<hbm>>, %arg3: memref<32x40x128xi32, #tpu.memory_space<hbm>>, %arg4: memref<163840x16xf32, #tpu.memory_space<hbm>>, %arg5: memref<40x128xi32, #tpu.memory_space<vmem>>, %arg6: memref<5120x16xf32, #tpu.memory_space<vmem>>, %arg7: memref<626x16xf32, #tpu.memory_space<vmem>>, %arg8: memref<10016x16xf32, #tpu.memory_space<vmem_shared>>, %arg9: memref<!tpu.dma_semaphore, #tpu.memory_space<semaphore_mem>>) attributes {dimension_semantics = [#tpu.dimension_semantics<core_parallel>, #tpu.dimension_semantics<subcore_parallel>], iteration_bounds = array<i64: 2, 16>, scalar_prefetch = 0 : i64, scratch_operands = 5 : i64, tpu.core_type = #tpu.core_type<sc_vector_subcore>, window_params = [{transform_indices = #map}, {transform_indices = #map1}, {transform_indices = #map}]} {
    %mul3A = arith.constant 2 : i32
    %mul3A_0 = arith.muli %arg1, %mul3A : i32
    %add3A = arith.addi %mul3A_0, %arg0 : i32
    %mul3A_1 = arith.constant 626 : i32
    %mul3A_2 = arith.muli %arg1, %mul3A_1 : i32
    "tpu.region"() ({
      %run_scoped3A = tpu.sem_alloc : memref<!tpu.dma_semaphore, #tpu.memory_space<semaphore_mem>>
      %dma_start3A = arith.constant 0 : i32
      %dma_start3A_12 = tpu.memref_slice %arg2[%mul3A_2, %dma_start3A] : memref<10016x16xf32, #tpu.memory_space<hbm>> -> memref<626x16xf32, #tpu.memory_space<hbm>>
      %dma_start3A_13 = arith.constant 0 : i32
      %dma_start3A_14 = tpu.memref_slice %arg2[%mul3A_2, %dma_start3A_13] : memref<10016x16xf32, #tpu.memory_space<hbm>> -> memref<626x16xf32, #tpu.memory_space<hbm>>
      tpu.enqueue_dma source(%dma_start3A_14 : memref<626x16xf32, #tpu.memory_space<hbm>>) target(%arg7 : memref<626x16xf32, #tpu.memory_space<vmem>>) target_semaphore(%run_scoped3A : memref<!tpu.dma_semaphore, #tpu.memory_space<semaphore_mem>>)
      %dma_wait3A = arith.constant 0 : i32
      %dma_wait3A_15 = tpu.memref_slice %arg2[%mul3A_2, %dma_wait3A] : memref<10016x16xf32, #tpu.memory_space<hbm>> -> memref<626x16xf32, #tpu.memory_space<hbm>>
      %dma_wait3A_16 = arith.constant 0 : i32
      %dma_wait3A_17 = tpu.memref_slice %arg2[%mul3A_2, %dma_wait3A_16] : memref<10016x16xf32, #tpu.memory_space<hbm>> -> memref<626x16xf32, #tpu.memory_space<hbm>>
      tpu.wait_dma2 semaphore(%run_scoped3A : memref<!tpu.dma_semaphore, #tpu.memory_space<semaphore_mem>>) src(%dma_wait3A_17 : memref<626x16xf32, #tpu.memory_space<hbm>>) dst(%arg7 : memref<626x16xf32, #tpu.memory_space<vmem>>)
      tpu.yield
    }) : () -> ()
    %mul3A_3 = arith.constant 626 : i32
    %mul3A_4 = arith.muli %arg1, %mul3A_3 : i32
    "tpu.region"() ({
      %run_scoped3A = tpu.sem_alloc : memref<!tpu.dma_semaphore, #tpu.memory_space<semaphore_mem>>
      %dma_start3A = arith.constant 0 : i32
      %dma_start3A_12 = tpu.memref_slice %arg8[%mul3A_4, %dma_start3A] : memref<10016x16xf32, #tpu.memory_space<vmem_shared>> -> memref<626x16xf32, #tpu.memory_space<vmem_shared>>
      %dma_start3A_13 = arith.constant 0 : i32
      %dma_start3A_14 = tpu.memref_slice %arg8[%mul3A_4, %dma_start3A_13] : memref<10016x16xf32, #tpu.memory_space<vmem_shared>> -> memref<626x16xf32, #tpu.memory_space<vmem_shared>>
      tpu.enqueue_dma source(%arg7 : memref<626x16xf32, #tpu.memory_space<vmem>>) target(%dma_start3A_14 : memref<626x16xf32, #tpu.memory_space<vmem_shared>>) target_semaphore(%run_scoped3A : memref<!tpu.dma_semaphore, #tpu.memory_space<semaphore_mem>>)
      %dma_wait3A = arith.constant 0 : i32
      %dma_wait3A_15 = tpu.memref_slice %arg8[%mul3A_4, %dma_wait3A] : memref<10016x16xf32, #tpu.memory_space<vmem_shared>> -> memref<626x16xf32, #tpu.memory_space<vmem_shared>>
      %dma_wait3A_16 = arith.constant 0 : i32
      %dma_wait3A_17 = tpu.memref_slice %arg8[%mul3A_4, %dma_wait3A_16] : memref<10016x16xf32, #tpu.memory_space<vmem_shared>> -> memref<626x16xf32, #tpu.memory_space<vmem_shared>>
      tpu.wait_dma2 semaphore(%run_scoped3A : memref<!tpu.dma_semaphore, #tpu.memory_space<semaphore_mem>>) src(%arg7 : memref<626x16xf32, #tpu.memory_space<vmem>>) dst(%dma_wait3A_17 : memref<626x16xf32, #tpu.memory_space<vmem_shared>>)
      tpu.yield
    }) : () -> ()
    "tpu.region"() ({
      %run_scoped3A = tpu.sem_alloc : memref<!tpu.dma_semaphore, #tpu.memory_space<semaphore_mem>>
      %dma_start3A = arith.constant 0 : i32
      %dma_start3A_12 = arith.constant 0 : i32
      %dma_start3A_13 = tpu.memref_slice %arg3[%add3A, %dma_start3A, %dma_start3A_12] : memref<32x40x128xi32, #tpu.memory_space<hbm>> -> memref<1x40x128xi32, #tpu.memory_space<hbm>>
      %dma_start3A_14 = tpu.memref_squeeze %dma_start3A_13 : memref<1x40x128xi32, #tpu.memory_space<hbm>> -> memref<40x128xi32, #tpu.memory_space<hbm>>
      %dma_start3A_15 = arith.constant 0 : i32
      %dma_start3A_16 = arith.constant 0 : i32
      %dma_start3A_17 = tpu.memref_slice %arg3[%add3A, %dma_start3A_15, %dma_start3A_16] : memref<32x40x128xi32, #tpu.memory_space<hbm>> -> memref<1x40x128xi32, #tpu.memory_space<hbm>>
      %dma_start3A_18 = tpu.memref_squeeze %dma_start3A_17 : memref<1x40x128xi32, #tpu.memory_space<hbm>> -> memref<40x128xi32, #tpu.memory_space<hbm>>
      tpu.enqueue_dma source(%dma_start3A_18 : memref<40x128xi32, #tpu.memory_space<hbm>>) target(%arg5 : memref<40x128xi32, #tpu.memory_space<vmem>>) target_semaphore(%run_scoped3A : memref<!tpu.dma_semaphore, #tpu.memory_space<semaphore_mem>>)
      %dma_wait3A = arith.constant 0 : i32
      %dma_wait3A_19 = arith.constant 0 : i32
      %dma_wait3A_20 = tpu.memref_slice %arg3[%add3A, %dma_wait3A, %dma_wait3A_19] : memref<32x40x128xi32, #tpu.memory_space<hbm>> -> memref<1x40x128xi32, #tpu.memory_space<hbm>>
      %dma_wait3A_21 = tpu.memref_squeeze %dma_wait3A_20 : memref<1x40x128xi32, #tpu.memory_space<hbm>> -> memref<40x128xi32, #tpu.memory_space<hbm>>
      %dma_wait3A_22 = arith.constant 0 : i32
      %dma_wait3A_23 = arith.constant 0 : i32
      %dma_wait3A_24 = tpu.memref_slice %arg3[%add3A, %dma_wait3A_22, %dma_wait3A_23] : memref<32x40x128xi32, #tpu.memory_space<hbm>> -> memref<1x40x128xi32, #tpu.memory_space<hbm>>
      %dma_wait3A_25 = tpu.memref_squeeze %dma_wait3A_24 : memref<1x40x128xi32, #tpu.memory_space<hbm>> -> memref<40x128xi32, #tpu.memory_space<hbm>>
      tpu.wait_dma2 semaphore(%run_scoped3A : memref<!tpu.dma_semaphore, #tpu.memory_space<semaphore_mem>>) src(%dma_wait3A_25 : memref<40x128xi32, #tpu.memory_space<hbm>>) dst(%arg5 : memref<40x128xi32, #tpu.memory_space<vmem>>)
      tpu.yield
    }) : () -> ()
    %barrier3A = arith.constant 0 : index
    tpu.barrier barrier_id(%barrier3A)
    %scan3A = arith.constant 0 : i32
    %scan3A_5 = arith.constant 0 : i32
    %scan3A_6 = arith.constant 5 : i32
    %scan3A_7 = arith.addi %scan3A_5, %scan3A_6 : i32
    %scan3A_8 = arith.constant 1 : i32
    scf.for %scan3A_12 = %scan3A_5 to %scan3A_7 step %scan3A_8  : i32 {
      %mul3A_13 = arith.constant 8 : i32
      %mul3A_14 = arith.muli %scan3A_12, %mul3A_13 : i32
      %add3A_15 = arith.constant 0 : i32
      %add3A_16 = arith.addi %mul3A_14, %add3A_15 : i32
      %mul3A_17 = arith.constant 8 : i32
      %mul3A_18 = arith.muli %scan3A_12, %mul3A_17 : i32
      %add3A_19 = arith.constant 0 : i32
      %add3A_20 = arith.addi %mul3A_18, %add3A_19 : i32
      %mul3A_21 = arith.constant 128 : i32
      %mul3A_22 = arith.muli %add3A_20, %mul3A_21 : i32
      %dma_start3A = arith.constant 0 : i32
      %dma_start3A_23 = tpu.memref_slice %arg6[%mul3A_22, %dma_start3A] : memref<5120x16xf32, #tpu.memory_space<vmem>> -> memref<128x16xf32, #tpu.memory_space<vmem>>
      %dma_start3A_24 = arith.constant 0 : i32
      %dma_start3A_25 = tpu.memref_slice %arg5[%add3A_16, %dma_start3A_24] : memref<40x128xi32, #tpu.memory_space<vmem>> -> memref<1x128xi32, #tpu.memory_space<vmem>>
      %dma_start3A_26 = tpu.memref_squeeze %dma_start3A_25 : memref<1x128xi32, #tpu.memory_space<vmem>> -> memref<128xi32, #tpu.memory_space<vmem>>
      %dma_start3A_27 = arith.constant 0 : i32
      %dma_start3A_28 = arith.constant 0 : i32
      %dma_start3A_29 = tpu.memref_slice %arg8[%dma_start3A_27, %dma_start3A_28] : memref<10016x16xf32, #tpu.memory_space<vmem_shared>> -> memref<10016x16xf32, #tpu.memory_space<vmem_shared>>
      tpu.enqueue_indirect_dma source(%dma_start3A_29 : memref<10016x16xf32, #tpu.memory_space<vmem_shared>>) target(%dma_start3A_23 : memref<128x16xf32, #tpu.memory_space<vmem>>) offsets(%dma_start3A_26 : memref<128xi32, #tpu.memory_space<vmem>>) semaphore(%arg9 : memref<!tpu.dma_semaphore, #tpu.memory_space<semaphore_mem>>)
      %mul3A_30 = arith.constant 8 : i32
      %mul3A_31 = arith.muli %scan3A_12, %mul3A_30 : i32
      %add3A_32 = arith.constant 1 : i32
      %add3A_33 = arith.addi %mul3A_31, %add3A_32 : i32
      %mul3A_34 = arith.constant 8 : i32
      %mul3A_35 = arith.muli %scan3A_12, %mul3A_34 : i32
      %add3A_36 = arith.constant 1 : i32
      %add3A_37 = arith.addi %mul3A_35, %add3A_36 : i32
      %mul3A_38 = arith.constant 128 : i32
      %mul3A_39 = arith.muli %add3A_37, %mul3A_38 : i32
      %dma_start3A_40 = arith.constant 0 : i32
      %dma_start3A_41 = tpu.memref_slice %arg6[%mul3A_39, %dma_start3A_40] : memref<5120x16xf32, #tpu.memory_space<vmem>> -> memref<128x16xf32, #tpu.memory_space<vmem>>
      %dma_start3A_42 = arith.constant 0 : i32
      %dma_start3A_43 = tpu.memref_slice %arg5[%add3A_33, %dma_start3A_42] : memref<40x128xi32, #tpu.memory_space<vmem>> -> memref<1x128xi32, #tpu.memory_space<vmem>>
      %dma_start3A_44 = tpu.memref_squeeze %dma_start3A_43 : memref<1x128xi32, #tpu.memory_space<vmem>> -> memref<128xi32, #tpu.memory_space<vmem>>
      %dma_start3A_45 = arith.constant 0 : i32
      %dma_start3A_46 = arith.constant 0 : i32
      %dma_start3A_47 = tpu.memref_slice %arg8[%dma_start3A_45, %dma_start3A_46] : memref<10016x16xf32, #tpu.memory_space<vmem_shared>> -> memref<10016x16xf32, #tpu.memory_space<vmem_shared>>
      tpu.enqueue_indirect_dma source(%dma_start3A_47 : memref<10016x16xf32, #tpu.memory_space<vmem_shared>>) target(%dma_start3A_41 : memref<128x16xf32, #tpu.memory_space<vmem>>) offsets(%dma_start3A_44 : memref<128xi32, #tpu.memory_space<vmem>>) semaphore(%arg9 : memref<!tpu.dma_semaphore, #tpu.memory_space<semaphore_mem>>)
      %mul3A_48 = arith.constant 8 : i32
      %mul3A_49 = arith.muli %scan3A_12, %mul3A_48 : i32
      %add3A_50 = arith.constant 2 : i32
      %add3A_51 = arith.addi %mul3A_49, %add3A_50 : i32
      %mul3A_52 = arith.constant 8 : i32
      %mul3A_53 = arith.muli %scan3A_12, %mul3A_52 : i32
      %add3A_54 = arith.constant 2 : i32
      %add3A_55 = arith.addi %mul3A_53, %add3A_54 : i32
      %mul3A_56 = arith.constant 128 : i32
      %mul3A_57 = arith.muli %add3A_55, %mul3A_56 : i32
      %dma_start3A_58 = arith.constant 0 : i32
      %dma_start3A_59 = tpu.memref_slice %arg6[%mul3A_57, %dma_start3A_58] : memref<5120x16xf32, #tpu.memory_space<vmem>> -> memref<128x16xf32, #tpu.memory_space<vmem>>
      %dma_start3A_60 = arith.constant 0 : i32
      %dma_start3A_61 = tpu.memref_slice %arg5[%add3A_51, %dma_start3A_60] : memref<40x128xi32, #tpu.memory_space<vmem>> -> memref<1x128xi32, #tpu.memory_space<vmem>>
      %dma_start3A_62 = tpu.memref_squeeze %dma_start3A_61 : memref<1x128xi32, #tpu.memory_space<vmem>> -> memref<128xi32, #tpu.memory_space<vmem>>
      %dma_start3A_63 = arith.constant 0 : i32
      %dma_start3A_64 = arith.constant 0 : i32
      %dma_start3A_65 = tpu.memref_slice %arg8[%dma_start3A_63, %dma_start3A_64] : memref<10016x16xf32, #tpu.memory_space<vmem_shared>> -> memref<10016x16xf32, #tpu.memory_space<vmem_shared>>
      tpu.enqueue_indirect_dma source(%dma_start3A_65 : memref<10016x16xf32, #tpu.memory_space<vmem_shared>>) target(%dma_start3A_59 : memref<128x16xf32, #tpu.memory_space<vmem>>) offsets(%dma_start3A_62 : memref<128xi32, #tpu.memory_space<vmem>>) semaphore(%arg9 : memref<!tpu.dma_semaphore, #tpu.memory_space<semaphore_mem>>)
      %mul3A_66 = arith.constant 8 : i32
      %mul3A_67 = arith.muli %scan3A_12, %mul3A_66 : i32
      %add3A_68 = arith.constant 3 : i32
      %add3A_69 = arith.addi %mul3A_67, %add3A_68 : i32
      %mul3A_70 = arith.constant 8 : i32
      %mul3A_71 = arith.muli %scan3A_12, %mul3A_70 : i32
      %add3A_72 = arith.constant 3 : i32
      %add3A_73 = arith.addi %mul3A_71, %add3A_72 : i32
      %mul3A_74 = arith.constant 128 : i32
      %mul3A_75 = arith.muli %add3A_73, %mul3A_74 : i32
      %dma_start3A_76 = arith.constant 0 : i32
      %dma_start3A_77 = tpu.memref_slice %arg6[%mul3A_75, %dma_start3A_76] : memref<5120x16xf32, #tpu.memory_space<vmem>> -> memref<128x16xf32, #tpu.memory_space<vmem>>
      %dma_start3A_78 = arith.constant 0 : i32
      %dma_start3A_79 = tpu.memref_slice %arg5[%add3A_69, %dma_start3A_78] : memref<40x128xi32, #tpu.memory_space<vmem>> -> memref<1x128xi32, #tpu.memory_space<vmem>>
      %dma_start3A_80 = tpu.memref_squeeze %dma_start3A_79 : memref<1x128xi32, #tpu.memory_space<vmem>> -> memref<128xi32, #tpu.memory_space<vmem>>
      %dma_start3A_81 = arith.constant 0 : i32
      %dma_start3A_82 = arith.constant 0 : i32
      %dma_start3A_83 = tpu.memref_slice %arg8[%dma_start3A_81, %dma_start3A_82] : memref<10016x16xf32, #tpu.memory_space<vmem_shared>> -> memref<10016x16xf32, #tpu.memory_space<vmem_shared>>
      tpu.enqueue_indirect_dma source(%dma_start3A_83 : memref<10016x16xf32, #tpu.memory_space<vmem_shared>>) target(%dma_start3A_77 : memref<128x16xf32, #tpu.memory_space<vmem>>) offsets(%dma_start3A_80 : memref<128xi32, #tpu.memory_space<vmem>>) semaphore(%arg9 : memref<!tpu.dma_semaphore, #tpu.memory_space<semaphore_mem>>)
      %mul3A_84 = arith.constant 8 : i32
      %mul3A_85 = arith.muli %scan3A_12, %mul3A_84 : i32
      %add3A_86 = arith.constant 4 : i32
      %add3A_87 = arith.addi %mul3A_85, %add3A_86 : i32
      %mul3A_88 = arith.constant 8 : i32
      %mul3A_89 = arith.muli %scan3A_12, %mul3A_88 : i32
      %add3A_90 = arith.constant 4 : i32
      %add3A_91 = arith.addi %mul3A_89, %add3A_90 : i32
      %mul3A_92 = arith.constant 128 : i32
      %mul3A_93 = arith.muli %add3A_91, %mul3A_92 : i32
      %dma_start3A_94 = arith.constant 0 : i32
      %dma_start3A_95 = tpu.memref_slice %arg6[%mul3A_93, %dma_start3A_94] : memref<5120x16xf32, #tpu.memory_space<vmem>> -> memref<128x16xf32, #tpu.memory_space<vmem>>
      %dma_start3A_96 = arith.constant 0 : i32
      %dma_start3A_97 = tpu.memref_slice %arg5[%add3A_87, %dma_start3A_96] : memref<40x128xi32, #tpu.memory_space<vmem>> -> memref<1x128xi32, #tpu.memory_space<vmem>>
      %dma_start3A_98 = tpu.memref_squeeze %dma_start3A_97 : memref<1x128xi32, #tpu.memory_space<vmem>> -> memref<128xi32, #tpu.memory_space<vmem>>
      %dma_start3A_99 = arith.constant 0 : i32
      %dma_start3A_100 = arith.constant 0 : i32
      %dma_start3A_101 = tpu.memref_slice %arg8[%dma_start3A_99, %dma_start3A_100] : memref<10016x16xf32, #tpu.memory_space<vmem_shared>> -> memref<10016x16xf32, #tpu.memory_space<vmem_shared>>
      tpu.enqueue_indirect_dma source(%dma_start3A_101 : memref<10016x16xf32, #tpu.memory_space<vmem_shared>>) target(%dma_start3A_95 : memref<128x16xf32, #tpu.memory_space<vmem>>) offsets(%dma_start3A_98 : memref<128xi32, #tpu.memory_space<vmem>>) semaphore(%arg9 : memref<!tpu.dma_semaphore, #tpu.memory_space<semaphore_mem>>)
      %mul3A_102 = arith.constant 8 : i32
      %mul3A_103 = arith.muli %scan3A_12, %mul3A_102 : i32
      %add3A_104 = arith.constant 5 : i32
      %add3A_105 = arith.addi %mul3A_103, %add3A_104 : i32
      %mul3A_106 = arith.constant 8 : i32
      %mul3A_107 = arith.muli %scan3A_12, %mul3A_106 : i32
      %add3A_108 = arith.constant 5 : i32
      %add3A_109 = arith.addi %mul3A_107, %add3A_108 : i32
      %mul3A_110 = arith.constant 128 : i32
      %mul3A_111 = arith.muli %add3A_109, %mul3A_110 : i32
      %dma_start3A_112 = arith.constant 0 : i32
      %dma_start3A_113 = tpu.memref_slice %arg6[%mul3A_111, %dma_start3A_112] : memref<5120x16xf32, #tpu.memory_space<vmem>> -> memref<128x16xf32, #tpu.memory_space<vmem>>
      %dma_start3A_114 = arith.constant 0 : i32
      %dma_start3A_115 = tpu.memref_slice %arg5[%add3A_105, %dma_start3A_114] : memref<40x128xi32, #tpu.memory_space<vmem>> -> memref<1x128xi32, #tpu.memory_space<vmem>>
      %dma_start3A_116 = tpu.memref_squeeze %dma_start3A_115 : memref<1x128xi32, #tpu.memory_space<vmem>> -> memref<128xi32, #tpu.memory_space<vmem>>
      %dma_start3A_117 = arith.constant 0 : i32
      %dma_start3A_118 = arith.constant 0 : i32
      %dma_start3A_119 = tpu.memref_slice %arg8[%dma_start3A_117, %dma_start3A_118] : memref<10016x16xf32, #tpu.memory_space<vmem_shared>> -> memref<10016x16xf32, #tpu.memory_space<vmem_shared>>
      tpu.enqueue_indirect_dma source(%dma_start3A_119 : memref<10016x16xf32, #tpu.memory_space<vmem_shared>>) target(%dma_start3A_113 : memref<128x16xf32, #tpu.memory_space<vmem>>) offsets(%dma_start3A_116 : memref<128xi32, #tpu.memory_space<vmem>>) semaphore(%arg9 : memref<!tpu.dma_semaphore, #tpu.memory_space<semaphore_mem>>)
      %mul3A_120 = arith.constant 8 : i32
      %mul3A_121 = arith.muli %scan3A_12, %mul3A_120 : i32
      %add3A_122 = arith.constant 6 : i32
      %add3A_123 = arith.addi %mul3A_121, %add3A_122 : i32
      %mul3A_124 = arith.constant 8 : i32
      %mul3A_125 = arith.muli %scan3A_12, %mul3A_124 : i32
      %add3A_126 = arith.constant 6 : i32
      %add3A_127 = arith.addi %mul3A_125, %add3A_126 : i32
      %mul3A_128 = arith.constant 128 : i32
      %mul3A_129 = arith.muli %add3A_127, %mul3A_128 : i32
      %dma_start3A_130 = arith.constant 0 : i32
      %dma_start3A_131 = tpu.memref_slice %arg6[%mul3A_129, %dma_start3A_130] : memref<5120x16xf32, #tpu.memory_space<vmem>> -> memref<128x16xf32, #tpu.memory_space<vmem>>
      %dma_start3A_132 = arith.constant 0 : i32
      %dma_start3A_133 = tpu.memref_slice %arg5[%add3A_123, %dma_start3A_132] : memref<40x128xi32, #tpu.memory_space<vmem>> -> memref<1x128xi32, #tpu.memory_space<vmem>>
      %dma_start3A_134 = tpu.memref_squeeze %dma_start3A_133 : memref<1x128xi32, #tpu.memory_space<vmem>> -> memref<128xi32, #tpu.memory_space<vmem>>
      %dma_start3A_135 = arith.constant 0 : i32
      %dma_start3A_136 = arith.constant 0 : i32
      %dma_start3A_137 = tpu.memref_slice %arg8[%dma_start3A_135, %dma_start3A_136] : memref<10016x16xf32, #tpu.memory_space<vmem_shared>> -> memref<10016x16xf32, #tpu.memory_space<vmem_shared>>
      tpu.enqueue_indirect_dma source(%dma_start3A_137 : memref<10016x16xf32, #tpu.memory_space<vmem_shared>>) target(%dma_start3A_131 : memref<128x16xf32, #tpu.memory_space<vmem>>) offsets(%dma_start3A_134 : memref<128xi32, #tpu.memory_space<vmem>>) semaphore(%arg9 : memref<!tpu.dma_semaphore, #tpu.memory_space<semaphore_mem>>)
      %mul3A_138 = arith.constant 8 : i32
      %mul3A_139 = arith.muli %scan3A_12, %mul3A_138 : i32
      %add3A_140 = arith.constant 7 : i32
      %add3A_141 = arith.addi %mul3A_139, %add3A_140 : i32
      %mul3A_142 = arith.constant 8 : i32
      %mul3A_143 = arith.muli %scan3A_12, %mul3A_142 : i32
      %add3A_144 = arith.constant 7 : i32
      %add3A_145 = arith.addi %mul3A_143, %add3A_144 : i32
      %mul3A_146 = arith.constant 128 : i32
      %mul3A_147 = arith.muli %add3A_145, %mul3A_146 : i32
      %dma_start3A_148 = arith.constant 0 : i32
      %dma_start3A_149 = tpu.memref_slice %arg6[%mul3A_147, %dma_start3A_148] : memref<5120x16xf32, #tpu.memory_space<vmem>> -> memref<128x16xf32, #tpu.memory_space<vmem>>
      %dma_start3A_150 = arith.constant 0 : i32
      %dma_start3A_151 = tpu.memref_slice %arg5[%add3A_141, %dma_start3A_150] : memref<40x128xi32, #tpu.memory_space<vmem>> -> memref<1x128xi32, #tpu.memory_space<vmem>>
      %dma_start3A_152 = tpu.memref_squeeze %dma_start3A_151 : memref<1x128xi32, #tpu.memory_space<vmem>> -> memref<128xi32, #tpu.memory_space<vmem>>
      %dma_start3A_153 = arith.constant 0 : i32
      %dma_start3A_154 = arith.constant 0 : i32
      %dma_start3A_155 = tpu.memref_slice %arg8[%dma_start3A_153, %dma_start3A_154] : memref<10016x16xf32, #tpu.memory_space<vmem_shared>> -> memref<10016x16xf32, #tpu.memory_space<vmem_shared>>
      tpu.enqueue_indirect_dma source(%dma_start3A_155 : memref<10016x16xf32, #tpu.memory_space<vmem_shared>>) target(%dma_start3A_149 : memref<128x16xf32, #tpu.memory_space<vmem>>) offsets(%dma_start3A_152 : memref<128xi32, #tpu.memory_space<vmem>>) semaphore(%arg9 : memref<!tpu.dma_semaphore, #tpu.memory_space<semaphore_mem>>)
      %mul3A_156 = arith.constant 8 : i32
      %mul3A_157 = arith.muli %scan3A_12, %mul3A_156 : i32
      %add3A_158 = arith.constant 0 : i32
      %add3A_159 = arith.addi %mul3A_157, %add3A_158 : i32
      %mul3A_160 = arith.constant 8 : i32
      %mul3A_161 = arith.muli %scan3A_12, %mul3A_160 : i32
      %add3A_162 = arith.constant 0 : i32
      %add3A_163 = arith.addi %mul3A_161, %add3A_162 : i32
      %mul3A_164 = arith.constant 128 : i32
      %mul3A_165 = arith.muli %add3A_163, %mul3A_164 : i32
      %dma_wait3A = arith.constant 0 : i32
      %dma_wait3A_166 = tpu.memref_slice %arg6[%mul3A_165, %dma_wait3A] : memref<5120x16xf32, #tpu.memory_space<vmem>> -> memref<128x16xf32, #tpu.memory_space<vmem>>
      %dma_wait3A_167 = arith.constant 0 : i32
      %dma_wait3A_168 = tpu.memref_slice %arg5[%add3A_159, %dma_wait3A_167] : memref<40x128xi32, #tpu.memory_space<vmem>> -> memref<1x128xi32, #tpu.memory_space<vmem>>
      %dma_wait3A_169 = tpu.memref_squeeze %dma_wait3A_168 : memref<1x128xi32, #tpu.memory_space<vmem>> -> memref<128xi32, #tpu.memory_space<vmem>>
      %dma_wait3A_170 = arith.constant 0 : i32
      %dma_wait3A_171 = arith.constant 0 : i32
      %dma_wait3A_172 = tpu.memref_slice %arg8[%dma_wait3A_170, %dma_wait3A_171] : memref<10016x16xf32, #tpu.memory_space<vmem_shared>> -> memref<10016x16xf32, #tpu.memory_space<vmem_shared>>
      tpu.wait_indirect_dma semaphore(%arg9 : memref<!tpu.dma_semaphore, #tpu.memory_space<semaphore_mem>>) src(%dma_wait3A_172 : memref<10016x16xf32, #tpu.memory_space<vmem_shared>>) dst(%dma_wait3A_166 : memref<128x16xf32, #tpu.memory_space<vmem>>)
      %mul3A_173 = arith.constant 8 : i32
      %mul3A_174 = arith.muli %scan3A_12, %mul3A_173 : i32
      %add3A_175 = arith.constant 1 : i32
      %add3A_176 = arith.addi %mul3A_174, %add3A_175 : i32
      %mul3A_177 = arith.constant 8 : i32
      %mul3A_178 = arith.muli %scan3A_12, %mul3A_177 : i32
      %add3A_179 = arith.constant 1 : i32
      %add3A_180 = arith.addi %mul3A_178, %add3A_179 : i32
      %mul3A_181 = arith.constant 128 : i32
      %mul3A_182 = arith.muli %add3A_180, %mul3A_181 : i32
      %dma_wait3A_183 = arith.constant 0 : i32
      %dma_wait3A_184 = tpu.memref_slice %arg6[%mul3A_182, %dma_wait3A_183] : memref<5120x16xf32, #tpu.memory_space<vmem>> -> memref<128x16xf32, #tpu.memory_space<vmem>>
      %dma_wait3A_185 = arith.constant 0 : i32
      %dma_wait3A_186 = tpu.memref_slice %arg5[%add3A_176, %dma_wait3A_185] : memref<40x128xi32, #tpu.memory_space<vmem>> -> memref<1x128xi32, #tpu.memory_space<vmem>>
      %dma_wait3A_187 = tpu.memref_squeeze %dma_wait3A_186 : memref<1x128xi32, #tpu.memory_space<vmem>> -> memref<128xi32, #tpu.memory_space<vmem>>
      %dma_wait3A_188 = arith.constant 0 : i32
      %dma_wait3A_189 = arith.constant 0 : i32
      %dma_wait3A_190 = tpu.memref_slice %arg8[%dma_wait3A_188, %dma_wait3A_189] : memref<10016x16xf32, #tpu.memory_space<vmem_shared>> -> memref<10016x16xf32, #tpu.memory_space<vmem_shared>>
      tpu.wait_indirect_dma semaphore(%arg9 : memref<!tpu.dma_semaphore, #tpu.memory_space<semaphore_mem>>) src(%dma_wait3A_190 : memref<10016x16xf32, #tpu.memory_space<vmem_shared>>) dst(%dma_wait3A_184 : memref<128x16xf32, #tpu.memory_space<vmem>>)
      %mul3A_191 = arith.constant 8 : i32
      %mul3A_192 = arith.muli %scan3A_12, %mul3A_191 : i32
      %add3A_193 = arith.constant 2 : i32
      %add3A_194 = arith.addi %mul3A_192, %add3A_193 : i32
      %mul3A_195 = arith.constant 8 : i32
      %mul3A_196 = arith.muli %scan3A_12, %mul3A_195 : i32
      %add3A_197 = arith.constant 2 : i32
      %add3A_198 = arith.addi %mul3A_196, %add3A_197 : i32
      %mul3A_199 = arith.constant 128 : i32
      %mul3A_200 = arith.muli %add3A_198, %mul3A_199 : i32
      %dma_wait3A_201 = arith.constant 0 : i32
      %dma_wait3A_202 = tpu.memref_slice %arg6[%mul3A_200, %dma_wait3A_201] : memref<5120x16xf32, #tpu.memory_space<vmem>> -> memref<128x16xf32, #tpu.memory_space<vmem>>
      %dma_wait3A_203 = arith.constant 0 : i32
      %dma_wait3A_204 = tpu.memref_slice %arg5[%add3A_194, %dma_wait3A_203] : memref<40x128xi32, #tpu.memory_space<vmem>> -> memref<1x128xi32, #tpu.memory_space<vmem>>
      %dma_wait3A_205 = tpu.memref_squeeze %dma_wait3A_204 : memref<1x128xi32, #tpu.memory_space<vmem>> -> memref<128xi32, #tpu.memory_space<vmem>>
      %dma_wait3A_206 = arith.constant 0 : i32
      %dma_wait3A_207 = arith.constant 0 : i32
      %dma_wait3A_208 = tpu.memref_slice %arg8[%dma_wait3A_206, %dma_wait3A_207] : memref<10016x16xf32, #tpu.memory_space<vmem_shared>> -> memref<10016x16xf32, #tpu.memory_space<vmem_shared>>
      tpu.wait_indirect_dma semaphore(%arg9 : memref<!tpu.dma_semaphore, #tpu.memory_space<semaphore_mem>>) src(%dma_wait3A_208 : memref<10016x16xf32, #tpu.memory_space<vmem_shared>>) dst(%dma_wait3A_202 : memref<128x16xf32, #tpu.memory_space<vmem>>)
      %mul3A_209 = arith.constant 8 : i32
      %mul3A_210 = arith.muli %scan3A_12, %mul3A_209 : i32
      %add3A_211 = arith.constant 3 : i32
      %add3A_212 = arith.addi %mul3A_210, %add3A_211 : i32
      %mul3A_213 = arith.constant 8 : i32
      %mul3A_214 = arith.muli %scan3A_12, %mul3A_213 : i32
      %add3A_215 = arith.constant 3 : i32
      %add3A_216 = arith.addi %mul3A_214, %add3A_215 : i32
      %mul3A_217 = arith.constant 128 : i32
      %mul3A_218 = arith.muli %add3A_216, %mul3A_217 : i32
      %dma_wait3A_219 = arith.constant 0 : i32
      %dma_wait3A_220 = tpu.memref_slice %arg6[%mul3A_218, %dma_wait3A_219] : memref<5120x16xf32, #tpu.memory_space<vmem>> -> memref<128x16xf32, #tpu.memory_space<vmem>>
      %dma_wait3A_221 = arith.constant 0 : i32
      %dma_wait3A_222 = tpu.memref_slice %arg5[%add3A_212, %dma_wait3A_221] : memref<40x128xi32, #tpu.memory_space<vmem>> -> memref<1x128xi32, #tpu.memory_space<vmem>>
      %dma_wait3A_223 = tpu.memref_squeeze %dma_wait3A_222 : memref<1x128xi32, #tpu.memory_space<vmem>> -> memref<128xi32, #tpu.memory_space<vmem>>
      %dma_wait3A_224 = arith.constant 0 : i32
      %dma_wait3A_225 = arith.constant 0 : i32
      %dma_wait3A_226 = tpu.memref_slice %arg8[%dma_wait3A_224, %dma_wait3A_225] : memref<10016x16xf32, #tpu.memory_space<vmem_shared>> -> memref<10016x16xf32, #tpu.memory_space<vmem_shared>>
      tpu.wait_indirect_dma semaphore(%arg9 : memref<!tpu.dma_semaphore, #tpu.memory_space<semaphore_mem>>) src(%dma_wait3A_226 : memref<10016x16xf32, #tpu.memory_space<vmem_shared>>) dst(%dma_wait3A_220 : memref<128x16xf32, #tpu.memory_space<vmem>>)
      %mul3A_227 = arith.constant 8 : i32
      %mul3A_228 = arith.muli %scan3A_12, %mul3A_227 : i32
      %add3A_229 = arith.constant 4 : i32
      %add3A_230 = arith.addi %mul3A_228, %add3A_229 : i32
      %mul3A_231 = arith.constant 8 : i32
      %mul3A_232 = arith.muli %scan3A_12, %mul3A_231 : i32
      %add3A_233 = arith.constant 4 : i32
      %add3A_234 = arith.addi %mul3A_232, %add3A_233 : i32
      %mul3A_235 = arith.constant 128 : i32
      %mul3A_236 = arith.muli %add3A_234, %mul3A_235 : i32
      %dma_wait3A_237 = arith.constant 0 : i32
      %dma_wait3A_238 = tpu.memref_slice %arg6[%mul3A_236, %dma_wait3A_237] : memref<5120x16xf32, #tpu.memory_space<vmem>> -> memref<128x16xf32, #tpu.memory_space<vmem>>
      %dma_wait3A_239 = arith.constant 0 : i32
      %dma_wait3A_240 = tpu.memref_slice %arg5[%add3A_230, %dma_wait3A_239] : memref<40x128xi32, #tpu.memory_space<vmem>> -> memref<1x128xi32, #tpu.memory_space<vmem>>
      %dma_wait3A_241 = tpu.memref_squeeze %dma_wait3A_240 : memref<1x128xi32, #tpu.memory_space<vmem>> -> memref<128xi32, #tpu.memory_space<vmem>>
      %dma_wait3A_242 = arith.constant 0 : i32
      %dma_wait3A_243 = arith.constant 0 : i32
      %dma_wait3A_244 = tpu.memref_slice %arg8[%dma_wait3A_242, %dma_wait3A_243] : memref<10016x16xf32, #tpu.memory_space<vmem_shared>> -> memref<10016x16xf32, #tpu.memory_space<vmem_shared>>
      tpu.wait_indirect_dma semaphore(%arg9 : memref<!tpu.dma_semaphore, #tpu.memory_space<semaphore_mem>>) src(%dma_wait3A_244 : memref<10016x16xf32, #tpu.memory_space<vmem_shared>>) dst(%dma_wait3A_238 : memref<128x16xf32, #tpu.memory_space<vmem>>)
      %mul3A_245 = arith.constant 8 : i32
      %mul3A_246 = arith.muli %scan3A_12, %mul3A_245 : i32
      %add3A_247 = arith.constant 5 : i32
      %add3A_248 = arith.addi %mul3A_246, %add3A_247 : i32
      %mul3A_249 = arith.constant 8 : i32
      %mul3A_250 = arith.muli %scan3A_12, %mul3A_249 : i32
      %add3A_251 = arith.constant 5 : i32
      %add3A_252 = arith.addi %mul3A_250, %add3A_251 : i32
      %mul3A_253 = arith.constant 128 : i32
      %mul3A_254 = arith.muli %add3A_252, %mul3A_253 : i32
      %dma_wait3A_255 = arith.constant 0 : i32
      %dma_wait3A_256 = tpu.memref_slice %arg6[%mul3A_254, %dma_wait3A_255] : memref<5120x16xf32, #tpu.memory_space<vmem>> -> memref<128x16xf32, #tpu.memory_space<vmem>>
      %dma_wait3A_257 = arith.constant 0 : i32
      %dma_wait3A_258 = tpu.memref_slice %arg5[%add3A_248, %dma_wait3A_257] : memref<40x128xi32, #tpu.memory_space<vmem>> -> memref<1x128xi32, #tpu.memory_space<vmem>>
      %dma_wait3A_259 = tpu.memref_squeeze %dma_wait3A_258 : memref<1x128xi32, #tpu.memory_space<vmem>> -> memref<128xi32, #tpu.memory_space<vmem>>
      %dma_wait3A_260 = arith.constant 0 : i32
      %dma_wait3A_261 = arith.constant 0 : i32
      %dma_wait3A_262 = tpu.memref_slice %arg8[%dma_wait3A_260, %dma_wait3A_261] : memref<10016x16xf32, #tpu.memory_space<vmem_shared>> -> memref<10016x16xf32, #tpu.memory_space<vmem_shared>>
      tpu.wait_indirect_dma semaphore(%arg9 : memref<!tpu.dma_semaphore, #tpu.memory_space<semaphore_mem>>) src(%dma_wait3A_262 : memref<10016x16xf32, #tpu.memory_space<vmem_shared>>) dst(%dma_wait3A_256 : memref<128x16xf32, #tpu.memory_space<vmem>>)
      %mul3A_263 = arith.constant 8 : i32
      %mul3A_264 = arith.muli %scan3A_12, %mul3A_263 : i32
      %add3A_265 = arith.constant 6 : i32
      %add3A_266 = arith.addi %mul3A_264, %add3A_265 : i32
      %mul3A_267 = arith.constant 8 : i32
      %mul3A_268 = arith.muli %scan3A_12, %mul3A_267 : i32
      %add3A_269 = arith.constant 6 : i32
      %add3A_270 = arith.addi %mul3A_268, %add3A_269 : i32
      %mul3A_271 = arith.constant 128 : i32
      %mul3A_272 = arith.muli %add3A_270, %mul3A_271 : i32
      %dma_wait3A_273 = arith.constant 0 : i32
      %dma_wait3A_274 = tpu.memref_slice %arg6[%mul3A_272, %dma_wait3A_273] : memref<5120x16xf32, #tpu.memory_space<vmem>> -> memref<128x16xf32, #tpu.memory_space<vmem>>
      %dma_wait3A_275 = arith.constant 0 : i32
      %dma_wait3A_276 = tpu.memref_slice %arg5[%add3A_266, %dma_wait3A_275] : memref<40x128xi32, #tpu.memory_space<vmem>> -> memref<1x128xi32, #tpu.memory_space<vmem>>
      %dma_wait3A_277 = tpu.memref_squeeze %dma_wait3A_276 : memref<1x128xi32, #tpu.memory_space<vmem>> -> memref<128xi32, #tpu.memory_space<vmem>>
      %dma_wait3A_278 = arith.constant 0 : i32
      %dma_wait3A_279 = arith.constant 0 : i32
      %dma_wait3A_280 = tpu.memref_slice %arg8[%dma_wait3A_278, %dma_wait3A_279] : memref<10016x16xf32, #tpu.memory_space<vmem_shared>> -> memref<10016x16xf32, #tpu.memory_space<vmem_shared>>
      tpu.wait_indirect_dma semaphore(%arg9 : memref<!tpu.dma_semaphore, #tpu.memory_space<semaphore_mem>>) src(%dma_wait3A_280 : memref<10016x16xf32, #tpu.memory_space<vmem_shared>>) dst(%dma_wait3A_274 : memref<128x16xf32, #tpu.memory_space<vmem>>)
      %mul3A_281 = arith.constant 8 : i32
      %mul3A_282 = arith.muli %scan3A_12, %mul3A_281 : i32
      %add3A_283 = arith.constant 7 : i32
      %add3A_284 = arith.addi %mul3A_282, %add3A_283 : i32
      %mul3A_285 = arith.constant 8 : i32
      %mul3A_286 = arith.muli %scan3A_12, %mul3A_285 : i32
      %add3A_287 = arith.constant 7 : i32
      %add3A_288 = arith.addi %mul3A_286, %add3A_287 : i32
      %mul3A_289 = arith.constant 128 : i32
      %mul3A_290 = arith.muli %add3A_288, %mul3A_289 : i32
      %dma_wait3A_291 = arith.constant 0 : i32
      %dma_wait3A_292 = tpu.memref_slice %arg6[%mul3A_290, %dma_wait3A_291] : memref<5120x16xf32, #tpu.memory_space<vmem>> -> memref<128x16xf32, #tpu.memory_space<vmem>>
      %dma_wait3A_293 = arith.constant 0 : i32
      %dma_wait3A_294 = tpu.memref_slice %arg5[%add3A_284, %dma_wait3A_293] : memref<40x128xi32, #tpu.memory_space<vmem>> -> memref<1x128xi32, #tpu.memory_space<vmem>>
      %dma_wait3A_295 = tpu.memref_squeeze %dma_wait3A_294 : memref<1x128xi32, #tpu.memory_space<vmem>> -> memref<128xi32, #tpu.memory_space<vmem>>
      %dma_wait3A_296 = arith.constant 0 : i32
      %dma_wait3A_297 = arith.constant 0 : i32
      %dma_wait3A_298 = tpu.memref_slice %arg8[%dma_wait3A_296, %dma_wait3A_297] : memref<10016x16xf32, #tpu.memory_space<vmem_shared>> -> memref<10016x16xf32, #tpu.memory_space<vmem_shared>>
      tpu.wait_indirect_dma semaphore(%arg9 : memref<!tpu.dma_semaphore, #tpu.memory_space<semaphore_mem>>) src(%dma_wait3A_298 : memref<10016x16xf32, #tpu.memory_space<vmem_shared>>) dst(%dma_wait3A_292 : memref<128x16xf32, #tpu.memory_space<vmem>>)
    }
    %scan3A_9 = arith.constant 5 : i32
    %mul3A_10 = arith.constant 5120 : i32
    %mul3A_11 = arith.muli %add3A, %mul3A_10 : i32
    "tpu.region"() ({
      %run_scoped3A = tpu.sem_alloc : memref<!tpu.dma_semaphore, #tpu.memory_space<semaphore_mem>>
      %dma_start3A = arith.constant 0 : i32
      %dma_start3A_12 = tpu.memref_slice %arg4[%mul3A_11, %dma_start3A] : memref<163840x16xf32, #tpu.memory_space<hbm>> -> memref<5120x16xf32, #tpu.memory_space<hbm>>
      %dma_start3A_13 = arith.constant 0 : i32
      %dma_start3A_14 = tpu.memref_slice %arg4[%mul3A_11, %dma_start3A_13] : memref<163840x16xf32, #tpu.memory_space<hbm>> -> memref<5120x16xf32, #tpu.memory_space<hbm>>
      tpu.enqueue_dma source(%arg6 : memref<5120x16xf32, #tpu.memory_space<vmem>>) target(%dma_start3A_14 : memref<5120x16xf32, #tpu.memory_space<hbm>>) target_semaphore(%run_scoped3A : memref<!tpu.dma_semaphore, #tpu.memory_space<semaphore_mem>>)
      %dma_wait3A = arith.constant 0 : i32
      %dma_wait3A_15 = tpu.memref_slice %arg4[%mul3A_11, %dma_wait3A] : memref<163840x16xf32, #tpu.memory_space<hbm>> -> memref<5120x16xf32, #tpu.memory_space<hbm>>
      %dma_wait3A_16 = arith.constant 0 : i32
      %dma_wait3A_17 = tpu.memref_slice %arg4[%mul3A_11, %dma_wait3A_16] : memref<163840x16xf32, #tpu.memory_space<hbm>> -> memref<5120x16xf32, #tpu.memory_space<hbm>>
      tpu.wait_dma2 semaphore(%run_scoped3A : memref<!tpu.dma_semaphore, #tpu.memory_space<semaphore_mem>>) src(%arg6 : memref<5120x16xf32, #tpu.memory_space<vmem>>) dst(%dma_wait3A_17 : memref<5120x16xf32, #tpu.memory_space<hbm>>)
      tpu.yield
    }) : () -> ()
    return
  }
}

#map = affine_map<(d0, d1) -> (0, 0)>
#map1 = affine_map<(d0, d1) -> (0, 0, 0)>
module attributes {stable_mosaic.version = 14 : i64} {
  func.func @k(%arg0: i32, %arg1: i32, %arg2: memref<163840x16xf32, #tpu.memory_space<hbm>>, %arg3: memref<32x40x128xi32, #tpu.memory_space<hbm>>, %arg4: memref<10016x16xf32, #tpu.memory_space<hbm>>, %arg5: memref<20032x16xf32, #tpu.memory_space<hbm>>, %arg6: memref<40x128xi32, #tpu.memory_space<vmem>>, %arg7: memref<5120x16xf32, #tpu.memory_space<vmem>>, %arg8: memref<626x16xf32, #tpu.memory_space<vmem>>, %arg9: memref<10016x16xf32, #tpu.memory_space<vmem_shared>>, %arg10: memref<!tpu.dma_semaphore, #tpu.memory_space<semaphore_mem>>) attributes {dimension_semantics = [#tpu.dimension_semantics<core_parallel>, #tpu.dimension_semantics<subcore_parallel>], iteration_bounds = array<i64: 2, 16>, scalar_prefetch = 0 : i64, scratch_operands = 5 : i64, tpu.core_type = #tpu.core_type<sc_vector_subcore>, window_params = [{transform_indices = #map}, {transform_indices = #map1}, {transform_indices = #map}, {transform_indices = #map}]} {
    %mul3A = arith.constant 2 : i32
    %mul3A_0 = arith.muli %arg1, %mul3A : i32
    %add3A = arith.addi %mul3A_0, %arg0 : i32
    %mul3A_1 = arith.constant 626 : i32
    %mul3A_2 = arith.muli %arg1, %mul3A_1 : i32
    "tpu.region"() ({
      %run_scoped3A = tpu.sem_alloc : memref<!tpu.dma_semaphore, #tpu.memory_space<semaphore_mem>>
      %dma_start3A = arith.constant 0 : i32
      %dma_start3A_20 = tpu.memref_slice %arg4[%mul3A_2, %dma_start3A] : memref<10016x16xf32, #tpu.memory_space<hbm>> -> memref<626x16xf32, #tpu.memory_space<hbm>>
      %dma_start3A_21 = arith.constant 0 : i32
      %dma_start3A_22 = tpu.memref_slice %arg4[%mul3A_2, %dma_start3A_21] : memref<10016x16xf32, #tpu.memory_space<hbm>> -> memref<626x16xf32, #tpu.memory_space<hbm>>
      tpu.enqueue_dma source(%dma_start3A_22 : memref<626x16xf32, #tpu.memory_space<hbm>>) target(%arg8 : memref<626x16xf32, #tpu.memory_space<vmem>>) target_semaphore(%run_scoped3A : memref<!tpu.dma_semaphore, #tpu.memory_space<semaphore_mem>>)
      %dma_wait3A = arith.constant 0 : i32
      %dma_wait3A_23 = tpu.memref_slice %arg4[%mul3A_2, %dma_wait3A] : memref<10016x16xf32, #tpu.memory_space<hbm>> -> memref<626x16xf32, #tpu.memory_space<hbm>>
      %dma_wait3A_24 = arith.constant 0 : i32
      %dma_wait3A_25 = tpu.memref_slice %arg4[%mul3A_2, %dma_wait3A_24] : memref<10016x16xf32, #tpu.memory_space<hbm>> -> memref<626x16xf32, #tpu.memory_space<hbm>>
      tpu.wait_dma2 semaphore(%run_scoped3A : memref<!tpu.dma_semaphore, #tpu.memory_space<semaphore_mem>>) src(%dma_wait3A_25 : memref<626x16xf32, #tpu.memory_space<hbm>>) dst(%arg8 : memref<626x16xf32, #tpu.memory_space<vmem>>)
      tpu.yield
    }) : () -> ()
    %mul3A_3 = arith.constant 626 : i32
    %mul3A_4 = arith.muli %arg1, %mul3A_3 : i32
    "tpu.region"() ({
      %run_scoped3A = tpu.sem_alloc : memref<!tpu.dma_semaphore, #tpu.memory_space<semaphore_mem>>
      %dma_start3A = arith.constant 0 : i32
      %dma_start3A_20 = tpu.memref_slice %arg9[%mul3A_4, %dma_start3A] : memref<10016x16xf32, #tpu.memory_space<vmem_shared>> -> memref<626x16xf32, #tpu.memory_space<vmem_shared>>
      %dma_start3A_21 = arith.constant 0 : i32
      %dma_start3A_22 = tpu.memref_slice %arg9[%mul3A_4, %dma_start3A_21] : memref<10016x16xf32, #tpu.memory_space<vmem_shared>> -> memref<626x16xf32, #tpu.memory_space<vmem_shared>>
      tpu.enqueue_dma source(%arg8 : memref<626x16xf32, #tpu.memory_space<vmem>>) target(%dma_start3A_22 : memref<626x16xf32, #tpu.memory_space<vmem_shared>>) target_semaphore(%run_scoped3A : memref<!tpu.dma_semaphore, #tpu.memory_space<semaphore_mem>>)
      %dma_wait3A = arith.constant 0 : i32
      %dma_wait3A_23 = tpu.memref_slice %arg9[%mul3A_4, %dma_wait3A] : memref<10016x16xf32, #tpu.memory_space<vmem_shared>> -> memref<626x16xf32, #tpu.memory_space<vmem_shared>>
      %dma_wait3A_24 = arith.constant 0 : i32
      %dma_wait3A_25 = tpu.memref_slice %arg9[%mul3A_4, %dma_wait3A_24] : memref<10016x16xf32, #tpu.memory_space<vmem_shared>> -> memref<626x16xf32, #tpu.memory_space<vmem_shared>>
      tpu.wait_dma2 semaphore(%run_scoped3A : memref<!tpu.dma_semaphore, #tpu.memory_space<semaphore_mem>>) src(%arg8 : memref<626x16xf32, #tpu.memory_space<vmem>>) dst(%dma_wait3A_25 : memref<626x16xf32, #tpu.memory_space<vmem_shared>>)
      tpu.yield
    }) : () -> ()
    "tpu.region"() ({
      %run_scoped3A = tpu.sem_alloc : memref<!tpu.dma_semaphore, #tpu.memory_space<semaphore_mem>>
      %dma_start3A = arith.constant 0 : i32
      %dma_start3A_20 = arith.constant 0 : i32
      %dma_start3A_21 = tpu.memref_slice %arg3[%add3A, %dma_start3A, %dma_start3A_20] : memref<32x40x128xi32, #tpu.memory_space<hbm>> -> memref<1x40x128xi32, #tpu.memory_space<hbm>>
      %dma_start3A_22 = tpu.memref_squeeze %dma_start3A_21 : memref<1x40x128xi32, #tpu.memory_space<hbm>> -> memref<40x128xi32, #tpu.memory_space<hbm>>
      %dma_start3A_23 = arith.constant 0 : i32
      %dma_start3A_24 = arith.constant 0 : i32
      %dma_start3A_25 = tpu.memref_slice %arg3[%add3A, %dma_start3A_23, %dma_start3A_24] : memref<32x40x128xi32, #tpu.memory_space<hbm>> -> memref<1x40x128xi32, #tpu.memory_space<hbm>>
      %dma_start3A_26 = tpu.memref_squeeze %dma_start3A_25 : memref<1x40x128xi32, #tpu.memory_space<hbm>> -> memref<40x128xi32, #tpu.memory_space<hbm>>
      tpu.enqueue_dma source(%dma_start3A_26 : memref<40x128xi32, #tpu.memory_space<hbm>>) target(%arg6 : memref<40x128xi32, #tpu.memory_space<vmem>>) target_semaphore(%run_scoped3A : memref<!tpu.dma_semaphore, #tpu.memory_space<semaphore_mem>>)
      %dma_wait3A = arith.constant 0 : i32
      %dma_wait3A_27 = arith.constant 0 : i32
      %dma_wait3A_28 = tpu.memref_slice %arg3[%add3A, %dma_wait3A, %dma_wait3A_27] : memref<32x40x128xi32, #tpu.memory_space<hbm>> -> memref<1x40x128xi32, #tpu.memory_space<hbm>>
      %dma_wait3A_29 = tpu.memref_squeeze %dma_wait3A_28 : memref<1x40x128xi32, #tpu.memory_space<hbm>> -> memref<40x128xi32, #tpu.memory_space<hbm>>
      %dma_wait3A_30 = arith.constant 0 : i32
      %dma_wait3A_31 = arith.constant 0 : i32
      %dma_wait3A_32 = tpu.memref_slice %arg3[%add3A, %dma_wait3A_30, %dma_wait3A_31] : memref<32x40x128xi32, #tpu.memory_space<hbm>> -> memref<1x40x128xi32, #tpu.memory_space<hbm>>
      %dma_wait3A_33 = tpu.memref_squeeze %dma_wait3A_32 : memref<1x40x128xi32, #tpu.memory_space<hbm>> -> memref<40x128xi32, #tpu.memory_space<hbm>>
      tpu.wait_dma2 semaphore(%run_scoped3A : memref<!tpu.dma_semaphore, #tpu.memory_space<semaphore_mem>>) src(%dma_wait3A_33 : memref<40x128xi32, #tpu.memory_space<hbm>>) dst(%arg6 : memref<40x128xi32, #tpu.memory_space<vmem>>)
      tpu.yield
    }) : () -> ()
    %mul3A_5 = arith.constant 5120 : i32
    %mul3A_6 = arith.muli %add3A, %mul3A_5 : i32
    "tpu.region"() ({
      %run_scoped3A = tpu.sem_alloc : memref<!tpu.dma_semaphore, #tpu.memory_space<semaphore_mem>>
      %dma_start3A = arith.constant 0 : i32
      %dma_start3A_20 = tpu.memref_slice %arg2[%mul3A_6, %dma_start3A] : memref<163840x16xf32, #tpu.memory_space<hbm>> -> memref<5120x16xf32, #tpu.memory_space<hbm>>
      %dma_start3A_21 = arith.constant 0 : i32
      %dma_start3A_22 = tpu.memref_slice %arg2[%mul3A_6, %dma_start3A_21] : memref<163840x16xf32, #tpu.memory_space<hbm>> -> memref<5120x16xf32, #tpu.memory_space<hbm>>
      tpu.enqueue_dma source(%dma_start3A_22 : memref<5120x16xf32, #tpu.memory_space<hbm>>) target(%arg7 : memref<5120x16xf32, #tpu.memory_space<vmem>>) target_semaphore(%run_scoped3A : memref<!tpu.dma_semaphore, #tpu.memory_space<semaphore_mem>>)
      %dma_wait3A = arith.constant 0 : i32
      %dma_wait3A_23 = tpu.memref_slice %arg2[%mul3A_6, %dma_wait3A] : memref<163840x16xf32, #tpu.memory_space<hbm>> -> memref<5120x16xf32, #tpu.memory_space<hbm>>
      %dma_wait3A_24 = arith.constant 0 : i32
      %dma_wait3A_25 = tpu.memref_slice %arg2[%mul3A_6, %dma_wait3A_24] : memref<163840x16xf32, #tpu.memory_space<hbm>> -> memref<5120x16xf32, #tpu.memory_space<hbm>>
      tpu.wait_dma2 semaphore(%run_scoped3A : memref<!tpu.dma_semaphore, #tpu.memory_space<semaphore_mem>>) src(%dma_wait3A_25 : memref<5120x16xf32, #tpu.memory_space<hbm>>) dst(%arg7 : memref<5120x16xf32, #tpu.memory_space<vmem>>)
      tpu.yield
    }) : () -> ()
    %barrier3A = arith.constant 0 : index
    tpu.barrier barrier_id(%barrier3A)
    %scan3A = arith.constant 0 : i32
    %scan3A_7 = arith.constant 0 : i32
    %scan3A_8 = arith.constant 40 : i32
    %scan3A_9 = arith.addi %scan3A_7, %scan3A_8 : i32
    %scan3A_10 = arith.constant 1 : i32
    scf.for %scan3A_20 = %scan3A_7 to %scan3A_9 step %scan3A_10  : i32 {
      %mul3A_21 = arith.constant 128 : i32
      %mul3A_22 = arith.muli %scan3A_20, %mul3A_21 : i32
      "tpu.region"() ({
        %run_scoped3A = tpu.sem_alloc : memref<!tpu.dma_semaphore, #tpu.memory_space<semaphore_mem>>
        %dma_start3A = arith.constant 0 : i32
        %dma_start3A_23 = tpu.memref_slice %arg7[%mul3A_22, %dma_start3A] : memref<5120x16xf32, #tpu.memory_space<vmem>> -> memref<128x16xf32, #tpu.memory_space<vmem>>
        %dma_start3A_24 = arith.constant 0 : i32
        %dma_start3A_25 = tpu.memref_slice %arg6[%scan3A_20, %dma_start3A_24] : memref<40x128xi32, #tpu.memory_space<vmem>> -> memref<1x128xi32, #tpu.memory_space<vmem>>
        %dma_start3A_26 = tpu.memref_squeeze %dma_start3A_25 : memref<1x128xi32, #tpu.memory_space<vmem>> -> memref<128xi32, #tpu.memory_space<vmem>>
        %dma_start3A_27 = arith.constant 0 : i32
        %dma_start3A_28 = arith.constant 0 : i32
        %dma_start3A_29 = tpu.memref_slice %arg9[%dma_start3A_27, %dma_start3A_28] : memref<10016x16xf32, #tpu.memory_space<vmem_shared>> -> memref<10016x16xf32, #tpu.memory_space<vmem_shared>>
        tpu.enqueue_indirect_dma source(%dma_start3A_23 : memref<128x16xf32, #tpu.memory_space<vmem>>) target(%dma_start3A_29 : memref<10016x16xf32, #tpu.memory_space<vmem_shared>>) offsets(%dma_start3A_26 : memref<128xi32, #tpu.memory_space<vmem>>) semaphore(%run_scoped3A : memref<!tpu.dma_semaphore, #tpu.memory_space<semaphore_mem>>) {add = true}
        %dma_wait3A = arith.constant 0 : i32
        %dma_wait3A_30 = tpu.memref_slice %arg7[%mul3A_22, %dma_wait3A] : memref<5120x16xf32, #tpu.memory_space<vmem>> -> memref<128x16xf32, #tpu.memory_space<vmem>>
        %dma_wait3A_31 = arith.constant 0 : i32
        %dma_wait3A_32 = tpu.memref_slice %arg6[%scan3A_20, %dma_wait3A_31] : memref<40x128xi32, #tpu.memory_space<vmem>> -> memref<1x128xi32, #tpu.memory_space<vmem>>
        %dma_wait3A_33 = tpu.memref_squeeze %dma_wait3A_32 : memref<1x128xi32, #tpu.memory_space<vmem>> -> memref<128xi32, #tpu.memory_space<vmem>>
        %dma_wait3A_34 = arith.constant 0 : i32
        %dma_wait3A_35 = arith.constant 0 : i32
        %dma_wait3A_36 = tpu.memref_slice %arg9[%dma_wait3A_34, %dma_wait3A_35] : memref<10016x16xf32, #tpu.memory_space<vmem_shared>> -> memref<10016x16xf32, #tpu.memory_space<vmem_shared>>
        tpu.wait_indirect_dma semaphore(%run_scoped3A : memref<!tpu.dma_semaphore, #tpu.memory_space<semaphore_mem>>) src(%dma_wait3A_30 : memref<128x16xf32, #tpu.memory_space<vmem>>) dst(%dma_wait3A_36 : memref<10016x16xf32, #tpu.memory_space<vmem_shared>>)
        tpu.yield
      }) : () -> ()
    }
    %scan3A_11 = arith.constant 40 : i32
    %barrier3A_12 = arith.constant 0 : index
    tpu.barrier barrier_id(%barrier3A_12)
    %mul3A_13 = arith.constant 626 : i32
    %mul3A_14 = arith.muli %arg1, %mul3A_13 : i32
    "tpu.region"() ({
      %run_scoped3A = tpu.sem_alloc : memref<!tpu.dma_semaphore, #tpu.memory_space<semaphore_mem>>
      %dma_start3A = arith.constant 0 : i32
      %dma_start3A_20 = tpu.memref_slice %arg9[%mul3A_14, %dma_start3A] : memref<10016x16xf32, #tpu.memory_space<vmem_shared>> -> memref<626x16xf32, #tpu.memory_space<vmem_shared>>
      %dma_start3A_21 = arith.constant 0 : i32
      %dma_start3A_22 = tpu.memref_slice %arg9[%mul3A_14, %dma_start3A_21] : memref<10016x16xf32, #tpu.memory_space<vmem_shared>> -> memref<626x16xf32, #tpu.memory_space<vmem_shared>>
      tpu.enqueue_dma source(%dma_start3A_22 : memref<626x16xf32, #tpu.memory_space<vmem_shared>>) target(%arg8 : memref<626x16xf32, #tpu.memory_space<vmem>>) target_semaphore(%run_scoped3A : memref<!tpu.dma_semaphore, #tpu.memory_space<semaphore_mem>>)
      %dma_wait3A = arith.constant 0 : i32
      %dma_wait3A_23 = tpu.memref_slice %arg9[%mul3A_14, %dma_wait3A] : memref<10016x16xf32, #tpu.memory_space<vmem_shared>> -> memref<626x16xf32, #tpu.memory_space<vmem_shared>>
      %dma_wait3A_24 = arith.constant 0 : i32
      %dma_wait3A_25 = tpu.memref_slice %arg9[%mul3A_14, %dma_wait3A_24] : memref<10016x16xf32, #tpu.memory_space<vmem_shared>> -> memref<626x16xf32, #tpu.memory_space<vmem_shared>>
      tpu.wait_dma2 semaphore(%run_scoped3A : memref<!tpu.dma_semaphore, #tpu.memory_space<semaphore_mem>>) src(%dma_wait3A_25 : memref<626x16xf32, #tpu.memory_space<vmem_shared>>) dst(%arg8 : memref<626x16xf32, #tpu.memory_space<vmem>>)
      tpu.yield
    }) : () -> ()
    %mul3A_15 = arith.constant 10016 : i32
    %mul3A_16 = arith.muli %arg0, %mul3A_15 : i32
    %mul3A_17 = arith.constant 626 : i32
    %mul3A_18 = arith.muli %arg1, %mul3A_17 : i32
    %add3A_19 = arith.addi %mul3A_16, %mul3A_18 : i32
    "tpu.region"() ({
      %run_scoped3A = tpu.sem_alloc : memref<!tpu.dma_semaphore, #tpu.memory_space<semaphore_mem>>
      %dma_start3A = arith.constant 0 : i32
      %dma_start3A_20 = tpu.memref_slice %arg5[%add3A_19, %dma_start3A] : memref<20032x16xf32, #tpu.memory_space<hbm>> -> memref<626x16xf32, #tpu.memory_space<hbm>>
      %dma_start3A_21 = arith.constant 0 : i32
      %dma_start3A_22 = tpu.memref_slice %arg5[%add3A_19, %dma_start3A_21] : memref<20032x16xf32, #tpu.memory_space<hbm>> -> memref<626x16xf32, #tpu.memory_space<hbm>>
      tpu.enqueue_dma source(%arg8 : memref<626x16xf32, #tpu.memory_space<vmem>>) target(%dma_start3A_22 : memref<626x16xf32, #tpu.memory_space<hbm>>) target_semaphore(%run_scoped3A : memref<!tpu.dma_semaphore, #tpu.memory_space<semaphore_mem>>)
      %dma_wait3A = arith.constant 0 : i32
      %dma_wait3A_23 = tpu.memref_slice %arg5[%add3A_19, %dma_wait3A] : memref<20032x16xf32, #tpu.memory_space<hbm>> -> memref<626x16xf32, #tpu.memory_space<hbm>>
      %dma_wait3A_24 = arith.constant 0 : i32
      %dma_wait3A_25 = tpu.memref_slice %arg5[%add3A_19, %dma_wait3A_24] : memref<20032x16xf32, #tpu.memory_space<hbm>> -> memref<626x16xf32, #tpu.memory_space<hbm>>
      tpu.wait_dma2 semaphore(%run_scoped3A : memref<!tpu.dma_semaphore, #tpu.memory_space<semaphore_mem>>) src(%arg8 : memref<626x16xf32, #tpu.memory_space<vmem>>) dst(%dma_wait3A_25 : memref<626x16xf32, #tpu.memory_space<hbm>>)
      tpu.yield
    }) : () -> ()
    return
  }
}

module attributes {stable_mosaic.version = 14 : i64} {
  func.func @body(%arg0: memref<10016x128xf32, #tpu.memory_space<vmem>>, %arg1: memref<128x16xf32, #tpu.memory_space<vmem>>, %arg2: memref<1x16xf32, #tpu.memory_space<vmem>>, %arg3: memref<10016x16xf32, #tpu.memory_space<vmem>>) attributes {dimension_semantics = [], scalar_prefetch = 0 : i64, scratch_operands = 0 : i64, tpu.core_type = #tpu.core_type<tc>} {
    %get3A = arith.constant 0 : index
    %get3A_0 = arith.constant 0 : index
    %get3A_1 = vector.load %arg0[%get3A, %get3A_0] : memref<10016x128xf32, #tpu.memory_space<vmem>>, vector<10016x128xf32>
    %get3A_2 = arith.constant 0 : index
    %get3A_3 = arith.constant 0 : index
    %get3A_4 = vector.load %arg1[%get3A_2, %get3A_3] : memref<128x16xf32, #tpu.memory_space<vmem>>, vector<128x16xf32>
    %dot_general3A = arith.constant dense<0.000000e+00> : vector<10016x16xf32>
    %dot_general3A_5 = tpu.matmul %get3A_1, %get3A_4, %dot_general3A {dimension_numbers = #tpu.dot_dimension_numbers<[1], [0], [0], [1], [0, 0, 1, 1], [], []>, transpose_lhs_hint = false} : vector<10016x128xf32>, vector<128x16xf32>, vector<10016x16xf32> -> vector<10016x16xf32>
    %get3A_6 = arith.constant 0 : index
    %get3A_7 = arith.constant 0 : index
    %get3A_8 = vector.load %arg2[%get3A_6, %get3A_7] : memref<1x16xf32, #tpu.memory_space<vmem>>, vector<1x16xf32>
    %add3A = vector.broadcast %get3A_8 : vector<1x16xf32> to vector<10016x16xf32>
    %add3A_9 = arith.addf %dot_general3A_5, %add3A : vector<10016x16xf32>
    %max3A = arith.constant 0.000000e+00 : f32
    %max3A_10 = vector.broadcast %max3A : f32 to vector<10016x16xf32>
    %max3A_11 = arith.maximumf %add3A_9, %max3A_10 : vector<10016x16xf32>
    %swap3A = arith.constant 0 : index
    %swap3A_12 = arith.constant 0 : index
    %swap3A_13 = vector.load %arg3[%swap3A, %swap3A_12] : memref<10016x16xf32, #tpu.memory_space<vmem>>, vector<10016x16xf32>
    tpu.vector_store %arg3[%swap3A, %swap3A_12], %max3A_11 {strides = array<i32>} : memref<10016x16xf32, #tpu.memory_space<vmem>>, vector<10016x16xf32>,
    return
  }
}

module attributes {stable_mosaic.version = 14 : i64} {
  func.func @body(%arg0: i32, %arg1: memref<1024x128xf32, #tpu.memory_space<vmem>>, %arg2: memref<1024x128xf32, #tpu.memory_space<vmem>>, %arg3: memref<16x32xf32, #tpu.memory_space<vmem>>, %arg4: memref<1x32xf32, #tpu.memory_space<vmem>>, %arg5: memref<32x256xf32, #tpu.memory_space<vmem>>, %arg6: memref<1x256xf32, #tpu.memory_space<vmem>>, %arg7: memref<16x256xf32, #tpu.memory_space<vmem>>, %arg8: memref<256x16xf32, #tpu.memory_space<vmem>>, %arg9: memref<1024x128xf32, #tpu.memory_space<vmem>>) attributes {dimension_semantics = [#tpu.dimension_semantics<arbitrary>], iteration_bounds = array<i64: 20>, scalar_prefetch = 0 : i64, scratch_operands = 0 : i64, tpu.core_type = #tpu.core_type<tc>, window_params = [{transform_indices = @transform_0, window_bounds = array<i64: 1024, 128>}, {transform_indices = @transform_1, window_bounds = array<i64: 1024, 128>}, {pipeline_mode = #tpu.pipeline_mode<synchronous>, transform_indices = @transform_2, window_bounds = array<i64: 16, 32>}, {pipeline_mode = #tpu.pipeline_mode<synchronous>, transform_indices = @transform_3, window_bounds = array<i64: 1, 32>}, {pipeline_mode = #tpu.pipeline_mode<synchronous>, transform_indices = @transform_4, window_bounds = array<i64: 32, 256>}, {pipeline_mode = #tpu.pipeline_mode<synchronous>, transform_indices = @transform_5, window_bounds = array<i64: 1, 256>}, {pipeline_mode = #tpu.pipeline_mode<synchronous>, transform_indices = @transform_6, window_bounds = array<i64: 16, 256>}, {pipeline_mode = #tpu.pipeline_mode<synchronous>, transform_indices = @transform_7, window_bounds = array<i64: 256, 16>}, {transform_indices = @transform_8, window_bounds = array<i64: 1024, 128>}]} {
    %get3A = arith.constant 0 : index
    %get3A_0 = arith.constant 0 : index
    %get3A_1 = vector.load %arg1[%get3A, %get3A_0] : memref<1024x128xf32, #tpu.memory_space<vmem>>, vector<1024x128xf32>
    %get3A_2 = arith.constant 0 : index
    %get3A_3 = arith.constant 0 : index
    %get3A_4 = vector.load %arg2[%get3A_2, %get3A_3] : memref<1024x128xf32, #tpu.memory_space<vmem>>, vector<1024x128xf32>
    %slice3A = vector.extract_strided_slice %get3A_1 {offsets = [0, 0], sizes = [1024, 16], strides = [1, 1]} : vector<1024x128xf32> to vector<1024x16xf32>
    %slice3A_5 = vector.extract_strided_slice %get3A_1 {offsets = [0, 16], sizes = [1024, 16], strides = [1, 1]} : vector<1024x128xf32> to vector<1024x16xf32>
    %slice3A_6 = vector.extract_strided_slice %get3A_1 {offsets = [0, 32], sizes = [1024, 16], strides = [1, 1]} : vector<1024x128xf32> to vector<1024x16xf32>
    %slice3A_7 = vector.extract_strided_slice %get3A_1 {offsets = [0, 48], sizes = [1024, 16], strides = [1, 1]} : vector<1024x128xf32> to vector<1024x16xf32>
    %slice3A_8 = vector.extract_strided_slice %get3A_1 {offsets = [0, 64], sizes = [1024, 16], strides = [1, 1]} : vector<1024x128xf32> to vector<1024x16xf32>
    %slice3A_9 = vector.extract_strided_slice %get3A_1 {offsets = [0, 80], sizes = [1024, 16], strides = [1, 1]} : vector<1024x128xf32> to vector<1024x16xf32>
    %slice3A_10 = vector.extract_strided_slice %get3A_1 {offsets = [0, 96], sizes = [1024, 16], strides = [1, 1]} : vector<1024x128xf32> to vector<1024x16xf32>
    %slice3A_11 = vector.extract_strided_slice %get3A_1 {offsets = [0, 112], sizes = [1024, 16], strides = [1, 1]} : vector<1024x128xf32> to vector<1024x16xf32>
    %concatenate3A = tpu.concatenate %slice3A, %slice3A_5, %slice3A_6, %slice3A_7, %slice3A_8, %slice3A_9, %slice3A_10, %slice3A_11 in 0 : vector<1024x16xf32>, vector<1024x16xf32>, vector<1024x16xf32>, vector<1024x16xf32>, vector<1024x16xf32>, vector<1024x16xf32>, vector<1024x16xf32>, vector<1024x16xf32> -> vector<8192x16xf32>
    %slice3A_12 = vector.extract_strided_slice %get3A_4 {offsets = [0, 0], sizes = [1024, 16], strides = [1, 1]} : vector<1024x128xf32> to vector<1024x16xf32>
    %slice3A_13 = vector.extract_strided_slice %get3A_4 {offsets = [0, 16], sizes = [1024, 16], strides = [1, 1]} : vector<1024x128xf32> to vector<1024x16xf32>
    %slice3A_14 = vector.extract_strided_slice %get3A_4 {offsets = [0, 32], sizes = [1024, 16], strides = [1, 1]} : vector<1024x128xf32> to vector<1024x16xf32>
    %slice3A_15 = vector.extract_strided_slice %get3A_4 {offsets = [0, 48], sizes = [1024, 16], strides = [1, 1]} : vector<1024x128xf32> to vector<1024x16xf32>
    %slice3A_16 = vector.extract_strided_slice %get3A_4 {offsets = [0, 64], sizes = [1024, 16], strides = [1, 1]} : vector<1024x128xf32> to vector<1024x16xf32>
    %slice3A_17 = vector.extract_strided_slice %get3A_4 {offsets = [0, 80], sizes = [1024, 16], strides = [1, 1]} : vector<1024x128xf32> to vector<1024x16xf32>
    %slice3A_18 = vector.extract_strided_slice %get3A_4 {offsets = [0, 96], sizes = [1024, 16], strides = [1, 1]} : vector<1024x128xf32> to vector<1024x16xf32>
    %slice3A_19 = vector.extract_strided_slice %get3A_4 {offsets = [0, 112], sizes = [1024, 16], strides = [1, 1]} : vector<1024x128xf32> to vector<1024x16xf32>
    %concatenate3A_20 = tpu.concatenate %slice3A_12, %slice3A_13, %slice3A_14, %slice3A_15, %slice3A_16, %slice3A_17, %slice3A_18, %slice3A_19 in 0 : vector<1024x16xf32>, vector<1024x16xf32>, vector<1024x16xf32>, vector<1024x16xf32>, vector<1024x16xf32>, vector<1024x16xf32>, vector<1024x16xf32>, vector<1024x16xf32> -> vector<8192x16xf32>
    %get3A_21 = arith.constant 0 : index
    %get3A_22 = arith.constant 0 : index
    %get3A_23 = vector.load %arg3[%get3A_21, %get3A_22] : memref<16x32xf32, #tpu.memory_space<vmem>>, vector<16x32xf32>
    %dot_general3A = arith.constant dense<0.000000e+00> : vector<8192x32xf32>
    %dot_general3A_24 = tpu.matmul %concatenate3A, %get3A_23, %dot_general3A {dimension_numbers = #tpu.dot_dimension_numbers<[1], [0], [0], [1], [0, 0, 1, 1], [], []>, transpose_lhs_hint = false} : vector<8192x16xf32>, vector<16x32xf32>, vector<8192x32xf32> -> vector<8192x32xf32>
    %get3A_25 = arith.constant 0 : index
    %get3A_26 = arith.constant 0 : index
    %get3A_27 = vector.load %arg4[%get3A_25, %get3A_26] : memref<1x32xf32, #tpu.memory_space<vmem>>, vector<1x32xf32>
    %add3A = vector.broadcast %get3A_27 : vector<1x32xf32> to vector<8192x32xf32>
    %add3A_28 = arith.addf %dot_general3A_24, %add3A : vector<8192x32xf32>
    %max3A = arith.constant 0.000000e+00 : f32
    %max3A_29 = vector.broadcast %max3A : f32 to vector<8192x32xf32>
    %max3A_30 = arith.maximumf %add3A_28, %max3A_29 : vector<8192x32xf32>
    %get3A_31 = arith.constant 0 : index
    %get3A_32 = arith.constant 0 : index
    %get3A_33 = vector.load %arg5[%get3A_31, %get3A_32] : memref<32x256xf32, #tpu.memory_space<vmem>>, vector<32x256xf32>
    %dot_general3A_34 = arith.constant dense<0.000000e+00> : vector<8192x256xf32>
    %dot_general3A_35 = tpu.matmul %max3A_30, %get3A_33, %dot_general3A_34 {dimension_numbers = #tpu.dot_dimension_numbers<[1], [0], [0], [1], [0, 0, 1, 1], [], []>, transpose_lhs_hint = false} : vector<8192x32xf32>, vector<32x256xf32>, vector<8192x256xf32> -> vector<8192x256xf32>
    %get3A_36 = arith.constant 0 : index
    %get3A_37 = arith.constant 0 : index
    %get3A_38 = vector.load %arg6[%get3A_36, %get3A_37] : memref<1x256xf32, #tpu.memory_space<vmem>>, vector<1x256xf32>
    %add3A_39 = vector.broadcast %get3A_38 : vector<1x256xf32> to vector<8192x256xf32>
    %add3A_40 = arith.addf %dot_general3A_35, %add3A_39 : vector<8192x256xf32>
    %get3A_41 = arith.constant 0 : index
    %get3A_42 = arith.constant 0 : index
    %get3A_43 = vector.load %arg7[%get3A_41, %get3A_42] : memref<16x256xf32, #tpu.memory_space<vmem>>, vector<16x256xf32>
    %dot_general3A_44 = arith.constant dense<0.000000e+00> : vector<8192x256xf32>
    %dot_general3A_45 = tpu.matmul %concatenate3A_20, %get3A_43, %dot_general3A_44 {dimension_numbers = #tpu.dot_dimension_numbers<[1], [0], [0], [1], [0, 0, 1, 1], [], []>, transpose_lhs_hint = false} : vector<8192x16xf32>, vector<16x256xf32>, vector<8192x256xf32> -> vector<8192x256xf32>
    %mul3A = arith.mulf %add3A_40, %dot_general3A_45 : vector<8192x256xf32>
    %get3A_46 = arith.constant 0 : index
    %get3A_47 = arith.constant 0 : index
    %get3A_48 = vector.load %arg8[%get3A_46, %get3A_47] : memref<256x16xf32, #tpu.memory_space<vmem>>, vector<256x16xf32>
    %dot_general3A_49 = arith.constant dense<0.000000e+00> : vector<8192x16xf32>
    %dot_general3A_50 = tpu.matmul %mul3A, %get3A_48, %dot_general3A_49 {dimension_numbers = #tpu.dot_dimension_numbers<[1], [0], [0], [1], [0, 0, 1, 1], [], []>, transpose_lhs_hint = false} : vector<8192x256xf32>, vector<256x16xf32>, vector<8192x16xf32> -> vector<8192x16xf32>
    %slice3A_51 = vector.extract_strided_slice %dot_general3A_50 {offsets = [0, 0], sizes = [1024, 16], strides = [1, 1]} : vector<8192x16xf32> to vector<1024x16xf32>
    %slice3A_52 = vector.extract_strided_slice %dot_general3A_50 {offsets = [1024, 0], sizes = [1024, 16], strides = [1, 1]} : vector<8192x16xf32> to vector<1024x16xf32>
    %slice3A_53 = vector.extract_strided_slice %dot_general3A_50 {offsets = [2048, 0], sizes = [1024, 16], strides = [1, 1]} : vector<8192x16xf32> to vector<1024x16xf32>
    %slice3A_54 = vector.extract_strided_slice %dot_general3A_50 {offsets = [3072, 0], sizes = [1024, 16], strides = [1, 1]} : vector<8192x16xf32> to vector<1024x16xf32>
    %slice3A_55 = vector.extract_strided_slice %dot_general3A_50 {offsets = [4096, 0], sizes = [1024, 16], strides = [1, 1]} : vector<8192x16xf32> to vector<1024x16xf32>
    %slice3A_56 = vector.extract_strided_slice %dot_general3A_50 {offsets = [5120, 0], sizes = [1024, 16], strides = [1, 1]} : vector<8192x16xf32> to vector<1024x16xf32>
    %slice3A_57 = vector.extract_strided_slice %dot_general3A_50 {offsets = [6144, 0], sizes = [1024, 16], strides = [1, 1]} : vector<8192x16xf32> to vector<1024x16xf32>
    %slice3A_58 = vector.extract_strided_slice %dot_general3A_50 {offsets = [7168, 0], sizes = [1024, 16], strides = [1, 1]} : vector<8192x16xf32> to vector<1024x16xf32>
    %concatenate3A_59 = tpu.concatenate %slice3A_51, %slice3A_52, %slice3A_53, %slice3A_54, %slice3A_55, %slice3A_56, %slice3A_57, %slice3A_58 in 1 : vector<1024x16xf32>, vector<1024x16xf32>, vector<1024x16xf32>, vector<1024x16xf32>, vector<1024x16xf32>, vector<1024x16xf32>, vector<1024x16xf32>, vector<1024x16xf32> -> vector<1024x128xf32>
    %swap3A = arith.constant 0 : index
    %swap3A_60 = arith.constant 0 : index
    %swap3A_61 = vector.load %arg9[%swap3A, %swap3A_60] : memref<1024x128xf32, #tpu.memory_space<vmem>>, vector<1024x128xf32>
    tpu.vector_store %arg9[%swap3A, %swap3A_60], %concatenate3A_59 {strides = array<i32>} : memref<1024x128xf32, #tpu.memory_space<vmem>>, vector<1024x128xf32>,
    return
  }
  func.func @transform_0(%arg0: i32) -> (i32, i32) {
    %c0_i32 = arith.constant 0 : i32
    %c0_i32_0 = arith.constant 0 : i32
    return %arg0, %c0_i32 : i32, i32
  }
  func.func @transform_1(%arg0: i32) -> (i32, i32) {
    %c0_i32 = arith.constant 0 : i32
    %c0_i32_0 = arith.constant 0 : i32
    return %arg0, %c0_i32 : i32, i32
  }
  func.func @transform_2(%arg0: i32) -> (i32, i32) {
    %c0_i32 = arith.constant 0 : i32
    %c0_i32_0 = arith.constant 0 : i32
    %c0_i32_1 = arith.constant 0 : i32
    return %c0_i32, %c0_i32_0 : i32, i32
  }
  func.func @transform_3(%arg0: i32) -> (i32, i32) {
    %c0_i32 = arith.constant 0 : i32
    %c0_i32_0 = arith.constant 0 : i32
    %c0_i32_1 = arith.constant 0 : i32
    return %c0_i32, %c0_i32_0 : i32, i32
  }
  func.func @transform_4(%arg0: i32) -> (i32, i32) {
    %c0_i32 = arith.constant 0 : i32
    %c0_i32_0 = arith.constant 0 : i32
    %c0_i32_1 = arith.constant 0 : i32
    return %c0_i32, %c0_i32_0 : i32, i32
  }
  func.func @transform_5(%arg0: i32) -> (i32, i32) {
    %c0_i32 = arith.constant 0 : i32
    %c0_i32_0 = arith.constant 0 : i32
    %c0_i32_1 = arith.constant 0 : i32
    return %c0_i32, %c0_i32_0 : i32, i32
  }
  func.func @transform_6(%arg0: i32) -> (i32, i32) {
    %c0_i32 = arith.constant 0 : i32
    %c0_i32_0 = arith.constant 0 : i32
    %c0_i32_1 = arith.constant 0 : i32
    return %c0_i32, %c0_i32_0 : i32, i32
  }
  func.func @transform_7(%arg0: i32) -> (i32, i32) {
    %c0_i32 = arith.constant 0 : i32
    %c0_i32_0 = arith.constant 0 : i32
    %c0_i32_1 = arith.constant 0 : i32
    return %c0_i32, %c0_i32_0 : i32, i32
  }
  func.func @transform_8(%arg0: i32) -> (i32, i32) {
    %c0_i32 = arith.constant 0 : i32
    %c0_i32_0 = arith.constant 0 : i32
    return %arg0, %c0_i32 : i32, i32
  }
}

module attributes {stable_mosaic.version = 14 : i64} {
  func.func @body(%arg0: memref<2504x128xf32, #tpu.memory_space<vmem>>, %arg1: memref<2504x128xf32, #tpu.memory_space<vmem>>, %arg2: memref<1252x128xf32, #tpu.memory_space<vmem>>, %arg3: memref<16x16xf32, #tpu.memory_space<vmem>>, %arg4: memref<1x16xf32, #tpu.memory_space<vmem>>, %arg5: memref<16x48xf32, #tpu.memory_space<vmem>>, %arg6: memref<16x48xf32, #tpu.memory_space<vmem>>, %arg7: memref<1x48xf32, #tpu.memory_space<vmem>>, %arg8: memref<1x48xf32, #tpu.memory_space<vmem>>, %arg9: memref<1252x128xf32, #tpu.memory_space<vmem>>) attributes {dimension_semantics = [], scalar_prefetch = 0 : i64, scratch_operands = 0 : i64, tpu.core_type = #tpu.core_type<tc>} {
    %get3A = arith.constant 0 : index
    %get3A_0 = arith.constant 0 : index
    %get3A_1 = vector.load %arg0[%get3A, %get3A_0] : memref<2504x128xf32, #tpu.memory_space<vmem>>, vector<2504x128xf32>
    %get3A_2 = arith.constant 0 : index
    %get3A_3 = arith.constant 0 : index
    %get3A_4 = vector.load %arg1[%get3A_2, %get3A_3] : memref<2504x128xf32, #tpu.memory_space<vmem>>, vector<2504x128xf32>
    %get3A_5 = arith.constant 0 : index
    %get3A_6 = arith.constant 0 : index
    %get3A_7 = vector.load %arg2[%get3A_5, %get3A_6] : memref<1252x128xf32, #tpu.memory_space<vmem>>, vector<1252x128xf32>
    %slice3A = vector.extract_strided_slice %get3A_1 {offsets = [0, 0], sizes = [1252, 128], strides = [1, 1]} : vector<2504x128xf32> to vector<1252x128xf32>
    %slice3A_8 = vector.extract_strided_slice %slice3A {offsets = [0, 0], sizes = [1252, 16], strides = [1, 1]} : vector<1252x128xf32> to vector<1252x16xf32>
    %slice3A_9 = vector.extract_strided_slice %get3A_1 {offsets = [1252, 0], sizes = [1252, 128], strides = [1, 1]} : vector<2504x128xf32> to vector<1252x128xf32>
    %slice3A_10 = vector.extract_strided_slice %slice3A_9 {offsets = [0, 0], sizes = [1252, 16], strides = [1, 1]} : vector<1252x128xf32> to vector<1252x16xf32>
    %slice3A_11 = vector.extract_strided_slice %get3A_4 {offsets = [0, 0], sizes = [1252, 128], strides = [1, 1]} : vector<2504x128xf32> to vector<1252x128xf32>
    %slice3A_12 = vector.extract_strided_slice %slice3A_11 {offsets = [0, 0], sizes = [1252, 16], strides = [1, 1]} : vector<1252x128xf32> to vector<1252x16xf32>
    %slice3A_13 = vector.extract_strided_slice %get3A_4 {offsets = [1252, 0], sizes = [1252, 128], strides = [1, 1]} : vector<2504x128xf32> to vector<1252x128xf32>
    %slice3A_14 = vector.extract_strided_slice %slice3A_13 {offsets = [0, 0], sizes = [1252, 16], strides = [1, 1]} : vector<1252x128xf32> to vector<1252x16xf32>
    %slice3A_15 = vector.extract_strided_slice %get3A_7 {offsets = [0, 0], sizes = [1252, 16], strides = [1, 1]} : vector<1252x128xf32> to vector<1252x16xf32>
    %add3A = arith.addf %slice3A_12, %slice3A_14 : vector<1252x16xf32>
    %max3A = arith.constant 1.000000e+00 : f32
    %max3A_16 = vector.broadcast %max3A : f32 to vector<1252x16xf32>
    %max3A_17 = arith.maximumf %add3A, %max3A_16 : vector<1252x16xf32>
    %div3A = arith.constant 1.000000e+00 : f32
    %div3A_18 = vector.broadcast %div3A : f32 to vector<1252x16xf32>
    %div3A_19 = arith.divf %div3A_18, %max3A_17 : vector<1252x16xf32>
    %add3A_20 = arith.addf %slice3A_8, %slice3A_10 : vector<1252x16xf32>
    %mul3A = arith.mulf %add3A_20, %div3A_19 : vector<1252x16xf32>
    %get3A_21 = arith.constant 0 : index
    %get3A_22 = arith.constant 0 : index
    %get3A_23 = vector.load %arg3[%get3A_21, %get3A_22] : memref<16x16xf32, #tpu.memory_space<vmem>>, vector<16x16xf32>
    %dot_general3A = arith.constant dense<0.000000e+00> : vector<1252x16xf32>
    %dot_general3A_24 = tpu.matmul %slice3A_15, %get3A_23, %dot_general3A {dimension_numbers = #tpu.dot_dimension_numbers<[1], [0], [0], [1], [0, 0, 1, 1], [], []>, transpose_lhs_hint = false} : vector<1252x16xf32>, vector<16x16xf32>, vector<1252x16xf32> -> vector<1252x16xf32>
    %add3A_25 = arith.addf %mul3A, %dot_general3A_24 : vector<1252x16xf32>
    %get3A_26 = arith.constant 0 : index
    %get3A_27 = arith.constant 0 : index
    %get3A_28 = vector.load %arg4[%get3A_26, %get3A_27] : memref<1x16xf32, #tpu.memory_space<vmem>>, vector<1x16xf32>
    %add3A_29 = vector.broadcast %get3A_28 : vector<1x16xf32> to vector<1252x16xf32>
    %add3A_30 = arith.addf %add3A_25, %add3A_29 : vector<1252x16xf32>
    %max3A_31 = arith.constant 0.000000e+00 : f32
    %max3A_32 = vector.broadcast %max3A_31 : f32 to vector<1252x16xf32>
    %max3A_33 = arith.maximumf %add3A_30, %max3A_32 : vector<1252x16xf32>
    %get3A_34 = arith.constant 0 : index
    %get3A_35 = arith.constant 0 : index
    %get3A_36 = vector.load %arg5[%get3A_34, %get3A_35] : memref<16x48xf32, #tpu.memory_space<vmem>>, vector<16x48xf32>
    %dot_general3A_37 = arith.constant dense<0.000000e+00> : vector<1252x48xf32>
    %dot_general3A_38 = tpu.matmul %max3A_33, %get3A_36, %dot_general3A_37 {dimension_numbers = #tpu.dot_dimension_numbers<[1], [0], [0], [1], [0, 0, 1, 1], [], []>, transpose_lhs_hint = false} : vector<1252x16xf32>, vector<16x48xf32>, vector<1252x48xf32> -> vector<1252x48xf32>
    %get3A_39 = arith.constant 0 : index
    %get3A_40 = arith.constant 0 : index
    %get3A_41 = vector.load %arg7[%get3A_39, %get3A_40] : memref<1x48xf32, #tpu.memory_space<vmem>>, vector<1x48xf32>
    %add3A_42 = vector.broadcast %get3A_41 : vector<1x48xf32> to vector<1252x48xf32>
    %add3A_43 = arith.addf %dot_general3A_38, %add3A_42 : vector<1252x48xf32>
    %get3A_44 = arith.constant 0 : index
    %get3A_45 = arith.constant 0 : index
    %get3A_46 = vector.load %arg6[%get3A_44, %get3A_45] : memref<16x48xf32, #tpu.memory_space<vmem>>, vector<16x48xf32>
    %dot_general3A_47 = arith.constant dense<0.000000e+00> : vector<1252x48xf32>
    %dot_general3A_48 = tpu.matmul %slice3A_15, %get3A_46, %dot_general3A_47 {dimension_numbers = #tpu.dot_dimension_numbers<[1], [0], [0], [1], [0, 0, 1, 1], [], []>, transpose_lhs_hint = false} : vector<1252x16xf32>, vector<16x48xf32>, vector<1252x48xf32> -> vector<1252x48xf32>
    %get3A_49 = arith.constant 0 : index
    %get3A_50 = arith.constant 0 : index
    %get3A_51 = vector.load %arg8[%get3A_49, %get3A_50] : memref<1x48xf32, #tpu.memory_space<vmem>>, vector<1x48xf32>
    %add3A_52 = vector.broadcast %get3A_51 : vector<1x48xf32> to vector<1252x48xf32>
    %add3A_53 = arith.addf %dot_general3A_48, %add3A_52 : vector<1252x48xf32>
    %slice3A_54 = vector.extract_strided_slice %add3A_43 {offsets = [0, 0], sizes = [1252, 16], strides = [1, 1]} : vector<1252x48xf32> to vector<1252x16xf32>
    %slice3A_55 = vector.extract_strided_slice %add3A_53 {offsets = [0, 0], sizes = [1252, 16], strides = [1, 1]} : vector<1252x48xf32> to vector<1252x16xf32>
    %add3A_56 = arith.addf %slice3A_54, %slice3A_55 : vector<1252x16xf32>
    %logistic3A = arith.negf %add3A_56 : vector<1252x16xf32>
    %logistic3A_57 = math.exp %logistic3A : vector<1252x16xf32>
    %logistic3A_58 = arith.constant 1.000000e+00 : f32
    %logistic3A_59 = vector.broadcast %logistic3A_58 : f32 to vector<1252x16xf32>
    %logistic3A_60 = arith.addf %logistic3A_59, %logistic3A_57 : vector<1252x16xf32>
    %logistic3A_61 = arith.divf %logistic3A_59, %logistic3A_60 : vector<1252x16xf32>
    %slice3A_62 = vector.extract_strided_slice %add3A_43 {offsets = [0, 16], sizes = [1252, 16], strides = [1, 1]} : vector<1252x48xf32> to vector<1252x16xf32>
    %slice3A_63 = vector.extract_strided_slice %add3A_53 {offsets = [0, 16], sizes = [1252, 16], strides = [1, 1]} : vector<1252x48xf32> to vector<1252x16xf32>
    %add3A_64 = arith.addf %slice3A_62, %slice3A_63 : vector<1252x16xf32>
    %logistic3A_65 = arith.negf %add3A_64 : vector<1252x16xf32>
    %logistic3A_66 = math.exp %logistic3A_65 : vector<1252x16xf32>
    %logistic3A_67 = arith.constant 1.000000e+00 : f32
    %logistic3A_68 = vector.broadcast %logistic3A_67 : f32 to vector<1252x16xf32>
    %logistic3A_69 = arith.addf %logistic3A_68, %logistic3A_66 : vector<1252x16xf32>
    %logistic3A_70 = arith.divf %logistic3A_68, %logistic3A_69 : vector<1252x16xf32>
    %slice3A_71 = vector.extract_strided_slice %add3A_43 {offsets = [0, 32], sizes = [1252, 16], strides = [1, 1]} : vector<1252x48xf32> to vector<1252x16xf32>
    %slice3A_72 = vector.extract_strided_slice %add3A_53 {offsets = [0, 32], sizes = [1252, 16], strides = [1, 1]} : vector<1252x48xf32> to vector<1252x16xf32>
    %mul3A_73 = arith.mulf %logistic3A_61, %slice3A_72 : vector<1252x16xf32>
    %add3A_74 = arith.addf %slice3A_71, %mul3A_73 : vector<1252x16xf32>
    %tanh3A = math.tanh %add3A_74 : vector<1252x16xf32>
    %sub3A = arith.constant 1.000000e+00 : f32
    %sub3A_75 = vector.broadcast %sub3A : f32 to vector<1252x16xf32>
    %sub3A_76 = arith.subf %sub3A_75, %logistic3A_70 : vector<1252x16xf32>
    %mul3A_77 = arith.mulf %sub3A_76, %tanh3A : vector<1252x16xf32>
    %mul3A_78 = arith.mulf %logistic3A_70, %slice3A_15 : vector<1252x16xf32>
    %add3A_79 = arith.addf %mul3A_77, %mul3A_78 : vector<1252x16xf32>
    %slice3A_80 = vector.extract_strided_slice %get3A_1 {offsets = [0, 0], sizes = [1252, 128], strides = [1, 1]} : vector<2504x128xf32> to vector<1252x128xf32>
    %slice3A_81 = vector.extract_strided_slice %slice3A_80 {offsets = [0, 16], sizes = [1252, 16], strides = [1, 1]} : vector<1252x128xf32> to vector<1252x16xf32>
    %slice3A_82 = vector.extract_strided_slice %get3A_1 {offsets = [1252, 0], sizes = [1252, 128], strides = [1, 1]} : vector<2504x128xf32> to vector<1252x128xf32>
    %slice3A_83 = vector.extract_strided_slice %slice3A_82 {offsets = [0, 16], sizes = [1252, 16], strides = [1, 1]} : vector<1252x128xf32> to vector<1252x16xf32>
    %slice3A_84 = vector.extract_strided_slice %get3A_4 {offsets = [0, 0], sizes = [1252, 128], strides = [1, 1]} : vector<2504x128xf32> to vector<1252x128xf32>
    %slice3A_85 = vector.extract_strided_slice %slice3A_84 {offsets = [0, 16], sizes = [1252, 16], strides = [1, 1]} : vector<1252x128xf32> to vector<1252x16xf32>
    %slice3A_86 = vector.extract_strided_slice %get3A_4 {offsets = [1252, 0], sizes = [1252, 128], strides = [1, 1]} : vector<2504x128xf32> to vector<1252x128xf32>
    %slice3A_87 = vector.extract_strided_slice %slice3A_86 {offsets = [0, 16], sizes = [1252, 16], strides = [1, 1]} : vector<1252x128xf32> to vector<1252x16xf32>
    %slice3A_88 = vector.extract_strided_slice %get3A_7 {offsets = [0, 16], sizes = [1252, 16], strides = [1, 1]} : vector<1252x128xf32> to vector<1252x16xf32>
    %add3A_89 = arith.addf %slice3A_85, %slice3A_87 : vector<1252x16xf32>
    %max3A_90 = arith.constant 1.000000e+00 : f32
    %max3A_91 = vector.broadcast %max3A_90 : f32 to vector<1252x16xf32>
    %max3A_92 = arith.maximumf %add3A_89, %max3A_91 : vector<1252x16xf32>
    %div3A_93 = arith.constant 1.000000e+00 : f32
    %div3A_94 = vector.broadcast %div3A_93 : f32 to vector<1252x16xf32>
    %div3A_95 = arith.divf %div3A_94, %max3A_92 : vector<1252x16xf32>
    %add3A_96 = arith.addf %slice3A_81, %slice3A_83 : vector<1252x16xf32>
    %mul3A_97 = arith.mulf %add3A_96, %div3A_95 : vector<1252x16xf32>
    %get3A_98 = arith.constant 0 : index
    %get3A_99 = arith.constant 0 : index
    %get3A_100 = vector.load %arg3[%get3A_98, %get3A_99] : memref<16x16xf32, #tpu.memory_space<vmem>>, vector<16x16xf32>
    %dot_general3A_101 = arith.constant dense<0.000000e+00> : vector<1252x16xf32>
    %dot_general3A_102 = tpu.matmul %slice3A_88, %get3A_100, %dot_general3A_101 {dimension_numbers = #tpu.dot_dimension_numbers<[1], [0], [0], [1], [0, 0, 1, 1], [], []>, transpose_lhs_hint = false} : vector<1252x16xf32>, vector<16x16xf32>, vector<1252x16xf32> -> vector<1252x16xf32>
    %add3A_103 = arith.addf %mul3A_97, %dot_general3A_102 : vector<1252x16xf32>
    %get3A_104 = arith.constant 0 : index
    %get3A_105 = arith.constant 0 : index
    %get3A_106 = vector.load %arg4[%get3A_104, %get3A_105] : memref<1x16xf32, #tpu.memory_space<vmem>>, vector<1x16xf32>
    %add3A_107 = vector.broadcast %get3A_106 : vector<1x16xf32> to vector<1252x16xf32>
    %add3A_108 = arith.addf %add3A_103, %add3A_107 : vector<1252x16xf32>
    %max3A_109 = arith.constant 0.000000e+00 : f32
    %max3A_110 = vector.broadcast %max3A_109 : f32 to vector<1252x16xf32>
    %max3A_111 = arith.maximumf %add3A_108, %max3A_110 : vector<1252x16xf32>
    %get3A_112 = arith.constant 0 : index
    %get3A_113 = arith.constant 0 : index
    %get3A_114 = vector.load %arg5[%get3A_112, %get3A_113] : memref<16x48xf32, #tpu.memory_space<vmem>>, vector<16x48xf32>
    %dot_general3A_115 = arith.constant dense<0.000000e+00> : vector<1252x48xf32>
    %dot_general3A_116 = tpu.matmul %max3A_111, %get3A_114, %dot_general3A_115 {dimension_numbers = #tpu.dot_dimension_numbers<[1], [0], [0], [1], [0, 0, 1, 1], [], []>, transpose_lhs_hint = false} : vector<1252x16xf32>, vector<16x48xf32>, vector<1252x48xf32> -> vector<1252x48xf32>
    %get3A_117 = arith.constant 0 : index
    %get3A_118 = arith.constant 0 : index
    %get3A_119 = vector.load %arg7[%get3A_117, %get3A_118] : memref<1x48xf32, #tpu.memory_space<vmem>>, vector<1x48xf32>
    %add3A_120 = vector.broadcast %get3A_119 : vector<1x48xf32> to vector<1252x48xf32>
    %add3A_121 = arith.addf %dot_general3A_116, %add3A_120 : vector<1252x48xf32>
    %get3A_122 = arith.constant 0 : index
    %get3A_123 = arith.constant 0 : index
    %get3A_124 = vector.load %arg6[%get3A_122, %get3A_123] : memref<16x48xf32, #tpu.memory_space<vmem>>, vector<16x48xf32>
    %dot_general3A_125 = arith.constant dense<0.000000e+00> : vector<1252x48xf32>
    %dot_general3A_126 = tpu.matmul %slice3A_88, %get3A_124, %dot_general3A_125 {dimension_numbers = #tpu.dot_dimension_numbers<[1], [0], [0], [1], [0, 0, 1, 1], [], []>, transpose_lhs_hint = false} : vector<1252x16xf32>, vector<16x48xf32>, vector<1252x48xf32> -> vector<1252x48xf32>
    %get3A_127 = arith.constant 0 : index
    %get3A_128 = arith.constant 0 : index
    %get3A_129 = vector.load %arg8[%get3A_127, %get3A_128] : memref<1x48xf32, #tpu.memory_space<vmem>>, vector<1x48xf32>
    %add3A_130 = vector.broadcast %get3A_129 : vector<1x48xf32> to vector<1252x48xf32>
    %add3A_131 = arith.addf %dot_general3A_126, %add3A_130 : vector<1252x48xf32>
    %slice3A_132 = vector.extract_strided_slice %add3A_121 {offsets = [0, 0], sizes = [1252, 16], strides = [1, 1]} : vector<1252x48xf32> to vector<1252x16xf32>
    %slice3A_133 = vector.extract_strided_slice %add3A_131 {offsets = [0, 0], sizes = [1252, 16], strides = [1, 1]} : vector<1252x48xf32> to vector<1252x16xf32>
    %add3A_134 = arith.addf %slice3A_132, %slice3A_133 : vector<1252x16xf32>
    %logistic3A_135 = arith.negf %add3A_134 : vector<1252x16xf32>
    %logistic3A_136 = math.exp %logistic3A_135 : vector<1252x16xf32>
    %logistic3A_137 = arith.constant 1.000000e+00 : f32
    %logistic3A_138 = vector.broadcast %logistic3A_137 : f32 to vector<1252x16xf32>
    %logistic3A_139 = arith.addf %logistic3A_138, %logistic3A_136 : vector<1252x16xf32>
    %logistic3A_140 = arith.divf %logistic3A_138, %logistic3A_139 : vector<1252x16xf32>
    %slice3A_141 = vector.extract_strided_slice %add3A_121 {offsets = [0, 16], sizes = [1252, 16], strides = [1, 1]} : vector<1252x48xf32> to vector<1252x16xf32>
    %slice3A_142 = vector.extract_strided_slice %add3A_131 {offsets = [0, 16], sizes = [1252, 16], strides = [1, 1]} : vector<1252x48xf32> to vector<1252x16xf32>
    %add3A_143 = arith.addf %slice3A_141, %slice3A_142 : vector<1252x16xf32>
    %logistic3A_144 = arith.negf %add3A_143 : vector<1252x16xf32>
    %logistic3A_145 = math.exp %logistic3A_144 : vector<1252x16xf32>
    %logistic3A_146 = arith.constant 1.000000e+00 : f32
    %logistic3A_147 = vector.broadcast %logistic3A_146 : f32 to vector<1252x16xf32>
    %logistic3A_148 = arith.addf %logistic3A_147, %logistic3A_145 : vector<1252x16xf32>
    %logistic3A_149 = arith.divf %logistic3A_147, %logistic3A_148 : vector<1252x16xf32>
    %slice3A_150 = vector.extract_strided_slice %add3A_121 {offsets = [0, 32], sizes = [1252, 16], strides = [1, 1]} : vector<1252x48xf32> to vector<1252x16xf32>
    %slice3A_151 = vector.extract_strided_slice %add3A_131 {offsets = [0, 32], sizes = [1252, 16], strides = [1, 1]} : vector<1252x48xf32> to vector<1252x16xf32>
    %mul3A_152 = arith.mulf %logistic3A_140, %slice3A_151 : vector<1252x16xf32>
    %add3A_153 = arith.addf %slice3A_150, %mul3A_152 : vector<1252x16xf32>
    %tanh3A_154 = math.tanh %add3A_153 : vector<1252x16xf32>
    %sub3A_155 = arith.constant 1.000000e+00 : f32
    %sub3A_156 = vector.broadcast %sub3A_155 : f32 to vector<1252x16xf32>
    %sub3A_157 = arith.subf %sub3A_156, %logistic3A_149 : vector<1252x16xf32>
    %mul3A_158 = arith.mulf %sub3A_157, %tanh3A_154 : vector<1252x16xf32>
    %mul3A_159 = arith.mulf %logistic3A_149, %slice3A_88 : vector<1252x16xf32>
    %add3A_160 = arith.addf %mul3A_158, %mul3A_159 : vector<1252x16xf32>
    %slice3A_161 = vector.extract_strided_slice %get3A_1 {offsets = [0, 0], sizes = [1252, 128], strides = [1, 1]} : vector<2504x128xf32> to vector<1252x128xf32>
    %slice3A_162 = vector.extract_strided_slice %slice3A_161 {offsets = [0, 32], sizes = [1252, 16], strides = [1, 1]} : vector<1252x128xf32> to vector<1252x16xf32>
    %slice3A_163 = vector.extract_strided_slice %get3A_1 {offsets = [1252, 0], sizes = [1252, 128], strides = [1, 1]} : vector<2504x128xf32> to vector<1252x128xf32>
    %slice3A_164 = vector.extract_strided_slice %slice3A_163 {offsets = [0, 32], sizes = [1252, 16], strides = [1, 1]} : vector<1252x128xf32> to vector<1252x16xf32>
    %slice3A_165 = vector.extract_strided_slice %get3A_4 {offsets = [0, 0], sizes = [1252, 128], strides = [1, 1]} : vector<2504x128xf32> to vector<1252x128xf32>
    %slice3A_166 = vector.extract_strided_slice %slice3A_165 {offsets = [0, 32], sizes = [1252, 16], strides = [1, 1]} : vector<1252x128xf32> to vector<1252x16xf32>
    %slice3A_167 = vector.extract_strided_slice %get3A_4 {offsets = [1252, 0], sizes = [1252, 128], strides = [1, 1]} : vector<2504x128xf32> to vector<1252x128xf32>
    %slice3A_168 = vector.extract_strided_slice %slice3A_167 {offsets = [0, 32], sizes = [1252, 16], strides = [1, 1]} : vector<1252x128xf32> to vector<1252x16xf32>
    %slice3A_169 = vector.extract_strided_slice %get3A_7 {offsets = [0, 32], sizes = [1252, 16], strides = [1, 1]} : vector<1252x128xf32> to vector<1252x16xf32>
    %add3A_170 = arith.addf %slice3A_166, %slice3A_168 : vector<1252x16xf32>
    %max3A_171 = arith.constant 1.000000e+00 : f32
    %max3A_172 = vector.broadcast %max3A_171 : f32 to vector<1252x16xf32>
    %max3A_173 = arith.maximumf %add3A_170, %max3A_172 : vector<1252x16xf32>
    %div3A_174 = arith.constant 1.000000e+00 : f32
    %div3A_175 = vector.broadcast %div3A_174 : f32 to vector<1252x16xf32>
    %div3A_176 = arith.divf %div3A_175, %max3A_173 : vector<1252x16xf32>
    %add3A_177 = arith.addf %slice3A_162, %slice3A_164 : vector<1252x16xf32>
    %mul3A_178 = arith.mulf %add3A_177, %div3A_176 : vector<1252x16xf32>
    %get3A_179 = arith.constant 0 : index
    %get3A_180 = arith.constant 0 : index
    %get3A_181 = vector.load %arg3[%get3A_179, %get3A_180] : memref<16x16xf32, #tpu.memory_space<vmem>>, vector<16x16xf32>
    %dot_general3A_182 = arith.constant dense<0.000000e+00> : vector<1252x16xf32>
    %dot_general3A_183 = tpu.matmul %slice3A_169, %get3A_181, %dot_general3A_182 {dimension_numbers = #tpu.dot_dimension_numbers<[1], [0], [0], [1], [0, 0, 1, 1], [], []>, transpose_lhs_hint = false} : vector<1252x16xf32>, vector<16x16xf32>, vector<1252x16xf32> -> vector<1252x16xf32>
    %add3A_184 = arith.addf %mul3A_178, %dot_general3A_183 : vector<1252x16xf32>
    %get3A_185 = arith.constant 0 : index
    %get3A_186 = arith.constant 0 : index
    %get3A_187 = vector.load %arg4[%get3A_185, %get3A_186] : memref<1x16xf32, #tpu.memory_space<vmem>>, vector<1x16xf32>
    %add3A_188 = vector.broadcast %get3A_187 : vector<1x16xf32> to vector<1252x16xf32>
    %add3A_189 = arith.addf %add3A_184, %add3A_188 : vector<1252x16xf32>
    %max3A_190 = arith.constant 0.000000e+00 : f32
    %max3A_191 = vector.broadcast %max3A_190 : f32 to vector<1252x16xf32>
    %max3A_192 = arith.maximumf %add3A_189, %max3A_191 : vector<1252x16xf32>
    %get3A_193 = arith.constant 0 : index
    %get3A_194 = arith.constant 0 : index
    %get3A_195 = vector.load %arg5[%get3A_193, %get3A_194] : memref<16x48xf32, #tpu.memory_space<vmem>>, vector<16x48xf32>
    %dot_general3A_196 = arith.constant dense<0.000000e+00> : vector<1252x48xf32>
    %dot_general3A_197 = tpu.matmul %max3A_192, %get3A_195, %dot_general3A_196 {dimension_numbers = #tpu.dot_dimension_numbers<[1], [0], [0], [1], [0, 0, 1, 1], [], []>, transpose_lhs_hint = false} : vector<1252x16xf32>, vector<16x48xf32>, vector<1252x48xf32> -> vector<1252x48xf32>
    %get3A_198 = arith.constant 0 : index
    %get3A_199 = arith.constant 0 : index
    %get3A_200 = vector.load %arg7[%get3A_198, %get3A_199] : memref<1x48xf32, #tpu.memory_space<vmem>>, vector<1x48xf32>
    %add3A_201 = vector.broadcast %get3A_200 : vector<1x48xf32> to vector<1252x48xf32>
    %add3A_202 = arith.addf %dot_general3A_197, %add3A_201 : vector<1252x48xf32>
    %get3A_203 = arith.constant 0 : index
    %get3A_204 = arith.constant 0 : index
    %get3A_205 = vector.load %arg6[%get3A_203, %get3A_204] : memref<16x48xf32, #tpu.memory_space<vmem>>, vector<16x48xf32>
    %dot_general3A_206 = arith.constant dense<0.000000e+00> : vector<1252x48xf32>
    %dot_general3A_207 = tpu.matmul %slice3A_169, %get3A_205, %dot_general3A_206 {dimension_numbers = #tpu.dot_dimension_numbers<[1], [0], [0], [1], [0, 0, 1, 1], [], []>, transpose_lhs_hint = false} : vector<1252x16xf32>, vector<16x48xf32>, vector<1252x48xf32> -> vector<1252x48xf32>
    %get3A_208 = arith.constant 0 : index
    %get3A_209 = arith.constant 0 : index
    %get3A_210 = vector.load %arg8[%get3A_208, %get3A_209] : memref<1x48xf32, #tpu.memory_space<vmem>>, vector<1x48xf32>
    %add3A_211 = vector.broadcast %get3A_210 : vector<1x48xf32> to vector<1252x48xf32>
    %add3A_212 = arith.addf %dot_general3A_207, %add3A_211 : vector<1252x48xf32>
    %slice3A_213 = vector.extract_strided_slice %add3A_202 {offsets = [0, 0], sizes = [1252, 16], strides = [1, 1]} : vector<1252x48xf32> to vector<1252x16xf32>
    %slice3A_214 = vector.extract_strided_slice %add3A_212 {offsets = [0, 0], sizes = [1252, 16], strides = [1, 1]} : vector<1252x48xf32> to vector<1252x16xf32>
    %add3A_215 = arith.addf %slice3A_213, %slice3A_214 : vector<1252x16xf32>
    %logistic3A_216 = arith.negf %add3A_215 : vector<1252x16xf32>
    %logistic3A_217 = math.exp %logistic3A_216 : vector<1252x16xf32>
    %logistic3A_218 = arith.constant 1.000000e+00 : f32
    %logistic3A_219 = vector.broadcast %logistic3A_218 : f32 to vector<1252x16xf32>
    %logistic3A_220 = arith.addf %logistic3A_219, %logistic3A_217 : vector<1252x16xf32>
    %logistic3A_221 = arith.divf %logistic3A_219, %logistic3A_220 : vector<1252x16xf32>
    %slice3A_222 = vector.extract_strided_slice %add3A_202 {offsets = [0, 16], sizes = [1252, 16], strides = [1, 1]} : vector<1252x48xf32> to vector<1252x16xf32>
    %slice3A_223 = vector.extract_strided_slice %add3A_212 {offsets = [0, 16], sizes = [1252, 16], strides = [1, 1]} : vector<1252x48xf32> to vector<1252x16xf32>
    %add3A_224 = arith.addf %slice3A_222, %slice3A_223 : vector<1252x16xf32>
    %logistic3A_225 = arith.negf %add3A_224 : vector<1252x16xf32>
    %logistic3A_226 = math.exp %logistic3A_225 : vector<1252x16xf32>
    %logistic3A_227 = arith.constant 1.000000e+00 : f32
    %logistic3A_228 = vector.broadcast %logistic3A_227 : f32 to vector<1252x16xf32>
    %logistic3A_229 = arith.addf %logistic3A_228, %logistic3A_226 : vector<1252x16xf32>
    %logistic3A_230 = arith.divf %logistic3A_228, %logistic3A_229 : vector<1252x16xf32>
    %slice3A_231 = vector.extract_strided_slice %add3A_202 {offsets = [0, 32], sizes = [1252, 16], strides = [1, 1]} : vector<1252x48xf32> to vector<1252x16xf32>
    %slice3A_232 = vector.extract_strided_slice %add3A_212 {offsets = [0, 32], sizes = [1252, 16], strides = [1, 1]} : vector<1252x48xf32> to vector<1252x16xf32>
    %mul3A_233 = arith.mulf %logistic3A_221, %slice3A_232 : vector<1252x16xf32>
    %add3A_234 = arith.addf %slice3A_231, %mul3A_233 : vector<1252x16xf32>
    %tanh3A_235 = math.tanh %add3A_234 : vector<1252x16xf32>
    %sub3A_236 = arith.constant 1.000000e+00 : f32
    %sub3A_237 = vector.broadcast %sub3A_236 : f32 to vector<1252x16xf32>
    %sub3A_238 = arith.subf %sub3A_237, %logistic3A_230 : vector<1252x16xf32>
    %mul3A_239 = arith.mulf %sub3A_238, %tanh3A_235 : vector<1252x16xf32>
    %mul3A_240 = arith.mulf %logistic3A_230, %slice3A_169 : vector<1252x16xf32>
    %add3A_241 = arith.addf %mul3A_239, %mul3A_240 : vector<1252x16xf32>
    %slice3A_242 = vector.extract_strided_slice %get3A_1 {offsets = [0, 0], sizes = [1252, 128], strides = [1, 1]} : vector<2504x128xf32> to vector<1252x128xf32>
    %slice3A_243 = vector.extract_strided_slice %slice3A_242 {offsets = [0, 48], sizes = [1252, 16], strides = [1, 1]} : vector<1252x128xf32> to vector<1252x16xf32>
    %slice3A_244 = vector.extract_strided_slice %get3A_1 {offsets = [1252, 0], sizes = [1252, 128], strides = [1, 1]} : vector<2504x128xf32> to vector<1252x128xf32>
    %slice3A_245 = vector.extract_strided_slice %slice3A_244 {offsets = [0, 48], sizes = [1252, 16], strides = [1, 1]} : vector<1252x128xf32> to vector<1252x16xf32>
    %slice3A_246 = vector.extract_strided_slice %get3A_4 {offsets = [0, 0], sizes = [1252, 128], strides = [1, 1]} : vector<2504x128xf32> to vector<1252x128xf32>
    %slice3A_247 = vector.extract_strided_slice %slice3A_246 {offsets = [0, 48], sizes = [1252, 16], strides = [1, 1]} : vector<1252x128xf32> to vector<1252x16xf32>
    %slice3A_248 = vector.extract_strided_slice %get3A_4 {offsets = [1252, 0], sizes = [1252, 128], strides = [1, 1]} : vector<2504x128xf32> to vector<1252x128xf32>
    %slice3A_249 = vector.extract_strided_slice %slice3A_248 {offsets = [0, 48], sizes = [1252, 16], strides = [1, 1]} : vector<1252x128xf32> to vector<1252x16xf32>
    %slice3A_250 = vector.extract_strided_slice %get3A_7 {offsets = [0, 48], sizes = [1252, 16], strides = [1, 1]} : vector<1252x128xf32> to vector<1252x16xf32>
    %add3A_251 = arith.addf %slice3A_247, %slice3A_249 : vector<1252x16xf32>
    %max3A_252 = arith.constant 1.000000e+00 : f32
    %max3A_253 = vector.broadcast %max3A_252 : f32 to vector<1252x16xf32>
    %max3A_254 = arith.maximumf %add3A_251, %max3A_253 : vector<1252x16xf32>
    %div3A_255 = arith.constant 1.000000e+00 : f32
    %div3A_256 = vector.broadcast %div3A_255 : f32 to vector<1252x16xf32>
    %div3A_257 = arith.divf %div3A_256, %max3A_254 : vector<1252x16xf32>
    %add3A_258 = arith.addf %slice3A_243, %slice3A_245 : vector<1252x16xf32>
    %mul3A_259 = arith.mulf %add3A_258, %div3A_257 : vector<1252x16xf32>
    %get3A_260 = arith.constant 0 : index
    %get3A_261 = arith.constant 0 : index
    %get3A_262 = vector.load %arg3[%get3A_260, %get3A_261] : memref<16x16xf32, #tpu.memory_space<vmem>>, vector<16x16xf32>
    %dot_general3A_263 = arith.constant dense<0.000000e+00> : vector<1252x16xf32>
    %dot_general3A_264 = tpu.matmul %slice3A_250, %get3A_262, %dot_general3A_263 {dimension_numbers = #tpu.dot_dimension_numbers<[1], [0], [0], [1], [0, 0, 1, 1], [], []>, transpose_lhs_hint = false} : vector<1252x16xf32>, vector<16x16xf32>, vector<1252x16xf32> -> vector<1252x16xf32>
    %add3A_265 = arith.addf %mul3A_259, %dot_general3A_264 : vector<1252x16xf32>
    %get3A_266 = arith.constant 0 : index
    %get3A_267 = arith.constant 0 : index
    %get3A_268 = vector.load %arg4[%get3A_266, %get3A_267] : memref<1x16xf32, #tpu.memory_space<vmem>>, vector<1x16xf32>
    %add3A_269 = vector.broadcast %get3A_268 : vector<1x16xf32> to vector<1252x16xf32>
    %add3A_270 = arith.addf %add3A_265, %add3A_269 : vector<1252x16xf32>
    %max3A_271 = arith.constant 0.000000e+00 : f32
    %max3A_272 = vector.broadcast %max3A_271 : f32 to vector<1252x16xf32>
    %max3A_273 = arith.maximumf %add3A_270, %max3A_272 : vector<1252x16xf32>
    %get3A_274 = arith.constant 0 : index
    %get3A_275 = arith.constant 0 : index
    %get3A_276 = vector.load %arg5[%get3A_274, %get3A_275] : memref<16x48xf32, #tpu.memory_space<vmem>>, vector<16x48xf32>
    %dot_general3A_277 = arith.constant dense<0.000000e+00> : vector<1252x48xf32>
    %dot_general3A_278 = tpu.matmul %max3A_273, %get3A_276, %dot_general3A_277 {dimension_numbers = #tpu.dot_dimension_numbers<[1], [0], [0], [1], [0, 0, 1, 1], [], []>, transpose_lhs_hint = false} : vector<1252x16xf32>, vector<16x48xf32>, vector<1252x48xf32> -> vector<1252x48xf32>
    %get3A_279 = arith.constant 0 : index
    %get3A_280 = arith.constant 0 : index
    %get3A_281 = vector.load %arg7[%get3A_279, %get3A_280] : memref<1x48xf32, #tpu.memory_space<vmem>>, vector<1x48xf32>
    %add3A_282 = vector.broadcast %get3A_281 : vector<1x48xf32> to vector<1252x48xf32>
    %add3A_283 = arith.addf %dot_general3A_278, %add3A_282 : vector<1252x48xf32>
    %get3A_284 = arith.constant 0 : index
    %get3A_285 = arith.constant 0 : index
    %get3A_286 = vector.load %arg6[%get3A_284, %get3A_285] : memref<16x48xf32, #tpu.memory_space<vmem>>, vector<16x48xf32>
    %dot_general3A_287 = arith.constant dense<0.000000e+00> : vector<1252x48xf32>
    %dot_general3A_288 = tpu.matmul %slice3A_250, %get3A_286, %dot_general3A_287 {dimension_numbers = #tpu.dot_dimension_numbers<[1], [0], [0], [1], [0, 0, 1, 1], [], []>, transpose_lhs_hint = false} : vector<1252x16xf32>, vector<16x48xf32>, vector<1252x48xf32> -> vector<1252x48xf32>
    %get3A_289 = arith.constant 0 : index
    %get3A_290 = arith.constant 0 : index
    %get3A_291 = vector.load %arg8[%get3A_289, %get3A_290] : memref<1x48xf32, #tpu.memory_space<vmem>>, vector<1x48xf32>
    %add3A_292 = vector.broadcast %get3A_291 : vector<1x48xf32> to vector<1252x48xf32>
    %add3A_293 = arith.addf %dot_general3A_288, %add3A_292 : vector<1252x48xf32>
    %slice3A_294 = vector.extract_strided_slice %add3A_283 {offsets = [0, 0], sizes = [1252, 16], strides = [1, 1]} : vector<1252x48xf32> to vector<1252x16xf32>
    %slice3A_295 = vector.extract_strided_slice %add3A_293 {offsets = [0, 0], sizes = [1252, 16], strides = [1, 1]} : vector<1252x48xf32> to vector<1252x16xf32>
    %add3A_296 = arith.addf %slice3A_294, %slice3A_295 : vector<1252x16xf32>
    %logistic3A_297 = arith.negf %add3A_296 : vector<1252x16xf32>
    %logistic3A_298 = math.exp %logistic3A_297 : vector<1252x16xf32>
    %logistic3A_299 = arith.constant 1.000000e+00 : f32
    %logistic3A_300 = vector.broadcast %logistic3A_299 : f32 to vector<1252x16xf32>
    %logistic3A_301 = arith.addf %logistic3A_300, %logistic3A_298 : vector<1252x16xf32>
    %logistic3A_302 = arith.divf %logistic3A_300, %logistic3A_301 : vector<1252x16xf32>
    %slice3A_303 = vector.extract_strided_slice %add3A_283 {offsets = [0, 16], sizes = [1252, 16], strides = [1, 1]} : vector<1252x48xf32> to vector<1252x16xf32>
    %slice3A_304 = vector.extract_strided_slice %add3A_293 {offsets = [0, 16], sizes = [1252, 16], strides = [1, 1]} : vector<1252x48xf32> to vector<1252x16xf32>
    %add3A_305 = arith.addf %slice3A_303, %slice3A_304 : vector<1252x16xf32>
    %logistic3A_306 = arith.negf %add3A_305 : vector<1252x16xf32>
    %logistic3A_307 = math.exp %logistic3A_306 : vector<1252x16xf32>
    %logistic3A_308 = arith.constant 1.000000e+00 : f32
    %logistic3A_309 = vector.broadcast %logistic3A_308 : f32 to vector<1252x16xf32>
    %logistic3A_310 = arith.addf %logistic3A_309, %logistic3A_307 : vector<1252x16xf32>
    %logistic3A_311 = arith.divf %logistic3A_309, %logistic3A_310 : vector<1252x16xf32>
    %slice3A_312 = vector.extract_strided_slice %add3A_283 {offsets = [0, 32], sizes = [1252, 16], strides = [1, 1]} : vector<1252x48xf32> to vector<1252x16xf32>
    %slice3A_313 = vector.extract_strided_slice %add3A_293 {offsets = [0, 32], sizes = [1252, 16], strides = [1, 1]} : vector<1252x48xf32> to vector<1252x16xf32>
    %mul3A_314 = arith.mulf %logistic3A_302, %slice3A_313 : vector<1252x16xf32>
    %add3A_315 = arith.addf %slice3A_312, %mul3A_314 : vector<1252x16xf32>
    %tanh3A_316 = math.tanh %add3A_315 : vector<1252x16xf32>
    %sub3A_317 = arith.constant 1.000000e+00 : f32
    %sub3A_318 = vector.broadcast %sub3A_317 : f32 to vector<1252x16xf32>
    %sub3A_319 = arith.subf %sub3A_318, %logistic3A_311 : vector<1252x16xf32>
    %mul3A_320 = arith.mulf %sub3A_319, %tanh3A_316 : vector<1252x16xf32>
    %mul3A_321 = arith.mulf %logistic3A_311, %slice3A_250 : vector<1252x16xf32>
    %add3A_322 = arith.addf %mul3A_320, %mul3A_321 : vector<1252x16xf32>
    %slice3A_323 = vector.extract_strided_slice %get3A_1 {offsets = [0, 0], sizes = [1252, 128], strides = [1, 1]} : vector<2504x128xf32> to vector<1252x128xf32>
    %slice3A_324 = vector.extract_strided_slice %slice3A_323 {offsets = [0, 64], sizes = [1252, 16], strides = [1, 1]} : vector<1252x128xf32> to vector<1252x16xf32>
    %slice3A_325 = vector.extract_strided_slice %get3A_1 {offsets = [1252, 0], sizes = [1252, 128], strides = [1, 1]} : vector<2504x128xf32> to vector<1252x128xf32>
    %slice3A_326 = vector.extract_strided_slice %slice3A_325 {offsets = [0, 64], sizes = [1252, 16], strides = [1, 1]} : vector<1252x128xf32> to vector<1252x16xf32>
    %slice3A_327 = vector.extract_strided_slice %get3A_4 {offsets = [0, 0], sizes = [1252, 128], strides = [1, 1]} : vector<2504x128xf32> to vector<1252x128xf32>
    %slice3A_328 = vector.extract_strided_slice %slice3A_327 {offsets = [0, 64], sizes = [1252, 16], strides = [1, 1]} : vector<1252x128xf32> to vector<1252x16xf32>
    %slice3A_329 = vector.extract_strided_slice %get3A_4 {offsets = [1252, 0], sizes = [1252, 128], strides = [1, 1]} : vector<2504x128xf32> to vector<1252x128xf32>
    %slice3A_330 = vector.extract_strided_slice %slice3A_329 {offsets = [0, 64], sizes = [1252, 16], strides = [1, 1]} : vector<1252x128xf32> to vector<1252x16xf32>
    %slice3A_331 = vector.extract_strided_slice %get3A_7 {offsets = [0, 64], sizes = [1252, 16], strides = [1, 1]} : vector<1252x128xf32> to vector<1252x16xf32>
    %add3A_332 = arith.addf %slice3A_328, %slice3A_330 : vector<1252x16xf32>
    %max3A_333 = arith.constant 1.000000e+00 : f32
    %max3A_334 = vector.broadcast %max3A_333 : f32 to vector<1252x16xf32>
    %max3A_335 = arith.maximumf %add3A_332, %max3A_334 : vector<1252x16xf32>
    %div3A_336 = arith.constant 1.000000e+00 : f32
    %div3A_337 = vector.broadcast %div3A_336 : f32 to vector<1252x16xf32>
    %div3A_338 = arith.divf %div3A_337, %max3A_335 : vector<1252x16xf32>
    %add3A_339 = arith.addf %slice3A_324, %slice3A_326 : vector<1252x16xf32>
    %mul3A_340 = arith.mulf %add3A_339, %div3A_338 : vector<1252x16xf32>
    %get3A_341 = arith.constant 0 : index
    %get3A_342 = arith.constant 0 : index
    %get3A_343 = vector.load %arg3[%get3A_341, %get3A_342] : memref<16x16xf32, #tpu.memory_space<vmem>>, vector<16x16xf32>
    %dot_general3A_344 = arith.constant dense<0.000000e+00> : vector<1252x16xf32>
    %dot_general3A_345 = tpu.matmul %slice3A_331, %get3A_343, %dot_general3A_344 {dimension_numbers = #tpu.dot_dimension_numbers<[1], [0], [0], [1], [0, 0, 1, 1], [], []>, transpose_lhs_hint = false} : vector<1252x16xf32>, vector<16x16xf32>, vector<1252x16xf32> -> vector<1252x16xf32>
    %add3A_346 = arith.addf %mul3A_340, %dot_general3A_345 : vector<1252x16xf32>
    %get3A_347 = arith.constant 0 : index
    %get3A_348 = arith.constant 0 : index
    %get3A_349 = vector.load %arg4[%get3A_347, %get3A_348] : memref<1x16xf32, #tpu.memory_space<vmem>>, vector<1x16xf32>
    %add3A_350 = vector.broadcast %get3A_349 : vector<1x16xf32> to vector<1252x16xf32>
    %add3A_351 = arith.addf %add3A_346, %add3A_350 : vector<1252x16xf32>
    %max3A_352 = arith.constant 0.000000e+00 : f32
    %max3A_353 = vector.broadcast %max3A_352 : f32 to vector<1252x16xf32>
    %max3A_354 = arith.maximumf %add3A_351, %max3A_353 : vector<1252x16xf32>
    %get3A_355 = arith.constant 0 : index
    %get3A_356 = arith.constant 0 : index
    %get3A_357 = vector.load %arg5[%get3A_355, %get3A_356] : memref<16x48xf32, #tpu.memory_space<vmem>>, vector<16x48xf32>
    %dot_general3A_358 = arith.constant dense<0.000000e+00> : vector<1252x48xf32>
    %dot_general3A_359 = tpu.matmul %max3A_354, %get3A_357, %dot_general3A_358 {dimension_numbers = #tpu.dot_dimension_numbers<[1], [0], [0], [1], [0, 0, 1, 1], [], []>, transpose_lhs_hint = false} : vector<1252x16xf32>, vector<16x48xf32>, vector<1252x48xf32> -> vector<1252x48xf32>
    %get3A_360 = arith.constant 0 : index
    %get3A_361 = arith.constant 0 : index
    %get3A_362 = vector.load %arg7[%get3A_360, %get3A_361] : memref<1x48xf32, #tpu.memory_space<vmem>>, vector<1x48xf32>
    %add3A_363 = vector.broadcast %get3A_362 : vector<1x48xf32> to vector<1252x48xf32>
    %add3A_364 = arith.addf %dot_general3A_359, %add3A_363 : vector<1252x48xf32>
    %get3A_365 = arith.constant 0 : index
    %get3A_366 = arith.constant 0 : index
    %get3A_367 = vector.load %arg6[%get3A_365, %get3A_366] : memref<16x48xf32, #tpu.memory_space<vmem>>, vector<16x48xf32>
    %dot_general3A_368 = arith.constant dense<0.000000e+00> : vector<1252x48xf32>
    %dot_general3A_369 = tpu.matmul %slice3A_331, %get3A_367, %dot_general3A_368 {dimension_numbers = #tpu.dot_dimension_numbers<[1], [0], [0], [1], [0, 0, 1, 1], [], []>, transpose_lhs_hint = false} : vector<1252x16xf32>, vector<16x48xf32>, vector<1252x48xf32> -> vector<1252x48xf32>
    %get3A_370 = arith.constant 0 : index
    %get3A_371 = arith.constant 0 : index
    %get3A_372 = vector.load %arg8[%get3A_370, %get3A_371] : memref<1x48xf32, #tpu.memory_space<vmem>>, vector<1x48xf32>
    %add3A_373 = vector.broadcast %get3A_372 : vector<1x48xf32> to vector<1252x48xf32>
    %add3A_374 = arith.addf %dot_general3A_369, %add3A_373 : vector<1252x48xf32>
    %slice3A_375 = vector.extract_strided_slice %add3A_364 {offsets = [0, 0], sizes = [1252, 16], strides = [1, 1]} : vector<1252x48xf32> to vector<1252x16xf32>
    %slice3A_376 = vector.extract_strided_slice %add3A_374 {offsets = [0, 0], sizes = [1252, 16], strides = [1, 1]} : vector<1252x48xf32> to vector<1252x16xf32>
    %add3A_377 = arith.addf %slice3A_375, %slice3A_376 : vector<1252x16xf32>
    %logistic3A_378 = arith.negf %add3A_377 : vector<1252x16xf32>
    %logistic3A_379 = math.exp %logistic3A_378 : vector<1252x16xf32>
    %logistic3A_380 = arith.constant 1.000000e+00 : f32
    %logistic3A_381 = vector.broadcast %logistic3A_380 : f32 to vector<1252x16xf32>
    %logistic3A_382 = arith.addf %logistic3A_381, %logistic3A_379 : vector<1252x16xf32>
    %logistic3A_383 = arith.divf %logistic3A_381, %logistic3A_382 : vector<1252x16xf32>
    %slice3A_384 = vector.extract_strided_slice %add3A_364 {offsets = [0, 16], sizes = [1252, 16], strides = [1, 1]} : vector<1252x48xf32> to vector<1252x16xf32>
    %slice3A_385 = vector.extract_strided_slice %add3A_374 {offsets = [0, 16], sizes = [1252, 16], strides = [1, 1]} : vector<1252x48xf32> to vector<1252x16xf32>
    %add3A_386 = arith.addf %slice3A_384, %slice3A_385 : vector<1252x16xf32>
    %logistic3A_387 = arith.negf %add3A_386 : vector<1252x16xf32>
    %logistic3A_388 = math.exp %logistic3A_387 : vector<1252x16xf32>
    %logistic3A_389 = arith.constant 1.000000e+00 : f32
    %logistic3A_390 = vector.broadcast %logistic3A_389 : f32 to vector<1252x16xf32>
    %logistic3A_391 = arith.addf %logistic3A_390, %logistic3A_388 : vector<1252x16xf32>
    %logistic3A_392 = arith.divf %logistic3A_390, %logistic3A_391 : vector<1252x16xf32>
    %slice3A_393 = vector.extract_strided_slice %add3A_364 {offsets = [0, 32], sizes = [1252, 16], strides = [1, 1]} : vector<1252x48xf32> to vector<1252x16xf32>
    %slice3A_394 = vector.extract_strided_slice %add3A_374 {offsets = [0, 32], sizes = [1252, 16], strides = [1, 1]} : vector<1252x48xf32> to vector<1252x16xf32>
    %mul3A_395 = arith.mulf %logistic3A_383, %slice3A_394 : vector<1252x16xf32>
    %add3A_396 = arith.addf %slice3A_393, %mul3A_395 : vector<1252x16xf32>
    %tanh3A_397 = math.tanh %add3A_396 : vector<1252x16xf32>
    %sub3A_398 = arith.constant 1.000000e+00 : f32
    %sub3A_399 = vector.broadcast %sub3A_398 : f32 to vector<1252x16xf32>
    %sub3A_400 = arith.subf %sub3A_399, %logistic3A_392 : vector<1252x16xf32>
    %mul3A_401 = arith.mulf %sub3A_400, %tanh3A_397 : vector<1252x16xf32>
    %mul3A_402 = arith.mulf %logistic3A_392, %slice3A_331 : vector<1252x16xf32>
    %add3A_403 = arith.addf %mul3A_401, %mul3A_402 : vector<1252x16xf32>
    %slice3A_404 = vector.extract_strided_slice %get3A_1 {offsets = [0, 0], sizes = [1252, 128], strides = [1, 1]} : vector<2504x128xf32> to vector<1252x128xf32>
    %slice3A_405 = vector.extract_strided_slice %slice3A_404 {offsets = [0, 80], sizes = [1252, 16], strides = [1, 1]} : vector<1252x128xf32> to vector<1252x16xf32>
    %slice3A_406 = vector.extract_strided_slice %get3A_1 {offsets = [1252, 0], sizes = [1252, 128], strides = [1, 1]} : vector<2504x128xf32> to vector<1252x128xf32>
    %slice3A_407 = vector.extract_strided_slice %slice3A_406 {offsets = [0, 80], sizes = [1252, 16], strides = [1, 1]} : vector<1252x128xf32> to vector<1252x16xf32>
    %slice3A_408 = vector.extract_strided_slice %get3A_4 {offsets = [0, 0], sizes = [1252, 128], strides = [1, 1]} : vector<2504x128xf32> to vector<1252x128xf32>
    %slice3A_409 = vector.extract_strided_slice %slice3A_408 {offsets = [0, 80], sizes = [1252, 16], strides = [1, 1]} : vector<1252x128xf32> to vector<1252x16xf32>
    %slice3A_410 = vector.extract_strided_slice %get3A_4 {offsets = [1252, 0], sizes = [1252, 128], strides = [1, 1]} : vector<2504x128xf32> to vector<1252x128xf32>
    %slice3A_411 = vector.extract_strided_slice %slice3A_410 {offsets = [0, 80], sizes = [1252, 16], strides = [1, 1]} : vector<1252x128xf32> to vector<1252x16xf32>
    %slice3A_412 = vector.extract_strided_slice %get3A_7 {offsets = [0, 80], sizes = [1252, 16], strides = [1, 1]} : vector<1252x128xf32> to vector<1252x16xf32>
    %add3A_413 = arith.addf %slice3A_409, %slice3A_411 : vector<1252x16xf32>
    %max3A_414 = arith.constant 1.000000e+00 : f32
    %max3A_415 = vector.broadcast %max3A_414 : f32 to vector<1252x16xf32>
    %max3A_416 = arith.maximumf %add3A_413, %max3A_415 : vector<1252x16xf32>
    %div3A_417 = arith.constant 1.000000e+00 : f32
    %div3A_418 = vector.broadcast %div3A_417 : f32 to vector<1252x16xf32>
    %div3A_419 = arith.divf %div3A_418, %max3A_416 : vector<1252x16xf32>
    %add3A_420 = arith.addf %slice3A_405, %slice3A_407 : vector<1252x16xf32>
    %mul3A_421 = arith.mulf %add3A_420, %div3A_419 : vector<1252x16xf32>
    %get3A_422 = arith.constant 0 : index
    %get3A_423 = arith.constant 0 : index
    %get3A_424 = vector.load %arg3[%get3A_422, %get3A_423] : memref<16x16xf32, #tpu.memory_space<vmem>>, vector<16x16xf32>
    %dot_general3A_425 = arith.constant dense<0.000000e+00> : vector<1252x16xf32>
    %dot_general3A_426 = tpu.matmul %slice3A_412, %get3A_424, %dot_general3A_425 {dimension_numbers = #tpu.dot_dimension_numbers<[1], [0], [0], [1], [0, 0, 1, 1], [], []>, transpose_lhs_hint = false} : vector<1252x16xf32>, vector<16x16xf32>, vector<1252x16xf32> -> vector<1252x16xf32>
    %add3A_427 = arith.addf %mul3A_421, %dot_general3A_426 : vector<1252x16xf32>
    %get3A_428 = arith.constant 0 : index
    %get3A_429 = arith.constant 0 : index
    %get3A_430 = vector.load %arg4[%get3A_428, %get3A_429] : memref<1x16xf32, #tpu.memory_space<vmem>>, vector<1x16xf32>
    %add3A_431 = vector.broadcast %get3A_430 : vector<1x16xf32> to vector<1252x16xf32>
    %add3A_432 = arith.addf %add3A_427, %add3A_431 : vector<1252x16xf32>
    %max3A_433 = arith.constant 0.000000e+00 : f32
    %max3A_434 = vector.broadcast %max3A_433 : f32 to vector<1252x16xf32>
    %max3A_435 = arith.maximumf %add3A_432, %max3A_434 : vector<1252x16xf32>
    %get3A_436 = arith.constant 0 : index
    %get3A_437 = arith.constant 0 : index
    %get3A_438 = vector.load %arg5[%get3A_436, %get3A_437] : memref<16x48xf32, #tpu.memory_space<vmem>>, vector<16x48xf32>
    %dot_general3A_439 = arith.constant dense<0.000000e+00> : vector<1252x48xf32>
    %dot_general3A_440 = tpu.matmul %max3A_435, %get3A_438, %dot_general3A_439 {dimension_numbers = #tpu.dot_dimension_numbers<[1], [0], [0], [1], [0, 0, 1, 1], [], []>, transpose_lhs_hint = false} : vector<1252x16xf32>, vector<16x48xf32>, vector<1252x48xf32> -> vector<1252x48xf32>
    %get3A_441 = arith.constant 0 : index
    %get3A_442 = arith.constant 0 : index
    %get3A_443 = vector.load %arg7[%get3A_441, %get3A_442] : memref<1x48xf32, #tpu.memory_space<vmem>>, vector<1x48xf32>
    %add3A_444 = vector.broadcast %get3A_443 : vector<1x48xf32> to vector<1252x48xf32>
    %add3A_445 = arith.addf %dot_general3A_440, %add3A_444 : vector<1252x48xf32>
    %get3A_446 = arith.constant 0 : index
    %get3A_447 = arith.constant 0 : index
    %get3A_448 = vector.load %arg6[%get3A_446, %get3A_447] : memref<16x48xf32, #tpu.memory_space<vmem>>, vector<16x48xf32>
    %dot_general3A_449 = arith.constant dense<0.000000e+00> : vector<1252x48xf32>
    %dot_general3A_450 = tpu.matmul %slice3A_412, %get3A_448, %dot_general3A_449 {dimension_numbers = #tpu.dot_dimension_numbers<[1], [0], [0], [1], [0, 0, 1, 1], [], []>, transpose_lhs_hint = false} : vector<1252x16xf32>, vector<16x48xf32>, vector<1252x48xf32> -> vector<1252x48xf32>
    %get3A_451 = arith.constant 0 : index
    %get3A_452 = arith.constant 0 : index
    %get3A_453 = vector.load %arg8[%get3A_451, %get3A_452] : memref<1x48xf32, #tpu.memory_space<vmem>>, vector<1x48xf32>
    %add3A_454 = vector.broadcast %get3A_453 : vector<1x48xf32> to vector<1252x48xf32>
    %add3A_455 = arith.addf %dot_general3A_450, %add3A_454 : vector<1252x48xf32>
    %slice3A_456 = vector.extract_strided_slice %add3A_445 {offsets = [0, 0], sizes = [1252, 16], strides = [1, 1]} : vector<1252x48xf32> to vector<1252x16xf32>
    %slice3A_457 = vector.extract_strided_slice %add3A_455 {offsets = [0, 0], sizes = [1252, 16], strides = [1, 1]} : vector<1252x48xf32> to vector<1252x16xf32>
    %add3A_458 = arith.addf %slice3A_456, %slice3A_457 : vector<1252x16xf32>
    %logistic3A_459 = arith.negf %add3A_458 : vector<1252x16xf32>
    %logistic3A_460 = math.exp %logistic3A_459 : vector<1252x16xf32>
    %logistic3A_461 = arith.constant 1.000000e+00 : f32
    %logistic3A_462 = vector.broadcast %logistic3A_461 : f32 to vector<1252x16xf32>
    %logistic3A_463 = arith.addf %logistic3A_462, %logistic3A_460 : vector<1252x16xf32>
    %logistic3A_464 = arith.divf %logistic3A_462, %logistic3A_463 : vector<1252x16xf32>
    %slice3A_465 = vector.extract_strided_slice %add3A_445 {offsets = [0, 16], sizes = [1252, 16], strides = [1, 1]} : vector<1252x48xf32> to vector<1252x16xf32>
    %slice3A_466 = vector.extract_strided_slice %add3A_455 {offsets = [0, 16], sizes = [1252, 16], strides = [1, 1]} : vector<1252x48xf32> to vector<1252x16xf32>
    %add3A_467 = arith.addf %slice3A_465, %slice3A_466 : vector<1252x16xf32>
    %logistic3A_468 = arith.negf %add3A_467 : vector<1252x16xf32>
    %logistic3A_469 = math.exp %logistic3A_468 : vector<1252x16xf32>
    %logistic3A_470 = arith.constant 1.000000e+00 : f32
    %logistic3A_471 = vector.broadcast %logistic3A_470 : f32 to vector<1252x16xf32>
    %logistic3A_472 = arith.addf %logistic3A_471, %logistic3A_469 : vector<1252x16xf32>
    %logistic3A_473 = arith.divf %logistic3A_471, %logistic3A_472 : vector<1252x16xf32>
    %slice3A_474 = vector.extract_strided_slice %add3A_445 {offsets = [0, 32], sizes = [1252, 16], strides = [1, 1]} : vector<1252x48xf32> to vector<1252x16xf32>
    %slice3A_475 = vector.extract_strided_slice %add3A_455 {offsets = [0, 32], sizes = [1252, 16], strides = [1, 1]} : vector<1252x48xf32> to vector<1252x16xf32>
    %mul3A_476 = arith.mulf %logistic3A_464, %slice3A_475 : vector<1252x16xf32>
    %add3A_477 = arith.addf %slice3A_474, %mul3A_476 : vector<1252x16xf32>
    %tanh3A_478 = math.tanh %add3A_477 : vector<1252x16xf32>
    %sub3A_479 = arith.constant 1.000000e+00 : f32
    %sub3A_480 = vector.broadcast %sub3A_479 : f32 to vector<1252x16xf32>
    %sub3A_481 = arith.subf %sub3A_480, %logistic3A_473 : vector<1252x16xf32>
    %mul3A_482 = arith.mulf %sub3A_481, %tanh3A_478 : vector<1252x16xf32>
    %mul3A_483 = arith.mulf %logistic3A_473, %slice3A_412 : vector<1252x16xf32>
    %add3A_484 = arith.addf %mul3A_482, %mul3A_483 : vector<1252x16xf32>
    %slice3A_485 = vector.extract_strided_slice %get3A_1 {offsets = [0, 0], sizes = [1252, 128], strides = [1, 1]} : vector<2504x128xf32> to vector<1252x128xf32>
    %slice3A_486 = vector.extract_strided_slice %slice3A_485 {offsets = [0, 96], sizes = [1252, 16], strides = [1, 1]} : vector<1252x128xf32> to vector<1252x16xf32>
    %slice3A_487 = vector.extract_strided_slice %get3A_1 {offsets = [1252, 0], sizes = [1252, 128], strides = [1, 1]} : vector<2504x128xf32> to vector<1252x128xf32>
    %slice3A_488 = vector.extract_strided_slice %slice3A_487 {offsets = [0, 96], sizes = [1252, 16], strides = [1, 1]} : vector<1252x128xf32> to vector<1252x16xf32>
    %slice3A_489 = vector.extract_strided_slice %get3A_4 {offsets = [0, 0], sizes = [1252, 128], strides = [1, 1]} : vector<2504x128xf32> to vector<1252x128xf32>
    %slice3A_490 = vector.extract_strided_slice %slice3A_489 {offsets = [0, 96], sizes = [1252, 16], strides = [1, 1]} : vector<1252x128xf32> to vector<1252x16xf32>
    %slice3A_491 = vector.extract_strided_slice %get3A_4 {offsets = [1252, 0], sizes = [1252, 128], strides = [1, 1]} : vector<2504x128xf32> to vector<1252x128xf32>
    %slice3A_492 = vector.extract_strided_slice %slice3A_491 {offsets = [0, 96], sizes = [1252, 16], strides = [1, 1]} : vector<1252x128xf32> to vector<1252x16xf32>
    %slice3A_493 = vector.extract_strided_slice %get3A_7 {offsets = [0, 96], sizes = [1252, 16], strides = [1, 1]} : vector<1252x128xf32> to vector<1252x16xf32>
    %add3A_494 = arith.addf %slice3A_490, %slice3A_492 : vector<1252x16xf32>
    %max3A_495 = arith.constant 1.000000e+00 : f32
    %max3A_496 = vector.broadcast %max3A_495 : f32 to vector<1252x16xf32>
    %max3A_497 = arith.maximumf %add3A_494, %max3A_496 : vector<1252x16xf32>
    %div3A_498 = arith.constant 1.000000e+00 : f32
    %div3A_499 = vector.broadcast %div3A_498 : f32 to vector<1252x16xf32>
    %div3A_500 = arith.divf %div3A_499, %max3A_497 : vector<1252x16xf32>
    %add3A_501 = arith.addf %slice3A_486, %slice3A_488 : vector<1252x16xf32>
    %mul3A_502 = arith.mulf %add3A_501, %div3A_500 : vector<1252x16xf32>
    %get3A_503 = arith.constant 0 : index
    %get3A_504 = arith.constant 0 : index
    %get3A_505 = vector.load %arg3[%get3A_503, %get3A_504] : memref<16x16xf32, #tpu.memory_space<vmem>>, vector<16x16xf32>
    %dot_general3A_506 = arith.constant dense<0.000000e+00> : vector<1252x16xf32>
    %dot_general3A_507 = tpu.matmul %slice3A_493, %get3A_505, %dot_general3A_506 {dimension_numbers = #tpu.dot_dimension_numbers<[1], [0], [0], [1], [0, 0, 1, 1], [], []>, transpose_lhs_hint = false} : vector<1252x16xf32>, vector<16x16xf32>, vector<1252x16xf32> -> vector<1252x16xf32>
    %add3A_508 = arith.addf %mul3A_502, %dot_general3A_507 : vector<1252x16xf32>
    %get3A_509 = arith.constant 0 : index
    %get3A_510 = arith.constant 0 : index
    %get3A_511 = vector.load %arg4[%get3A_509, %get3A_510] : memref<1x16xf32, #tpu.memory_space<vmem>>, vector<1x16xf32>
    %add3A_512 = vector.broadcast %get3A_511 : vector<1x16xf32> to vector<1252x16xf32>
    %add3A_513 = arith.addf %add3A_508, %add3A_512 : vector<1252x16xf32>
    %max3A_514 = arith.constant 0.000000e+00 : f32
    %max3A_515 = vector.broadcast %max3A_514 : f32 to vector<1252x16xf32>
    %max3A_516 = arith.maximumf %add3A_513, %max3A_515 : vector<1252x16xf32>
    %get3A_517 = arith.constant 0 : index
    %get3A_518 = arith.constant 0 : index
    %get3A_519 = vector.load %arg5[%get3A_517, %get3A_518] : memref<16x48xf32, #tpu.memory_space<vmem>>, vector<16x48xf32>
    %dot_general3A_520 = arith.constant dense<0.000000e+00> : vector<1252x48xf32>
    %dot_general3A_521 = tpu.matmul %max3A_516, %get3A_519, %dot_general3A_520 {dimension_numbers = #tpu.dot_dimension_numbers<[1], [0], [0], [1], [0, 0, 1, 1], [], []>, transpose_lhs_hint = false} : vector<1252x16xf32>, vector<16x48xf32>, vector<1252x48xf32> -> vector<1252x48xf32>
    %get3A_522 = arith.constant 0 : index
    %get3A_523 = arith.constant 0 : index
    %get3A_524 = vector.load %arg7[%get3A_522, %get3A_523] : memref<1x48xf32, #tpu.memory_space<vmem>>, vector<1x48xf32>
    %add3A_525 = vector.broadcast %get3A_524 : vector<1x48xf32> to vector<1252x48xf32>
    %add3A_526 = arith.addf %dot_general3A_521, %add3A_525 : vector<1252x48xf32>
    %get3A_527 = arith.constant 0 : index
    %get3A_528 = arith.constant 0 : index
    %get3A_529 = vector.load %arg6[%get3A_527, %get3A_528] : memref<16x48xf32, #tpu.memory_space<vmem>>, vector<16x48xf32>
    %dot_general3A_530 = arith.constant dense<0.000000e+00> : vector<1252x48xf32>
    %dot_general3A_531 = tpu.matmul %slice3A_493, %get3A_529, %dot_general3A_530 {dimension_numbers = #tpu.dot_dimension_numbers<[1], [0], [0], [1], [0, 0, 1, 1], [], []>, transpose_lhs_hint = false} : vector<1252x16xf32>, vector<16x48xf32>, vector<1252x48xf32> -> vector<1252x48xf32>
    %get3A_532 = arith.constant 0 : index
    %get3A_533 = arith.constant 0 : index
    %get3A_534 = vector.load %arg8[%get3A_532, %get3A_533] : memref<1x48xf32, #tpu.memory_space<vmem>>, vector<1x48xf32>
    %add3A_535 = vector.broadcast %get3A_534 : vector<1x48xf32> to vector<1252x48xf32>
    %add3A_536 = arith.addf %dot_general3A_531, %add3A_535 : vector<1252x48xf32>
    %slice3A_537 = vector.extract_strided_slice %add3A_526 {offsets = [0, 0], sizes = [1252, 16], strides = [1, 1]} : vector<1252x48xf32> to vector<1252x16xf32>
    %slice3A_538 = vector.extract_strided_slice %add3A_536 {offsets = [0, 0], sizes = [1252, 16], strides = [1, 1]} : vector<1252x48xf32> to vector<1252x16xf32>
    %add3A_539 = arith.addf %slice3A_537, %slice3A_538 : vector<1252x16xf32>
    %logistic3A_540 = arith.negf %add3A_539 : vector<1252x16xf32>
    %logistic3A_541 = math.exp %logistic3A_540 : vector<1252x16xf32>
    %logistic3A_542 = arith.constant 1.000000e+00 : f32
    %logistic3A_543 = vector.broadcast %logistic3A_542 : f32 to vector<1252x16xf32>
    %logistic3A_544 = arith.addf %logistic3A_543, %logistic3A_541 : vector<1252x16xf32>
    %logistic3A_545 = arith.divf %logistic3A_543, %logistic3A_544 : vector<1252x16xf32>
    %slice3A_546 = vector.extract_strided_slice %add3A_526 {offsets = [0, 16], sizes = [1252, 16], strides = [1, 1]} : vector<1252x48xf32> to vector<1252x16xf32>
    %slice3A_547 = vector.extract_strided_slice %add3A_536 {offsets = [0, 16], sizes = [1252, 16], strides = [1, 1]} : vector<1252x48xf32> to vector<1252x16xf32>
    %add3A_548 = arith.addf %slice3A_546, %slice3A_547 : vector<1252x16xf32>
    %logistic3A_549 = arith.negf %add3A_548 : vector<1252x16xf32>
    %logistic3A_550 = math.exp %logistic3A_549 : vector<1252x16xf32>
    %logistic3A_551 = arith.constant 1.000000e+00 : f32
    %logistic3A_552 = vector.broadcast %logistic3A_551 : f32 to vector<1252x16xf32>
    %logistic3A_553 = arith.addf %logistic3A_552, %logistic3A_550 : vector<1252x16xf32>
    %logistic3A_554 = arith.divf %logistic3A_552, %logistic3A_553 : vector<1252x16xf32>
    %slice3A_555 = vector.extract_strided_slice %add3A_526 {offsets = [0, 32], sizes = [1252, 16], strides = [1, 1]} : vector<1252x48xf32> to vector<1252x16xf32>
    %slice3A_556 = vector.extract_strided_slice %add3A_536 {offsets = [0, 32], sizes = [1252, 16], strides = [1, 1]} : vector<1252x48xf32> to vector<1252x16xf32>
    %mul3A_557 = arith.mulf %logistic3A_545, %slice3A_556 : vector<1252x16xf32>
    %add3A_558 = arith.addf %slice3A_555, %mul3A_557 : vector<1252x16xf32>
    %tanh3A_559 = math.tanh %add3A_558 : vector<1252x16xf32>
    %sub3A_560 = arith.constant 1.000000e+00 : f32
    %sub3A_561 = vector.broadcast %sub3A_560 : f32 to vector<1252x16xf32>
    %sub3A_562 = arith.subf %sub3A_561, %logistic3A_554 : vector<1252x16xf32>
    %mul3A_563 = arith.mulf %sub3A_562, %tanh3A_559 : vector<1252x16xf32>
    %mul3A_564 = arith.mulf %logistic3A_554, %slice3A_493 : vector<1252x16xf32>
    %add3A_565 = arith.addf %mul3A_563, %mul3A_564 : vector<1252x16xf32>
    %slice3A_566 = vector.extract_strided_slice %get3A_1 {offsets = [0, 0], sizes = [1252, 128], strides = [1, 1]} : vector<2504x128xf32> to vector<1252x128xf32>
    %slice3A_567 = vector.extract_strided_slice %slice3A_566 {offsets = [0, 112], sizes = [1252, 16], strides = [1, 1]} : vector<1252x128xf32> to vector<1252x16xf32>
    %slice3A_568 = vector.extract_strided_slice %get3A_1 {offsets = [1252, 0], sizes = [1252, 128], strides = [1, 1]} : vector<2504x128xf32> to vector<1252x128xf32>
    %slice3A_569 = vector.extract_strided_slice %slice3A_568 {offsets = [0, 112], sizes = [1252, 16], strides = [1, 1]} : vector<1252x128xf32> to vector<1252x16xf32>
    %slice3A_570 = vector.extract_strided_slice %get3A_4 {offsets = [0, 0], sizes = [1252, 128], strides = [1, 1]} : vector<2504x128xf32> to vector<1252x128xf32>
    %slice3A_571 = vector.extract_strided_slice %slice3A_570 {offsets = [0, 112], sizes = [1252, 16], strides = [1, 1]} : vector<1252x128xf32> to vector<1252x16xf32>
    %slice3A_572 = vector.extract_strided_slice %get3A_4 {offsets = [1252, 0], sizes = [1252, 128], strides = [1, 1]} : vector<2504x128xf32> to vector<1252x128xf32>
    %slice3A_573 = vector.extract_strided_slice %slice3A_572 {offsets = [0, 112], sizes = [1252, 16], strides = [1, 1]} : vector<1252x128xf32> to vector<1252x16xf32>
    %slice3A_574 = vector.extract_strided_slice %get3A_7 {offsets = [0, 112], sizes = [1252, 16], strides = [1, 1]} : vector<1252x128xf32> to vector<1252x16xf32>
    %add3A_575 = arith.addf %slice3A_571, %slice3A_573 : vector<1252x16xf32>
    %max3A_576 = arith.constant 1.000000e+00 : f32
    %max3A_577 = vector.broadcast %max3A_576 : f32 to vector<1252x16xf32>
    %max3A_578 = arith.maximumf %add3A_575, %max3A_577 : vector<1252x16xf32>
    %div3A_579 = arith.constant 1.000000e+00 : f32
    %div3A_580 = vector.broadcast %div3A_579 : f32 to vector<1252x16xf32>
    %div3A_581 = arith.divf %div3A_580, %max3A_578 : vector<1252x16xf32>
    %add3A_582 = arith.addf %slice3A_567, %slice3A_569 : vector<1252x16xf32>
    %mul3A_583 = arith.mulf %add3A_582, %div3A_581 : vector<1252x16xf32>
    %get3A_584 = arith.constant 0 : index
    %get3A_585 = arith.constant 0 : index
    %get3A_586 = vector.load %arg3[%get3A_584, %get3A_585] : memref<16x16xf32, #tpu.memory_space<vmem>>, vector<16x16xf32>
    %dot_general3A_587 = arith.constant dense<0.000000e+00> : vector<1252x16xf32>
    %dot_general3A_588 = tpu.matmul %slice3A_574, %get3A_586, %dot_general3A_587 {dimension_numbers = #tpu.dot_dimension_numbers<[1], [0], [0], [1], [0, 0, 1, 1], [], []>, transpose_lhs_hint = false} : vector<1252x16xf32>, vector<16x16xf32>, vector<1252x16xf32> -> vector<1252x16xf32>
    %add3A_589 = arith.addf %mul3A_583, %dot_general3A_588 : vector<1252x16xf32>
    %get3A_590 = arith.constant 0 : index
    %get3A_591 = arith.constant 0 : index
    %get3A_592 = vector.load %arg4[%get3A_590, %get3A_591] : memref<1x16xf32, #tpu.memory_space<vmem>>, vector<1x16xf32>
    %add3A_593 = vector.broadcast %get3A_592 : vector<1x16xf32> to vector<1252x16xf32>
    %add3A_594 = arith.addf %add3A_589, %add3A_593 : vector<1252x16xf32>
    %max3A_595 = arith.constant 0.000000e+00 : f32
    %max3A_596 = vector.broadcast %max3A_595 : f32 to vector<1252x16xf32>
    %max3A_597 = arith.maximumf %add3A_594, %max3A_596 : vector<1252x16xf32>
    %get3A_598 = arith.constant 0 : index
    %get3A_599 = arith.constant 0 : index
    %get3A_600 = vector.load %arg5[%get3A_598, %get3A_599] : memref<16x48xf32, #tpu.memory_space<vmem>>, vector<16x48xf32>
    %dot_general3A_601 = arith.constant dense<0.000000e+00> : vector<1252x48xf32>
    %dot_general3A_602 = tpu.matmul %max3A_597, %get3A_600, %dot_general3A_601 {dimension_numbers = #tpu.dot_dimension_numbers<[1], [0], [0], [1], [0, 0, 1, 1], [], []>, transpose_lhs_hint = false} : vector<1252x16xf32>, vector<16x48xf32>, vector<1252x48xf32> -> vector<1252x48xf32>
    %get3A_603 = arith.constant 0 : index
    %get3A_604 = arith.constant 0 : index
    %get3A_605 = vector.load %arg7[%get3A_603, %get3A_604] : memref<1x48xf32, #tpu.memory_space<vmem>>, vector<1x48xf32>
    %add3A_606 = vector.broadcast %get3A_605 : vector<1x48xf32> to vector<1252x48xf32>
    %add3A_607 = arith.addf %dot_general3A_602, %add3A_606 : vector<1252x48xf32>
    %get3A_608 = arith.constant 0 : index
    %get3A_609 = arith.constant 0 : index
    %get3A_610 = vector.load %arg6[%get3A_608, %get3A_609] : memref<16x48xf32, #tpu.memory_space<vmem>>, vector<16x48xf32>
    %dot_general3A_611 = arith.constant dense<0.000000e+00> : vector<1252x48xf32>
    %dot_general3A_612 = tpu.matmul %slice3A_574, %get3A_610, %dot_general3A_611 {dimension_numbers = #tpu.dot_dimension_numbers<[1], [0], [0], [1], [0, 0, 1, 1], [], []>, transpose_lhs_hint = false} : vector<1252x16xf32>, vector<16x48xf32>, vector<1252x48xf32> -> vector<1252x48xf32>
    %get3A_613 = arith.constant 0 : index
    %get3A_614 = arith.constant 0 : index
    %get3A_615 = vector.load %arg8[%get3A_613, %get3A_614] : memref<1x48xf32, #tpu.memory_space<vmem>>, vector<1x48xf32>
    %add3A_616 = vector.broadcast %get3A_615 : vector<1x48xf32> to vector<1252x48xf32>
    %add3A_617 = arith.addf %dot_general3A_612, %add3A_616 : vector<1252x48xf32>
    %slice3A_618 = vector.extract_strided_slice %add3A_607 {offsets = [0, 0], sizes = [1252, 16], strides = [1, 1]} : vector<1252x48xf32> to vector<1252x16xf32>
    %slice3A_619 = vector.extract_strided_slice %add3A_617 {offsets = [0, 0], sizes = [1252, 16], strides = [1, 1]} : vector<1252x48xf32> to vector<1252x16xf32>
    %add3A_620 = arith.addf %slice3A_618, %slice3A_619 : vector<1252x16xf32>
    %logistic3A_621 = arith.negf %add3A_620 : vector<1252x16xf32>
    %logistic3A_622 = math.exp %logistic3A_621 : vector<1252x16xf32>
    %logistic3A_623 = arith.constant 1.000000e+00 : f32
    %logistic3A_624 = vector.broadcast %logistic3A_623 : f32 to vector<1252x16xf32>
    %logistic3A_625 = arith.addf %logistic3A_624, %logistic3A_622 : vector<1252x16xf32>
    %logistic3A_626 = arith.divf %logistic3A_624, %logistic3A_625 : vector<1252x16xf32>
    %slice3A_627 = vector.extract_strided_slice %add3A_607 {offsets = [0, 16], sizes = [1252, 16], strides = [1, 1]} : vector<1252x48xf32> to vector<1252x16xf32>
    %slice3A_628 = vector.extract_strided_slice %add3A_617 {offsets = [0, 16], sizes = [1252, 16], strides = [1, 1]} : vector<1252x48xf32> to vector<1252x16xf32>
    %add3A_629 = arith.addf %slice3A_627, %slice3A_628 : vector<1252x16xf32>
    %logistic3A_630 = arith.negf %add3A_629 : vector<1252x16xf32>
    %logistic3A_631 = math.exp %logistic3A_630 : vector<1252x16xf32>
    %logistic3A_632 = arith.constant 1.000000e+00 : f32
    %logistic3A_633 = vector.broadcast %logistic3A_632 : f32 to vector<1252x16xf32>
    %logistic3A_634 = arith.addf %logistic3A_633, %logistic3A_631 : vector<1252x16xf32>
    %logistic3A_635 = arith.divf %logistic3A_633, %logistic3A_634 : vector<1252x16xf32>
    %slice3A_636 = vector.extract_strided_slice %add3A_607 {offsets = [0, 32], sizes = [1252, 16], strides = [1, 1]} : vector<1252x48xf32> to vector<1252x16xf32>
    %slice3A_637 = vector.extract_strided_slice %add3A_617 {offsets = [0, 32], sizes = [1252, 16], strides = [1, 1]} : vector<1252x48xf32> to vector<1252x16xf32>
    %mul3A_638 = arith.mulf %logistic3A_626, %slice3A_637 : vector<1252x16xf32>
    %add3A_639 = arith.addf %slice3A_636, %mul3A_638 : vector<1252x16xf32>
    %tanh3A_640 = math.tanh %add3A_639 : vector<1252x16xf32>
    %sub3A_641 = arith.constant 1.000000e+00 : f32
    %sub3A_642 = vector.broadcast %sub3A_641 : f32 to vector<1252x16xf32>
    %sub3A_643 = arith.subf %sub3A_642, %logistic3A_635 : vector<1252x16xf32>
    %mul3A_644 = arith.mulf %sub3A_643, %tanh3A_640 : vector<1252x16xf32>
    %mul3A_645 = arith.mulf %logistic3A_635, %slice3A_574 : vector<1252x16xf32>
    %add3A_646 = arith.addf %mul3A_644, %mul3A_645 : vector<1252x16xf32>
    %concatenate3A = tpu.concatenate %add3A_79, %add3A_160, %add3A_241, %add3A_322, %add3A_403, %add3A_484, %add3A_565, %add3A_646 in 1 : vector<1252x16xf32>, vector<1252x16xf32>, vector<1252x16xf32>, vector<1252x16xf32>, vector<1252x16xf32>, vector<1252x16xf32>, vector<1252x16xf32>, vector<1252x16xf32> -> vector<1252x128xf32>
    %swap3A = arith.constant 0 : index
    %swap3A_647 = arith.constant 0 : index
    %swap3A_648 = vector.load %arg9[%swap3A, %swap3A_647] : memref<1252x128xf32, #tpu.memory_space<vmem>>, vector<1252x128xf32>
    tpu.vector_store %arg9[%swap3A, %swap3A_647], %concatenate3A {strides = array<i32>} : memref<1252x128xf32, #tpu.memory_space<vmem>>, vector<1252x128xf32>,
    return
  }
}

module attributes {stable_mosaic.version = 14 : i64} {
  func.func @body(%arg0: memref<10016x16xf32, #tpu.memory_space<vmem>>, %arg1: memref<10016x1xi32, #tpu.memory_space<vmem>>, %arg2: memref<32x64xf32, #tpu.memory_space<vmem>>, %arg3: memref<16x64xf32, #tpu.memory_space<vmem>>, %arg4: memref<1x64xf32, #tpu.memory_space<vmem>>, %arg5: memref<1x64xf32, #tpu.memory_space<vmem>>, %arg6: memref<32x16xf32, #tpu.memory_space<vmem>>, %arg7: memref<1x16xf32, #tpu.memory_space<vmem>>, %arg8: memref<16x1xf32, #tpu.memory_space<vmem>>, %arg9: memref<1x1xf32, #tpu.memory_space<vmem>>, %arg10: memref<16x36xf32, #tpu.memory_space<vmem>>, %arg11: memref<1x36xf32, #tpu.memory_space<vmem>>, %arg12: memref<36x2xf32, #tpu.memory_space<vmem>>, %arg13: memref<1x2xf32, #tpu.memory_space<vmem>>, %arg14: memref<10000x2xf32, #tpu.memory_space<vmem>>, %arg15: memref<8x1xf32, #tpu.memory_space<vmem>>) attributes {dimension_semantics = [], scalar_prefetch = 0 : i64, scratch_operands = 0 : i64, tpu.core_type = #tpu.core_type<tc>} {
    %get3A = arith.constant 0 : index
    %get3A_0 = arith.constant 0 : index
    %get3A_1 = vector.load %arg0[%get3A, %get3A_0] : memref<10016x16xf32, #tpu.memory_space<vmem>>, vector<10016x16xf32>
    %get3A_2 = arith.constant 0 : index
    %get3A_3 = arith.constant 0 : index
    %get3A_4 = vector.load %arg1[%get3A_2, %get3A_3] : memref<10016x1xi32, #tpu.memory_space<vmem>>, vector<10016x1xi32>
    %iota3A = tpu.iota {dimensions = array<i32: 1>} : vector<10016x8xi32>
    %eq3A = vector.broadcast %get3A_4 : vector<10016x1xi32> to vector<10016x8xi32>
    %eq3A_5 = arith.cmpi eq, %eq3A, %iota3A : vector<10016x8xi32>
    %convert_element_type3A = arith.extui %eq3A_5 : vector<10016x8xi1> to vector<10016x8xi32>
    %convert_element_type3A_6 = arith.sitofp %convert_element_type3A : vector<10016x8xi32> to vector<10016x8xf32>
    %lt3A = arith.constant 8 : i32
    %lt3A_7 = vector.broadcast %lt3A : i32 to vector<10016x1xi32>
    %lt3A_8 = arith.cmpi slt, %get3A_4, %lt3A_7 : vector<10016x1xi32>
    %broadcast_in_dim3A = arith.constant 0.000000e+00 : f32
    %broadcast_in_dim3A_9 = vector.broadcast %broadcast_in_dim3A : f32 to vector<8x32xf32>
    %broadcast_in_dim3A_10 = arith.constant 0.000000e+00 : f32
    %broadcast_in_dim3A_11 = vector.broadcast %broadcast_in_dim3A_10 : f32 to vector<8x16xf32>
    %broadcast_in_dim3A_12 = arith.constant 0.000000e+00 : f32
    %broadcast_in_dim3A_13 = vector.broadcast %broadcast_in_dim3A_12 : f32 to vector<8x16xf32>
    %get3A_14 = arith.constant 0 : index
    %get3A_15 = arith.constant 0 : index
    %get3A_16 = vector.load %arg2[%get3A_14, %get3A_15] : memref<32x64xf32, #tpu.memory_space<vmem>>, vector<32x64xf32>
    %dot_general3A = arith.constant dense<0.000000e+00> : vector<8x64xf32>
    %dot_general3A_17 = tpu.matmul %broadcast_in_dim3A_9, %get3A_16, %dot_general3A {dimension_numbers = #tpu.dot_dimension_numbers<[1], [0], [0], [1], [0, 0, 1, 1], [], []>, transpose_lhs_hint = false} : vector<8x32xf32>, vector<32x64xf32>, vector<8x64xf32> -> vector<8x64xf32>
    %get3A_18 = arith.constant 0 : index
    %get3A_19 = arith.constant 0 : index
    %get3A_20 = vector.load %arg4[%get3A_18, %get3A_19] : memref<1x64xf32, #tpu.memory_space<vmem>>, vector<1x64xf32>
    %add3A = vector.broadcast %get3A_20 : vector<1x64xf32> to vector<8x64xf32>
    %add3A_21 = arith.addf %dot_general3A_17, %add3A : vector<8x64xf32>
    %get3A_22 = arith.constant 0 : index
    %get3A_23 = arith.constant 0 : index
    %get3A_24 = vector.load %arg3[%get3A_22, %get3A_23] : memref<16x64xf32, #tpu.memory_space<vmem>>, vector<16x64xf32>
    %dot_general3A_25 = arith.constant dense<0.000000e+00> : vector<8x64xf32>
    %dot_general3A_26 = tpu.matmul %broadcast_in_dim3A_11, %get3A_24, %dot_general3A_25 {dimension_numbers = #tpu.dot_dimension_numbers<[1], [0], [0], [1], [0, 0, 1, 1], [], []>, transpose_lhs_hint = false} : vector<8x16xf32>, vector<16x64xf32>, vector<8x64xf32> -> vector<8x64xf32>
    %add3A_27 = arith.addf %add3A_21, %dot_general3A_26 : vector<8x64xf32>
    %get3A_28 = arith.constant 0 : index
    %get3A_29 = arith.constant 0 : index
    %get3A_30 = vector.load %arg5[%get3A_28, %get3A_29] : memref<1x64xf32, #tpu.memory_space<vmem>>, vector<1x64xf32>
    %add3A_31 = vector.broadcast %get3A_30 : vector<1x64xf32> to vector<8x64xf32>
    %add3A_32 = arith.addf %add3A_27, %add3A_31 : vector<8x64xf32>
    %slice3A = vector.extract_strided_slice %add3A_32 {offsets = [0, 0], sizes = [8, 16], strides = [1, 1]} : vector<8x64xf32> to vector<8x16xf32>
    %logistic3A = arith.negf %slice3A : vector<8x16xf32>
    %logistic3A_33 = math.exp %logistic3A : vector<8x16xf32>
    %logistic3A_34 = arith.constant 1.000000e+00 : f32
    %logistic3A_35 = vector.broadcast %logistic3A_34 : f32 to vector<8x16xf32>
    %logistic3A_36 = arith.addf %logistic3A_35, %logistic3A_33 : vector<8x16xf32>
    %logistic3A_37 = arith.divf %logistic3A_35, %logistic3A_36 : vector<8x16xf32>
    %slice3A_38 = vector.extract_strided_slice %add3A_32 {offsets = [0, 16], sizes = [8, 16], strides = [1, 1]} : vector<8x64xf32> to vector<8x16xf32>
    %logistic3A_39 = arith.negf %slice3A_38 : vector<8x16xf32>
    %logistic3A_40 = math.exp %logistic3A_39 : vector<8x16xf32>
    %logistic3A_41 = arith.constant 1.000000e+00 : f32
    %logistic3A_42 = vector.broadcast %logistic3A_41 : f32 to vector<8x16xf32>
    %logistic3A_43 = arith.addf %logistic3A_42, %logistic3A_40 : vector<8x16xf32>
    %logistic3A_44 = arith.divf %logistic3A_42, %logistic3A_43 : vector<8x16xf32>
    %slice3A_45 = vector.extract_strided_slice %add3A_32 {offsets = [0, 32], sizes = [8, 16], strides = [1, 1]} : vector<8x64xf32> to vector<8x16xf32>
    %tanh3A = math.tanh %slice3A_45 : vector<8x16xf32>
    %slice3A_46 = vector.extract_strided_slice %add3A_32 {offsets = [0, 48], sizes = [8, 16], strides = [1, 1]} : vector<8x64xf32> to vector<8x16xf32>
    %logistic3A_47 = arith.negf %slice3A_46 : vector<8x16xf32>
    %logistic3A_48 = math.exp %logistic3A_47 : vector<8x16xf32>
    %logistic3A_49 = arith.constant 1.000000e+00 : f32
    %logistic3A_50 = vector.broadcast %logistic3A_49 : f32 to vector<8x16xf32>
    %logistic3A_51 = arith.addf %logistic3A_50, %logistic3A_48 : vector<8x16xf32>
    %logistic3A_52 = arith.divf %logistic3A_50, %logistic3A_51 : vector<8x16xf32>
    %mul3A = arith.mulf %logistic3A_44, %broadcast_in_dim3A_13 : vector<8x16xf32>
    %mul3A_53 = arith.mulf %logistic3A_37, %tanh3A : vector<8x16xf32>
    %add3A_54 = arith.addf %mul3A, %mul3A_53 : vector<8x16xf32>
    %tanh3A_55 = math.tanh %add3A_54 : vector<8x16xf32>
    %mul3A_56 = arith.mulf %logistic3A_52, %tanh3A_55 : vector<8x16xf32>
    %dot_general3A_57 = arith.constant dense<0.000000e+00> : vector<10016x16xf32>
    %dot_general3A_58 = tpu.matmul %convert_element_type3A_6, %mul3A_56, %dot_general3A_57 {dimension_numbers = #tpu.dot_dimension_numbers<[1], [0], [0], [1], [0, 0, 1, 1], [], []>, transpose_lhs_hint = false} : vector<10016x8xf32>, vector<8x16xf32>, vector<10016x16xf32> -> vector<10016x16xf32>
    %mul3A_59 = arith.mulf %get3A_1, %dot_general3A_58 : vector<10016x16xf32>
    %reduce_sum3A = arith.constant dense<0.000000e+00> : vector<10016xf32>
    %reduce_sum3A_60 = vector.multi_reduction <add>, %mul3A_59, %reduce_sum3A [1] : vector<10016x16xf32> to vector<10016xf32>
    %broadcast_in_dim3A_61 = vector.shape_cast %reduce_sum3A_60 : vector<10016xf32> to vector<10016x1xf32>
    %gt3A = arith.constant 0.000000e+00 : f32
    %gt3A_62 = vector.broadcast %gt3A : f32 to vector<10016x8xf32>
    %gt3A_63 = arith.cmpf ogt, %convert_element_type3A_6, %gt3A_62 : vector<10016x8xf32>
    %jit3A = arith.constant 0xFF800000 : f32
    %broadcast_in_dim3A_64 = vector.shape_cast %broadcast_in_dim3A_61 : vector<10016x1xf32> to vector<10016x1xf32>
    %broadcast_in_dim3A_65 = vector.broadcast %broadcast_in_dim3A_64 : vector<10016x1xf32> to vector<10016x8xf32>
    %broadcast_in_dim3A_66 = vector.broadcast %jit3A : f32 to vector<10016x8xf32>
    %select_n3A = arith.select %gt3A_63, %broadcast_in_dim3A_65, %broadcast_in_dim3A_66 : vector<10016x8xi1>, vector<10016x8xf32>
    %reduce_max3A = arith.constant dense<0xFF800000> : vector<8xf32>
    %reduce_max3A_67 = vector.multi_reduction <maximumf>, %select_n3A, %reduce_max3A [0] : vector<10016x8xf32> to vector<8xf32>
    %broadcast_in_dim3A_68 = vector.shape_cast %reduce_max3A_67 : vector<8xf32> to vector<1x8xf32>
    %is_finite3A = tpu.weird %broadcast_in_dim3A_68 : vector<1x8xf32> -> vector<1x8xi1>
    %is_finite3A_69 = arith.constant dense<true> : vector<1x8xi1>
    %is_finite3A_70 = arith.xori %is_finite3A, %is_finite3A_69 : vector<1x8xi1>
    %jit3A_71 = arith.constant 0.000000e+00 : f32
    %broadcast_in_dim3A_72 = vector.broadcast %jit3A_71 : f32 to vector<1x8xf32>
    %select_n3A_73 = arith.select %is_finite3A_70, %broadcast_in_dim3A_68, %broadcast_in_dim3A_72 : vector<1x8xi1>, vector<1x8xf32>
    %mul3A_74 = vector.broadcast %select_n3A_73 : vector<1x8xf32> to vector<10016x8xf32>
    %mul3A_75 = arith.mulf %convert_element_type3A_6, %mul3A_74 : vector<10016x8xf32>
    %reduce_sum3A_76 = arith.constant dense<0.000000e+00> : vector<10016xf32>
    %reduce_sum3A_77 = vector.multi_reduction <add>, %mul3A_75, %reduce_sum3A_76 [1] : vector<10016x8xf32> to vector<10016xf32>
    %broadcast_in_dim3A_78 = vector.shape_cast %reduce_sum3A_77 : vector<10016xf32> to vector<10016x1xf32>
    %sub3A = arith.subf %broadcast_in_dim3A_61, %broadcast_in_dim3A_78 : vector<10016x1xf32>
    %jit3A_79 = arith.constant -1.000000e+30 : f32
    %broadcast_in_dim3A_80 = vector.broadcast %jit3A_79 : f32 to vector<10016x1xf32>
    %select_n3A_81 = arith.select %lt3A_8, %sub3A, %broadcast_in_dim3A_80 : vector<10016x1xi1>, vector<10016x1xf32>
    %exp3A = math.exp %select_n3A_81 : vector<10016x1xf32>
    %mul3A_82 = vector.broadcast %exp3A : vector<10016x1xf32> to vector<10016x8xf32>
    %mul3A_83 = arith.mulf %convert_element_type3A_6, %mul3A_82 : vector<10016x8xf32>
    %reduce_sum3A_84 = arith.constant dense<0.000000e+00> : vector<8xf32>
    %reduce_sum3A_85 = vector.multi_reduction <add>, %mul3A_83, %reduce_sum3A_84 [0] : vector<10016x8xf32> to vector<8xf32>
    %broadcast_in_dim3A_86 = vector.shape_cast %reduce_sum3A_85 : vector<8xf32> to vector<1x8xf32>
    %mul3A_87 = vector.broadcast %broadcast_in_dim3A_86 : vector<1x8xf32> to vector<10016x8xf32>
    %mul3A_88 = arith.mulf %convert_element_type3A_6, %mul3A_87 : vector<10016x8xf32>
    %reduce_sum3A_89 = arith.constant dense<0.000000e+00> : vector<10016xf32>
    %reduce_sum3A_90 = vector.multi_reduction <add>, %mul3A_88, %reduce_sum3A_89 [1] : vector<10016x8xf32> to vector<10016xf32>
    %broadcast_in_dim3A_91 = vector.shape_cast %reduce_sum3A_90 : vector<10016xf32> to vector<10016x1xf32>
    %max3A = arith.constant 1.000000e-16 : f32
    %max3A_92 = vector.broadcast %max3A : f32 to vector<10016x1xf32>
    %max3A_93 = arith.maximumf %broadcast_in_dim3A_91, %max3A_92 : vector<10016x1xf32>
    %div3A = arith.divf %exp3A, %max3A_93 : vector<10016x1xf32>
    %mul3A_94 = vector.broadcast %div3A : vector<10016x1xf32> to vector<10016x8xf32>
    %mul3A_95 = arith.mulf %convert_element_type3A_6, %mul3A_94 : vector<10016x8xf32>
    %dot_general3A_96 = arith.constant dense<0.000000e+00> : vector<8x16xf32>
    %dot_general3A_97 = tpu.matmul %mul3A_95, %get3A_1, %dot_general3A_96 {dimension_numbers = #tpu.dot_dimension_numbers<[0], [0], [1], [1], [0, 1, 1, 1], [], []>, transpose_lhs_hint = false} : vector<10016x8xf32>, vector<10016x16xf32>, vector<8x16xf32> -> vector<8x16xf32>
    %concatenate3A = tpu.concatenate %mul3A_56, %dot_general3A_97 in 1 : vector<8x16xf32>, vector<8x16xf32> -> vector<8x32xf32>
    %get3A_98 = arith.constant 0 : index
    %get3A_99 = arith.constant 0 : index
    %get3A_100 = vector.load %arg2[%get3A_98, %get3A_99] : memref<32x64xf32, #tpu.memory_space<vmem>>, vector<32x64xf32>
    %dot_general3A_101 = arith.constant dense<0.000000e+00> : vector<8x64xf32>
    %dot_general3A_102 = tpu.matmul %concatenate3A, %get3A_100, %dot_general3A_101 {dimension_numbers = #tpu.dot_dimension_numbers<[1], [0], [0], [1], [0, 0, 1, 1], [], []>, transpose_lhs_hint = false} : vector<8x32xf32>, vector<32x64xf32>, vector<8x64xf32> -> vector<8x64xf32>
    %get3A_103 = arith.constant 0 : index
    %get3A_104 = arith.constant 0 : index
    %get3A_105 = vector.load %arg4[%get3A_103, %get3A_104] : memref<1x64xf32, #tpu.memory_space<vmem>>, vector<1x64xf32>
    %add3A_106 = vector.broadcast %get3A_105 : vector<1x64xf32> to vector<8x64xf32>
    %add3A_107 = arith.addf %dot_general3A_102, %add3A_106 : vector<8x64xf32>
    %get3A_108 = arith.constant 0 : index
    %get3A_109 = arith.constant 0 : index
    %get3A_110 = vector.load %arg3[%get3A_108, %get3A_109] : memref<16x64xf32, #tpu.memory_space<vmem>>, vector<16x64xf32>
    %dot_general3A_111 = arith.constant dense<0.000000e+00> : vector<8x64xf32>
    %dot_general3A_112 = tpu.matmul %mul3A_56, %get3A_110, %dot_general3A_111 {dimension_numbers = #tpu.dot_dimension_numbers<[1], [0], [0], [1], [0, 0, 1, 1], [], []>, transpose_lhs_hint = false} : vector<8x16xf32>, vector<16x64xf32>, vector<8x64xf32> -> vector<8x64xf32>
    %add3A_113 = arith.addf %add3A_107, %dot_general3A_112 : vector<8x64xf32>
    %get3A_114 = arith.constant 0 : index
    %get3A_115 = arith.constant 0 : index
    %get3A_116 = vector.load %arg5[%get3A_114, %get3A_115] : memref<1x64xf32, #tpu.memory_space<vmem>>, vector<1x64xf32>
    %add3A_117 = vector.broadcast %get3A_116 : vector<1x64xf32> to vector<8x64xf32>
    %add3A_118 = arith.addf %add3A_113, %add3A_117 : vector<8x64xf32>
    %slice3A_119 = vector.extract_strided_slice %add3A_118 {offsets = [0, 0], sizes = [8, 16], strides = [1, 1]} : vector<8x64xf32> to vector<8x16xf32>
    %logistic3A_120 = arith.negf %slice3A_119 : vector<8x16xf32>
    %logistic3A_121 = math.exp %logistic3A_120 : vector<8x16xf32>
    %logistic3A_122 = arith.constant 1.000000e+00 : f32
    %logistic3A_123 = vector.broadcast %logistic3A_122 : f32 to vector<8x16xf32>
    %logistic3A_124 = arith.addf %logistic3A_123, %logistic3A_121 : vector<8x16xf32>
    %logistic3A_125 = arith.divf %logistic3A_123, %logistic3A_124 : vector<8x16xf32>
    %slice3A_126 = vector.extract_strided_slice %add3A_118 {offsets = [0, 16], sizes = [8, 16], strides = [1, 1]} : vector<8x64xf32> to vector<8x16xf32>
    %logistic3A_127 = arith.negf %slice3A_126 : vector<8x16xf32>
    %logistic3A_128 = math.exp %logistic3A_127 : vector<8x16xf32>
    %logistic3A_129 = arith.constant 1.000000e+00 : f32
    %logistic3A_130 = vector.broadcast %logistic3A_129 : f32 to vector<8x16xf32>
    %logistic3A_131 = arith.addf %logistic3A_130, %logistic3A_128 : vector<8x16xf32>
    %logistic3A_132 = arith.divf %logistic3A_130, %logistic3A_131 : vector<8x16xf32>
    %slice3A_133 = vector.extract_strided_slice %add3A_118 {offsets = [0, 32], sizes = [8, 16], strides = [1, 1]} : vector<8x64xf32> to vector<8x16xf32>
    %tanh3A_134 = math.tanh %slice3A_133 : vector<8x16xf32>
    %slice3A_135 = vector.extract_strided_slice %add3A_118 {offsets = [0, 48], sizes = [8, 16], strides = [1, 1]} : vector<8x64xf32> to vector<8x16xf32>
    %logistic3A_136 = arith.negf %slice3A_135 : vector<8x16xf32>
    %logistic3A_137 = math.exp %logistic3A_136 : vector<8x16xf32>
    %logistic3A_138 = arith.constant 1.000000e+00 : f32
    %logistic3A_139 = vector.broadcast %logistic3A_138 : f32 to vector<8x16xf32>
    %logistic3A_140 = arith.addf %logistic3A_139, %logistic3A_137 : vector<8x16xf32>
    %logistic3A_141 = arith.divf %logistic3A_139, %logistic3A_140 : vector<8x16xf32>
    %mul3A_142 = arith.mulf %logistic3A_132, %add3A_54 : vector<8x16xf32>
    %mul3A_143 = arith.mulf %logistic3A_125, %tanh3A_134 : vector<8x16xf32>
    %add3A_144 = arith.addf %mul3A_142, %mul3A_143 : vector<8x16xf32>
    %tanh3A_145 = math.tanh %add3A_144 : vector<8x16xf32>
    %mul3A_146 = arith.mulf %logistic3A_141, %tanh3A_145 : vector<8x16xf32>
    %dot_general3A_147 = arith.constant dense<0.000000e+00> : vector<10016x16xf32>
    %dot_general3A_148 = tpu.matmul %convert_element_type3A_6, %mul3A_146, %dot_general3A_147 {dimension_numbers = #tpu.dot_dimension_numbers<[1], [0], [0], [1], [0, 0, 1, 1], [], []>, transpose_lhs_hint = false} : vector<10016x8xf32>, vector<8x16xf32>, vector<10016x16xf32> -> vector<10016x16xf32>
    %mul3A_149 = arith.mulf %get3A_1, %dot_general3A_148 : vector<10016x16xf32>
    %reduce_sum3A_150 = arith.constant dense<0.000000e+00> : vector<10016xf32>
    %reduce_sum3A_151 = vector.multi_reduction <add>, %mul3A_149, %reduce_sum3A_150 [1] : vector<10016x16xf32> to vector<10016xf32>
    %broadcast_in_dim3A_152 = vector.shape_cast %reduce_sum3A_151 : vector<10016xf32> to vector<10016x1xf32>
    %gt3A_153 = arith.constant 0.000000e+00 : f32
    %gt3A_154 = vector.broadcast %gt3A_153 : f32 to vector<10016x8xf32>
    %gt3A_155 = arith.cmpf ogt, %convert_element_type3A_6, %gt3A_154 : vector<10016x8xf32>
    %jit3A_156 = arith.constant 0xFF800000 : f32
    %broadcast_in_dim3A_157 = vector.shape_cast %broadcast_in_dim3A_152 : vector<10016x1xf32> to vector<10016x1xf32>
    %broadcast_in_dim3A_158 = vector.broadcast %broadcast_in_dim3A_157 : vector<10016x1xf32> to vector<10016x8xf32>
    %broadcast_in_dim3A_159 = vector.broadcast %jit3A_156 : f32 to vector<10016x8xf32>
    %select_n3A_160 = arith.select %gt3A_155, %broadcast_in_dim3A_158, %broadcast_in_dim3A_159 : vector<10016x8xi1>, vector<10016x8xf32>
    %reduce_max3A_161 = arith.constant dense<0xFF800000> : vector<8xf32>
    %reduce_max3A_162 = vector.multi_reduction <maximumf>, %select_n3A_160, %reduce_max3A_161 [0] : vector<10016x8xf32> to vector<8xf32>
    %broadcast_in_dim3A_163 = vector.shape_cast %reduce_max3A_162 : vector<8xf32> to vector<1x8xf32>
    %is_finite3A_164 = tpu.weird %broadcast_in_dim3A_163 : vector<1x8xf32> -> vector<1x8xi1>
    %is_finite3A_165 = arith.constant dense<true> : vector<1x8xi1>
    %is_finite3A_166 = arith.xori %is_finite3A_164, %is_finite3A_165 : vector<1x8xi1>
    %jit3A_167 = arith.constant 0.000000e+00 : f32
    %broadcast_in_dim3A_168 = vector.broadcast %jit3A_167 : f32 to vector<1x8xf32>
    %select_n3A_169 = arith.select %is_finite3A_166, %broadcast_in_dim3A_163, %broadcast_in_dim3A_168 : vector<1x8xi1>, vector<1x8xf32>
    %mul3A_170 = vector.broadcast %select_n3A_169 : vector<1x8xf32> to vector<10016x8xf32>
    %mul3A_171 = arith.mulf %convert_element_type3A_6, %mul3A_170 : vector<10016x8xf32>
    %reduce_sum3A_172 = arith.constant dense<0.000000e+00> : vector<10016xf32>
    %reduce_sum3A_173 = vector.multi_reduction <add>, %mul3A_171, %reduce_sum3A_172 [1] : vector<10016x8xf32> to vector<10016xf32>
    %broadcast_in_dim3A_174 = vector.shape_cast %reduce_sum3A_173 : vector<10016xf32> to vector<10016x1xf32>
    %sub3A_175 = arith.subf %broadcast_in_dim3A_152, %broadcast_in_dim3A_174 : vector<10016x1xf32>
    %jit3A_176 = arith.constant -1.000000e+30 : f32
    %broadcast_in_dim3A_177 = vector.broadcast %jit3A_176 : f32 to vector<10016x1xf32>
    %select_n3A_178 = arith.select %lt3A_8, %sub3A_175, %broadcast_in_dim3A_177 : vector<10016x1xi1>, vector<10016x1xf32>
    %exp3A_179 = math.exp %select_n3A_178 : vector<10016x1xf32>
    %mul3A_180 = vector.broadcast %exp3A_179 : vector<10016x1xf32> to vector<10016x8xf32>
    %mul3A_181 = arith.mulf %convert_element_type3A_6, %mul3A_180 : vector<10016x8xf32>
    %reduce_sum3A_182 = arith.constant dense<0.000000e+00> : vector<8xf32>
    %reduce_sum3A_183 = vector.multi_reduction <add>, %mul3A_181, %reduce_sum3A_182 [0] : vector<10016x8xf32> to vector<8xf32>
    %broadcast_in_dim3A_184 = vector.shape_cast %reduce_sum3A_183 : vector<8xf32> to vector<1x8xf32>
    %mul3A_185 = vector.broadcast %broadcast_in_dim3A_184 : vector<1x8xf32> to vector<10016x8xf32>
    %mul3A_186 = arith.mulf %convert_element_type3A_6, %mul3A_185 : vector<10016x8xf32>
    %reduce_sum3A_187 = arith.constant dense<0.000000e+00> : vector<10016xf32>
    %reduce_sum3A_188 = vector.multi_reduction <add>, %mul3A_186, %reduce_sum3A_187 [1] : vector<10016x8xf32> to vector<10016xf32>
    %broadcast_in_dim3A_189 = vector.shape_cast %reduce_sum3A_188 : vector<10016xf32> to vector<10016x1xf32>
    %max3A_190 = arith.constant 1.000000e-16 : f32
    %max3A_191 = vector.broadcast %max3A_190 : f32 to vector<10016x1xf32>
    %max3A_192 = arith.maximumf %broadcast_in_dim3A_189, %max3A_191 : vector<10016x1xf32>
    %div3A_193 = arith.divf %exp3A_179, %max3A_192 : vector<10016x1xf32>
    %mul3A_194 = vector.broadcast %div3A_193 : vector<10016x1xf32> to vector<10016x8xf32>
    %mul3A_195 = arith.mulf %convert_element_type3A_6, %mul3A_194 : vector<10016x8xf32>
    %dot_general3A_196 = arith.constant dense<0.000000e+00> : vector<8x16xf32>
    %dot_general3A_197 = tpu.matmul %mul3A_195, %get3A_1, %dot_general3A_196 {dimension_numbers = #tpu.dot_dimension_numbers<[0], [0], [1], [1], [0, 1, 1, 1], [], []>, transpose_lhs_hint = false} : vector<10016x8xf32>, vector<10016x16xf32>, vector<8x16xf32> -> vector<8x16xf32>
    %concatenate3A_198 = tpu.concatenate %mul3A_146, %dot_general3A_197 in 1 : vector<8x16xf32>, vector<8x16xf32> -> vector<8x32xf32>
    %get3A_199 = arith.constant 0 : index
    %get3A_200 = arith.constant 0 : index
    %get3A_201 = vector.load %arg2[%get3A_199, %get3A_200] : memref<32x64xf32, #tpu.memory_space<vmem>>, vector<32x64xf32>
    %dot_general3A_202 = arith.constant dense<0.000000e+00> : vector<8x64xf32>
    %dot_general3A_203 = tpu.matmul %concatenate3A_198, %get3A_201, %dot_general3A_202 {dimension_numbers = #tpu.dot_dimension_numbers<[1], [0], [0], [1], [0, 0, 1, 1], [], []>, transpose_lhs_hint = false} : vector<8x32xf32>, vector<32x64xf32>, vector<8x64xf32> -> vector<8x64xf32>
    %get3A_204 = arith.constant 0 : index
    %get3A_205 = arith.constant 0 : index
    %get3A_206 = vector.load %arg4[%get3A_204, %get3A_205] : memref<1x64xf32, #tpu.memory_space<vmem>>, vector<1x64xf32>
    %add3A_207 = vector.broadcast %get3A_206 : vector<1x64xf32> to vector<8x64xf32>
    %add3A_208 = arith.addf %dot_general3A_203, %add3A_207 : vector<8x64xf32>
    %get3A_209 = arith.constant 0 : index
    %get3A_210 = arith.constant 0 : index
    %get3A_211 = vector.load %arg3[%get3A_209, %get3A_210] : memref<16x64xf32, #tpu.memory_space<vmem>>, vector<16x64xf32>
    %dot_general3A_212 = arith.constant dense<0.000000e+00> : vector<8x64xf32>
    %dot_general3A_213 = tpu.matmul %mul3A_146, %get3A_211, %dot_general3A_212 {dimension_numbers = #tpu.dot_dimension_numbers<[1], [0], [0], [1], [0, 0, 1, 1], [], []>, transpose_lhs_hint = false} : vector<8x16xf32>, vector<16x64xf32>, vector<8x64xf32> -> vector<8x64xf32>
    %add3A_214 = arith.addf %add3A_208, %dot_general3A_213 : vector<8x64xf32>
    %get3A_215 = arith.constant 0 : index
    %get3A_216 = arith.constant 0 : index
    %get3A_217 = vector.load %arg5[%get3A_215, %get3A_216] : memref<1x64xf32, #tpu.memory_space<vmem>>, vector<1x64xf32>
    %add3A_218 = vector.broadcast %get3A_217 : vector<1x64xf32> to vector<8x64xf32>
    %add3A_219 = arith.addf %add3A_214, %add3A_218 : vector<8x64xf32>
    %slice3A_220 = vector.extract_strided_slice %add3A_219 {offsets = [0, 0], sizes = [8, 16], strides = [1, 1]} : vector<8x64xf32> to vector<8x16xf32>
    %logistic3A_221 = arith.negf %slice3A_220 : vector<8x16xf32>
    %logistic3A_222 = math.exp %logistic3A_221 : vector<8x16xf32>
    %logistic3A_223 = arith.constant 1.000000e+00 : f32
    %logistic3A_224 = vector.broadcast %logistic3A_223 : f32 to vector<8x16xf32>
    %logistic3A_225 = arith.addf %logistic3A_224, %logistic3A_222 : vector<8x16xf32>
    %logistic3A_226 = arith.divf %logistic3A_224, %logistic3A_225 : vector<8x16xf32>
    %slice3A_227 = vector.extract_strided_slice %add3A_219 {offsets = [0, 16], sizes = [8, 16], strides = [1, 1]} : vector<8x64xf32> to vector<8x16xf32>
    %logistic3A_228 = arith.negf %slice3A_227 : vector<8x16xf32>
    %logistic3A_229 = math.exp %logistic3A_228 : vector<8x16xf32>
    %logistic3A_230 = arith.constant 1.000000e+00 : f32
    %logistic3A_231 = vector.broadcast %logistic3A_230 : f32 to vector<8x16xf32>
    %logistic3A_232 = arith.addf %logistic3A_231, %logistic3A_229 : vector<8x16xf32>
    %logistic3A_233 = arith.divf %logistic3A_231, %logistic3A_232 : vector<8x16xf32>
    %slice3A_234 = vector.extract_strided_slice %add3A_219 {offsets = [0, 32], sizes = [8, 16], strides = [1, 1]} : vector<8x64xf32> to vector<8x16xf32>
    %tanh3A_235 = math.tanh %slice3A_234 : vector<8x16xf32>
    %slice3A_236 = vector.extract_strided_slice %add3A_219 {offsets = [0, 48], sizes = [8, 16], strides = [1, 1]} : vector<8x64xf32> to vector<8x16xf32>
    %logistic3A_237 = arith.negf %slice3A_236 : vector<8x16xf32>
    %logistic3A_238 = math.exp %logistic3A_237 : vector<8x16xf32>
    %logistic3A_239 = arith.constant 1.000000e+00 : f32
    %logistic3A_240 = vector.broadcast %logistic3A_239 : f32 to vector<8x16xf32>
    %logistic3A_241 = arith.addf %logistic3A_240, %logistic3A_238 : vector<8x16xf32>
    %logistic3A_242 = arith.divf %logistic3A_240, %logistic3A_241 : vector<8x16xf32>
    %mul3A_243 = arith.mulf %logistic3A_233, %add3A_144 : vector<8x16xf32>
    %mul3A_244 = arith.mulf %logistic3A_226, %tanh3A_235 : vector<8x16xf32>
    %add3A_245 = arith.addf %mul3A_243, %mul3A_244 : vector<8x16xf32>
    %tanh3A_246 = math.tanh %add3A_245 : vector<8x16xf32>
    %mul3A_247 = arith.mulf %logistic3A_242, %tanh3A_246 : vector<8x16xf32>
    %dot_general3A_248 = arith.constant dense<0.000000e+00> : vector<10016x16xf32>
    %dot_general3A_249 = tpu.matmul %convert_element_type3A_6, %mul3A_247, %dot_general3A_248 {dimension_numbers = #tpu.dot_dimension_numbers<[1], [0], [0], [1], [0, 0, 1, 1], [], []>, transpose_lhs_hint = false} : vector<10016x8xf32>, vector<8x16xf32>, vector<10016x16xf32> -> vector<10016x16xf32>
    %mul3A_250 = arith.mulf %get3A_1, %dot_general3A_249 : vector<10016x16xf32>
    %reduce_sum3A_251 = arith.constant dense<0.000000e+00> : vector<10016xf32>
    %reduce_sum3A_252 = vector.multi_reduction <add>, %mul3A_250, %reduce_sum3A_251 [1] : vector<10016x16xf32> to vector<10016xf32>
    %broadcast_in_dim3A_253 = vector.shape_cast %reduce_sum3A_252 : vector<10016xf32> to vector<10016x1xf32>
    %gt3A_254 = arith.constant 0.000000e+00 : f32
    %gt3A_255 = vector.broadcast %gt3A_254 : f32 to vector<10016x8xf32>
    %gt3A_256 = arith.cmpf ogt, %convert_element_type3A_6, %gt3A_255 : vector<10016x8xf32>
    %jit3A_257 = arith.constant 0xFF800000 : f32
    %broadcast_in_dim3A_258 = vector.shape_cast %broadcast_in_dim3A_253 : vector<10016x1xf32> to vector<10016x1xf32>
    %broadcast_in_dim3A_259 = vector.broadcast %broadcast_in_dim3A_258 : vector<10016x1xf32> to vector<10016x8xf32>
    %broadcast_in_dim3A_260 = vector.broadcast %jit3A_257 : f32 to vector<10016x8xf32>
    %select_n3A_261 = arith.select %gt3A_256, %broadcast_in_dim3A_259, %broadcast_in_dim3A_260 : vector<10016x8xi1>, vector<10016x8xf32>
    %reduce_max3A_262 = arith.constant dense<0xFF800000> : vector<8xf32>
    %reduce_max3A_263 = vector.multi_reduction <maximumf>, %select_n3A_261, %reduce_max3A_262 [0] : vector<10016x8xf32> to vector<8xf32>
    %broadcast_in_dim3A_264 = vector.shape_cast %reduce_max3A_263 : vector<8xf32> to vector<1x8xf32>
    %is_finite3A_265 = tpu.weird %broadcast_in_dim3A_264 : vector<1x8xf32> -> vector<1x8xi1>
    %is_finite3A_266 = arith.constant dense<true> : vector<1x8xi1>
    %is_finite3A_267 = arith.xori %is_finite3A_265, %is_finite3A_266 : vector<1x8xi1>
    %jit3A_268 = arith.constant 0.000000e+00 : f32
    %broadcast_in_dim3A_269 = vector.broadcast %jit3A_268 : f32 to vector<1x8xf32>
    %select_n3A_270 = arith.select %is_finite3A_267, %broadcast_in_dim3A_264, %broadcast_in_dim3A_269 : vector<1x8xi1>, vector<1x8xf32>
    %mul3A_271 = vector.broadcast %select_n3A_270 : vector<1x8xf32> to vector<10016x8xf32>
    %mul3A_272 = arith.mulf %convert_element_type3A_6, %mul3A_271 : vector<10016x8xf32>
    %reduce_sum3A_273 = arith.constant dense<0.000000e+00> : vector<10016xf32>
    %reduce_sum3A_274 = vector.multi_reduction <add>, %mul3A_272, %reduce_sum3A_273 [1] : vector<10016x8xf32> to vector<10016xf32>
    %broadcast_in_dim3A_275 = vector.shape_cast %reduce_sum3A_274 : vector<10016xf32> to vector<10016x1xf32>
    %sub3A_276 = arith.subf %broadcast_in_dim3A_253, %broadcast_in_dim3A_275 : vector<10016x1xf32>
    %jit3A_277 = arith.constant -1.000000e+30 : f32
    %broadcast_in_dim3A_278 = vector.broadcast %jit3A_277 : f32 to vector<10016x1xf32>
    %select_n3A_279 = arith.select %lt3A_8, %sub3A_276, %broadcast_in_dim3A_278 : vector<10016x1xi1>, vector<10016x1xf32>
    %exp3A_280 = math.exp %select_n3A_279 : vector<10016x1xf32>
    %mul3A_281 = vector.broadcast %exp3A_280 : vector<10016x1xf32> to vector<10016x8xf32>
    %mul3A_282 = arith.mulf %convert_element_type3A_6, %mul3A_281 : vector<10016x8xf32>
    %reduce_sum3A_283 = arith.constant dense<0.000000e+00> : vector<8xf32>
    %reduce_sum3A_284 = vector.multi_reduction <add>, %mul3A_282, %reduce_sum3A_283 [0] : vector<10016x8xf32> to vector<8xf32>
    %broadcast_in_dim3A_285 = vector.shape_cast %reduce_sum3A_284 : vector<8xf32> to vector<1x8xf32>
    %mul3A_286 = vector.broadcast %broadcast_in_dim3A_285 : vector<1x8xf32> to vector<10016x8xf32>
    %mul3A_287 = arith.mulf %convert_element_type3A_6, %mul3A_286 : vector<10016x8xf32>
    %reduce_sum3A_288 = arith.constant dense<0.000000e+00> : vector<10016xf32>
    %reduce_sum3A_289 = vector.multi_reduction <add>, %mul3A_287, %reduce_sum3A_288 [1] : vector<10016x8xf32> to vector<10016xf32>
    %broadcast_in_dim3A_290 = vector.shape_cast %reduce_sum3A_289 : vector<10016xf32> to vector<10016x1xf32>
    %max3A_291 = arith.constant 1.000000e-16 : f32
    %max3A_292 = vector.broadcast %max3A_291 : f32 to vector<10016x1xf32>
    %max3A_293 = arith.maximumf %broadcast_in_dim3A_290, %max3A_292 : vector<10016x1xf32>
    %div3A_294 = arith.divf %exp3A_280, %max3A_293 : vector<10016x1xf32>
    %mul3A_295 = vector.broadcast %div3A_294 : vector<10016x1xf32> to vector<10016x8xf32>
    %mul3A_296 = arith.mulf %convert_element_type3A_6, %mul3A_295 : vector<10016x8xf32>
    %dot_general3A_297 = arith.constant dense<0.000000e+00> : vector<8x16xf32>
    %dot_general3A_298 = tpu.matmul %mul3A_296, %get3A_1, %dot_general3A_297 {dimension_numbers = #tpu.dot_dimension_numbers<[0], [0], [1], [1], [0, 1, 1, 1], [], []>, transpose_lhs_hint = false} : vector<10016x8xf32>, vector<10016x16xf32>, vector<8x16xf32> -> vector<8x16xf32>
    %concatenate3A_299 = tpu.concatenate %mul3A_247, %dot_general3A_298 in 1 : vector<8x16xf32>, vector<8x16xf32> -> vector<8x32xf32>
    %get3A_300 = arith.constant 0 : index
    %get3A_301 = arith.constant 0 : index
    %get3A_302 = vector.load %arg6[%get3A_300, %get3A_301] : memref<32x16xf32, #tpu.memory_space<vmem>>, vector<32x16xf32>
    %dot_general3A_303 = arith.constant dense<0.000000e+00> : vector<8x16xf32>
    %dot_general3A_304 = tpu.matmul %concatenate3A_299, %get3A_302, %dot_general3A_303 {dimension_numbers = #tpu.dot_dimension_numbers<[1], [0], [0], [1], [0, 0, 1, 1], [], []>, transpose_lhs_hint = false} : vector<8x32xf32>, vector<32x16xf32>, vector<8x16xf32> -> vector<8x16xf32>
    %get3A_305 = arith.constant 0 : index
    %get3A_306 = arith.constant 0 : index
    %get3A_307 = vector.load %arg7[%get3A_305, %get3A_306] : memref<1x16xf32, #tpu.memory_space<vmem>>, vector<1x16xf32>
    %add3A_308 = vector.broadcast %get3A_307 : vector<1x16xf32> to vector<8x16xf32>
    %add3A_309 = arith.addf %dot_general3A_304, %add3A_308 : vector<8x16xf32>
    %max3A_310 = arith.constant 0.000000e+00 : f32
    %max3A_311 = vector.broadcast %max3A_310 : f32 to vector<8x16xf32>
    %max3A_312 = arith.maximumf %add3A_309, %max3A_311 : vector<8x16xf32>
    %get3A_313 = arith.constant 0 : index
    %get3A_314 = arith.constant 0 : index
    %get3A_315 = vector.load %arg8[%get3A_313, %get3A_314] : memref<16x1xf32, #tpu.memory_space<vmem>>, vector<16x1xf32>
    %dot_general3A_316 = arith.constant dense<0.000000e+00> : vector<8x1xf32>
    %dot_general3A_317 = tpu.matmul %max3A_312, %get3A_315, %dot_general3A_316 {dimension_numbers = #tpu.dot_dimension_numbers<[1], [0], [0], [1], [0, 0, 1, 1], [], []>, transpose_lhs_hint = false} : vector<8x16xf32>, vector<16x1xf32>, vector<8x1xf32> -> vector<8x1xf32>
    %get3A_318 = arith.constant 0 : index
    %get3A_319 = arith.constant 0 : index
    %get3A_320 = vector.load %arg9[%get3A_318, %get3A_319] : memref<1x1xf32, #tpu.memory_space<vmem>>, vector<1x1xf32>
    %add3A_321 = vector.broadcast %get3A_320 : vector<1x1xf32> to vector<8x1xf32>
    %add3A_322 = arith.addf %dot_general3A_317, %add3A_321 : vector<8x1xf32>
    %swap3A = arith.constant 0 : index
    %swap3A_323 = arith.constant 0 : index
    %swap3A_324 = vector.load %arg15[%swap3A, %swap3A_323] : memref<8x1xf32, #tpu.memory_space<vmem>>, vector<8x1xf32>
    tpu.vector_store %arg15[%swap3A, %swap3A_323], %add3A_322 {strides = array<i32>} : memref<8x1xf32, #tpu.memory_space<vmem>>, vector<8x1xf32>,
    %get3A_325 = arith.constant 0 : index
    %get3A_326 = arith.constant 0 : index
    %get3A_327 = vector.load %arg10[%get3A_325, %get3A_326] : memref<16x36xf32, #tpu.memory_space<vmem>>, vector<16x36xf32>
    %dot_general3A_328 = arith.constant dense<0.000000e+00> : vector<10016x36xf32>
    %dot_general3A_329 = tpu.matmul %get3A_1, %get3A_327, %dot_general3A_328 {dimension_numbers = #tpu.dot_dimension_numbers<[1], [0], [0], [1], [0, 0, 1, 1], [], []>, transpose_lhs_hint = false} : vector<10016x16xf32>, vector<16x36xf32>, vector<10016x36xf32> -> vector<10016x36xf32>
    %get3A_330 = arith.constant 0 : index
    %get3A_331 = arith.constant 0 : index
    %get3A_332 = vector.load %arg11[%get3A_330, %get3A_331] : memref<1x36xf32, #tpu.memory_space<vmem>>, vector<1x36xf32>
    %add3A_333 = vector.broadcast %get3A_332 : vector<1x36xf32> to vector<10016x36xf32>
    %add3A_334 = arith.addf %dot_general3A_329, %add3A_333 : vector<10016x36xf32>
    %max3A_335 = arith.constant 0.000000e+00 : f32
    %max3A_336 = vector.broadcast %max3A_335 : f32 to vector<10016x36xf32>
    %max3A_337 = arith.maximumf %add3A_334, %max3A_336 : vector<10016x36xf32>
    %get3A_338 = arith.constant 0 : index
    %get3A_339 = arith.constant 0 : index
    %get3A_340 = vector.load %arg12[%get3A_338, %get3A_339] : memref<36x2xf32, #tpu.memory_space<vmem>>, vector<36x2xf32>
    %dot_general3A_341 = arith.constant dense<0.000000e+00> : vector<10016x2xf32>
    %dot_general3A_342 = tpu.matmul %max3A_337, %get3A_340, %dot_general3A_341 {dimension_numbers = #tpu.dot_dimension_numbers<[1], [0], [0], [1], [0, 0, 1, 1], [], []>, transpose_lhs_hint = false} : vector<10016x36xf32>, vector<36x2xf32>, vector<10016x2xf32> -> vector<10016x2xf32>
    %get3A_343 = arith.constant 0 : index
    %get3A_344 = arith.constant 0 : index
    %get3A_345 = vector.load %arg13[%get3A_343, %get3A_344] : memref<1x2xf32, #tpu.memory_space<vmem>>, vector<1x2xf32>
    %add3A_346 = vector.broadcast %get3A_345 : vector<1x2xf32> to vector<10016x2xf32>
    %add3A_347 = arith.addf %dot_general3A_342, %add3A_346 : vector<10016x2xf32>
    %iota3A_348 = tpu.iota {dimensions = array<i32: 0>} : vector<10016x1xi32>
    %jit3A_349 = arith.constant 1250 : i32
    %div3A_350 = vector.broadcast %jit3A_349 : i32 to vector<10016x1xi32>
    %div3A_351 = arith.divsi %iota3A_348, %div3A_350 : vector<10016x1xi32>
    %sign3A = arith.constant 0 : i32
    %sign3A_352 = vector.broadcast %sign3A : i32 to vector<10016x1xi32>
    %sign3A_353 = arith.cmpi sgt, %iota3A_348, %sign3A_352 : vector<10016x1xi32>
    %sign3A_354 = arith.extui %sign3A_353 : vector<10016x1xi1> to vector<10016x1xi32>
    %sign3A_355 = arith.constant 0 : i32
    %sign3A_356 = vector.broadcast %sign3A_355 : i32 to vector<10016x1xi32>
    %sign3A_357 = arith.cmpi slt, %iota3A_348, %sign3A_356 : vector<10016x1xi32>
    %sign3A_358 = arith.extui %sign3A_357 : vector<10016x1xi1> to vector<10016x1xi32>
    %sign3A_359 = arith.subi %sign3A_354, %sign3A_358 : vector<10016x1xi32>
    %sign3A_360 = arith.constant 0 : i32
    %sign3A_361 = arith.cmpi sgt, %jit3A_349, %sign3A_360 : i32
    %sign3A_362 = arith.extui %sign3A_361 : i1 to i32
    %sign3A_363 = arith.constant 0 : i32
    %sign3A_364 = arith.cmpi slt, %jit3A_349, %sign3A_363 : i32
    %sign3A_365 = arith.extui %sign3A_364 : i1 to i32
    %sign3A_366 = arith.subi %sign3A_362, %sign3A_365 : i32
    %ne3A = vector.broadcast %sign3A_366 : i32 to vector<10016x1xi32>
    %ne3A_367 = arith.cmpi ne, %sign3A_359, %ne3A : vector<10016x1xi32>
    %rem3A = vector.broadcast %jit3A_349 : i32 to vector<10016x1xi32>
    %rem3A_368 = arith.remsi %iota3A_348, %rem3A : vector<10016x1xi32>
    %ne3A_369 = arith.constant 0 : i32
    %ne3A_370 = vector.broadcast %ne3A_369 : i32 to vector<10016x1xi32>
    %ne3A_371 = arith.cmpi ne, %rem3A_368, %ne3A_370 : vector<10016x1xi32>
    %and3A = arith.andi %ne3A_367, %ne3A_371 : vector<10016x1xi1>
    %sub3A_372 = arith.constant 1 : i32
    %sub3A_373 = vector.broadcast %sub3A_372 : i32 to vector<10016x1xi32>
    %sub3A_374 = arith.subi %div3A_351, %sub3A_373 : vector<10016x1xi32>
    %select_n3A_375 = arith.select %and3A, %sub3A_374, %div3A_351 : vector<10016x1xi1>, vector<10016x1xi32>
    %eq3A_376 = vector.broadcast %select_n3A_375 : vector<10016x1xi32> to vector<10016x8xi32>
    %eq3A_377 = arith.cmpi eq, %eq3A_376, %iota3A : vector<10016x8xi32>
    %convert_element_type3A_378 = arith.extui %eq3A_377 : vector<10016x8xi1> to vector<10016x8xi32>
    %convert_element_type3A_379 = arith.sitofp %convert_element_type3A_378 : vector<10016x8xi32> to vector<10016x8xf32>
    %reduce_max3A_380 = arith.constant dense<0xFF800000> : vector<10016xf32>
    %reduce_max3A_381 = vector.multi_reduction <maximumf>, %add3A_347, %reduce_max3A_380 [1] : vector<10016x2xf32> to vector<10016xf32>
    %broadcast_in_dim3A_382 = vector.shape_cast %reduce_max3A_381 : vector<10016xf32> to vector<10016x1xf32>
    %gt3A_383 = arith.constant 0.000000e+00 : f32
    %gt3A_384 = vector.broadcast %gt3A_383 : f32 to vector<10016x8xf32>
    %gt3A_385 = arith.cmpf ogt, %convert_element_type3A_379, %gt3A_384 : vector<10016x8xf32>
    %jit3A_386 = arith.constant 0xFF800000 : f32
    %broadcast_in_dim3A_387 = vector.shape_cast %broadcast_in_dim3A_382 : vector<10016x1xf32> to vector<10016x1xf32>
    %broadcast_in_dim3A_388 = vector.broadcast %broadcast_in_dim3A_387 : vector<10016x1xf32> to vector<10016x8xf32>
    %broadcast_in_dim3A_389 = vector.broadcast %jit3A_386 : f32 to vector<10016x8xf32>
    %select_n3A_390 = arith.select %gt3A_385, %broadcast_in_dim3A_388, %broadcast_in_dim3A_389 : vector<10016x8xi1>, vector<10016x8xf32>
    %reduce_max3A_391 = arith.constant dense<0xFF800000> : vector<8xf32>
    %reduce_max3A_392 = vector.multi_reduction <maximumf>, %select_n3A_390, %reduce_max3A_391 [0] : vector<10016x8xf32> to vector<8xf32>
    %broadcast_in_dim3A_393 = vector.shape_cast %reduce_max3A_392 : vector<8xf32> to vector<1x8xf32>
    %is_finite3A_394 = tpu.weird %broadcast_in_dim3A_393 : vector<1x8xf32> -> vector<1x8xi1>
    %is_finite3A_395 = arith.constant dense<true> : vector<1x8xi1>
    %is_finite3A_396 = arith.xori %is_finite3A_394, %is_finite3A_395 : vector<1x8xi1>
    %jit3A_397 = arith.constant 0.000000e+00 : f32
    %broadcast_in_dim3A_398 = vector.broadcast %jit3A_397 : f32 to vector<1x8xf32>
    %select_n3A_399 = arith.select %is_finite3A_396, %broadcast_in_dim3A_393, %broadcast_in_dim3A_398 : vector<1x8xi1>, vector<1x8xf32>
    %mul3A_400 = vector.broadcast %select_n3A_399 : vector<1x8xf32> to vector<10016x8xf32>
    %mul3A_401 = arith.mulf %convert_element_type3A_379, %mul3A_400 : vector<10016x8xf32>
    %reduce_sum3A_402 = arith.constant dense<0.000000e+00> : vector<10016xf32>
    %reduce_sum3A_403 = vector.multi_reduction <add>, %mul3A_401, %reduce_sum3A_402 [1] : vector<10016x8xf32> to vector<10016xf32>
    %broadcast_in_dim3A_404 = vector.shape_cast %reduce_sum3A_403 : vector<10016xf32> to vector<10016x1xf32>
    %lt3A_405 = arith.constant 8 : i32
    %lt3A_406 = vector.broadcast %lt3A_405 : i32 to vector<10016x1xi32>
    %lt3A_407 = arith.cmpi slt, %select_n3A_375, %lt3A_406 : vector<10016x1xi32>
    %sub3A_408 = vector.broadcast %broadcast_in_dim3A_404 : vector<10016x1xf32> to vector<10016x2xf32>
    %sub3A_409 = arith.subf %add3A_347, %sub3A_408 : vector<10016x2xf32>
    %jit3A_410 = arith.constant -1.000000e+30 : f32
    %broadcast_in_dim3A_411 = vector.shape_cast %lt3A_407 : vector<10016x1xi1> to vector<10016x1xi1>
    %broadcast_in_dim3A_412 = vector.broadcast %broadcast_in_dim3A_411 : vector<10016x1xi1> to vector<10016x2xi1>
    %broadcast_in_dim3A_413 = vector.broadcast %jit3A_410 : f32 to vector<10016x2xf32>
    %select_n3A_414 = arith.select %broadcast_in_dim3A_412, %sub3A_409, %broadcast_in_dim3A_413 : vector<10016x2xi1>, vector<10016x2xf32>
    %exp3A_415 = math.exp %select_n3A_414 : vector<10016x2xf32>
    %reduce_sum3A_416 = arith.constant dense<0.000000e+00> : vector<10016xf32>
    %reduce_sum3A_417 = vector.multi_reduction <add>, %exp3A_415, %reduce_sum3A_416 [1] : vector<10016x2xf32> to vector<10016xf32>
    %broadcast_in_dim3A_418 = vector.shape_cast %reduce_sum3A_417 : vector<10016xf32> to vector<10016x1xf32>
    %mul3A_419 = vector.broadcast %broadcast_in_dim3A_418 : vector<10016x1xf32> to vector<10016x8xf32>
    %mul3A_420 = arith.mulf %convert_element_type3A_379, %mul3A_419 : vector<10016x8xf32>
    %reduce_sum3A_421 = arith.constant dense<0.000000e+00> : vector<8xf32>
    %reduce_sum3A_422 = vector.multi_reduction <add>, %mul3A_420, %reduce_sum3A_421 [0] : vector<10016x8xf32> to vector<8xf32>
    %broadcast_in_dim3A_423 = vector.shape_cast %reduce_sum3A_422 : vector<8xf32> to vector<1x8xf32>
    %mul3A_424 = vector.broadcast %broadcast_in_dim3A_423 : vector<1x8xf32> to vector<10016x8xf32>
    %mul3A_425 = arith.mulf %convert_element_type3A_379, %mul3A_424 : vector<10016x8xf32>
    %reduce_sum3A_426 = arith.constant dense<0.000000e+00> : vector<10016xf32>
    %reduce_sum3A_427 = vector.multi_reduction <add>, %mul3A_425, %reduce_sum3A_426 [1] : vector<10016x8xf32> to vector<10016xf32>
    %broadcast_in_dim3A_428 = vector.shape_cast %reduce_sum3A_427 : vector<10016xf32> to vector<10016x1xf32>
    %max3A_429 = arith.constant 1.000000e-30 : f32
    %max3A_430 = vector.broadcast %max3A_429 : f32 to vector<10016x1xf32>
    %max3A_431 = arith.maximumf %broadcast_in_dim3A_428, %max3A_430 : vector<10016x1xf32>
    %div3A_432 = vector.broadcast %max3A_431 : vector<10016x1xf32> to vector<10016x2xf32>
    %div3A_433 = arith.divf %exp3A_415, %div3A_432 : vector<10016x2xf32>
    %slice3A_434 = vector.extract_strided_slice %div3A_433 {offsets = [0, 0], sizes = [10000, 2], strides = [1, 1]} : vector<10016x2xf32> to vector<10000x2xf32>
    %swap3A_435 = arith.constant 0 : index
    %swap3A_436 = arith.constant 0 : index
    %swap3A_437 = vector.load %arg14[%swap3A_435, %swap3A_436] : memref<10000x2xf32, #tpu.memory_space<vmem>>, vector<10000x2xf32>
    tpu.vector_store %arg14[%swap3A_435, %swap3A_436], %slice3A_434 {strides = array<i32>} : memref<10000x2xf32, #tpu.memory_space<vmem>>, vector<10000x2xf32>,
    return
  }
}

</mosaic_0001>

<sc_bundles>
// kernel: kernel.17.cloned.1.call-start
scs
__scs_entry_jumppad:
0x0: {  	(pc) =	sbr.rel $0x88, $3  }
0x1: {  	(tag) =	ssettag $0x0;
	lr =	simm.s32 $0x1  }
0x2: {  	[smem:$0x3F85] =	sst lr;
	_ =	strace $0xD0000000  }
0x3: {  	_ = 	snop  }
0x4: {  	_ = 	snop  }
0x5: {  	_ = 	snop  }
0x6: {  	_ = 	snop  }
0x7: {  	_ = 	snop  }
__scs_overlays_trampoline_lowered:
0x8: {  	[smem:$0x3F94] =	sst s0  }
0x9: {  	[smem:$0x3F95] =	sst s1  }
0xa: {  	[smem:$0x3F96] =	sst s2  }
0xb: {  	[smem:$0x3F97] =	sst s3  }
0xc: {  	[smem:$0x3F98] =	sst s4  }
0xd: {  	[smem:$0x3F99] =	sst s5  }
0xe: {  	[smem:$0x3F9A] =	sst s6  }
0xf: {  	[smem:$0x3F9B] =	sst s7  }
0x10: {  	[smem:$0x3F9C] =	sst s8  }
0x11: {  	[smem:$0x3F9D] =	sst s9;
	s0 =	simm.s32 @!p0 $0x0  }
0x12: {  	s1 =	sld [smem:$0x3F83];
	s0 =	simm.s32 @p0 $0x1  }
0x13: {  	[smem:$0x3F9E] =	sst s0;
	s0 =	simm.s32 @!p1 $0x0  }
0x14: {  	s2 =	sld [smem:$0x3F82];
	s0 =	simm.s32 @p1 $0x1  }
0x15: {  	[smem:$0x3F9F] =	sst s0;
	s0 =	simm.s32 @!p2 $0x0  }
0x16: {  	s3 =	sld [smem:$0x3FDB];
	s0 =	simm.s32 @p2 $0x1  }
0x17: {  	s4 =	simm.s32 $0x1BF5;
	[smem:$0x3FA1] =	sst s0  }
0x18: {  	s0 =	sld [smem:$0x3F84];
	_ =	swait.ge [sflag:s4], $0x0  }
0x19: {  	s7 =	sld [smem:$0x3F85]  }
0x1a: {  	s8 =	sadd.s32 $0xFFFFE003, lr  }
0x1b: {  	s9 =	sadd.s32 $0xFFFFFEF7, lr;
	s5 =	simm.s32 $0xFFFFFFFF;
	p2 =	slt.u32 s8, $0xFFFFF086  }
0x1c: {  	p1 =	slt.u32 s9, $0xF7A;
	s5 =	simm.s32 @!p2 $0x0  }
0x1d: {  	s5 =	simm.s32 @p1 $0x1;
	p0 =	seq.s32 s7, s2  }
0x1e: {  	s7 =	smul.u32 @!p0 $0xF7A, s2;
	p2 =	seq.s32 @!p0 s5, $0x0  }
0x1f: {  	s9 =	smul.u32 $0xF7A, s1;
	s8 =	simm.s32 @!p0 $0x1BF5;
	p2 =	por !p2, p0  }
0x20: {  	[sflag:s8] =	ssyncset.s32 @!p0 $0xFFFFF086;
	s6 =	sadd.s32 @!p0 s3, s7;
	s7 =	simm.s32 @!p0 $0x108  }
0x21: {  	s3 =	sadd.s32 s3, s9;
	s6 =	sadd.s32 @!p0 $0x88, s6;
	s7 =	simm.s32 @p2 $0x1082  }
0x22: {  	[simem:s7], [sflag:s8] =	dma.local @!p0 [hbm:s6], $0xF7A  }
0x23: {  	s9 =	sor.u32 $0xD0000000, s2;
	s6 =	simm.s32 $0x108;
	_ =	swait.ge @!p0 [sflag:s8], $0x0  }
0x24: {  	s3 =	sadd.s32 $0x88, s3;
	s6 =	simm.s32 @!p1 $0x1082;
	[sflag:s4] =	ssyncset.s32 $0xFFFFF086  }
0x25: {  	[simem:s6], [sflag:s4] =	dma.local [hbm:s3], $0xF7A  }
0x26: {  	[smem:$0x3F85] =	sst s1;
	(tag) =	ssettag s2;
	_ =	strace s9  }
0x27: {  	s1 =	sld [smem:$0x3F95]  }
0x28: {  	s2 =	sld [smem:$0x3F96]  }
0x29: {  	s4 =	sld [smem:$0x3F98]  }
0x2a: {  	p0 =	seq.s32 s5, $0x0;
	s5 =	sld [smem:$0x3F99]  }
0x2b: {  	s6 =	sld [smem:$0x3F9A]  }
0x2c: {  	s7 =	sld [smem:$0x3F9B]  }
0x2d: {  	s3 =	simm.s32 $0x108;
	s8 =	sld [smem:$0x3F9C]  }
0x2e: {  	s3 =	simm.s32 @!p0 $0x1082;
	s9 =	sld [smem:$0x3F9D]  }
0x2f: {  	lr =	sadd.s32 s0, s3;
	s0 =	sld [smem:$0x3F94]  }
0x30: {  	s3 =	sld [smem:$0x3F97]  }
0x31: {  	[smem:$0x3FA0] =	sst s10  }
0x32: {  	s10 =	sld [smem:$0x3F9E];
	_ =	sdelay $0x3  }
0x33: {  	p0 =	seq.s32 s10, $0x1;
	s10 =	sld [smem:$0x3FA0];
	_ =	sdelay $0x3  }
0x34: {  	[smem:$0x3FA0] =	sst s10  }
0x35: {  	s10 =	sld [smem:$0x3F9F];
	_ =	sdelay $0x3  }
0x36: {  	p1 =	seq.s32 s10, $0x1;
	s10 =	sld [smem:$0x3FA0];
	_ =	sdelay $0x3  }
0x37: {  	[smem:$0x3FA0] =	sst s10  }
0x38: {  	s10 =	sld [smem:$0x3FA1]  }
0x39: {  	_ = 	snop;
	(pc) =	sbr.ind lr, $3  }
0x3a: {  	_ = 	snop  }
0x3b: {  	_ = 	snop  }
0x3c: {  	p2 =	seq.s32 s10, $0x1;
	s10 =	sld [smem:$0x3FA0]  }
0x3d: {  	_ =	shalt  }
0x3e: {  	_ =	shalt  }
0x3f: {  	_ =	shalt  }
0x40: {  	_ =	shalt  }
0x41: {  	_ =	shalt  }
0x42: {  	_ =	shalt  }
0x43: {  	_ =	shalt  }
0x44: {  	_ =	shalt  }
0x45: {  	_ =	shalt  }
0x46: {  	_ =	shalt  }
0x47: {  	_ =	shalt  }
0x48: {  	_ =	shalt  }
0x49: {  	_ =	shalt  }
0x4a: {  	_ =	shalt  }
0x4b: {  	_ =	shalt  }
0x4c: {  	_ =	shalt  }
0x4d: {  	_ =	shalt  }
0x4e: {  	_ =	shalt  }
0x4f: {  	_ =	shalt  }
0x50: {  	_ =	shalt  }
0x51: {  	_ =	shalt  }
0x52: {  	_ =	shalt  }
0x53: {  	_ =	shalt  }
0x54: {  	_ =	shalt  }
0x55: {  	_ =	shalt  }
0x56: {  	_ =	shalt  }
0x57: {  	_ =	shalt  }
0x58: {  	_ =	shalt  }
0x59: {  	_ =	shalt  }
0x5a: {  	_ =	shalt  }
0x5b: {  	_ =	shalt  }
0x5c: {  	_ =	shalt  }
0x5d: {  	_ =	shalt  }
0x5e: {  	_ =	shalt  }
0x5f: {  	_ =	shalt  }
0x60: {  	_ =	shalt  }
0x61: {  	_ =	shalt  }
0x62: {  	_ =	shalt  }
0x63: {  	_ =	shalt  }
0x64: {  	_ =	shalt  }
0x65: {  	_ =	shalt  }
0x66: {  	_ =	shalt  }
0x67: {  	_ =	shalt  }
0x68: {  	_ =	shalt  }
0x69: {  	_ =	shalt  }
0x6a: {  	_ =	shalt  }
0x6b: {  	_ =	shalt  }
0x6c: {  	_ =	shalt  }
0x6d: {  	_ =	shalt  }
0x6e: {  	_ =	shalt  }
0x6f: {  	_ =	shalt  }
0x70: {  	_ =	shalt  }
0x71: {  	_ =	shalt  }
0x72: {  	_ =	shalt  }
0x73: {  	_ =	shalt  }
0x74: {  	_ =	shalt  }
0x75: {  	_ =	shalt  }
0x76: {  	_ =	shalt  }
0x77: {  	_ =	shalt  }
0x78: {  	_ =	shalt  }
0x79: {  	_ =	shalt  }
0x7a: {  	_ =	shalt  }
0x7b: {  	_ =	shalt  }
0x7c: {  	_ =	shalt  }
0x7d: {  	_ =	shalt  }
0x7e: {  	_ =	shalt  }
0x7f: {  	_ =	shalt  }
0x80: {  	_ =	shalt  }
0x81: {  	_ =	shalt  }
0x82: {  	_ =	shalt  }
0x83: {  	_ =	shalt  }
0x84: {  	_ =	shalt  }
0x85: {  	_ =	shalt  }
0x86: {  	_ =	shalt  }
0x87: {  	_ =	shalt  }
.Lfunc_end0:
.L_simem_size_0:
called_computation_lowered:
.L_overlay_start_0:
0x88: {  	s2 =	sld [smem:$0x3FD9]  }
0x89: {  	s3 =	sld [smem:$0x3FFE];
	_ =	sdelay $0x1  }
0x8a: {  	s1 =	srdreg.scid  }
0x8b: {  	s0 =	sand.u32 $0x1, s1  }
0x8c: {  	s17 =	sshll.u32 s0, $0xA;
	s2 =	sadd.s32 s3, s2  }
0x8d: {  	s2 =	sadd.s32 s2, s17  }
0x8e: {  	[smem:$0x3FAC] =	sst s2  }
0x8f: {  	_ = 	snop  }
0x90: {  	(tm) =	ssettm $0x1  }
0x91: {  	s18 =	sld [smem:$0x3FFB];
	_ =	sdelay $0x3  }
0x92: {  	_ =	strace s18  }
0x93: {  	s2 =	sld [smem:$0x3FFC];
	_ =	sdelay $0x3  }
0x94: {  	_ =	strace s2  }
0x95: {  	s2 =	sld [smem:$0x3FFD];
	_ =	sdelay $0x3  }
0x96: {  	_ =	strace s2  }
0x97: {  	_ =	strace $0x8FFFFFFF  }
0x98: {  	s19 =	sld [smem:$0x3FDB];
	_ =	sdelay $0x1  }
0x99: {  	s20 =	simm.s32 $_scs_section_size  }
0x9a: {  	s4 =	simm.s32 $_size__tile_overlayer_lowered;
	s5 =	simm.s32 $_tile_overlayer_lowered  }
0x9b: {  	s6 =	simm.s32 $0x1BFF;
	s21 =	sshll.u32 s5, $0x1;
	s3 =	sadd.s32 s20, s19  }
0x9c: {  	s22 =	simm.s32 $0x0;
	s4 =	sshll.u32 s4, $0x1;
	s5 =	sadd.s32 s21, s3  }
0x9d: {  	[timem:s22], [sflag:s6] =	dma.local [hbm:s5], s4  }
0x9e: {  	_ =	swait.ge [sflag:s6], s4  }
0x9f: {  	s4 =	ssub.s32 $0x0, s4;
	[sflag:s6] =	ssyncset.done $0x0  }
0xa0: {  	[sflag:s6] =	ssyncadd.s32 s4;
	_ =	sdelay $0x1  }
0xa1: {  	s23 =	simm.s32 $0x1B8B  }
0xa2: {  	_ =	swait.ge [sflag:s23], $0x1  }
0xa3: {  	[sflag:s23] =	ssyncset.done $0x0  }
0xa4: {  	[sflag:s23] =	ssyncadd.s32 $0xFFFFFFFF  }
0xa5: {  	s4 =	sld [smem:$0x0]  }
0xa6: {  	s5 =	sand.u32 $0xFFFFFFFE, s1  }
0xa7: {  	p0 =	sne.s32 s1, s5  }
0xa8: {  	s5 =	sshll.u32 @p0 s5, $0xE  }
0xa9: {  	s5 =	sadd.s32 @p0 $0x11B8D, s5;
	s6 =	sshll.u32 @p0 s4, $0x11  }
0xaa: {  	s5 =	sor.u32 @p0 s6, s5  }
0xab: {  	[sflag:s5] =	ssyncadd.remote.s32 @p0 $0x1;
	_ =	sdelay $0x1  }
0xac: {  	s5 =	simm.s32 @p0 $0x1B8D  }
0xad: {  	_ =	swait.eq @p0 [sflag:s5], $0x1  }
0xae: {  	[sflag:s5] =	ssyncadd.s32 @p0 $0xFFFFFFFF  }
0xaf: {  	s6 =	sshll.u32 @!p0 s1, $0xE  }
0xb0: {  	s6 =	sor.u32 @!p0 $0x4000, s6;
	s5 =	simm.s32 @!p0 $0x1B8D  }
0xb1: {  	s4 =	sshll.u32 @!p0 s4, $0x11;
	s6 =	sadd.s32 @!p0 $0x11B8D, s6;
	_ =	swait.eq @!p0 [sflag:s5], $0x1  }
0xb2: {  	s4 =	sor.u32 @!p0 s4, s6;
	[sflag:s5] =	ssyncadd.s32 @!p0 $0xFFFFFFFF  }
0xb3: {  	s25 =	simm.s32 $0x1B8E;
	s24 =	sld [smem:$0x3FFE];
	[sflag:s4] =	ssyncadd.remote.s32 @!p0 $0x1  }
0xb4: {  	s26 =	simm.s32 $execute0_lowered;
	[smem:$0x3FD2] =	sst s25  }
0xb5: {  	s5 =	sshll.u32 s26, $0x1;
	_ =	strace $0x80000049;
	[dreg:$0x1] =	wrdreg $0xFFFFFFFF  }
0xb6: {  	s28 =	simm.s32 $_size_execute0_lowered;
	s3 =	sadd.s32 s3, s5;
	[dreg:$0x0] =	wrdreg $0x0  }
0xb7: {  	s5 =	sshll.u32 s28, $0x1;
	[dreg:$0x2] =	wrdreg s3  }
0xb8: {  	[dreg:$0x3] =	wrdreg s5  }
0xb9: {  	[dreg:$0x4] =	wrdreg $0xC0  }
0xba: {  	_ =	task [dreg:s22], $0x5FFFF  }
0xbb: {  	[dreg:$0x1] =	wrdreg $0xFFFFFFFF  }
0xbc: {  	[dreg:$0x0] =	wrdreg $0x60  }
0xbd: {  	[dreg:$0x2] =	wrdreg s24  }
0xbe: {  	[dreg:$0x3] =	wrdreg $0x17B200  }
0xbf: {  	[dreg:$0x4] =	wrdreg $0x9  }
0xc0: {  	_ =	task.clear_ibuf [dreg:s22], $0x5FFFF;
	_ =	strace $0x90000049  }
0xc1: {  	s29 =	simm.s32 $0x9;
	_ =	strace $0x8000004B  }
0xc2: {  	_ =	swait.ge [sflag:s29], $0x1  }
0xc3: {  	[sflag:s29] =	ssyncadd.s32 $0xFFFFFFFF  }
0xc4: {  	_ =	strace $0x9000004B  }
0xc5: {  	_ =	sfence  }
0xc6: {  	s30 =	sld [smem:$0x0];
	_ =	sdelay $0x2  }
0xc7: {  	s31 =	sshll.u32 s1, $0xD;
	s1 =	sshrl.u32 s1, $0x2  }
0xc8: {  	s4 =	sand.u32 $0x4000, s31;
	s1 =	sadd.s32 s1, s30  }
0xc9: {  	s0 =	sor.u32 s4, s0;
	s1 =	sshll.u32 s1, $0x11  }
0xca: {  	s0 =	sor.u32 s1, s0  }
0xcb: {  	s0 =	sadd.s32 $0x8F2B, s0  }
0xcc: {  	[sflag:s0] =	ssyncadd.remote.s32 $0x1  }
0xcd: {  	_ =	sfence.sel $0xFFFF  }
0xce: {  	[dreg:$0x0] =	wrdreg $0xFFFFFFFF;
	(pc) =	sbr.abs _section_cstart, $3  }
0xcf: {  	[dreg:$0x1] =	wrdreg $0xFFFFFFFF  }
0xd0: {  	_ =	task.clear_ibuf [dreg:s22], $0x2FFFF;
	_ =	strace $0x9FFFFFFF  }
0xd1: {  	(tm) =	ssettm $0x7FFFFFFF  }
tec
execute0_lowered:
.L_overlay_start_1:
0x0: {  	(tag) =	ssettag $0x1  }
0x1: {  	s1 =	srdreg.scid  }
0x2: {  	s0 =	stileid.u32;
	s5 =	rddreg [dreg:$0x0]  }
0x3: {  	s2 =	rddreg [dreg:$0x1];
	s8 =	smul.u32 $0x2720, s0  }
0x4: {  	s4 =	sand.u32 $0x1, s1;
	s29 =	sshll.u32 s0, $0x1;
	s9 =	smul.u32 $0x4E4, s0  }
0x5: {  	s3 =	simm.s32 $0x0;
	s1 =	sor.u32 s4, s29;
	s30 =	smul.u32 $0x4E40, s4  }
0x6: {  	s13 =	simm.s32 $0x0;
	[smem:$0x7FF] =	sst s3;
	s6 =	smul.u32 $0x2800, s1  }
0x7: {  	s4 =	ssub.s32 $0x2, s4;
	s7 =	smul.u32 $0x280, s1;
	s1 =	rddreg [dreg:$0x2]  }
0x8: {  	_ =	strace $0x8000004A;
	s11 =	sshrl.u32 s8, $0x3;
	s31 =	sshrl.u32 s4, $0x1  }
0x9: {  	s11 =	sadd.s32 s11, s5;
	s10 =	sadd.s32 s6, s5;
	s7 =	sadd.s32 s7, s5  }
0xa: {  	s6 =	sadd.s32 s9, s30;
	s9 =	ssub.s32 s4, s31;
	s4 =	sadd.s32 $0x89400, s11  }
0xb: {  	s11 =	simm.s32 $0x1;
	s12 =	sadd.s32 s6, s5;
	s5 =	sadd.s32 s8, s2  }
0xc: {  	s6 =	sadd.s32 $0x84400, s7;
	s7 =	sadd.s32 $0x8E400, s10;
	s9 =	smax.u32 s9, $0x1  }
0xd: {  	s10 =	simm.s32 $0x15400;
	s8 =	sadd.s32 $0xDE400, s12;
	s12 =	simm.s32 $0x80  }
.LBB2_1:
0xe: {  	[tilespmem:s10], [sflag:$0x1] =	stream.linear.gather [hbm4b:s4+s3], $0x2720, $0x38;
	[tilespmem:$0x1A240] =	vst v63  }
0xf: {  	_ =	swait.ge [sflag:s11], $0x2720  }
0x10: {  	[sflag:s11] =	ssyncset.done $0x0  }
0x11: {  	[sflag:s11] =	ssyncadd.s32 $0xFFFFD8E0  }
0x12: {  	[spmem:s5] =	stream.linear.scatter [tilespmem:s10], [sflag:$0x1], $0x2720, $0x38;
	[tilespmem:$0x1A240] =	vst v63  }
0x13: {  	_ =	swait.ge [sflag:s11], $0x2720  }
0x14: {  	[sflag:s11] =	ssyncset.done $0x0  }
0x15: {  	[sflag:s11] =	ssyncadd.s32 $0xFFFFD8E0  }
0x16: {  	[tilespmem:s3], [sflag:$0x1] =	stream.linear.gather [hbm4b:s6+s3], $0x1400, $0x38;
	[tilespmem:$0x1A240] =	vst v63  }
0x17: {  	_ =	swait.ge [sflag:s11], $0x1400  }
0x18: {  	[sflag:s11] =	ssyncset.done $0x0  }
0x19: {  	s14 =	simm.s32 $0x1400;
	[sflag:s11] =	ssyncadd.s32 $0xFFFFEC00  }
0x1a: {  	[tilespmem:s14], [sflag:$0x1] =	stream.linear.gather [hbm4b:s7+s3], $0x14000, $0x38;
	[tilespmem:$0x1A240] =	vst v63  }
0x1b: {  	_ =	swait.ge [sflag:s11], $0x14000  }
0x1c: {  	[sflag:s11] =	ssyncset.done $0x0  }
0x1d: {  	[sflag:s11] =	ssyncadd.s32 $0xFFFEC000  }
0x1e: {  	s15 =	simm.s32 $0x0;
	[bflag:$0x0] =	sbarrier.arrive $0xFFFF  }
0x1f: {  	[spmem:s2] =	stream.indirect.scatter.add.f32 [tilespmem:s14], [sflag:$0x1], $0x10, s15, s12, $0xb8;
	[tilespmem:$0x1A240] =	vst v63  }
0x20: {  	_ =	swait.ge [sflag:s11], $0x800  }
0x21: {  	s15 =	simm.s32 $0x200;
	[sflag:s11] =	ssyncset.done $0x0  }
.LBB2_2:
0x22: {  	s16 =	sshra.s32 s15, $0x2  }
0x23: {  	[sflag:s11] =	ssyncadd.s32 $0xFFFFF800;
	s14 =	sadd.s32 $0x800, s14;
	p0 =	sne.s32 s15, $0x4E00  }
0x24: {  	[spmem:s2] =	stream.indirect.scatter.add.f32 [tilespmem:s14], [sflag:$0x1], $0x10, s16, s12, $0xb8;
	[tilespmem:$0x1A240] =	vst v63  }
.Ltmp0:
0x25: {  	_ = 	snop;
	(pc) =	sbr.rel @p0 .LBB2_2-.Ltmp0, $4  }
0x26: {  	_ = 	snop  }
0x27: {  	s15 =	sadd.s32 $0x200, s15  }
0x28: {  	_ =	swait.ge [sflag:s11], $0x800  }
0x29: {  	[sflag:s11] =	ssyncset.done $0x0  }
0x2a: {  	[sflag:s11] =	ssyncadd.s32 $0xFFFFF800  }
0x2b: {  	[bflag:$0x0] =	sbarrier.arrive $0xFFFF  }
0x2c: {  	[tilespmem:s10], [sflag:$0x1] =	stream.linear.gather [spmem:s5], $0x2720, $0x38;
	[tilespmem:$0x1A240] =	vst v63  }
0x2d: {  	s13 =	sadd.s32 $0x1, s13;
	_ =	swait.ge [sflag:s11], $0x2720  }
0x2e: {  	p0 =	sne.s32 s13, s9;
	[sflag:s11] =	ssyncset.done $0x0  }
.Ltmp1:
0x2f: {  	[sflag:s11] =	ssyncadd.s32 $0xFFFFD8E0;
	(pc) =	sbr.rel @p0 .LBB2_1-.Ltmp1, $4  }
0x30: {  	[hbm4b:s8+s3] =	stream.linear.scatter [tilespmem:s10], [sflag:$0x1], $0x2720, $0x38;
	[tilespmem:$0x1A240] =	vst v63  }
0x31: {  	_ =	swait.ge [sflag:s11], $0x2720  }
0x32: {  	[sflag:s11] =	ssyncset.done $0x0  }
0x33: {  	[sflag:s11] =	ssyncadd.s32 $0xFFFFD8E0  }
0x34: {  	_ =	sfence.sel $0x180000  }
0x35: {  	[bflag:$0x0] =	sbarrier.arrive $0xFFFF  }
0x36: {  	p0 =	sne.s32 s0, $0x0;
	_ =	strace $0x9000004A  }
0x37: {  	s0 =	sadd.s32 @!p0 $0x100000, s1;
	[bflag:$0x2] =	sbarrier.arrive $0xFFFF  }
0x38: {  	[sflag:s0] =	ssyncadd.tile.s32 @!p0 $0x1;
	_ =	shalt  }
.Lfunc_end2:
_tile_overlayer_lowered:
.L_overlay_start_2:
0x39: {  	(tag) =	ssettag $0x2  }
0x3a: {  	s0 =	rddreg [dreg:$0x0];
	s2 =	stileid.u32  }
0x3b: {  	s1 =	rddreg [dreg:$0x1];
	p0 =	sne.s32 s2, $0x0  }
0x3c: {  	s3 =	rddreg [dreg:$0x2];
	[bflag:$0x3] =	sbarrier.arrive $0xFFFF;
	s2 =	simm.s32 @!p0 $0x1C01  }
0x3d: {  	[timem:s3], [sflag:s2] =	dma.local @!p0 [hbm:s0], s1  }
0x3e: {  	s0 =	simm.s32 @!p0 $0x1  }
0x3f: {  	_ =	swait.ge @!p0 [sflag:s0], s1  }
0x40: {  	s1 =	ssub.s32 @!p0 $0x0, s1;
	[sflag:s0] =	ssyncset.done @!p0 $0x0  }
0x41: {  	[sflag:s0] =	ssyncadd.s32 @!p0 s1  }
0x42: {  	[bflag:$0x3] =	sbarrier.arrive $0xFFFF  }
0x43: {  	_ =	shalt  }

// kernel: kernel.20.cloned.1.call-start
scs
__scs_entry_jumppad:
0x0: {  	(pc) =	sbr.rel $0x88, $3  }
0x1: {  	(tag) =	ssettag $0x0;
	lr =	simm.s32 $0x1  }
0x2: {  	[smem:$0x3F85] =	sst lr;
	_ =	strace $0xD0000000  }
0x3: {  	_ = 	snop  }
0x4: {  	_ = 	snop  }
0x5: {  	_ = 	snop  }
0x6: {  	_ = 	snop  }
0x7: {  	_ = 	snop  }
__scs_overlays_trampoline_lowered:
0x8: {  	[smem:$0x3F94] =	sst s0  }
0x9: {  	[smem:$0x3F95] =	sst s1  }
0xa: {  	[smem:$0x3F96] =	sst s2  }
0xb: {  	[smem:$0x3F97] =	sst s3  }
0xc: {  	[smem:$0x3F98] =	sst s4  }
0xd: {  	[smem:$0x3F99] =	sst s5  }
0xe: {  	[smem:$0x3F9A] =	sst s6  }
0xf: {  	[smem:$0x3F9B] =	sst s7  }
0x10: {  	[smem:$0x3F9C] =	sst s8  }
0x11: {  	[smem:$0x3F9D] =	sst s9;
	s0 =	simm.s32 @!p0 $0x0  }
0x12: {  	s1 =	sld [smem:$0x3F83];
	s0 =	simm.s32 @p0 $0x1  }
0x13: {  	[smem:$0x3F9E] =	sst s0;
	s0 =	simm.s32 @!p1 $0x0  }
0x14: {  	s2 =	sld [smem:$0x3F82];
	s0 =	simm.s32 @p1 $0x1  }
0x15: {  	[smem:$0x3F9F] =	sst s0;
	s0 =	simm.s32 @!p2 $0x0  }
0x16: {  	s3 =	sld [smem:$0x3FDB];
	s0 =	simm.s32 @p2 $0x1  }
0x17: {  	s4 =	simm.s32 $0x1BF5;
	[smem:$0x3FA1] =	sst s0  }
0x18: {  	s0 =	sld [smem:$0x3F84];
	_ =	swait.ge [sflag:s4], $0x0  }
0x19: {  	s7 =	sld [smem:$0x3F85]  }
0x1a: {  	s8 =	sadd.s32 $0xFFFFE003, lr  }
0x1b: {  	s9 =	sadd.s32 $0xFFFFFEF7, lr;
	s5 =	simm.s32 $0xFFFFFFFF;
	p2 =	slt.u32 s8, $0xFFFFF086  }
0x1c: {  	p1 =	slt.u32 s9, $0xF7A;
	s5 =	simm.s32 @!p2 $0x0  }
0x1d: {  	s5 =	simm.s32 @p1 $0x1;
	p0 =	seq.s32 s7, s2  }
0x1e: {  	s7 =	smul.u32 @!p0 $0xF7A, s2;
	p2 =	seq.s32 @!p0 s5, $0x0  }
0x1f: {  	s9 =	smul.u32 $0xF7A, s1;
	s8 =	simm.s32 @!p0 $0x1BF5;
	p2 =	por !p2, p0  }
0x20: {  	[sflag:s8] =	ssyncset.s32 @!p0 $0xFFFFF086;
	s6 =	sadd.s32 @!p0 s3, s7;
	s7 =	simm.s32 @!p0 $0x108  }
0x21: {  	s3 =	sadd.s32 s3, s9;
	s6 =	sadd.s32 @!p0 $0x88, s6;
	s7 =	simm.s32 @p2 $0x1082  }
0x22: {  	[simem:s7], [sflag:s8] =	dma.local @!p0 [hbm:s6], $0xF7A  }
0x23: {  	s9 =	sor.u32 $0xD0000000, s2;
	s6 =	simm.s32 $0x108;
	_ =	swait.ge @!p0 [sflag:s8], $0x0  }
0x24: {  	s3 =	sadd.s32 $0x88, s3;
	s6 =	simm.s32 @!p1 $0x1082;
	[sflag:s4] =	ssyncset.s32 $0xFFFFF086  }
0x25: {  	[simem:s6], [sflag:s4] =	dma.local [hbm:s3], $0xF7A  }
0x26: {  	[smem:$0x3F85] =	sst s1;
	(tag) =	ssettag s2;
	_ =	strace s9  }
0x27: {  	s1 =	sld [smem:$0x3F95]  }
0x28: {  	s2 =	sld [smem:$0x3F96]  }
0x29: {  	s4 =	sld [smem:$0x3F98]  }
0x2a: {  	p0 =	seq.s32 s5, $0x0;
	s5 =	sld [smem:$0x3F99]  }
0x2b: {  	s6 =	sld [smem:$0x3F9A]  }
0x2c: {  	s7 =	sld [smem:$0x3F9B]  }
0x2d: {  	s3 =	simm.s32 $0x108;
	s8 =	sld [smem:$0x3F9C]  }
0x2e: {  	s3 =	simm.s32 @!p0 $0x1082;
	s9 =	sld [smem:$0x3F9D]  }
0x2f: {  	lr =	sadd.s32 s0, s3;
	s0 =	sld [smem:$0x3F94]  }
0x30: {  	s3 =	sld [smem:$0x3F97]  }
0x31: {  	[smem:$0x3FA0] =	sst s10  }
0x32: {  	s10 =	sld [smem:$0x3F9E];
	_ =	sdelay $0x3  }
0x33: {  	p0 =	seq.s32 s10, $0x1;
	s10 =	sld [smem:$0x3FA0];
	_ =	sdelay $0x3  }
0x34: {  	[smem:$0x3FA0] =	sst s10  }
0x35: {  	s10 =	sld [smem:$0x3F9F];
	_ =	sdelay $0x3  }
0x36: {  	p1 =	seq.s32 s10, $0x1;
	s10 =	sld [smem:$0x3FA0];
	_ =	sdelay $0x3  }
0x37: {  	[smem:$0x3FA0] =	sst s10  }
0x38: {  	s10 =	sld [smem:$0x3FA1]  }
0x39: {  	_ = 	snop;
	(pc) =	sbr.ind lr, $3  }
0x3a: {  	_ = 	snop  }
0x3b: {  	_ = 	snop  }
0x3c: {  	p2 =	seq.s32 s10, $0x1;
	s10 =	sld [smem:$0x3FA0]  }
0x3d: {  	_ =	shalt  }
0x3e: {  	_ =	shalt  }
0x3f: {  	_ =	shalt  }
0x40: {  	_ =	shalt  }
0x41: {  	_ =	shalt  }
0x42: {  	_ =	shalt  }
0x43: {  	_ =	shalt  }
0x44: {  	_ =	shalt  }
0x45: {  	_ =	shalt  }
0x46: {  	_ =	shalt  }
0x47: {  	_ =	shalt  }
0x48: {  	_ =	shalt  }
0x49: {  	_ =	shalt  }
0x4a: {  	_ =	shalt  }
0x4b: {  	_ =	shalt  }
0x4c: {  	_ =	shalt  }
0x4d: {  	_ =	shalt  }
0x4e: {  	_ =	shalt  }
0x4f: {  	_ =	shalt  }
0x50: {  	_ =	shalt  }
0x51: {  	_ =	shalt  }
0x52: {  	_ =	shalt  }
0x53: {  	_ =	shalt  }
0x54: {  	_ =	shalt  }
0x55: {  	_ =	shalt  }
0x56: {  	_ =	shalt  }
0x57: {  	_ =	shalt  }
0x58: {  	_ =	shalt  }
0x59: {  	_ =	shalt  }
0x5a: {  	_ =	shalt  }
0x5b: {  	_ =	shalt  }
0x5c: {  	_ =	shalt  }
0x5d: {  	_ =	shalt  }
0x5e: {  	_ =	shalt  }
0x5f: {  	_ =	shalt  }
0x60: {  	_ =	shalt  }
0x61: {  	_ =	shalt  }
0x62: {  	_ =	shalt  }
0x63: {  	_ =	shalt  }
0x64: {  	_ =	shalt  }
0x65: {  	_ =	shalt  }
0x66: {  	_ =	shalt  }
0x67: {  	_ =	shalt  }
0x68: {  	_ =	shalt  }
0x69: {  	_ =	shalt  }
0x6a: {  	_ =	shalt  }
0x6b: {  	_ =	shalt  }
0x6c: {  	_ =	shalt  }
0x6d: {  	_ =	shalt  }
0x6e: {  	_ =	shalt  }
0x6f: {  	_ =	shalt  }
0x70: {  	_ =	shalt  }
0x71: {  	_ =	shalt  }
0x72: {  	_ =	shalt  }
0x73: {  	_ =	shalt  }
0x74: {  	_ =	shalt  }
0x75: {  	_ =	shalt  }
0x76: {  	_ =	shalt  }
0x77: {  	_ =	shalt  }
0x78: {  	_ =	shalt  }
0x79: {  	_ =	shalt  }
0x7a: {  	_ =	shalt  }
0x7b: {  	_ =	shalt  }
0x7c: {  	_ =	shalt  }
0x7d: {  	_ =	shalt  }
0x7e: {  	_ =	shalt  }
0x7f: {  	_ =	shalt  }
0x80: {  	_ =	shalt  }
0x81: {  	_ =	shalt  }
0x82: {  	_ =	shalt  }
0x83: {  	_ =	shalt  }
0x84: {  	_ =	shalt  }
0x85: {  	_ =	shalt  }
0x86: {  	_ =	shalt  }
0x87: {  	_ =	shalt  }
.Lfunc_end0:
.L_simem_size_0:
called_computation.1_lowered:
.L_overlay_start_0:
0x88: {  	s2 =	sld [smem:$0x3FD9]  }
0x89: {  	s3 =	sld [smem:$0x3FFE];
	_ =	sdelay $0x1  }
0x8a: {  	s1 =	srdreg.scid  }
0x8b: {  	s0 =	sand.u32 $0x1, s1  }
0x8c: {  	s16 =	sshll.u32 s0, $0xA;
	s2 =	sadd.s32 s3, s2  }
0x8d: {  	s2 =	sadd.s32 s2, s16  }
0x8e: {  	[smem:$0x3FAC] =	sst s2  }
0x8f: {  	_ = 	snop  }
0x90: {  	(tm) =	ssettm $0x1  }
0x91: {  	s17 =	sld [smem:$0x3FFB];
	_ =	sdelay $0x3  }
0x92: {  	_ =	strace s17  }
0x93: {  	s2 =	sld [smem:$0x3FFC];
	_ =	sdelay $0x3  }
0x94: {  	_ =	strace s2  }
0x95: {  	s2 =	sld [smem:$0x3FFD];
	_ =	sdelay $0x3  }
0x96: {  	_ =	strace s2  }
0x97: {  	_ =	strace $0x8FFFFFFF  }
0x98: {  	s18 =	sld [smem:$0x3FDB];
	_ =	sdelay $0x1  }
0x99: {  	s19 =	simm.s32 $_scs_section_size  }
0x9a: {  	s4 =	simm.s32 $_size__tile_overlayer_lowered;
	s5 =	simm.s32 $_tile_overlayer_lowered  }
0x9b: {  	s22 =	simm.s32 $0x1BFF;
	s21 =	sshll.u32 s5, $0x1;
	s2 =	sadd.s32 s19, s18  }
0x9c: {  	s6 =	simm.s32 $0x0;
	s20 =	sshll.u32 s4, $0x1;
	s4 =	sadd.s32 s21, s2  }
0x9d: {  	[timem:s6], [sflag:s22] =	dma.local [hbm:s4], s20  }
0x9e: {  	_ =	swait.ge [sflag:s22], s20  }
0x9f: {  	s3 =	ssub.s32 $0x0, s20;
	[sflag:s22] =	ssyncset.done $0x0  }
0xa0: {  	[sflag:s22] =	ssyncadd.s32 s3;
	_ =	sdelay $0x1  }
0xa1: {  	s23 =	simm.s32 $0x1B8B  }
0xa2: {  	_ =	swait.ge [sflag:s23], $0x1  }
0xa3: {  	[sflag:s23] =	ssyncset.done $0x0  }
0xa4: {  	s25 =	simm.s32 $0x1B8E;
	s24 =	sld [smem:$0x3FFE];
	[sflag:s23] =	ssyncadd.s32 $0xFFFFFFFF  }
0xa5: {  	s26 =	simm.s32 $execute0_lowered;
	[smem:$0x3FD2] =	sst s25  }
0xa6: {  	s4 =	sshll.u32 s26, $0x1;
	_ =	strace $0x80000046;
	[dreg:$0x1] =	wrdreg $0xFFFFFFFF  }
0xa7: {  	s28 =	simm.s32 $_size_execute0_lowered;
	s2 =	sadd.s32 s2, s4;
	[dreg:$0x0] =	wrdreg $0x0  }
0xa8: {  	s4 =	sshll.u32 s28, $0x1;
	[dreg:$0x2] =	wrdreg s2  }
0xa9: {  	[dreg:$0x3] =	wrdreg s4  }
0xaa: {  	[dreg:$0x4] =	wrdreg $0xC0  }
0xab: {  	_ =	task [dreg:s6], $0x5FFFF  }
0xac: {  	[dreg:$0x1] =	wrdreg $0xFFFFFFFF  }
0xad: {  	[dreg:$0x0] =	wrdreg $0x60  }
0xae: {  	[dreg:$0x2] =	wrdreg s24  }
0xaf: {  	[dreg:$0x3] =	wrdreg $0x17B200  }
0xb0: {  	[dreg:$0x4] =	wrdreg $0xA  }
0xb1: {  	_ =	task.clear_ibuf [dreg:s6], $0x5FFFF;
	_ =	strace $0x90000046  }
0xb2: {  	s29 =	simm.s32 $0xA;
	_ =	strace $0x80000048  }
0xb3: {  	_ =	swait.ge [sflag:s29], $0x1  }
0xb4: {  	[sflag:s29] =	ssyncadd.s32 $0xFFFFFFFF  }
0xb5: {  	_ =	strace $0x90000048  }
0xb6: {  	_ =	sfence  }
0xb7: {  	s30 =	sld [smem:$0x0];
	_ =	sdelay $0x2  }
0xb8: {  	s31 =	sshll.u32 s1, $0xD;
	s1 =	sshrl.u32 s1, $0x2  }
0xb9: {  	s3 =	sand.u32 $0x4000, s31;
	s1 =	sadd.s32 s1, s30  }
0xba: {  	s0 =	sor.u32 s3, s0;
	s1 =	sshll.u32 s1, $0x11  }
0xbb: {  	s0 =	sor.u32 s1, s0  }
0xbc: {  	s0 =	sadd.s32 $0x8F2B, s0  }
0xbd: {  	[sflag:s0] =	ssyncadd.remote.s32 $0x1  }
0xbe: {  	_ =	sfence.sel $0xFFFF  }
0xbf: {  	[dreg:$0x0] =	wrdreg $0xFFFFFFFF;
	(pc) =	sbr.abs _section_cstart, $3  }
0xc0: {  	[dreg:$0x1] =	wrdreg $0xFFFFFFFF  }
0xc1: {  	_ =	task.clear_ibuf [dreg:s6], $0x2FFFF;
	_ =	strace $0x9FFFFFFF  }
0xc2: {  	(tm) =	ssettm $0x7FFFFFFF  }
0xc3: {  	_ =	shalt  }
tec
execute0_lowered:
.L_overlay_start_1:
0x0: {  	(tag) =	ssettag $0x1  }
0x1: {  	s4 =	rddreg [dreg:$0x0]  }
0x2: {  	s3 =	rddreg [dreg:$0x1];
	s2 =	simm.s32 $0x0  }
0x3: {  	s14 =	simm.s32 $0x1C00;
	[smem:$0x7FF] =	sst s2  }
0x4: {  	s15 =	simm.s32 $0x100;
	_ =	strace $0x80000047;
	[dreg:$0x7] =	wrdreg s14  }
0x5: {  	s16 =	simm.s32 $0x2400;
	[dreg:$0x8] =	wrdreg s15  }
0x6: {  	s17 =	simm.s32 $0x180;
	[dreg:$0x9] =	wrdreg s16  }
0x7: {  	s18 =	simm.s32 $0x2C00;
	[dreg:$0xa] =	wrdreg s17  }
0x8: {  	s19 =	simm.s32 $0x200;
	[dreg:$0xb] =	wrdreg s18  }
0x9: {  	s20 =	simm.s32 $0x3400;
	[dreg:$0xc] =	wrdreg s19  }
0xa: {  	s21 =	simm.s32 $0x280;
	[dreg:$0xd] =	wrdreg s20  }
0xb: {  	s22 =	simm.s32 $0x3C00;
	[dreg:$0xe] =	wrdreg s21  }
0xc: {  	s23 =	simm.s32 $0x300;
	[dreg:$0xf] =	wrdreg s22  }
0xd: {  	s24 =	simm.s32 $0x4400;
	[dreg:$0x10] =	wrdreg s23  }
0xe: {  	s0 =	stileid.u32;
	s25 =	simm.s32 $0x380;
	[dreg:$0x11] =	wrdreg s24  }
0xf: {  	s26 =	simm.s32 $0x4C00;
	s5 =	smul.u32 $0x2720, s0;
	[dreg:$0x12] =	wrdreg s25  }
0x10: {  	s6 =	sshll.u32 s0, $0x1;
	s0 =	simm.s32 $0x400;
	[dreg:$0x13] =	wrdreg s26  }
0x11: {  	s9 =	simm.s32 $0x6400;
	[dreg:$0x14] =	wrdreg s0  }
0x12: {  	s10 =	simm.s32 $0x580;
	[dreg:$0x19] =	wrdreg s9  }
0x13: {  	s11 =	simm.s32 $0x6C00;
	[dreg:$0x1a] =	wrdreg s10  }
0x14: {  	s12 =	simm.s32 $0x600;
	[dreg:$0x1b] =	wrdreg s11  }
0x15: {  	[dreg:$0x1c] =	wrdreg s12;
	s14 =	simm.s32 $0x680  }
0x16: {  	s15 =	simm.s32 $0x7C00;
	[dreg:$0x1e] =	wrdreg s14  }
0x17: {  	s16 =	simm.s32 $0x700;
	[dreg:$0x1f] =	wrdreg s15  }
0x18: {  	s17 =	simm.s32 $0x8400;
	[smem:$0x7E1] =	sst s16  }
0x19: {  	s18 =	simm.s32 $0x780;
	[smem:$0x7E0] =	sst s17  }
0x1a: {  	s19 =	simm.s32 $0x8C00;
	[smem:$0x7E3] =	sst s18  }
0x1b: {  	s20 =	simm.s32 $0x800;
	[smem:$0x7E2] =	sst s19  }
0x1c: {  	s21 =	simm.s32 $0x9400;
	[smem:$0x7E9] =	sst s20  }
0x1d: {  	s22 =	simm.s32 $0x880;
	[smem:$0x7EA] =	sst s21  }
0x1e: {  	s23 =	simm.s32 $0x9C00;
	[smem:$0x7EC] =	sst s22  }
0x1f: {  	s24 =	simm.s32 $0x900;
	[smem:$0x7E8] =	sst s23  }
0x20: {  	s25 =	simm.s32 $0xA400;
	[smem:$0x7E5] =	sst s24  }
0x21: {  	s26 =	simm.s32 $0x980;
	[smem:$0x7E6] =	sst s25  }
0x22: {  	s0 =	simm.s32 $0xAC00;
	[smem:$0x7ED] =	sst s26  }
0x23: {  	s9 =	simm.s32 $0xB00;
	[smem:$0x7EB] =	sst s0  }
0x24: {  	s10 =	simm.s32 $0xC400;
	[smem:$0x7F1] =	sst s9  }
0x25: {  	s11 =	simm.s32 $0xB80;
	[smem:$0x7E4] =	sst s10  }
0x26: {  	s12 =	simm.s32 $0xCC00;
	[smem:$0x7F3] =	sst s11  }
0x27: {  	s7 =	sshrl.u32 s5, $0x3;
	s5 =	sadd.s32 s5, s3;
	[smem:$0x7F2] =	sst s12  }
0x28: {  	s14 =	simm.s32 $0xD400;
	[dreg:$0x4] =	wrdreg s5  }
0x29: {  	s15 =	simm.s32 $0xC80;
	[smem:$0x7F8] =	sst s14  }
0x2a: {  	s16 =	simm.s32 $0xDC00;
	[smem:$0x7F6] =	sst s15  }
0x2b: {  	s17 =	simm.s32 $0xD00;
	[smem:$0x7F5] =	sst s16  }
0x2c: {  	s1 =	srdreg.scid;
	s18 =	simm.s32 $0xE400;
	[smem:$0x7F9] =	sst s17  }
0x2d: {  	s1 =	sand.u32 $0x1, s1;
	s19 =	simm.s32 $0xD80;
	[smem:$0x7FA] =	sst s18  }
0x2e: {  	s6 =	sor.u32 s1, s6;
	s20 =	simm.s32 $0xEC00;
	[smem:$0x7FC] =	sst s19  }
0x2f: {  	s8 =	smul.u32 $0x280, s6;
	s21 =	simm.s32 $0xE00;
	[smem:$0x7FB] =	sst s20  }
0x30: {  	s6 =	smul.u32 $0x2800, s6;
	s23 =	simm.s32 $0xF400;
	[smem:$0x7FD] =	sst s21  }
0x31: {  	s7 =	sadd.s32 s7, s4;
	s5 =	simm.s32 $0x5400;
	[smem:$0x7F4] =	sst s23  }
0x32: {  	s7 =	sadd.s32 $0x2A400, s7;
	s8 =	sadd.s32 s8, s4;
	[dreg:$0x15] =	wrdreg s5  }
0x33: {  	s4 =	sadd.s32 s6, s4;
	s6 =	simm.s32 $0x480;
	[dreg:$0x3] =	wrdreg s7  }
0x34: {  	s5 =	simm.s32 $0xA00;
	[dreg:$0x16] =	wrdreg s6  }
0x35: {  	s13 =	sadd.s32 $0x2F400, s8;
	[smem:$0x7EE] =	sst s5  }
0x36: {  	s4 =	sadd.s32 $0x34400, s4;
	[dreg:$0x5] =	wrdreg s13  }
0x37: {  	s7 =	simm.s32 $0x5C00;
	[dreg:$0x6] =	wrdreg s4  }
0x38: {  	s8 =	simm.s32 $0x500;
	[dreg:$0x17] =	wrdreg s7  }
0x39: {  	s6 =	simm.s32 $0xB400;
	[dreg:$0x18] =	wrdreg s8  }
0x3a: {  	[smem:$0x7E7] =	sst s6  }
0x3b: {  	s13 =	simm.s32 $0x7400;
	s22 =	rddreg [dreg:$0x3]  }
0x3c: {  	s7 =	simm.s32 $0xA80;
	[dreg:$0x1d] =	wrdreg s13  }
0x3d: {  	s8 =	simm.s32 $0xBC00;
	[smem:$0x7F0] =	sst s7  }
0x3e: {  	s6 =	simm.s32 $0x15400;
	[smem:$0x7EF] =	sst s8;
	s13 =	simm.s32 $0xC00  }
0x3f: {  	[tilespmem:s6], [sflag:$0x2] =	stream.linear.gather [hbm4b:s22+s2], $0x2720, $0x38;
	[tilespmem:$0x1A240] =	vst v63  }
0x40: {  	s4 =	simm.s32 $0x2;
	[smem:$0x7F7] =	sst s13  }
0x41: {  	_ =	swait.ge [sflag:s4], $0x2720  }
0x42: {  	[sflag:s4] =	ssyncset.done $0x0  }
0x43: {  	s24 =	rddreg [dreg:$0x4];
	[sflag:s4] =	ssyncadd.s32 $0xFFFFD8E0  }
0x44: {  	[spmem:s24] =	stream.linear.scatter [tilespmem:s6], [sflag:$0x2], $0x2720, $0x38;
	[tilespmem:$0x1A240] =	vst v63  }
0x45: {  	_ =	swait.ge [sflag:s4], $0x2720  }
0x46: {  	[sflag:s4] =	ssyncset.done $0x0  }
0x47: {  	s25 =	rddreg [dreg:$0x5];
	[sflag:s4] =	ssyncadd.s32 $0xFFFFD8E0  }
0x48: {  	[tilespmem:s2], [sflag:$0x2] =	stream.linear.gather [hbm4b:s25+s2], $0x1400, $0x38;
	[tilespmem:$0x1A240] =	vst v63  }
0x49: {  	_ =	swait.ge [sflag:s4], $0x1400  }
0x4a: {  	[sflag:s4] =	ssyncset.done $0x0  }
0x4b: {  	[sflag:s4] =	ssyncadd.s32 $0xFFFFEC00  }
0x4c: {  	[bflag:$0x0] =	sbarrier.arrive $0xFFFF  }
0x4d: {  	s26 =	rddreg [dreg:$0xa]  }
0x4e: {  	s9 =	rddreg [dreg:$0xf]  }
0x4f: {  	s10 =	rddreg [dreg:$0xb]  }
0x50: {  	s5 =	simm.s32 $0x1400;
	s8 =	simm.s32 $0x80;
	s11 =	rddreg [dreg:$0x9]  }
0x51: {  	[tilespmem:s5], [sflag:$0x1] =	stream.indirect.gather [spmem:s3], $0x10, s2, s8, $0xb8;
	[tilespmem:$0x1A240] =	vst v63  }
0x52: {  	s12 =	rddreg [dreg:$0x7]  }
0x53: {  	s13 =	rddreg [dreg:$0xd]  }
0x54: {  	s14 =	rddreg [dreg:$0x8]  }
0x55: {  	[tilespmem:s12], [sflag:$0x1] =	stream.indirect.gather [spmem:s3], $0x10, s8, s8, $0xb8;
	[tilespmem:$0x1A240] =	vst v63  }
0x56: {  	s15 =	rddreg [dreg:$0xc]  }
0x57: {  	[tilespmem:s11], [sflag:$0x1] =	stream.indirect.gather [spmem:s3], $0x10, s14, s8, $0xb8;
	[tilespmem:$0x1A240] =	vst v63  }
0x58: {  	s0 =	rddreg [dreg:$0xe]  }
0x59: {  	[tilespmem:s10], [sflag:$0x1] =	stream.indirect.gather [spmem:s3], $0x10, s26, s8, $0xb8;
	[tilespmem:$0x1A240] =	vst v63  }
0x5a: {  	s16 =	rddreg [dreg:$0x10]  }
0x5b: {  	[tilespmem:s13], [sflag:$0x1] =	stream.indirect.gather [spmem:s3], $0x10, s15, s8, $0xb8;
	[tilespmem:$0x1A240] =	vst v63  }
0x5c: {  	s17 =	rddreg [dreg:$0x12]  }
0x5d: {  	[tilespmem:s9], [sflag:$0x1] =	stream.indirect.gather [spmem:s3], $0x10, s0, s8, $0xb8;
	[tilespmem:$0x1A240] =	vst v63  }
0x5e: {  	s14 =	rddreg [dreg:$0x11]  }
0x5f: {  	[tilespmem:s14], [sflag:$0x1] =	stream.indirect.gather [spmem:s3], $0x10, s16, s8, $0xb8;
	[tilespmem:$0x1A240] =	vst v63  }
0x60: {  	s7 =	simm.s32 $0x1;
	s18 =	rddreg [dreg:$0x13]  }
0x61: {  	[tilespmem:s18], [sflag:$0x1] =	stream.indirect.gather [spmem:s3], $0x10, s17, s8, $0xb8;
	[tilespmem:$0x1A240] =	vst v63  }
0x62: {  	_ =	swait.ge [sflag:s7], $0x800  }
0x63: {  	[sflag:s7] =	ssyncset.done $0x0  }
0x64: {  	[sflag:s7] =	ssyncadd.s32 $0xFFFFF800  }
0x65: {  	_ =	swait.ge [sflag:s7], $0x800  }
0x66: {  	[sflag:s7] =	ssyncset.done $0x0  }
0x67: {  	[sflag:s7] =	ssyncadd.s32 $0xFFFFF800  }
0x68: {  	_ =	swait.ge [sflag:s7], $0x800  }
0x69: {  	[sflag:s7] =	ssyncset.done $0x0  }
0x6a: {  	[sflag:s7] =	ssyncadd.s32 $0xFFFFF800  }
0x6b: {  	_ =	swait.ge [sflag:s7], $0x800  }
0x6c: {  	[sflag:s7] =	ssyncset.done $0x0  }
0x6d: {  	[sflag:s7] =	ssyncadd.s32 $0xFFFFF800  }
0x6e: {  	_ =	swait.ge [sflag:s7], $0x800  }
0x6f: {  	[sflag:s7] =	ssyncset.done $0x0  }
0x70: {  	[sflag:s7] =	ssyncadd.s32 $0xFFFFF800  }
0x71: {  	_ =	swait.ge [sflag:s7], $0x800  }
0x72: {  	[sflag:s7] =	ssyncset.done $0x0  }
0x73: {  	[sflag:s7] =	ssyncadd.s32 $0xFFFFF800  }
0x74: {  	_ =	swait.ge [sflag:s7], $0x800  }
0x75: {  	[sflag:s7] =	ssyncset.done $0x0  }
0x76: {  	[sflag:s7] =	ssyncadd.s32 $0xFFFFF800  }
0x77: {  	_ =	swait.ge [sflag:s7], $0x800  }
0x78: {  	s19 =	rddreg [dreg:$0x1a]  }
0x79: {  	s20 =	sld [smem:$0x7E0]  }
0x7a: {  	s21 =	rddreg [dreg:$0x19]  }
0x7b: {  	s22 =	rddreg [dreg:$0x15]  }
0x7c: {  	s23 =	rddreg [dreg:$0x17]  }
0x7d: {  	s24 =	rddreg [dreg:$0x16]  }
0x7e: {  	s25 =	rddreg [dreg:$0x14]  }
0x7f: {  	s16 =	rddreg [dreg:$0x1b]  }
0x80: {  	[sflag:s7] =	ssyncset.done $0x0;
	s17 =	rddreg [dreg:$0x18]  }
0x81: {  	s18 =	rddreg [dreg:$0x1d];
	[sflag:s7] =	ssyncadd.s32 $0xFFFFF800  }
0x82: {  	[tilespmem:s22], [sflag:$0x1] =	stream.indirect.gather [spmem:s3], $0x10, s25, s8, $0xb8;
	[tilespmem:$0x1A240] =	vst v63  }
0x83: {  	s26 =	rddreg [dreg:$0x1f]  }
0x84: {  	[tilespmem:s23], [sflag:$0x1] =	stream.indirect.gather [spmem:s3], $0x10, s24, s8, $0xb8;
	[tilespmem:$0x1A240] =	vst v63  }
0x85: {  	s0 =	rddreg [dreg:$0x1c]  }
0x86: {  	[tilespmem:s21], [sflag:$0x1] =	stream.indirect.gather [spmem:s3], $0x10, s17, s8, $0xb8;
	[tilespmem:$0x1A240] =	vst v63  }
0x87: {  	s14 =	rddreg [dreg:$0x1e]  }
0x88: {  	[tilespmem:s16], [sflag:$0x1] =	stream.indirect.gather [spmem:s3], $0x10, s19, s8, $0xb8;
	[tilespmem:$0x1A240] =	vst v63  }
0x89: {  	s15 =	sld [smem:$0x7E1]  }
0x8a: {  	[tilespmem:s18], [sflag:$0x1] =	stream.indirect.gather [spmem:s3], $0x10, s0, s8, $0xb8;
	[tilespmem:$0x1A240] =	vst v63  }
0x8b: {  	s17 =	sld [smem:$0x7E3]  }
0x8c: {  	[tilespmem:s26], [sflag:$0x1] =	stream.indirect.gather [spmem:s3], $0x10, s14, s8, $0xb8;
	[tilespmem:$0x1A240] =	vst v63  }
0x8d: {  	s16 =	sld [smem:$0x7E2]  }
0x8e: {  	[tilespmem:s20], [sflag:$0x1] =	stream.indirect.gather [spmem:s3], $0x10, s15, s8, $0xb8;
	[tilespmem:$0x1A240] =	vst v63  }
0x8f: {  	_ = 	snop  }
0x90: {  	[tilespmem:s16], [sflag:$0x1] =	stream.indirect.gather [spmem:s3], $0x10, s17, s8, $0xb8;
	[tilespmem:$0x1A240] =	vst v63  }
0x91: {  	_ =	swait.ge [sflag:s7], $0x800  }
0x92: {  	[sflag:s7] =	ssyncset.done $0x0  }
0x93: {  	[sflag:s7] =	ssyncadd.s32 $0xFFFFF800  }
0x94: {  	_ =	swait.ge [sflag:s7], $0x800  }
0x95: {  	[sflag:s7] =	ssyncset.done $0x0  }
0x96: {  	[sflag:s7] =	ssyncadd.s32 $0xFFFFF800  }
0x97: {  	_ =	swait.ge [sflag:s7], $0x800  }
0x98: {  	[sflag:s7] =	ssyncset.done $0x0  }
0x99: {  	[sflag:s7] =	ssyncadd.s32 $0xFFFFF800  }
0x9a: {  	_ =	swait.ge [sflag:s7], $0x800  }
0x9b: {  	[sflag:s7] =	ssyncset.done $0x0  }
0x9c: {  	[sflag:s7] =	ssyncadd.s32 $0xFFFFF800  }
0x9d: {  	_ =	swait.ge [sflag:s7], $0x800  }
0x9e: {  	[sflag:s7] =	ssyncset.done $0x0  }
0x9f: {  	[sflag:s7] =	ssyncadd.s32 $0xFFFFF800  }
0xa0: {  	_ =	swait.ge [sflag:s7], $0x800  }
0xa1: {  	[sflag:s7] =	ssyncset.done $0x0  }
0xa2: {  	[sflag:s7] =	ssyncadd.s32 $0xFFFFF800  }
0xa3: {  	_ =	swait.ge [sflag:s7], $0x800  }
0xa4: {  	[sflag:s7] =	ssyncset.done $0x0  }
0xa5: {  	[sflag:s7] =	ssyncadd.s32 $0xFFFFF800  }
0xa6: {  	_ =	swait.ge [sflag:s7], $0x800  }
0xa7: {  	s9 =	sld [smem:$0x7E4]  }
0xa8: {  	s18 =	sld [smem:$0x7E5]  }
0xa9: {  	s19 =	sld [smem:$0x7E6]  }
0xaa: {  	s20 =	sld [smem:$0x7E7]  }
0xab: {  	s21 =	sld [smem:$0x7E8]  }
0xac: {  	s22 =	sld [smem:$0x7E9]  }
0xad: {  	s23 =	sld [smem:$0x7EA]  }
0xae: {  	s24 =	sld [smem:$0x7EB]  }
0xaf: {  	[sflag:s7] =	ssyncset.done $0x0;
	s25 =	sld [smem:$0x7EC]  }
0xb0: {  	s26 =	sld [smem:$0x7ED];
	[sflag:s7] =	ssyncadd.s32 $0xFFFFF800  }
0xb1: {  	[tilespmem:s23], [sflag:$0x1] =	stream.indirect.gather [spmem:s3], $0x10, s22, s8, $0xb8;
	[tilespmem:$0x1A240] =	vst v63  }
0xb2: {  	s0 =	sld [smem:$0x7EE]  }
0xb3: {  	[tilespmem:s21], [sflag:$0x1] =	stream.indirect.gather [spmem:s3], $0x10, s25, s8, $0xb8;
	[tilespmem:$0x1A240] =	vst v63  }
0xb4: {  	s15 =	sld [smem:$0x7EF]  }
0xb5: {  	[tilespmem:s19], [sflag:$0x1] =	stream.indirect.gather [spmem:s3], $0x10, s18, s8, $0xb8;
	[tilespmem:$0x1A240] =	vst v63  }
0xb6: {  	s17 =	sld [smem:$0x7F0]  }
0xb7: {  	[tilespmem:s24], [sflag:$0x1] =	stream.indirect.gather [spmem:s3], $0x10, s26, s8, $0xb8;
	[tilespmem:$0x1A240] =	vst v63  }
0xb8: {  	s18 =	sld [smem:$0x7F1]  }
0xb9: {  	[tilespmem:s20], [sflag:$0x1] =	stream.indirect.gather [spmem:s3], $0x10, s0, s8, $0xb8;
	[tilespmem:$0x1A240] =	vst v63  }
0xba: {  	s19 =	sld [smem:$0x7F2]  }
0xbb: {  	[tilespmem:s15], [sflag:$0x1] =	stream.indirect.gather [spmem:s3], $0x10, s17, s8, $0xb8;
	[tilespmem:$0x1A240] =	vst v63  }
0xbc: {  	s20 =	sld [smem:$0x7F3]  }
0xbd: {  	[tilespmem:s9], [sflag:$0x1] =	stream.indirect.gather [spmem:s3], $0x10, s18, s8, $0xb8;
	[tilespmem:$0x1A240] =	vst v63  }
0xbe: {  	_ = 	snop  }
0xbf: {  	[tilespmem:s19], [sflag:$0x1] =	stream.indirect.gather [spmem:s3], $0x10, s20, s8, $0xb8;
	[tilespmem:$0x1A240] =	vst v63  }
0xc0: {  	_ =	swait.ge [sflag:s7], $0x800  }
0xc1: {  	[sflag:s7] =	ssyncset.done $0x0  }
0xc2: {  	[sflag:s7] =	ssyncadd.s32 $0xFFFFF800  }
0xc3: {  	_ =	swait.ge [sflag:s7], $0x800  }
0xc4: {  	[sflag:s7] =	ssyncset.done $0x0  }
0xc5: {  	[sflag:s7] =	ssyncadd.s32 $0xFFFFF800  }
0xc6: {  	_ =	swait.ge [sflag:s7], $0x800  }
0xc7: {  	[sflag:s7] =	ssyncset.done $0x0  }
0xc8: {  	[sflag:s7] =	ssyncadd.s32 $0xFFFFF800  }
0xc9: {  	_ =	swait.ge [sflag:s7], $0x800  }
0xca: {  	[sflag:s7] =	ssyncset.done $0x0  }
0xcb: {  	[sflag:s7] =	ssyncadd.s32 $0xFFFFF800  }
0xcc: {  	_ =	swait.ge [sflag:s7], $0x800  }
0xcd: {  	[sflag:s7] =	ssyncset.done $0x0  }
0xce: {  	[sflag:s7] =	ssyncadd.s32 $0xFFFFF800  }
0xcf: {  	_ =	swait.ge [sflag:s7], $0x800  }
0xd0: {  	[sflag:s7] =	ssyncset.done $0x0  }
0xd1: {  	[sflag:s7] =	ssyncadd.s32 $0xFFFFF800  }
0xd2: {  	_ =	swait.ge [sflag:s7], $0x800  }
0xd3: {  	[sflag:s7] =	ssyncset.done $0x0  }
0xd4: {  	[sflag:s7] =	ssyncadd.s32 $0xFFFFF800  }
0xd5: {  	_ =	swait.ge [sflag:s7], $0x800  }
0xd6: {  	s21 =	sld [smem:$0x7F4]  }
0xd7: {  	s22 =	sld [smem:$0x7F5]  }
0xd8: {  	s23 =	sld [smem:$0x7F6]  }
0xd9: {  	s24 =	sld [smem:$0x7F7]  }
0xda: {  	s25 =	sld [smem:$0x7F8]  }
0xdb: {  	[sflag:s7] =	ssyncset.done $0x0;
	s26 =	sld [smem:$0x7F9]  }
0xdc: {  	s0 =	sld [smem:$0x7FA];
	[sflag:s7] =	ssyncadd.s32 $0xFFFFF800  }
0xdd: {  	[tilespmem:s25], [sflag:$0x1] =	stream.indirect.gather [spmem:s3], $0x10, s24, s8, $0xb8;
	[tilespmem:$0x1A240] =	vst v63  }
0xde: {  	s13 =	sld [smem:$0x7FB]  }
0xdf: {  	[tilespmem:s22], [sflag:$0x1] =	stream.indirect.gather [spmem:s3], $0x10, s23, s8, $0xb8;
	[tilespmem:$0x1A240] =	vst v63  }
0xe0: {  	s16 =	sld [smem:$0x7FC]  }
0xe1: {  	[tilespmem:s0], [sflag:$0x1] =	stream.indirect.gather [spmem:s3], $0x10, s26, s8, $0xb8;
	[tilespmem:$0x1A240] =	vst v63  }
0xe2: {  	s17 =	sld [smem:$0x7FD]  }
0xe3: {  	[tilespmem:s13], [sflag:$0x1] =	stream.indirect.gather [spmem:s3], $0x10, s16, s8, $0xb8;
	[tilespmem:$0x1A240] =	vst v63  }
0xe4: {  	_ = 	snop  }
0xe5: {  	[tilespmem:s21], [sflag:$0x1] =	stream.indirect.gather [spmem:s3], $0x10, s17, s8, $0xb8;
	[tilespmem:$0x1A240] =	vst v63  }
0xe6: {  	s18 =	simm.s32 $0xE80;
	s19 =	simm.s32 $0xFC00  }
0xe7: {  	[tilespmem:s19], [sflag:$0x1] =	stream.indirect.gather [spmem:s3], $0x10, s18, s8, $0xb8;
	[tilespmem:$0x1A240] =	vst v63  }
0xe8: {  	s20 =	simm.s32 $0xF00;
	s21 =	simm.s32 $0x10400  }
0xe9: {  	[tilespmem:s21], [sflag:$0x1] =	stream.indirect.gather [spmem:s3], $0x10, s20, s8, $0xb8;
	[tilespmem:$0x1A240] =	vst v63  }
0xea: {  	s22 =	simm.s32 $0xF80;
	s23 =	simm.s32 $0x10C00  }
0xeb: {  	[tilespmem:s23], [sflag:$0x1] =	stream.indirect.gather [spmem:s3], $0x10, s22, s8, $0xb8;
	[tilespmem:$0x1A240] =	vst v63  }
0xec: {  	_ =	swait.ge [sflag:s7], $0x800  }
0xed: {  	[sflag:s7] =	ssyncset.done $0x0  }
0xee: {  	[sflag:s7] =	ssyncadd.s32 $0xFFFFF800  }
0xef: {  	_ =	swait.ge [sflag:s7], $0x800  }
0xf0: {  	[sflag:s7] =	ssyncset.done $0x0  }
0xf1: {  	[sflag:s7] =	ssyncadd.s32 $0xFFFFF800  }
0xf2: {  	_ =	swait.ge [sflag:s7], $0x800  }
0xf3: {  	[sflag:s7] =	ssyncset.done $0x0  }
0xf4: {  	[sflag:s7] =	ssyncadd.s32 $0xFFFFF800  }
0xf5: {  	_ =	swait.ge [sflag:s7], $0x800  }
0xf6: {  	[sflag:s7] =	ssyncset.done $0x0  }
0xf7: {  	[sflag:s7] =	ssyncadd.s32 $0xFFFFF800  }
0xf8: {  	_ =	swait.ge [sflag:s7], $0x800  }
0xf9: {  	[sflag:s7] =	ssyncset.done $0x0  }
0xfa: {  	[sflag:s7] =	ssyncadd.s32 $0xFFFFF800  }
0xfb: {  	_ =	swait.ge [sflag:s7], $0x800  }
0xfc: {  	[sflag:s7] =	ssyncset.done $0x0  }
0xfd: {  	[sflag:s7] =	ssyncadd.s32 $0xFFFFF800  }
0xfe: {  	_ =	swait.ge [sflag:s7], $0x800  }
0xff: {  	[sflag:s7] =	ssyncset.done $0x0  }
0x100: {  	[sflag:s7] =	ssyncadd.s32 $0xFFFFF800  }
0x101: {  	_ =	swait.ge [sflag:s7], $0x800  }
0x102: {  	[sflag:s7] =	ssyncset.done $0x0  }
0x103: {  	s24 =	simm.s32 $0x1000;
	s25 =	simm.s32 $0x11400;
	[sflag:s7] =	ssyncadd.s32 $0xFFFFF800  }
0x104: {  	[tilespmem:s25], [sflag:$0x1] =	stream.indirect.gather [spmem:s3], $0x10, s24, s8, $0xb8;
	[tilespmem:$0x1A240] =	vst v63  }
0x105: {  	s26 =	simm.s32 $0x1080;
	s18 =	simm.s32 $0x11C00  }
0x106: {  	[tilespmem:s18], [sflag:$0x1] =	stream.indirect.gather [spmem:s3], $0x10, s26, s8, $0xb8;
	[tilespmem:$0x1A240] =	vst v63  }
0x107: {  	s1 =	ssub.s32 $0x2, s1;
	s19 =	simm.s32 $0x1100;
	s20 =	simm.s32 $0x12400  }
0x108: {  	[tilespmem:s20], [sflag:$0x1] =	stream.indirect.gather [spmem:s3], $0x10, s19, s8, $0xb8;
	[tilespmem:$0x1A240] =	vst v63  }
0x109: {  	s30 =	sshrl.u32 s1, $0x1;
	s21 =	simm.s32 $0x1180;
	s22 =	simm.s32 $0x12C00  }
0x10a: {  	[tilespmem:s22], [sflag:$0x1] =	stream.indirect.gather [spmem:s3], $0x10, s21, s8, $0xb8;
	[tilespmem:$0x1A240] =	vst v63  }
0x10b: {  	s1 =	ssub.s32 s1, s30;
	s23 =	simm.s32 $0x1200;
	s24 =	simm.s32 $0x13400  }
0x10c: {  	[tilespmem:s24], [sflag:$0x1] =	stream.indirect.gather [spmem:s3], $0x10, s23, s8, $0xb8;
	[tilespmem:$0x1A240] =	vst v63  }
0x10d: {  	s1 =	smax.u32 s1, $0x1;
	s25 =	simm.s32 $0x1280;
	s26 =	simm.s32 $0x13C00  }
0x10e: {  	[tilespmem:s26], [sflag:$0x1] =	stream.indirect.gather [spmem:s3], $0x10, s25, s8, $0xb8;
	[tilespmem:$0x1A240] =	vst v63  }
0x10f: {  	s28 =	simm.s32 $0x1300;
	s29 =	simm.s32 $0x14400;
	p0 =	sne.s32 s1, $0x1  }
0x110: {  	[tilespmem:s29], [sflag:$0x1] =	stream.indirect.gather [spmem:s3], $0x10, s28, s8, $0xb8;
	[tilespmem:$0x1A240] =	vst v63  }
.Ltmp0:
0x111: {  	s31 =	simm.s32 $0x14C00;
	s30 =	simm.s32 $0x1380;
	(pc) =	sbr.rel @!p0 .LBB2_2-.Ltmp0, $4  }
0x112: {  	[tilespmem:s31], [sflag:$0x1] =	stream.indirect.gather [spmem:s3], $0x10, s30, s8, $0xb8;
	[tilespmem:$0x1A240] =	vst v63  }
0x113: {  	_ =	swait.ge [sflag:s7], $0x800  }
0x114: {  	[sflag:s7] =	ssyncset.done $0x0  }
0x115: {  	s1 =	sadd.s32 $0xFFFFFFFF, s1;
	[sflag:s7] =	ssyncadd.s32 $0xFFFFF800  }
.LBB2_1:
0x116: {  	_ =	swait.ge [sflag:s7], $0x800  }
0x117: {  	[sflag:s7] =	ssyncset.done $0x0  }
0x118: {  	[sflag:s7] =	ssyncadd.s32 $0xFFFFF800  }
0x119: {  	_ =	swait.ge [sflag:s7], $0x800  }
0x11a: {  	[sflag:s7] =	ssyncset.done $0x0  }
0x11b: {  	[sflag:s7] =	ssyncadd.s32 $0xFFFFF800  }
0x11c: {  	_ =	swait.ge [sflag:s7], $0x800  }
0x11d: {  	[sflag:s7] =	ssyncset.done $0x0  }
0x11e: {  	[sflag:s7] =	ssyncadd.s32 $0xFFFFF800  }
0x11f: {  	_ =	swait.ge [sflag:s7], $0x800  }
0x120: {  	[sflag:s7] =	ssyncset.done $0x0  }
0x121: {  	[sflag:s7] =	ssyncadd.s32 $0xFFFFF800  }
0x122: {  	_ =	swait.ge [sflag:s7], $0x800  }
0x123: {  	[sflag:s7] =	ssyncset.done $0x0  }
0x124: {  	[sflag:s7] =	ssyncadd.s32 $0xFFFFF800  }
0x125: {  	_ =	swait.ge [sflag:s7], $0x800  }
0x126: {  	[sflag:s7] =	ssyncset.done $0x0  }
0x127: {  	[sflag:s7] =	ssyncadd.s32 $0xFFFFF800  }
0x128: {  	_ =	swait.ge [sflag:s7], $0x800  }
0x129: {  	[sflag:s7] =	ssyncset.done $0x0  }
0x12a: {  	s0 =	rddreg [dreg:$0x6];
	[sflag:s7] =	ssyncadd.s32 $0xFFFFF800  }
0x12b: {  	[hbm4b:s0+s2] =	stream.linear.scatter [tilespmem:s5], [sflag:$0x2], $0x14000, $0x38;
	[tilespmem:$0x1A240] =	vst v63  }
0x12c: {  	_ =	swait.ge [sflag:s4], $0x14000  }
0x12d: {  	[sflag:s4] =	ssyncset.done $0x0  }
0x12e: {  	s14 =	rddreg [dreg:$0x3];
	[sflag:s4] =	ssyncadd.s32 $0xFFFEC000  }
0x12f: {  	[tilespmem:s6], [sflag:$0x2] =	stream.linear.gather [hbm4b:s14+s2], $0x2720, $0x38;
	[tilespmem:$0x1A240] =	vst v63  }
0x130: {  	_ =	swait.ge [sflag:s4], $0x2720  }
0x131: {  	[sflag:s4] =	ssyncset.done $0x0  }
0x132: {  	s15 =	rddreg [dreg:$0x4];
	[sflag:s4] =	ssyncadd.s32 $0xFFFFD8E0  }
0x133: {  	[spmem:s15] =	stream.linear.scatter [tilespmem:s6], [sflag:$0x2], $0x2720, $0x38;
	[tilespmem:$0x1A240] =	vst v63  }
0x134: {  	_ =	swait.ge [sflag:s4], $0x2720  }
0x135: {  	[sflag:s4] =	ssyncset.done $0x0  }
0x136: {  	s16 =	rddreg [dreg:$0x5];
	[sflag:s4] =	ssyncadd.s32 $0xFFFFD8E0  }
0x137: {  	[tilespmem:s2], [sflag:$0x2] =	stream.linear.gather [hbm4b:s16+s2], $0x1400, $0x38;
	[tilespmem:$0x1A240] =	vst v63  }
0x138: {  	_ =	swait.ge [sflag:s4], $0x1400  }
0x139: {  	[sflag:s4] =	ssyncset.done $0x0  }
0x13a: {  	[sflag:s4] =	ssyncadd.s32 $0xFFFFEC00  }
0x13b: {  	[bflag:$0x0] =	sbarrier.arrive $0xFFFF  }
0x13c: {  	s17 =	rddreg [dreg:$0xa]  }
0x13d: {  	s9 =	rddreg [dreg:$0xf]  }
0x13e: {  	s10 =	rddreg [dreg:$0xb]  }
0x13f: {  	s11 =	rddreg [dreg:$0x9]  }
0x140: {  	[tilespmem:s5], [sflag:$0x1] =	stream.indirect.gather [spmem:s3], $0x10, s2, s8, $0xb8;
	[tilespmem:$0x1A240] =	vst v63  }
0x141: {  	s12 =	rddreg [dreg:$0x7]  }
0x142: {  	s13 =	rddreg [dreg:$0xd]  }
0x143: {  	s14 =	rddreg [dreg:$0x8]  }
0x144: {  	[tilespmem:s12], [sflag:$0x1] =	stream.indirect.gather [spmem:s3], $0x10, s8, s8, $0xb8;
	[tilespmem:$0x1A240] =	vst v63  }
0x145: {  	s15 =	rddreg [dreg:$0xc]  }
0x146: {  	[tilespmem:s11], [sflag:$0x1] =	stream.indirect.gather [spmem:s3], $0x10, s14, s8, $0xb8;
	[tilespmem:$0x1A240] =	vst v63  }
0x147: {  	s16 =	rddreg [dreg:$0x10]  }
0x148: {  	[tilespmem:s10], [sflag:$0x1] =	stream.indirect.gather [spmem:s3], $0x10, s17, s8, $0xb8;
	[tilespmem:$0x1A240] =	vst v63  }
0x149: {  	s12 =	rddreg [dreg:$0xe]  }
0x14a: {  	[tilespmem:s13], [sflag:$0x1] =	stream.indirect.gather [spmem:s3], $0x10, s15, s8, $0xb8;
	[tilespmem:$0x1A240] =	vst v63  }
0x14b: {  	s14 =	rddreg [dreg:$0x11]  }
0x14c: {  	[tilespmem:s9], [sflag:$0x1] =	stream.indirect.gather [spmem:s3], $0x10, s12, s8, $0xb8;
	[tilespmem:$0x1A240] =	vst v63  }
0x14d: {  	s17 =	rddreg [dreg:$0x12]  }
0x14e: {  	[tilespmem:s14], [sflag:$0x1] =	stream.indirect.gather [spmem:s3], $0x10, s16, s8, $0xb8;
	[tilespmem:$0x1A240] =	vst v63  }
0x14f: {  	s12 =	rddreg [dreg:$0x13]  }
0x150: {  	[tilespmem:s12], [sflag:$0x1] =	stream.indirect.gather [spmem:s3], $0x10, s17, s8, $0xb8;
	[tilespmem:$0x1A240] =	vst v63  }
0x151: {  	_ =	swait.ge [sflag:s7], $0x800  }
0x152: {  	[sflag:s7] =	ssyncset.done $0x0  }
0x153: {  	[sflag:s7] =	ssyncadd.s32 $0xFFFFF800  }
0x154: {  	_ =	swait.ge [sflag:s7], $0x800  }
0x155: {  	[sflag:s7] =	ssyncset.done $0x0  }
0x156: {  	[sflag:s7] =	ssyncadd.s32 $0xFFFFF800  }
0x157: {  	_ =	swait.ge [sflag:s7], $0x800  }
0x158: {  	[sflag:s7] =	ssyncset.done $0x0  }
0x159: {  	[sflag:s7] =	ssyncadd.s32 $0xFFFFF800  }
0x15a: {  	_ =	swait.ge [sflag:s7], $0x800  }
0x15b: {  	[sflag:s7] =	ssyncset.done $0x0  }
0x15c: {  	[sflag:s7] =	ssyncadd.s32 $0xFFFFF800  }
0x15d: {  	_ =	swait.ge [sflag:s7], $0x800  }
0x15e: {  	[sflag:s7] =	ssyncset.done $0x0  }
0x15f: {  	[sflag:s7] =	ssyncadd.s32 $0xFFFFF800  }
0x160: {  	_ =	swait.ge [sflag:s7], $0x800  }
0x161: {  	[sflag:s7] =	ssyncset.done $0x0  }
0x162: {  	[sflag:s7] =	ssyncadd.s32 $0xFFFFF800  }
0x163: {  	_ =	swait.ge [sflag:s7], $0x800  }
0x164: {  	[sflag:s7] =	ssyncset.done $0x0  }
0x165: {  	[sflag:s7] =	ssyncadd.s32 $0xFFFFF800  }
0x166: {  	_ =	swait.ge [sflag:s7], $0x800  }
0x167: {  	s0 =	rddreg [dreg:$0x1a]  }
0x168: {  	s9 =	sld [smem:$0x7E0]  }
0x169: {  	s10 =	rddreg [dreg:$0x19]  }
0x16a: {  	s11 =	rddreg [dreg:$0x15]  }
0x16b: {  	s12 =	rddreg [dreg:$0x17]  }
0x16c: {  	s13 =	rddreg [dreg:$0x16]  }
0x16d: {  	s14 =	rddreg [dreg:$0x14]  }
0x16e: {  	s15 =	rddreg [dreg:$0x1b]  }
0x16f: {  	[sflag:s7] =	ssyncset.done $0x0;
	s16 =	rddreg [dreg:$0x18]  }
0x170: {  	s17 =	rddreg [dreg:$0x1d];
	[sflag:s7] =	ssyncadd.s32 $0xFFFFF800  }
0x171: {  	[tilespmem:s11], [sflag:$0x1] =	stream.indirect.gather [spmem:s3], $0x10, s14, s8, $0xb8;
	[tilespmem:$0x1A240] =	vst v63  }
0x172: {  	s11 =	rddreg [dreg:$0x1f]  }
0x173: {  	[tilespmem:s12], [sflag:$0x1] =	stream.indirect.gather [spmem:s3], $0x10, s13, s8, $0xb8;
	[tilespmem:$0x1A240] =	vst v63  }
0x174: {  	s14 =	rddreg [dreg:$0x1e]  }
0x175: {  	[tilespmem:s10], [sflag:$0x1] =	stream.indirect.gather [spmem:s3], $0x10, s16, s8, $0xb8;
	[tilespmem:$0x1A240] =	vst v63  }
0x176: {  	s13 =	rddreg [dreg:$0x1c]  }
0x177: {  	[tilespmem:s15], [sflag:$0x1] =	stream.indirect.gather [spmem:s3], $0x10, s0, s8, $0xb8;
	[tilespmem:$0x1A240] =	vst v63  }
0x178: {  	s16 =	sld [smem:$0x7E1]  }
0x179: {  	[tilespmem:s17], [sflag:$0x1] =	stream.indirect.gather [spmem:s3], $0x10, s13, s8, $0xb8;
	[tilespmem:$0x1A240] =	vst v63  }
0x17a: {  	s17 =	sld [smem:$0x7E2]  }
0x17b: {  	[tilespmem:s11], [sflag:$0x1] =	stream.indirect.gather [spmem:s3], $0x10, s14, s8, $0xb8;
	[tilespmem:$0x1A240] =	vst v63  }
0x17c: {  	s13 =	sld [smem:$0x7E3]  }
0x17d: {  	[tilespmem:s9], [sflag:$0x1] =	stream.indirect.gather [spmem:s3], $0x10, s16, s8, $0xb8;
	[tilespmem:$0x1A240] =	vst v63  }
0x17e: {  	_ = 	snop  }
0x17f: {  	[tilespmem:s17], [sflag:$0x1] =	stream.indirect.gather [spmem:s3], $0x10, s13, s8, $0xb8;
	[tilespmem:$0x1A240] =	vst v63  }
0x180: {  	_ =	swait.ge [sflag:s7], $0x800  }
0x181: {  	[sflag:s7] =	ssyncset.done $0x0  }
0x182: {  	[sflag:s7] =	ssyncadd.s32 $0xFFFFF800  }
0x183: {  	_ =	swait.ge [sflag:s7], $0x800  }
0x184: {  	[sflag:s7] =	ssyncset.done $0x0  }
0x185: {  	[sflag:s7] =	ssyncadd.s32 $0xFFFFF800  }
0x186: {  	_ =	swait.ge [sflag:s7], $0x800  }
0x187: {  	[sflag:s7] =	ssyncset.done $0x0  }
0x188: {  	[sflag:s7] =	ssyncadd.s32 $0xFFFFF800  }
0x189: {  	_ =	swait.ge [sflag:s7], $0x800  }
0x18a: {  	[sflag:s7] =	ssyncset.done $0x0  }
0x18b: {  	[sflag:s7] =	ssyncadd.s32 $0xFFFFF800  }
0x18c: {  	_ =	swait.ge [sflag:s7], $0x800  }
0x18d: {  	[sflag:s7] =	ssyncset.done $0x0  }
0x18e: {  	[sflag:s7] =	ssyncadd.s32 $0xFFFFF800  }
0x18f: {  	_ =	swait.ge [sflag:s7], $0x800  }
0x190: {  	[sflag:s7] =	ssyncset.done $0x0  }
0x191: {  	[sflag:s7] =	ssyncadd.s32 $0xFFFFF800  }
0x192: {  	_ =	swait.ge [sflag:s7], $0x800  }
0x193: {  	[sflag:s7] =	ssyncset.done $0x0  }
0x194: {  	[sflag:s7] =	ssyncadd.s32 $0xFFFFF800  }
0x195: {  	_ =	swait.ge [sflag:s7], $0x800  }
0x196: {  	s0 =	sld [smem:$0x7E4]  }
0x197: {  	s9 =	sld [smem:$0x7E5]  }
0x198: {  	s10 =	sld [smem:$0x7E6]  }
0x199: {  	s11 =	sld [smem:$0x7E7]  }
0x19a: {  	s12 =	sld [smem:$0x7E8]  }
0x19b: {  	s13 =	sld [smem:$0x7E9]  }
0x19c: {  	s14 =	sld [smem:$0x7EA]  }
0x19d: {  	s15 =	sld [smem:$0x7EB]  }
0x19e: {  	[sflag:s7] =	ssyncset.done $0x0;
	s16 =	sld [smem:$0x7EC]  }
0x19f: {  	s17 =	sld [smem:$0x7ED];
	[sflag:s7] =	ssyncadd.s32 $0xFFFFF800  }
0x1a0: {  	[tilespmem:s14], [sflag:$0x1] =	stream.indirect.gather [spmem:s3], $0x10, s13, s8, $0xb8;
	[tilespmem:$0x1A240] =	vst v63  }
0x1a1: {  	s13 =	sld [smem:$0x7EE]  }
0x1a2: {  	[tilespmem:s12], [sflag:$0x1] =	stream.indirect.gather [spmem:s3], $0x10, s16, s8, $0xb8;
	[tilespmem:$0x1A240] =	vst v63  }
0x1a3: {  	s14 =	sld [smem:$0x7F0]  }
0x1a4: {  	[tilespmem:s10], [sflag:$0x1] =	stream.indirect.gather [spmem:s3], $0x10, s9, s8, $0xb8;
	[tilespmem:$0x1A240] =	vst v63  }
0x1a5: {  	s12 =	sld [smem:$0x7EF]  }
0x1a6: {  	[tilespmem:s15], [sflag:$0x1] =	stream.indirect.gather [spmem:s3], $0x10, s17, s8, $0xb8;
	[tilespmem:$0x1A240] =	vst v63  }
0x1a7: {  	s16 =	sld [smem:$0x7F2]  }
0x1a8: {  	[tilespmem:s11], [sflag:$0x1] =	stream.indirect.gather [spmem:s3], $0x10, s13, s8, $0xb8;
	[tilespmem:$0x1A240] =	vst v63  }
0x1a9: {  	s15 =	sld [smem:$0x7F1]  }
0x1aa: {  	[tilespmem:s12], [sflag:$0x1] =	stream.indirect.gather [spmem:s3], $0x10, s14, s8, $0xb8;
	[tilespmem:$0x1A240] =	vst v63  }
0x1ab: {  	s17 =	sld [smem:$0x7F3]  }
0x1ac: {  	[tilespmem:s0], [sflag:$0x1] =	stream.indirect.gather [spmem:s3], $0x10, s15, s8, $0xb8;
	[tilespmem:$0x1A240] =	vst v63  }
0x1ad: {  	_ = 	snop  }
0x1ae: {  	[tilespmem:s16], [sflag:$0x1] =	stream.indirect.gather [spmem:s3], $0x10, s17, s8, $0xb8;
	[tilespmem:$0x1A240] =	vst v63  }
0x1af: {  	_ =	swait.ge [sflag:s7], $0x800  }
0x1b0: {  	[sflag:s7] =	ssyncset.done $0x0  }
0x1b1: {  	[sflag:s7] =	ssyncadd.s32 $0xFFFFF800  }
0x1b2: {  	_ =	swait.ge [sflag:s7], $0x800  }
0x1b3: {  	[sflag:s7] =	ssyncset.done $0x0  }
0x1b4: {  	[sflag:s7] =	ssyncadd.s32 $0xFFFFF800  }
0x1b5: {  	_ =	swait.ge [sflag:s7], $0x800  }
0x1b6: {  	[sflag:s7] =	ssyncset.done $0x0  }
0x1b7: {  	[sflag:s7] =	ssyncadd.s32 $0xFFFFF800  }
0x1b8: {  	_ =	swait.ge [sflag:s7], $0x800  }
0x1b9: {  	[sflag:s7] =	ssyncset.done $0x0  }
0x1ba: {  	[sflag:s7] =	ssyncadd.s32 $0xFFFFF800  }
0x1bb: {  	_ =	swait.ge [sflag:s7], $0x800  }
0x1bc: {  	[sflag:s7] =	ssyncset.done $0x0  }
0x1bd: {  	[sflag:s7] =	ssyncadd.s32 $0xFFFFF800  }
0x1be: {  	_ =	swait.ge [sflag:s7], $0x800  }
0x1bf: {  	[sflag:s7] =	ssyncset.done $0x0  }
0x1c0: {  	[sflag:s7] =	ssyncadd.s32 $0xFFFFF800  }
0x1c1: {  	_ =	swait.ge [sflag:s7], $0x800  }
0x1c2: {  	[sflag:s7] =	ssyncset.done $0x0  }
0x1c3: {  	[sflag:s7] =	ssyncadd.s32 $0xFFFFF800  }
0x1c4: {  	_ =	swait.ge [sflag:s7], $0x800  }
0x1c5: {  	s0 =	sld [smem:$0x7F4]  }
0x1c6: {  	s10 =	sld [smem:$0x7F5]  }
0x1c7: {  	s16 =	sld [smem:$0x7F6]  }
0x1c8: {  	s12 =	sld [smem:$0x7F7]  }
0x1c9: {  	s13 =	sld [smem:$0x7F8]  }
0x1ca: {  	[sflag:s7] =	ssyncset.done $0x0;
	s14 =	sld [smem:$0x7F9]  }
0x1cb: {  	s17 =	sld [smem:$0x7FA];
	[sflag:s7] =	ssyncadd.s32 $0xFFFFF800  }
0x1cc: {  	[tilespmem:s13], [sflag:$0x1] =	stream.indirect.gather [spmem:s3], $0x10, s12, s8, $0xb8;
	[tilespmem:$0x1A240] =	vst v63  }
0x1cd: {  	s15 =	sld [smem:$0x7FB]  }
0x1ce: {  	[tilespmem:s10], [sflag:$0x1] =	stream.indirect.gather [spmem:s3], $0x10, s16, s8, $0xb8;
	[tilespmem:$0x1A240] =	vst v63  }
0x1cf: {  	s16 =	sld [smem:$0x7FC]  }
0x1d0: {  	[tilespmem:s17], [sflag:$0x1] =	stream.indirect.gather [spmem:s3], $0x10, s14, s8, $0xb8;
	[tilespmem:$0x1A240] =	vst v63  }
0x1d1: {  	s17 =	sld [smem:$0x7FD]  }
0x1d2: {  	[tilespmem:s15], [sflag:$0x1] =	stream.indirect.gather [spmem:s3], $0x10, s16, s8, $0xb8;
	[tilespmem:$0x1A240] =	vst v63  }
0x1d3: {  	_ = 	snop  }
0x1d4: {  	[tilespmem:s0], [sflag:$0x1] =	stream.indirect.gather [spmem:s3], $0x10, s17, s8, $0xb8;
	[tilespmem:$0x1A240] =	vst v63  }
0x1d5: {  	s9 =	simm.s32 $0xE80;
	s10 =	simm.s32 $0xFC00  }
0x1d6: {  	[tilespmem:s10], [sflag:$0x1] =	stream.indirect.gather [spmem:s3], $0x10, s9, s8, $0xb8;
	[tilespmem:$0x1A240] =	vst v63  }
0x1d7: {  	s11 =	simm.s32 $0xF00;
	s12 =	simm.s32 $0x10400  }
0x1d8: {  	[tilespmem:s12], [sflag:$0x1] =	stream.indirect.gather [spmem:s3], $0x10, s11, s8, $0xb8;
	[tilespmem:$0x1A240] =	vst v63  }
0x1d9: {  	s13 =	simm.s32 $0xF80;
	s14 =	simm.s32 $0x10C00  }
0x1da: {  	[tilespmem:s14], [sflag:$0x1] =	stream.indirect.gather [spmem:s3], $0x10, s13, s8, $0xb8;
	[tilespmem:$0x1A240] =	vst v63  }
0x1db: {  	_ =	swait.ge [sflag:s7], $0x800  }
0x1dc: {  	[sflag:s7] =	ssyncset.done $0x0  }
0x1dd: {  	[sflag:s7] =	ssyncadd.s32 $0xFFFFF800  }
0x1de: {  	_ =	swait.ge [sflag:s7], $0x800  }
0x1df: {  	[sflag:s7] =	ssyncset.done $0x0  }
0x1e0: {  	[sflag:s7] =	ssyncadd.s32 $0xFFFFF800  }
0x1e1: {  	_ =	swait.ge [sflag:s7], $0x800  }
0x1e2: {  	[sflag:s7] =	ssyncset.done $0x0  }
0x1e3: {  	[sflag:s7] =	ssyncadd.s32 $0xFFFFF800  }
0x1e4: {  	_ =	swait.ge [sflag:s7], $0x800  }
0x1e5: {  	[sflag:s7] =	ssyncset.done $0x0  }
0x1e6: {  	[sflag:s7] =	ssyncadd.s32 $0xFFFFF800  }
0x1e7: {  	_ =	swait.ge [sflag:s7], $0x800  }
0x1e8: {  	[sflag:s7] =	ssyncset.done $0x0  }
0x1e9: {  	[sflag:s7] =	ssyncadd.s32 $0xFFFFF800  }
0x1ea: {  	_ =	swait.ge [sflag:s7], $0x800  }
0x1eb: {  	[sflag:s7] =	ssyncset.done $0x0  }
0x1ec: {  	[sflag:s7] =	ssyncadd.s32 $0xFFFFF800  }
0x1ed: {  	_ =	swait.ge [sflag:s7], $0x800  }
0x1ee: {  	[sflag:s7] =	ssyncset.done $0x0  }
0x1ef: {  	[sflag:s7] =	ssyncadd.s32 $0xFFFFF800  }
0x1f0: {  	_ =	swait.ge [sflag:s7], $0x800  }
0x1f1: {  	[sflag:s7] =	ssyncset.done $0x0  }
0x1f2: {  	s15 =	simm.s32 $0x1000;
	s16 =	simm.s32 $0x11400;
	[sflag:s7] =	ssyncadd.s32 $0xFFFFF800  }
0x1f3: {  	[tilespmem:s16], [sflag:$0x1] =	stream.indirect.gather [spmem:s3], $0x10, s15, s8, $0xb8;
	[tilespmem:$0x1A240] =	vst v63  }
0x1f4: {  	s17 =	simm.s32 $0x1080  }
0x1f5: {  	[tilespmem:s18], [sflag:$0x1] =	stream.indirect.gather [spmem:s3], $0x10, s17, s8, $0xb8;
	[tilespmem:$0x1A240] =	vst v63  }
0x1f6: {  	_ = 	snop  }
0x1f7: {  	[tilespmem:s20], [sflag:$0x1] =	stream.indirect.gather [spmem:s3], $0x10, s19, s8, $0xb8;
	[tilespmem:$0x1A240] =	vst v63  }
0x1f8: {  	_ = 	snop  }
0x1f9: {  	[tilespmem:s22], [sflag:$0x1] =	stream.indirect.gather [spmem:s3], $0x10, s21, s8, $0xb8;
	[tilespmem:$0x1A240] =	vst v63  }
0x1fa: {  	_ = 	snop  }
0x1fb: {  	[tilespmem:s24], [sflag:$0x1] =	stream.indirect.gather [spmem:s3], $0x10, s23, s8, $0xb8;
	[tilespmem:$0x1A240] =	vst v63  }
0x1fc: {  	_ = 	snop  }
0x1fd: {  	[tilespmem:s26], [sflag:$0x1] =	stream.indirect.gather [spmem:s3], $0x10, s25, s8, $0xb8;
	[tilespmem:$0x1A240] =	vst v63  }
0x1fe: {  	p0 =	sne.s32 s1, $0x1  }
0x1ff: {  	[tilespmem:s29], [sflag:$0x1] =	stream.indirect.gather [spmem:s3], $0x10, s28, s8, $0xb8;
	[tilespmem:$0x1A240] =	vst v63  }
.Ltmp1:
0x200: {  	_ = 	snop;
	(pc) =	sbr.rel @p0 .LBB2_1-.Ltmp1, $4  }
0x201: {  	[tilespmem:s31], [sflag:$0x1] =	stream.indirect.gather [spmem:s3], $0x10, s30, s8, $0xb8;
	[tilespmem:$0x1A240] =	vst v63  }
0x202: {  	_ =	swait.ge [sflag:s7], $0x800  }
0x203: {  	[sflag:s7] =	ssyncset.done $0x0  }
0x204: {  	s1 =	sadd.s32 $0xFFFFFFFF, s1;
	[sflag:s7] =	ssyncadd.s32 $0xFFFFF800  }
.LBB2_2:
0x205: {  	_ =	swait.ge [sflag:s7], $0x800  }
0x206: {  	[sflag:s7] =	ssyncset.done $0x0  }
0x207: {  	[sflag:s7] =	ssyncadd.s32 $0xFFFFF800  }
0x208: {  	_ =	swait.ge [sflag:s7], $0x800  }
0x209: {  	[sflag:s7] =	ssyncset.done $0x0  }
0x20a: {  	[sflag:s7] =	ssyncadd.s32 $0xFFFFF800  }
0x20b: {  	_ =	swait.ge [sflag:s7], $0x800  }
0x20c: {  	[sflag:s7] =	ssyncset.done $0x0  }
0x20d: {  	[sflag:s7] =	ssyncadd.s32 $0xFFFFF800  }
0x20e: {  	_ =	swait.ge [sflag:s7], $0x800  }
0x20f: {  	[sflag:s7] =	ssyncset.done $0x0  }
0x210: {  	[sflag:s7] =	ssyncadd.s32 $0xFFFFF800  }
0x211: {  	_ =	swait.ge [sflag:s7], $0x800  }
0x212: {  	[sflag:s7] =	ssyncset.done $0x0  }
0x213: {  	[sflag:s7] =	ssyncadd.s32 $0xFFFFF800  }
0x214: {  	_ =	swait.ge [sflag:s7], $0x800  }
0x215: {  	[sflag:s7] =	ssyncset.done $0x0  }
0x216: {  	[sflag:s7] =	ssyncadd.s32 $0xFFFFF800  }
0x217: {  	_ =	swait.ge [sflag:s7], $0x800  }
0x218: {  	[sflag:s7] =	ssyncset.done $0x0  }
0x219: {  	s0 =	rddreg [dreg:$0x6];
	[sflag:s7] =	ssyncadd.s32 $0xFFFFF800  }
0x21a: {  	[hbm4b:s0+s2] =	stream.linear.scatter [tilespmem:s5], [sflag:$0x2], $0x14000, $0x38;
	[tilespmem:$0x1A240] =	vst v63  }
0x21b: {  	_ =	swait.ge [sflag:s4], $0x14000  }
0x21c: {  	[sflag:s4] =	ssyncset.done $0x0  }
0x21d: {  	[sflag:s4] =	ssyncadd.s32 $0xFFFEC000  }
0x21e: {  	_ =	sfence.sel $0x180000  }
0x21f: {  	[bflag:$0x0] =	sbarrier.arrive $0xFFFF  }
0x220: {  	_ =	strace $0x90000047  }
0x221: {  	s31 =	stileid.u32;
	[bflag:$0x2] =	sbarrier.arrive $0xFFFF  }
0x222: {  	p0 =	sne.s32 s31, $0x0;
	s0 =	rddreg [dreg:$0x2]  }
0x223: {  	s0 =	sadd.s32 @!p0 $0x100000, s0  }
0x224: {  	[sflag:s0] =	ssyncadd.tile.s32 @!p0 $0x1;
	_ =	shalt  }
.Lfunc_end2:
_tile_overlayer_lowered:
.L_overlay_start_2:
0x225: {  	(tag) =	ssettag $0x2  }
0x226: {  	s0 =	rddreg [dreg:$0x0];
	s2 =	stileid.u32  }
0x227: {  	s1 =	rddreg [dreg:$0x1];
	p0 =	sne.s32 s2, $0x0  }
0x228: {  	s3 =	rddreg [dreg:$0x2];
	[bflag:$0x3] =	sbarrier.arrive $0xFFFF;
	s2 =	simm.s32 @!p0 $0x1C02  }
0x229: {  	[timem:s3], [sflag:s2] =	dma.local @!p0 [hbm:s0], s1  }
0x22a: {  	s0 =	simm.s32 @!p0 $0x2  }
0x22b: {  	_ =	swait.ge @!p0 [sflag:s0], s1  }
0x22c: {  	s1 =	ssub.s32 @!p0 $0x0, s1;
	[sflag:s0] =	ssyncset.done @!p0 $0x0  }
0x22d: {  	[sflag:s0] =	ssyncadd.s32 @!p0 s1  }
0x22e: {  	[bflag:$0x3] =	sbarrier.arrive $0xFFFF  }
0x22f: {  	_ =	shalt  }

// kernel: kernel.23.cloned.1.call-start
scs
__scs_entry_jumppad:
0x0: {  	(pc) =	sbr.rel $0x88, $3  }
0x1: {  	(tag) =	ssettag $0x0;
	lr =	simm.s32 $0x1  }
0x2: {  	[smem:$0x3F85] =	sst lr;
	_ =	strace $0xD0000000  }
0x3: {  	_ = 	snop  }
0x4: {  	_ = 	snop  }
0x5: {  	_ = 	snop  }
0x6: {  	_ = 	snop  }
0x7: {  	_ = 	snop  }
__scs_overlays_trampoline_lowered:
0x8: {  	[smem:$0x3F94] =	sst s0  }
0x9: {  	[smem:$0x3F95] =	sst s1  }
0xa: {  	[smem:$0x3F96] =	sst s2  }
0xb: {  	[smem:$0x3F97] =	sst s3  }
0xc: {  	[smem:$0x3F98] =	sst s4  }
0xd: {  	[smem:$0x3F99] =	sst s5  }
0xe: {  	[smem:$0x3F9A] =	sst s6  }
0xf: {  	[smem:$0x3F9B] =	sst s7  }
0x10: {  	[smem:$0x3F9C] =	sst s8  }
0x11: {  	[smem:$0x3F9D] =	sst s9;
	s0 =	simm.s32 @!p0 $0x0  }
0x12: {  	s1 =	sld [smem:$0x3F83];
	s0 =	simm.s32 @p0 $0x1  }
0x13: {  	[smem:$0x3F9E] =	sst s0;
	s0 =	simm.s32 @!p1 $0x0  }
0x14: {  	s2 =	sld [smem:$0x3F82];
	s0 =	simm.s32 @p1 $0x1  }
0x15: {  	[smem:$0x3F9F] =	sst s0;
	s0 =	simm.s32 @!p2 $0x0  }
0x16: {  	s3 =	sld [smem:$0x3FDB];
	s0 =	simm.s32 @p2 $0x1  }
0x17: {  	s4 =	simm.s32 $0x1BF5;
	[smem:$0x3FA1] =	sst s0  }
0x18: {  	s0 =	sld [smem:$0x3F84];
	_ =	swait.ge [sflag:s4], $0x0  }
0x19: {  	s7 =	sld [smem:$0x3F85]  }
0x1a: {  	s8 =	sadd.s32 $0xFFFFE003, lr  }
0x1b: {  	s9 =	sadd.s32 $0xFFFFFEF7, lr;
	s5 =	simm.s32 $0xFFFFFFFF;
	p2 =	slt.u32 s8, $0xFFFFF086  }
0x1c: {  	p1 =	slt.u32 s9, $0xF7A;
	s5 =	simm.s32 @!p2 $0x0  }
0x1d: {  	s5 =	simm.s32 @p1 $0x1;
	p0 =	seq.s32 s7, s2  }
0x1e: {  	s7 =	smul.u32 @!p0 $0xF7A, s2;
	p2 =	seq.s32 @!p0 s5, $0x0  }
0x1f: {  	s9 =	smul.u32 $0xF7A, s1;
	s8 =	simm.s32 @!p0 $0x1BF5;
	p2 =	por !p2, p0  }
0x20: {  	[sflag:s8] =	ssyncset.s32 @!p0 $0xFFFFF086;
	s6 =	sadd.s32 @!p0 s3, s7;
	s7 =	simm.s32 @!p0 $0x108  }
0x21: {  	s3 =	sadd.s32 s3, s9;
	s6 =	sadd.s32 @!p0 $0x88, s6;
	s7 =	simm.s32 @p2 $0x1082  }
0x22: {  	[simem:s7], [sflag:s8] =	dma.local @!p0 [hbm:s6], $0xF7A  }
0x23: {  	s9 =	sor.u32 $0xD0000000, s2;
	s6 =	simm.s32 $0x108;
	_ =	swait.ge @!p0 [sflag:s8], $0x0  }
0x24: {  	s3 =	sadd.s32 $0x88, s3;
	s6 =	simm.s32 @!p1 $0x1082;
	[sflag:s4] =	ssyncset.s32 $0xFFFFF086  }
0x25: {  	[simem:s6], [sflag:s4] =	dma.local [hbm:s3], $0xF7A  }
0x26: {  	[smem:$0x3F85] =	sst s1;
	(tag) =	ssettag s2;
	_ =	strace s9  }
0x27: {  	s1 =	sld [smem:$0x3F95]  }
0x28: {  	s2 =	sld [smem:$0x3F96]  }
0x29: {  	s4 =	sld [smem:$0x3F98]  }
0x2a: {  	p0 =	seq.s32 s5, $0x0;
	s5 =	sld [smem:$0x3F99]  }
0x2b: {  	s6 =	sld [smem:$0x3F9A]  }
0x2c: {  	s7 =	sld [smem:$0x3F9B]  }
0x2d: {  	s3 =	simm.s32 $0x108;
	s8 =	sld [smem:$0x3F9C]  }
0x2e: {  	s3 =	simm.s32 @!p0 $0x1082;
	s9 =	sld [smem:$0x3F9D]  }
0x2f: {  	lr =	sadd.s32 s0, s3;
	s0 =	sld [smem:$0x3F94]  }
0x30: {  	s3 =	sld [smem:$0x3F97]  }
0x31: {  	[smem:$0x3FA0] =	sst s10  }
0x32: {  	s10 =	sld [smem:$0x3F9E];
	_ =	sdelay $0x3  }
0x33: {  	p0 =	seq.s32 s10, $0x1;
	s10 =	sld [smem:$0x3FA0];
	_ =	sdelay $0x3  }
0x34: {  	[smem:$0x3FA0] =	sst s10  }
0x35: {  	s10 =	sld [smem:$0x3F9F];
	_ =	sdelay $0x3  }
0x36: {  	p1 =	seq.s32 s10, $0x1;
	s10 =	sld [smem:$0x3FA0];
	_ =	sdelay $0x3  }
0x37: {  	[smem:$0x3FA0] =	sst s10  }
0x38: {  	s10 =	sld [smem:$0x3FA1]  }
0x39: {  	_ = 	snop;
	(pc) =	sbr.ind lr, $3  }
0x3a: {  	_ = 	snop  }
0x3b: {  	_ = 	snop  }
0x3c: {  	p2 =	seq.s32 s10, $0x1;
	s10 =	sld [smem:$0x3FA0]  }
0x3d: {  	_ =	shalt  }
0x3e: {  	_ =	shalt  }
0x3f: {  	_ =	shalt  }
0x40: {  	_ =	shalt  }
0x41: {  	_ =	shalt  }
0x42: {  	_ =	shalt  }
0x43: {  	_ =	shalt  }
0x44: {  	_ =	shalt  }
0x45: {  	_ =	shalt  }
0x46: {  	_ =	shalt  }
0x47: {  	_ =	shalt  }
0x48: {  	_ =	shalt  }
0x49: {  	_ =	shalt  }
0x4a: {  	_ =	shalt  }
0x4b: {  	_ =	shalt  }
0x4c: {  	_ =	shalt  }
0x4d: {  	_ =	shalt  }
0x4e: {  	_ =	shalt  }
0x4f: {  	_ =	shalt  }
0x50: {  	_ =	shalt  }
0x51: {  	_ =	shalt  }
0x52: {  	_ =	shalt  }
0x53: {  	_ =	shalt  }
0x54: {  	_ =	shalt  }
0x55: {  	_ =	shalt  }
0x56: {  	_ =	shalt  }
0x57: {  	_ =	shalt  }
0x58: {  	_ =	shalt  }
0x59: {  	_ =	shalt  }
0x5a: {  	_ =	shalt  }
0x5b: {  	_ =	shalt  }
0x5c: {  	_ =	shalt  }
0x5d: {  	_ =	shalt  }
0x5e: {  	_ =	shalt  }
0x5f: {  	_ =	shalt  }
0x60: {  	_ =	shalt  }
0x61: {  	_ =	shalt  }
0x62: {  	_ =	shalt  }
0x63: {  	_ =	shalt  }
0x64: {  	_ =	shalt  }
0x65: {  	_ =	shalt  }
0x66: {  	_ =	shalt  }
0x67: {  	_ =	shalt  }
0x68: {  	_ =	shalt  }
0x69: {  	_ =	shalt  }
0x6a: {  	_ =	shalt  }
0x6b: {  	_ =	shalt  }
0x6c: {  	_ =	shalt  }
0x6d: {  	_ =	shalt  }
0x6e: {  	_ =	shalt  }
0x6f: {  	_ =	shalt  }
0x70: {  	_ =	shalt  }
0x71: {  	_ =	shalt  }
0x72: {  	_ =	shalt  }
0x73: {  	_ =	shalt  }
0x74: {  	_ =	shalt  }
0x75: {  	_ =	shalt  }
0x76: {  	_ =	shalt  }
0x77: {  	_ =	shalt  }
0x78: {  	_ =	shalt  }
0x79: {  	_ =	shalt  }
0x7a: {  	_ =	shalt  }
0x7b: {  	_ =	shalt  }
0x7c: {  	_ =	shalt  }
0x7d: {  	_ =	shalt  }
0x7e: {  	_ =	shalt  }
0x7f: {  	_ =	shalt  }
0x80: {  	_ =	shalt  }
0x81: {  	_ =	shalt  }
0x82: {  	_ =	shalt  }
0x83: {  	_ =	shalt  }
0x84: {  	_ =	shalt  }
0x85: {  	_ =	shalt  }
0x86: {  	_ =	shalt  }
0x87: {  	_ =	shalt  }
.Lfunc_end0:
.L_simem_size_0:
called_computation.2_lowered:
.L_overlay_start_0:
0x88: {  	s2 =	sld [smem:$0x3FD9]  }
0x89: {  	s3 =	sld [smem:$0x3FFE];
	_ =	sdelay $0x1  }
0x8a: {  	s1 =	srdreg.scid  }
0x8b: {  	s0 =	sand.u32 $0x1, s1  }
0x8c: {  	s17 =	sshll.u32 s0, $0xA;
	s2 =	sadd.s32 s3, s2  }
0x8d: {  	s2 =	sadd.s32 s2, s17  }
0x8e: {  	[smem:$0x3FAC] =	sst s2  }
0x8f: {  	_ = 	snop  }
0x90: {  	(tm) =	ssettm $0x1  }
0x91: {  	s18 =	sld [smem:$0x3FFB];
	_ =	sdelay $0x3  }
0x92: {  	_ =	strace s18  }
0x93: {  	s2 =	sld [smem:$0x3FFC];
	_ =	sdelay $0x3  }
0x94: {  	_ =	strace s2  }
0x95: {  	s2 =	sld [smem:$0x3FFD];
	_ =	sdelay $0x3  }
0x96: {  	_ =	strace s2  }
0x97: {  	_ =	strace $0x8FFFFFFF  }
0x98: {  	s19 =	sld [smem:$0x3FDB];
	_ =	sdelay $0x1  }
0x99: {  	s20 =	simm.s32 $_scs_section_size  }
0x9a: {  	s4 =	simm.s32 $_size__tile_overlayer_lowered;
	s5 =	simm.s32 $_tile_overlayer_lowered  }
0x9b: {  	s6 =	simm.s32 $0x1BFF;
	s21 =	sshll.u32 s5, $0x1;
	s3 =	sadd.s32 s20, s19  }
0x9c: {  	s22 =	simm.s32 $0x0;
	s4 =	sshll.u32 s4, $0x1;
	s5 =	sadd.s32 s21, s3  }
0x9d: {  	[timem:s22], [sflag:s6] =	dma.local [hbm:s5], s4  }
0x9e: {  	_ =	swait.ge [sflag:s6], s4  }
0x9f: {  	s4 =	ssub.s32 $0x0, s4;
	[sflag:s6] =	ssyncset.done $0x0  }
0xa0: {  	[sflag:s6] =	ssyncadd.s32 s4;
	_ =	sdelay $0x1  }
0xa1: {  	s23 =	simm.s32 $0x1B8B  }
0xa2: {  	_ =	swait.ge [sflag:s23], $0x1  }
0xa3: {  	[sflag:s23] =	ssyncset.done $0x0  }
0xa4: {  	[sflag:s23] =	ssyncadd.s32 $0xFFFFFFFF  }
0xa5: {  	s4 =	sld [smem:$0x0]  }
0xa6: {  	s5 =	sand.u32 $0xFFFFFFFE, s1  }
0xa7: {  	p0 =	sne.s32 s1, s5  }
0xa8: {  	s5 =	sshll.u32 @p0 s5, $0xE  }
0xa9: {  	s5 =	sadd.s32 @p0 $0x11B8D, s5;
	s6 =	sshll.u32 @p0 s4, $0x11  }
0xaa: {  	s5 =	sor.u32 @p0 s6, s5  }
0xab: {  	[sflag:s5] =	ssyncadd.remote.s32 @p0 $0x1;
	_ =	sdelay $0x1  }
0xac: {  	s5 =	simm.s32 @p0 $0x1B8D  }
0xad: {  	_ =	swait.eq @p0 [sflag:s5], $0x1  }
0xae: {  	[sflag:s5] =	ssyncadd.s32 @p0 $0xFFFFFFFF  }
0xaf: {  	s6 =	sshll.u32 @!p0 s1, $0xE  }
0xb0: {  	s6 =	sor.u32 @!p0 $0x4000, s6;
	s5 =	simm.s32 @!p0 $0x1B8D  }
0xb1: {  	s4 =	sshll.u32 @!p0 s4, $0x11;
	s6 =	sadd.s32 @!p0 $0x11B8D, s6;
	_ =	swait.eq @!p0 [sflag:s5], $0x1  }
0xb2: {  	s4 =	sor.u32 @!p0 s4, s6;
	[sflag:s5] =	ssyncadd.s32 @!p0 $0xFFFFFFFF  }
0xb3: {  	s25 =	simm.s32 $0x1B8E;
	s24 =	sld [smem:$0x3FFE];
	[sflag:s4] =	ssyncadd.remote.s32 @!p0 $0x1  }
0xb4: {  	s26 =	simm.s32 $execute0_lowered;
	[smem:$0x3FD2] =	sst s25  }
0xb5: {  	s5 =	sshll.u32 s26, $0x1;
	_ =	strace $0x8000004C;
	[dreg:$0x1] =	wrdreg $0xFFFFFFFF  }
0xb6: {  	s28 =	simm.s32 $_size_execute0_lowered;
	s3 =	sadd.s32 s3, s5;
	[dreg:$0x0] =	wrdreg $0x0  }
0xb7: {  	s5 =	sshll.u32 s28, $0x1;
	[dreg:$0x2] =	wrdreg s3  }
0xb8: {  	[dreg:$0x3] =	wrdreg s5  }
0xb9: {  	[dreg:$0x4] =	wrdreg $0xC0  }
0xba: {  	_ =	task [dreg:s22], $0x5FFFF  }
0xbb: {  	[dreg:$0x1] =	wrdreg $0xFFFFFFFF  }
0xbc: {  	[dreg:$0x0] =	wrdreg $0x60  }
0xbd: {  	[dreg:$0x2] =	wrdreg s24  }
0xbe: {  	[dreg:$0x3] =	wrdreg $0x17B200  }
0xbf: {  	[dreg:$0x4] =	wrdreg $0xA  }
0xc0: {  	_ =	task.clear_ibuf [dreg:s22], $0x5FFFF;
	_ =	strace $0x9000004C  }
0xc1: {  	s29 =	simm.s32 $0xA;
	_ =	strace $0x8000004E  }
0xc2: {  	_ =	swait.ge [sflag:s29], $0x1  }
0xc3: {  	[sflag:s29] =	ssyncadd.s32 $0xFFFFFFFF  }
0xc4: {  	_ =	strace $0x9000004E  }
0xc5: {  	_ =	sfence  }
0xc6: {  	s30 =	sld [smem:$0x0];
	_ =	sdelay $0x2  }
0xc7: {  	s31 =	sshll.u32 s1, $0xD;
	s1 =	sshrl.u32 s1, $0x2  }
0xc8: {  	s4 =	sand.u32 $0x4000, s31;
	s1 =	sadd.s32 s1, s30  }
0xc9: {  	s0 =	sor.u32 s4, s0;
	s1 =	sshll.u32 s1, $0x11  }
0xca: {  	s0 =	sor.u32 s1, s0  }
0xcb: {  	s0 =	sadd.s32 $0x8F2B, s0  }
0xcc: {  	[sflag:s0] =	ssyncadd.remote.s32 $0x1  }
0xcd: {  	_ =	sfence.sel $0xFFFF  }
0xce: {  	[dreg:$0x0] =	wrdreg $0xFFFFFFFF;
	(pc) =	sbr.abs _section_cstart, $3  }
0xcf: {  	[dreg:$0x1] =	wrdreg $0xFFFFFFFF  }
0xd0: {  	_ =	task.clear_ibuf [dreg:s22], $0x2FFFF;
	_ =	strace $0x9FFFFFFF  }
0xd1: {  	(tm) =	ssettm $0x7FFFFFFF  }
tec
execute0_lowered:
.L_overlay_start_1:
0x0: {  	(tag) =	ssettag $0x1  }
0x1: {  	s1 =	srdreg.scid  }
0x2: {  	s0 =	stileid.u32;
	s5 =	rddreg [dreg:$0x0]  }
0x3: {  	s2 =	rddreg [dreg:$0x1];
	s8 =	smul.u32 $0x2720, s0  }
0x4: {  	s4 =	sand.u32 $0x1, s1;
	s29 =	sshll.u32 s0, $0x1;
	s9 =	smul.u32 $0x4E4, s0  }
0x5: {  	s3 =	simm.s32 $0x0;
	s1 =	sor.u32 s4, s29;
	s30 =	smul.u32 $0x4E40, s4  }
0x6: {  	s13 =	simm.s32 $0x0;
	[smem:$0x7FF] =	sst s3;
	s6 =	smul.u32 $0x2800, s1  }
0x7: {  	s4 =	ssub.s32 $0x2, s4;
	s7 =	smul.u32 $0x280, s1;
	s1 =	rddreg [dreg:$0x2]  }
0x8: {  	_ =	strace $0x8000004D;
	s11 =	sshrl.u32 s8, $0x3;
	s31 =	sshrl.u32 s4, $0x1  }
0x9: {  	s11 =	sadd.s32 s11, s5;
	s10 =	sadd.s32 s6, s5;
	s7 =	sadd.s32 s7, s5  }
0xa: {  	s6 =	sadd.s32 s9, s30;
	s9 =	ssub.s32 s4, s31;
	s4 =	sadd.s32 $0x89400, s11  }
0xb: {  	s11 =	simm.s32 $0x1;
	s12 =	sadd.s32 s6, s5;
	s5 =	sadd.s32 s8, s2  }
0xc: {  	s6 =	sadd.s32 $0x84400, s7;
	s7 =	sadd.s32 $0x138200, s10;
	s9 =	smax.u32 s9, $0x1  }
0xd: {  	s10 =	simm.s32 $0x15400;
	s8 =	sadd.s32 $0x34400, s12;
	s12 =	simm.s32 $0x80  }
.LBB2_1:
0xe: {  	[tilespmem:s10], [sflag:$0x1] =	stream.linear.gather [hbm4b:s4+s3], $0x2720, $0x38;
	[tilespmem:$0x1A240] =	vst v63  }
0xf: {  	_ =	swait.ge [sflag:s11], $0x2720  }
0x10: {  	[sflag:s11] =	ssyncset.done $0x0  }
0x11: {  	[sflag:s11] =	ssyncadd.s32 $0xFFFFD8E0  }
0x12: {  	[spmem:s5] =	stream.linear.scatter [tilespmem:s10], [sflag:$0x1], $0x2720, $0x38;
	[tilespmem:$0x1A240] =	vst v63  }
0x13: {  	_ =	swait.ge [sflag:s11], $0x2720  }
0x14: {  	[sflag:s11] =	ssyncset.done $0x0  }
0x15: {  	[sflag:s11] =	ssyncadd.s32 $0xFFFFD8E0  }
0x16: {  	[tilespmem:s3], [sflag:$0x1] =	stream.linear.gather [hbm4b:s6+s3], $0x1400, $0x38;
	[tilespmem:$0x1A240] =	vst v63  }
0x17: {  	_ =	swait.ge [sflag:s11], $0x1400  }
0x18: {  	[sflag:s11] =	ssyncset.done $0x0  }
0x19: {  	s14 =	simm.s32 $0x1400;
	[sflag:s11] =	ssyncadd.s32 $0xFFFFEC00  }
0x1a: {  	[tilespmem:s14], [sflag:$0x1] =	stream.linear.gather [hbm4b:s7+s3], $0x14000, $0x38;
	[tilespmem:$0x1A240] =	vst v63  }
0x1b: {  	_ =	swait.ge [sflag:s11], $0x14000  }
0x1c: {  	[sflag:s11] =	ssyncset.done $0x0  }
0x1d: {  	[sflag:s11] =	ssyncadd.s32 $0xFFFEC000  }
0x1e: {  	s15 =	simm.s32 $0x0;
	[bflag:$0x0] =	sbarrier.arrive $0xFFFF  }
0x1f: {  	[spmem:s2] =	stream.indirect.scatter.add.f32 [tilespmem:s14], [sflag:$0x1], $0x10, s15, s12, $0xb8;
	[tilespmem:$0x1A240] =	vst v63  }
0x20: {  	_ =	swait.ge [sflag:s11], $0x800  }
0x21: {  	s15 =	simm.s32 $0x200;
	[sflag:s11] =	ssyncset.done $0x0  }
.LBB2_2:
0x22: {  	s16 =	sshra.s32 s15, $0x2  }
0x23: {  	[sflag:s11] =	ssyncadd.s32 $0xFFFFF800;
	s14 =	sadd.s32 $0x800, s14;
	p0 =	sne.s32 s15, $0x4E00  }
0x24: {  	[spmem:s2] =	stream.indirect.scatter.add.f32 [tilespmem:s14], [sflag:$0x1], $0x10, s16, s12, $0xb8;
	[tilespmem:$0x1A240] =	vst v63  }
.Ltmp0:
0x25: {  	_ = 	snop;
	(pc) =	sbr.rel @p0 .LBB2_2-.Ltmp0, $4  }
0x26: {  	_ = 	snop  }
0x27: {  	s15 =	sadd.s32 $0x200, s15  }
0x28: {  	_ =	swait.ge [sflag:s11], $0x800  }
0x29: {  	[sflag:s11] =	ssyncset.done $0x0  }
0x2a: {  	[sflag:s11] =	ssyncadd.s32 $0xFFFFF800  }
0x2b: {  	[bflag:$0x0] =	sbarrier.arrive $0xFFFF  }
0x2c: {  	[tilespmem:s10], [sflag:$0x1] =	stream.linear.gather [spmem:s5], $0x2720, $0x38;
	[tilespmem:$0x1A240] =	vst v63  }
0x2d: {  	s13 =	sadd.s32 $0x1, s13;
	_ =	swait.ge [sflag:s11], $0x2720  }
0x2e: {  	p0 =	sne.s32 s13, s9;
	[sflag:s11] =	ssyncset.done $0x0  }
.Ltmp1:
0x2f: {  	[sflag:s11] =	ssyncadd.s32 $0xFFFFD8E0;
	(pc) =	sbr.rel @p0 .LBB2_1-.Ltmp1, $4  }
0x30: {  	[hbm4b:s8+s3] =	stream.linear.scatter [tilespmem:s10], [sflag:$0x1], $0x2720, $0x38;
	[tilespmem:$0x1A240] =	vst v63  }
0x31: {  	_ =	swait.ge [sflag:s11], $0x2720  }
0x32: {  	[sflag:s11] =	ssyncset.done $0x0  }
0x33: {  	[sflag:s11] =	ssyncadd.s32 $0xFFFFD8E0  }
0x34: {  	_ =	sfence.sel $0x180000  }
0x35: {  	[bflag:$0x0] =	sbarrier.arrive $0xFFFF  }
0x36: {  	p0 =	sne.s32 s0, $0x0;
	_ =	strace $0x9000004D  }
0x37: {  	s0 =	sadd.s32 @!p0 $0x100000, s1;
	[bflag:$0x2] =	sbarrier.arrive $0xFFFF  }
0x38: {  	[sflag:s0] =	ssyncadd.tile.s32 @!p0 $0x1;
	_ =	shalt  }
.Lfunc_end2:
_tile_overlayer_lowered:
.L_overlay_start_2:
0x39: {  	(tag) =	ssettag $0x2  }
0x3a: {  	s0 =	rddreg [dreg:$0x0];
	s2 =	stileid.u32  }
0x3b: {  	s1 =	rddreg [dreg:$0x1];
	p0 =	sne.s32 s2, $0x0  }
0x3c: {  	s3 =	rddreg [dreg:$0x2];
	[bflag:$0x3] =	sbarrier.arrive $0xFFFF;
	s2 =	simm.s32 @!p0 $0x1C01  }
0x3d: {  	[timem:s3], [sflag:s2] =	dma.local @!p0 [hbm:s0], s1  }
0x3e: {  	s0 =	simm.s32 @!p0 $0x1  }
0x3f: {  	_ =	swait.ge @!p0 [sflag:s0], s1  }
0x40: {  	s1 =	ssub.s32 @!p0 $0x0, s1;
	[sflag:s0] =	ssyncset.done @!p0 $0x0  }
0x41: {  	[sflag:s0] =	ssyncadd.s32 @!p0 s1  }
0x42: {  	[bflag:$0x3] =	sbarrier.arrive $0xFFFF  }
0x43: {  	_ =	shalt  }

// kernel: kernel.26.cloned.1.call-start
scs
__scs_entry_jumppad:
0x0: {  	(pc) =	sbr.rel $0x88, $3  }
0x1: {  	(tag) =	ssettag $0x0;
	lr =	simm.s32 $0x1  }
0x2: {  	[smem:$0x3F85] =	sst lr;
	_ =	strace $0xD0000000  }
0x3: {  	_ = 	snop  }
0x4: {  	_ = 	snop  }
0x5: {  	_ = 	snop  }
0x6: {  	_ = 	snop  }
0x7: {  	_ = 	snop  }
__scs_overlays_trampoline_lowered:
0x8: {  	[smem:$0x3F94] =	sst s0  }
0x9: {  	[smem:$0x3F95] =	sst s1  }
0xa: {  	[smem:$0x3F96] =	sst s2  }
0xb: {  	[smem:$0x3F97] =	sst s3  }
0xc: {  	[smem:$0x3F98] =	sst s4  }
0xd: {  	[smem:$0x3F99] =	sst s5  }
0xe: {  	[smem:$0x3F9A] =	sst s6  }
0xf: {  	[smem:$0x3F9B] =	sst s7  }
0x10: {  	[smem:$0x3F9C] =	sst s8  }
0x11: {  	[smem:$0x3F9D] =	sst s9;
	s0 =	simm.s32 @!p0 $0x0  }
0x12: {  	s1 =	sld [smem:$0x3F83];
	s0 =	simm.s32 @p0 $0x1  }
0x13: {  	[smem:$0x3F9E] =	sst s0;
	s0 =	simm.s32 @!p1 $0x0  }
0x14: {  	s2 =	sld [smem:$0x3F82];
	s0 =	simm.s32 @p1 $0x1  }
0x15: {  	[smem:$0x3F9F] =	sst s0;
	s0 =	simm.s32 @!p2 $0x0  }
0x16: {  	s3 =	sld [smem:$0x3FDB];
	s0 =	simm.s32 @p2 $0x1  }
0x17: {  	s4 =	simm.s32 $0x1BF5;
	[smem:$0x3FA1] =	sst s0  }
0x18: {  	s0 =	sld [smem:$0x3F84];
	_ =	swait.ge [sflag:s4], $0x0  }
0x19: {  	s7 =	sld [smem:$0x3F85]  }
0x1a: {  	s8 =	sadd.s32 $0xFFFFE003, lr  }
0x1b: {  	s9 =	sadd.s32 $0xFFFFFEF7, lr;
	s5 =	simm.s32 $0xFFFFFFFF;
	p2 =	slt.u32 s8, $0xFFFFF086  }
0x1c: {  	p1 =	slt.u32 s9, $0xF7A;
	s5 =	simm.s32 @!p2 $0x0  }
0x1d: {  	s5 =	simm.s32 @p1 $0x1;
	p0 =	seq.s32 s7, s2  }
0x1e: {  	s7 =	smul.u32 @!p0 $0xF7A, s2;
	p2 =	seq.s32 @!p0 s5, $0x0  }
0x1f: {  	s9 =	smul.u32 $0xF7A, s1;
	s8 =	simm.s32 @!p0 $0x1BF5;
	p2 =	por !p2, p0  }
0x20: {  	[sflag:s8] =	ssyncset.s32 @!p0 $0xFFFFF086;
	s6 =	sadd.s32 @!p0 s3, s7;
	s7 =	simm.s32 @!p0 $0x108  }
0x21: {  	s3 =	sadd.s32 s3, s9;
	s6 =	sadd.s32 @!p0 $0x88, s6;
	s7 =	simm.s32 @p2 $0x1082  }
0x22: {  	[simem:s7], [sflag:s8] =	dma.local @!p0 [hbm:s6], $0xF7A  }
0x23: {  	s9 =	sor.u32 $0xD0000000, s2;
	s6 =	simm.s32 $0x108;
	_ =	swait.ge @!p0 [sflag:s8], $0x0  }
0x24: {  	s3 =	sadd.s32 $0x88, s3;
	s6 =	simm.s32 @!p1 $0x1082;
	[sflag:s4] =	ssyncset.s32 $0xFFFFF086  }
0x25: {  	[simem:s6], [sflag:s4] =	dma.local [hbm:s3], $0xF7A  }
0x26: {  	[smem:$0x3F85] =	sst s1;
	(tag) =	ssettag s2;
	_ =	strace s9  }
0x27: {  	s1 =	sld [smem:$0x3F95]  }
0x28: {  	s2 =	sld [smem:$0x3F96]  }
0x29: {  	s4 =	sld [smem:$0x3F98]  }
0x2a: {  	p0 =	seq.s32 s5, $0x0;
	s5 =	sld [smem:$0x3F99]  }
0x2b: {  	s6 =	sld [smem:$0x3F9A]  }
0x2c: {  	s7 =	sld [smem:$0x3F9B]  }
0x2d: {  	s3 =	simm.s32 $0x108;
	s8 =	sld [smem:$0x3F9C]  }
0x2e: {  	s3 =	simm.s32 @!p0 $0x1082;
	s9 =	sld [smem:$0x3F9D]  }
0x2f: {  	lr =	sadd.s32 s0, s3;
	s0 =	sld [smem:$0x3F94]  }
0x30: {  	s3 =	sld [smem:$0x3F97]  }
0x31: {  	[smem:$0x3FA0] =	sst s10  }
0x32: {  	s10 =	sld [smem:$0x3F9E];
	_ =	sdelay $0x3  }
0x33: {  	p0 =	seq.s32 s10, $0x1;
	s10 =	sld [smem:$0x3FA0];
	_ =	sdelay $0x3  }
0x34: {  	[smem:$0x3FA0] =	sst s10  }
0x35: {  	s10 =	sld [smem:$0x3F9F];
	_ =	sdelay $0x3  }
0x36: {  	p1 =	seq.s32 s10, $0x1;
	s10 =	sld [smem:$0x3FA0];
	_ =	sdelay $0x3  }
0x37: {  	[smem:$0x3FA0] =	sst s10  }
0x38: {  	s10 =	sld [smem:$0x3FA1]  }
0x39: {  	_ = 	snop;
	(pc) =	sbr.ind lr, $3  }
0x3a: {  	_ = 	snop  }
0x3b: {  	_ = 	snop  }
0x3c: {  	p2 =	seq.s32 s10, $0x1;
	s10 =	sld [smem:$0x3FA0]  }
0x3d: {  	_ =	shalt  }
0x3e: {  	_ =	shalt  }
0x3f: {  	_ =	shalt  }
0x40: {  	_ =	shalt  }
0x41: {  	_ =	shalt  }
0x42: {  	_ =	shalt  }
0x43: {  	_ =	shalt  }
0x44: {  	_ =	shalt  }
0x45: {  	_ =	shalt  }
0x46: {  	_ =	shalt  }
0x47: {  	_ =	shalt  }
0x48: {  	_ =	shalt  }
0x49: {  	_ =	shalt  }
0x4a: {  	_ =	shalt  }
0x4b: {  	_ =	shalt  }
0x4c: {  	_ =	shalt  }
0x4d: {  	_ =	shalt  }
0x4e: {  	_ =	shalt  }
0x4f: {  	_ =	shalt  }
0x50: {  	_ =	shalt  }
0x51: {  	_ =	shalt  }
0x52: {  	_ =	shalt  }
0x53: {  	_ =	shalt  }
0x54: {  	_ =	shalt  }
0x55: {  	_ =	shalt  }
0x56: {  	_ =	shalt  }
0x57: {  	_ =	shalt  }
0x58: {  	_ =	shalt  }
0x59: {  	_ =	shalt  }
0x5a: {  	_ =	shalt  }
0x5b: {  	_ =	shalt  }
0x5c: {  	_ =	shalt  }
0x5d: {  	_ =	shalt  }
0x5e: {  	_ =	shalt  }
0x5f: {  	_ =	shalt  }
0x60: {  	_ =	shalt  }
0x61: {  	_ =	shalt  }
0x62: {  	_ =	shalt  }
0x63: {  	_ =	shalt  }
0x64: {  	_ =	shalt  }
0x65: {  	_ =	shalt  }
0x66: {  	_ =	shalt  }
0x67: {  	_ =	shalt  }
0x68: {  	_ =	shalt  }
0x69: {  	_ =	shalt  }
0x6a: {  	_ =	shalt  }
0x6b: {  	_ =	shalt  }
0x6c: {  	_ =	shalt  }
0x6d: {  	_ =	shalt  }
0x6e: {  	_ =	shalt  }
0x6f: {  	_ =	shalt  }
0x70: {  	_ =	shalt  }
0x71: {  	_ =	shalt  }
0x72: {  	_ =	shalt  }
0x73: {  	_ =	shalt  }
0x74: {  	_ =	shalt  }
0x75: {  	_ =	shalt  }
0x76: {  	_ =	shalt  }
0x77: {  	_ =	shalt  }
0x78: {  	_ =	shalt  }
0x79: {  	_ =	shalt  }
0x7a: {  	_ =	shalt  }
0x7b: {  	_ =	shalt  }
0x7c: {  	_ =	shalt  }
0x7d: {  	_ =	shalt  }
0x7e: {  	_ =	shalt  }
0x7f: {  	_ =	shalt  }
0x80: {  	_ =	shalt  }
0x81: {  	_ =	shalt  }
0x82: {  	_ =	shalt  }
0x83: {  	_ =	shalt  }
0x84: {  	_ =	shalt  }
0x85: {  	_ =	shalt  }
0x86: {  	_ =	shalt  }
0x87: {  	_ =	shalt  }
.Lfunc_end0:
.L_simem_size_0:
called_computation.3_lowered:
.L_overlay_start_0:
0x88: {  	s2 =	sld [smem:$0x3FD9]  }
0x89: {  	s3 =	sld [smem:$0x3FFE];
	_ =	sdelay $0x1  }
0x8a: {  	s1 =	srdreg.scid  }
0x8b: {  	s0 =	sand.u32 $0x1, s1  }
0x8c: {  	s16 =	sshll.u32 s0, $0xA;
	s2 =	sadd.s32 s3, s2  }
0x8d: {  	s2 =	sadd.s32 s2, s16  }
0x8e: {  	[smem:$0x3FAC] =	sst s2  }
0x8f: {  	_ = 	snop  }
0x90: {  	(tm) =	ssettm $0x1  }
0x91: {  	s17 =	sld [smem:$0x3FFB];
	_ =	sdelay $0x3  }
0x92: {  	_ =	strace s17  }
0x93: {  	s2 =	sld [smem:$0x3FFC];
	_ =	sdelay $0x3  }
0x94: {  	_ =	strace s2  }
0x95: {  	s2 =	sld [smem:$0x3FFD];
	_ =	sdelay $0x3  }
0x96: {  	_ =	strace s2  }
0x97: {  	_ =	strace $0x8FFFFFFF  }
0x98: {  	s18 =	sld [smem:$0x3FDB];
	_ =	sdelay $0x1  }
0x99: {  	s19 =	simm.s32 $_scs_section_size  }
0x9a: {  	s4 =	simm.s32 $_size__tile_overlayer_lowered;
	s5 =	simm.s32 $_tile_overlayer_lowered  }
0x9b: {  	s22 =	simm.s32 $0x1BFF;
	s21 =	sshll.u32 s5, $0x1;
	s2 =	sadd.s32 s19, s18  }
0x9c: {  	s6 =	simm.s32 $0x0;
	s20 =	sshll.u32 s4, $0x1;
	s4 =	sadd.s32 s21, s2  }
0x9d: {  	[timem:s6], [sflag:s22] =	dma.local [hbm:s4], s20  }
0x9e: {  	_ =	swait.ge [sflag:s22], s20  }
0x9f: {  	s3 =	ssub.s32 $0x0, s20;
	[sflag:s22] =	ssyncset.done $0x0  }
0xa0: {  	[sflag:s22] =	ssyncadd.s32 s3;
	_ =	sdelay $0x1  }
0xa1: {  	s23 =	simm.s32 $0x1B8B  }
0xa2: {  	_ =	swait.ge [sflag:s23], $0x1  }
0xa3: {  	[sflag:s23] =	ssyncset.done $0x0  }
0xa4: {  	s25 =	simm.s32 $0x1B8E;
	s24 =	sld [smem:$0x3FFE];
	[sflag:s23] =	ssyncadd.s32 $0xFFFFFFFF  }
0xa5: {  	s26 =	simm.s32 $execute0_lowered;
	[smem:$0x3FD2] =	sst s25  }
0xa6: {  	s4 =	sshll.u32 s26, $0x1;
	_ =	strace $0x8000004F;
	[dreg:$0x1] =	wrdreg $0xFFFFFFFF  }
0xa7: {  	s28 =	simm.s32 $_size_execute0_lowered;
	s2 =	sadd.s32 s2, s4;
	[dreg:$0x0] =	wrdreg $0x0  }
0xa8: {  	s4 =	sshll.u32 s28, $0x1;
	[dreg:$0x2] =	wrdreg s2  }
0xa9: {  	[dreg:$0x3] =	wrdreg s4  }
0xaa: {  	[dreg:$0x4] =	wrdreg $0xC0  }
0xab: {  	_ =	task [dreg:s6], $0x5FFFF  }
0xac: {  	[dreg:$0x1] =	wrdreg $0xFFFFFFFF  }
0xad: {  	[dreg:$0x0] =	wrdreg $0x60  }
0xae: {  	[dreg:$0x2] =	wrdreg s24  }
0xaf: {  	[dreg:$0x3] =	wrdreg $0x17B200  }
0xb0: {  	[dreg:$0x4] =	wrdreg $0x9  }
0xb1: {  	_ =	task.clear_ibuf [dreg:s6], $0x5FFFF;
	_ =	strace $0x9000004F  }
0xb2: {  	s29 =	simm.s32 $0x9;
	_ =	strace $0x80000051  }
0xb3: {  	_ =	swait.ge [sflag:s29], $0x1  }
0xb4: {  	[sflag:s29] =	ssyncadd.s32 $0xFFFFFFFF  }
0xb5: {  	_ =	strace $0x90000051  }
0xb6: {  	_ =	sfence  }
0xb7: {  	s30 =	sld [smem:$0x0];
	_ =	sdelay $0x2  }
0xb8: {  	s31 =	sshll.u32 s1, $0xD;
	s1 =	sshrl.u32 s1, $0x2  }
0xb9: {  	s3 =	sand.u32 $0x4000, s31;
	s1 =	sadd.s32 s1, s30  }
0xba: {  	s0 =	sor.u32 s3, s0;
	s1 =	sshll.u32 s1, $0x11  }
0xbb: {  	s0 =	sor.u32 s1, s0  }
0xbc: {  	s0 =	sadd.s32 $0x8F2B, s0  }
0xbd: {  	[sflag:s0] =	ssyncadd.remote.s32 $0x1  }
0xbe: {  	_ =	sfence.sel $0xFFFF  }
0xbf: {  	[dreg:$0x0] =	wrdreg $0xFFFFFFFF;
	(pc) =	sbr.abs _section_cstart, $3  }
0xc0: {  	[dreg:$0x1] =	wrdreg $0xFFFFFFFF  }
0xc1: {  	_ =	task.clear_ibuf [dreg:s6], $0x2FFFF;
	_ =	strace $0x9FFFFFFF  }
0xc2: {  	(tm) =	ssettm $0x7FFFFFFF  }
0xc3: {  	_ =	shalt  }
tec
execute0_lowered:
.L_overlay_start_1:
0x0: {  	(tag) =	ssettag $0x1  }
0x1: {  	s4 =	rddreg [dreg:$0x0]  }
0x2: {  	s3 =	rddreg [dreg:$0x1];
	s2 =	simm.s32 $0x0  }
0x3: {  	s14 =	simm.s32 $0x1C00;
	[smem:$0x7FF] =	sst s2  }
0x4: {  	s15 =	simm.s32 $0x100;
	_ =	strace $0x80000050;
	[dreg:$0x7] =	wrdreg s14  }
0x5: {  	s16 =	simm.s32 $0x2400;
	[dreg:$0x8] =	wrdreg s15  }
0x6: {  	s17 =	simm.s32 $0x180;
	[dreg:$0x9] =	wrdreg s16  }
0x7: {  	s18 =	simm.s32 $0x2C00;
	[dreg:$0xa] =	wrdreg s17  }
0x8: {  	s19 =	simm.s32 $0x200;
	[dreg:$0xb] =	wrdreg s18  }
0x9: {  	s20 =	simm.s32 $0x3400;
	[dreg:$0xc] =	wrdreg s19  }
0xa: {  	s21 =	simm.s32 $0x280;
	[dreg:$0xd] =	wrdreg s20  }
0xb: {  	s22 =	simm.s32 $0x3C00;
	[dreg:$0xe] =	wrdreg s21  }
0xc: {  	s23 =	simm.s32 $0x300;
	[dreg:$0xf] =	wrdreg s22  }
0xd: {  	s24 =	simm.s32 $0x4400;
	[dreg:$0x10] =	wrdreg s23  }
0xe: {  	s0 =	stileid.u32;
	s25 =	simm.s32 $0x380;
	[dreg:$0x11] =	wrdreg s24  }
0xf: {  	s26 =	simm.s32 $0x4C00;
	s5 =	smul.u32 $0x2720, s0;
	[dreg:$0x12] =	wrdreg s25  }
0x10: {  	s6 =	sshll.u32 s0, $0x1;
	s0 =	simm.s32 $0x400;
	[dreg:$0x13] =	wrdreg s26  }
0x11: {  	s9 =	simm.s32 $0x6400;
	[dreg:$0x14] =	wrdreg s0  }
0x12: {  	s10 =	simm.s32 $0x580;
	[dreg:$0x19] =	wrdreg s9  }
0x13: {  	s11 =	simm.s32 $0x6C00;
	[dreg:$0x1a] =	wrdreg s10  }
0x14: {  	s12 =	simm.s32 $0x600;
	[dreg:$0x1b] =	wrdreg s11  }
0x15: {  	[dreg:$0x1c] =	wrdreg s12;
	s14 =	simm.s32 $0x680  }
0x16: {  	s15 =	simm.s32 $0x7C00;
	[dreg:$0x1e] =	wrdreg s14  }
0x17: {  	s16 =	simm.s32 $0x700;
	[dreg:$0x1f] =	wrdreg s15  }
0x18: {  	s17 =	simm.s32 $0x8400;
	[smem:$0x7E1] =	sst s16  }
0x19: {  	s18 =	simm.s32 $0x780;
	[smem:$0x7E0] =	sst s17  }
0x1a: {  	s19 =	simm.s32 $0x8C00;
	[smem:$0x7E3] =	sst s18  }
0x1b: {  	s20 =	simm.s32 $0x800;
	[smem:$0x7E2] =	sst s19  }
0x1c: {  	s21 =	simm.s32 $0x9400;
	[smem:$0x7E9] =	sst s20  }
0x1d: {  	s22 =	simm.s32 $0x880;
	[smem:$0x7EA] =	sst s21  }
0x1e: {  	s23 =	simm.s32 $0x9C00;
	[smem:$0x7EC] =	sst s22  }
0x1f: {  	s24 =	simm.s32 $0x900;
	[smem:$0x7E8] =	sst s23  }
0x20: {  	s25 =	simm.s32 $0xA400;
	[smem:$0x7E5] =	sst s24  }
0x21: {  	s26 =	simm.s32 $0x980;
	[smem:$0x7E6] =	sst s25  }
0x22: {  	s0 =	simm.s32 $0xAC00;
	[smem:$0x7ED] =	sst s26  }
0x23: {  	s9 =	simm.s32 $0xB00;
	[smem:$0x7EB] =	sst s0  }
0x24: {  	s10 =	simm.s32 $0xC400;
	[smem:$0x7F1] =	sst s9  }
0x25: {  	s11 =	simm.s32 $0xB80;
	[smem:$0x7E4] =	sst s10  }
0x26: {  	s12 =	simm.s32 $0xCC00;
	[smem:$0x7F3] =	sst s11  }
0x27: {  	s7 =	sshrl.u32 s5, $0x3;
	s5 =	sadd.s32 s5, s3;
	[smem:$0x7F2] =	sst s12  }
0x28: {  	s14 =	simm.s32 $0xD400;
	[dreg:$0x4] =	wrdreg s5  }
0x29: {  	s15 =	simm.s32 $0xC80;
	[smem:$0x7F8] =	sst s14  }
0x2a: {  	s16 =	simm.s32 $0xDC00;
	[smem:$0x7F6] =	sst s15  }
0x2b: {  	s17 =	simm.s32 $0xD00;
	[smem:$0x7F5] =	sst s16  }
0x2c: {  	s1 =	srdreg.scid;
	s18 =	simm.s32 $0xE400;
	[smem:$0x7F9] =	sst s17  }
0x2d: {  	s1 =	sand.u32 $0x1, s1;
	s19 =	simm.s32 $0xD80;
	[smem:$0x7FA] =	sst s18  }
0x2e: {  	s6 =	sor.u32 s1, s6;
	s20 =	simm.s32 $0xEC00;
	[smem:$0x7FC] =	sst s19  }
0x2f: {  	s8 =	smul.u32 $0x280, s6;
	s21 =	simm.s32 $0xE00;
	[smem:$0x7FB] =	sst s20  }
0x30: {  	s6 =	smul.u32 $0x2800, s6;
	s23 =	simm.s32 $0xF400;
	[smem:$0x7FD] =	sst s21  }
0x31: {  	s7 =	sadd.s32 s7, s4;
	s5 =	simm.s32 $0x5400;
	[smem:$0x7F4] =	sst s23  }
0x32: {  	s7 =	sadd.s32 $0x3200, s7;
	s8 =	sadd.s32 s8, s4;
	[dreg:$0x15] =	wrdreg s5  }
0x33: {  	s4 =	sadd.s32 s6, s4;
	s6 =	simm.s32 $0x480;
	[dreg:$0x3] =	wrdreg s7  }
0x34: {  	s5 =	simm.s32 $0xA00;
	[dreg:$0x16] =	wrdreg s6  }
0x35: {  	s13 =	sadd.s32 $0x2F400, s8;
	[smem:$0x7EE] =	sst s5  }
0x36: {  	s4 =	sadd.s32 $0x34400, s4;
	[dreg:$0x5] =	wrdreg s13  }
0x37: {  	s7 =	simm.s32 $0x5C00;
	[dreg:$0x6] =	wrdreg s4  }
0x38: {  	s8 =	simm.s32 $0x500;
	[dreg:$0x17] =	wrdreg s7  }
0x39: {  	s6 =	simm.s32 $0xB400;
	[dreg:$0x18] =	wrdreg s8  }
0x3a: {  	[smem:$0x7E7] =	sst s6  }
0x3b: {  	s13 =	simm.s32 $0x7400;
	s22 =	rddreg [dreg:$0x3]  }
0x3c: {  	s7 =	simm.s32 $0xA80;
	[dreg:$0x1d] =	wrdreg s13  }
0x3d: {  	s8 =	simm.s32 $0xBC00;
	[smem:$0x7F0] =	sst s7  }
0x3e: {  	s6 =	simm.s32 $0x15400;
	[smem:$0x7EF] =	sst s8;
	s13 =	simm.s32 $0xC00  }
0x3f: {  	[tilespmem:s6], [sflag:$0x2] =	stream.linear.gather [hbm4b:s22+s2], $0x2720, $0x38;
	[tilespmem:$0x1A240] =	vst v63  }
0x40: {  	s4 =	simm.s32 $0x2;
	[smem:$0x7F7] =	sst s13  }
0x41: {  	_ =	swait.ge [sflag:s4], $0x2720  }
0x42: {  	[sflag:s4] =	ssyncset.done $0x0  }
0x43: {  	s24 =	rddreg [dreg:$0x4];
	[sflag:s4] =	ssyncadd.s32 $0xFFFFD8E0  }
0x44: {  	[spmem:s24] =	stream.linear.scatter [tilespmem:s6], [sflag:$0x2], $0x2720, $0x38;
	[tilespmem:$0x1A240] =	vst v63  }
0x45: {  	_ =	swait.ge [sflag:s4], $0x2720  }
0x46: {  	[sflag:s4] =	ssyncset.done $0x0  }
0x47: {  	s25 =	rddreg [dreg:$0x5];
	[sflag:s4] =	ssyncadd.s32 $0xFFFFD8E0  }
0x48: {  	[tilespmem:s2], [sflag:$0x2] =	stream.linear.gather [hbm4b:s25+s2], $0x1400, $0x38;
	[tilespmem:$0x1A240] =	vst v63  }
0x49: {  	_ =	swait.ge [sflag:s4], $0x1400  }
0x4a: {  	[sflag:s4] =	ssyncset.done $0x0  }
0x4b: {  	[sflag:s4] =	ssyncadd.s32 $0xFFFFEC00  }
0x4c: {  	[bflag:$0x0] =	sbarrier.arrive $0xFFFF  }
0x4d: {  	s26 =	rddreg [dreg:$0xa]  }
0x4e: {  	s9 =	rddreg [dreg:$0xf]  }
0x4f: {  	s10 =	rddreg [dreg:$0xb]  }
0x50: {  	s5 =	simm.s32 $0x1400;
	s8 =	simm.s32 $0x80;
	s11 =	rddreg [dreg:$0x9]  }
0x51: {  	[tilespmem:s5], [sflag:$0x1] =	stream.indirect.gather [spmem:s3], $0x10, s2, s8, $0xb8;
	[tilespmem:$0x1A240] =	vst v63  }
0x52: {  	s12 =	rddreg [dreg:$0x7]  }
0x53: {  	s13 =	rddreg [dreg:$0xd]  }
0x54: {  	s14 =	rddreg [dreg:$0x8]  }
0x55: {  	[tilespmem:s12], [sflag:$0x1] =	stream.indirect.gather [spmem:s3], $0x10, s8, s8, $0xb8;
	[tilespmem:$0x1A240] =	vst v63  }
0x56: {  	s15 =	rddreg [dreg:$0xc]  }
0x57: {  	[tilespmem:s11], [sflag:$0x1] =	stream.indirect.gather [spmem:s3], $0x10, s14, s8, $0xb8;
	[tilespmem:$0x1A240] =	vst v63  }
0x58: {  	s0 =	rddreg [dreg:$0xe]  }
0x59: {  	[tilespmem:s10], [sflag:$0x1] =	stream.indirect.gather [spmem:s3], $0x10, s26, s8, $0xb8;
	[tilespmem:$0x1A240] =	vst v63  }
0x5a: {  	s16 =	rddreg [dreg:$0x10]  }
0x5b: {  	[tilespmem:s13], [sflag:$0x1] =	stream.indirect.gather [spmem:s3], $0x10, s15, s8, $0xb8;
	[tilespmem:$0x1A240] =	vst v63  }
0x5c: {  	s17 =	rddreg [dreg:$0x12]  }
0x5d: {  	[tilespmem:s9], [sflag:$0x1] =	stream.indirect.gather [spmem:s3], $0x10, s0, s8, $0xb8;
	[tilespmem:$0x1A240] =	vst v63  }
0x5e: {  	s14 =	rddreg [dreg:$0x11]  }
0x5f: {  	[tilespmem:s14], [sflag:$0x1] =	stream.indirect.gather [spmem:s3], $0x10, s16, s8, $0xb8;
	[tilespmem:$0x1A240] =	vst v63  }
0x60: {  	s7 =	simm.s32 $0x1;
	s18 =	rddreg [dreg:$0x13]  }
0x61: {  	[tilespmem:s18], [sflag:$0x1] =	stream.indirect.gather [spmem:s3], $0x10, s17, s8, $0xb8;
	[tilespmem:$0x1A240] =	vst v63  }
0x62: {  	_ =	swait.ge [sflag:s7], $0x800  }
0x63: {  	[sflag:s7] =	ssyncset.done $0x0  }
0x64: {  	[sflag:s7] =	ssyncadd.s32 $0xFFFFF800  }
0x65: {  	_ =	swait.ge [sflag:s7], $0x800  }
0x66: {  	[sflag:s7] =	ssyncset.done $0x0  }
0x67: {  	[sflag:s7] =	ssyncadd.s32 $0xFFFFF800  }
0x68: {  	_ =	swait.ge [sflag:s7], $0x800  }
0x69: {  	[sflag:s7] =	ssyncset.done $0x0  }
0x6a: {  	[sflag:s7] =	ssyncadd.s32 $0xFFFFF800  }
0x6b: {  	_ =	swait.ge [sflag:s7], $0x800  }
0x6c: {  	[sflag:s7] =	ssyncset.done $0x0  }
0x6d: {  	[sflag:s7] =	ssyncadd.s32 $0xFFFFF800  }
0x6e: {  	_ =	swait.ge [sflag:s7], $0x800  }
0x6f: {  	[sflag:s7] =	ssyncset.done $0x0  }
0x70: {  	[sflag:s7] =	ssyncadd.s32 $0xFFFFF800  }
0x71: {  	_ =	swait.ge [sflag:s7], $0x800  }
0x72: {  	[sflag:s7] =	ssyncset.done $0x0  }
0x73: {  	[sflag:s7] =	ssyncadd.s32 $0xFFFFF800  }
0x74: {  	_ =	swait.ge [sflag:s7], $0x800  }
0x75: {  	[sflag:s7] =	ssyncset.done $0x0  }
0x76: {  	[sflag:s7] =	ssyncadd.s32 $0xFFFFF800  }
0x77: {  	_ =	swait.ge [sflag:s7], $0x800  }
0x78: {  	s19 =	rddreg [dreg:$0x1a]  }
0x79: {  	s20 =	sld [smem:$0x7E0]  }
0x7a: {  	s21 =	rddreg [dreg:$0x19]  }
0x7b: {  	s22 =	rddreg [dreg:$0x15]  }
0x7c: {  	s23 =	rddreg [dreg:$0x17]  }
0x7d: {  	s24 =	rddreg [dreg:$0x16]  }
0x7e: {  	s25 =	rddreg [dreg:$0x14]  }
0x7f: {  	s16 =	rddreg [dreg:$0x1b]  }
0x80: {  	[sflag:s7] =	ssyncset.done $0x0;
	s17 =	rddreg [dreg:$0x18]  }
0x81: {  	s18 =	rddreg [dreg:$0x1d];
	[sflag:s7] =	ssyncadd.s32 $0xFFFFF800  }
0x82: {  	[tilespmem:s22], [sflag:$0x1] =	stream.indirect.gather [spmem:s3], $0x10, s25, s8, $0xb8;
	[tilespmem:$0x1A240] =	vst v63  }
0x83: {  	s26 =	rddreg [dreg:$0x1f]  }
0x84: {  	[tilespmem:s23], [sflag:$0x1] =	stream.indirect.gather [spmem:s3], $0x10, s24, s8, $0xb8;
	[tilespmem:$0x1A240] =	vst v63  }
0x85: {  	s0 =	rddreg [dreg:$0x1c]  }
0x86: {  	[tilespmem:s21], [sflag:$0x1] =	stream.indirect.gather [spmem:s3], $0x10, s17, s8, $0xb8;
	[tilespmem:$0x1A240] =	vst v63  }
0x87: {  	s14 =	rddreg [dreg:$0x1e]  }
0x88: {  	[tilespmem:s16], [sflag:$0x1] =	stream.indirect.gather [spmem:s3], $0x10, s19, s8, $0xb8;
	[tilespmem:$0x1A240] =	vst v63  }
0x89: {  	s15 =	sld [smem:$0x7E1]  }
0x8a: {  	[tilespmem:s18], [sflag:$0x1] =	stream.indirect.gather [spmem:s3], $0x10, s0, s8, $0xb8;
	[tilespmem:$0x1A240] =	vst v63  }
0x8b: {  	s17 =	sld [smem:$0x7E3]  }
0x8c: {  	[tilespmem:s26], [sflag:$0x1] =	stream.indirect.gather [spmem:s3], $0x10, s14, s8, $0xb8;
	[tilespmem:$0x1A240] =	vst v63  }
0x8d: {  	s16 =	sld [smem:$0x7E2]  }
0x8e: {  	[tilespmem:s20], [sflag:$0x1] =	stream.indirect.gather [spmem:s3], $0x10, s15, s8, $0xb8;
	[tilespmem:$0x1A240] =	vst v63  }
0x8f: {  	_ = 	snop  }
0x90: {  	[tilespmem:s16], [sflag:$0x1] =	stream.indirect.gather [spmem:s3], $0x10, s17, s8, $0xb8;
	[tilespmem:$0x1A240] =	vst v63  }
0x91: {  	_ =	swait.ge [sflag:s7], $0x800  }
0x92: {  	[sflag:s7] =	ssyncset.done $0x0  }
0x93: {  	[sflag:s7] =	ssyncadd.s32 $0xFFFFF800  }
0x94: {  	_ =	swait.ge [sflag:s7], $0x800  }
0x95: {  	[sflag:s7] =	ssyncset.done $0x0  }
0x96: {  	[sflag:s7] =	ssyncadd.s32 $0xFFFFF800  }
0x97: {  	_ =	swait.ge [sflag:s7], $0x800  }
0x98: {  	[sflag:s7] =	ssyncset.done $0x0  }
0x99: {  	[sflag:s7] =	ssyncadd.s32 $0xFFFFF800  }
0x9a: {  	_ =	swait.ge [sflag:s7], $0x800  }
0x9b: {  	[sflag:s7] =	ssyncset.done $0x0  }
0x9c: {  	[sflag:s7] =	ssyncadd.s32 $0xFFFFF800  }
0x9d: {  	_ =	swait.ge [sflag:s7], $0x800  }
0x9e: {  	[sflag:s7] =	ssyncset.done $0x0  }
0x9f: {  	[sflag:s7] =	ssyncadd.s32 $0xFFFFF800  }
0xa0: {  	_ =	swait.ge [sflag:s7], $0x800  }
0xa1: {  	[sflag:s7] =	ssyncset.done $0x0  }
0xa2: {  	[sflag:s7] =	ssyncadd.s32 $0xFFFFF800  }
0xa3: {  	_ =	swait.ge [sflag:s7], $0x800  }
0xa4: {  	[sflag:s7] =	ssyncset.done $0x0  }
0xa5: {  	[sflag:s7] =	ssyncadd.s32 $0xFFFFF800  }
0xa6: {  	_ =	swait.ge [sflag:s7], $0x800  }
0xa7: {  	s9 =	sld [smem:$0x7E4]  }
0xa8: {  	s18 =	sld [smem:$0x7E5]  }
0xa9: {  	s19 =	sld [smem:$0x7E6]  }
0xaa: {  	s20 =	sld [smem:$0x7E7]  }
0xab: {  	s21 =	sld [smem:$0x7E8]  }
0xac: {  	s22 =	sld [smem:$0x7E9]  }
0xad: {  	s23 =	sld [smem:$0x7EA]  }
0xae: {  	s24 =	sld [smem:$0x7EB]  }
0xaf: {  	[sflag:s7] =	ssyncset.done $0x0;
	s25 =	sld [smem:$0x7EC]  }
0xb0: {  	s26 =	sld [smem:$0x7ED];
	[sflag:s7] =	ssyncadd.s32 $0xFFFFF800  }
0xb1: {  	[tilespmem:s23], [sflag:$0x1] =	stream.indirect.gather [spmem:s3], $0x10, s22, s8, $0xb8;
	[tilespmem:$0x1A240] =	vst v63  }
0xb2: {  	s0 =	sld [smem:$0x7EE]  }
0xb3: {  	[tilespmem:s21], [sflag:$0x1] =	stream.indirect.gather [spmem:s3], $0x10, s25, s8, $0xb8;
	[tilespmem:$0x1A240] =	vst v63  }
0xb4: {  	s15 =	sld [smem:$0x7EF]  }
0xb5: {  	[tilespmem:s19], [sflag:$0x1] =	stream.indirect.gather [spmem:s3], $0x10, s18, s8, $0xb8;
	[tilespmem:$0x1A240] =	vst v63  }
0xb6: {  	s17 =	sld [smem:$0x7F0]  }
0xb7: {  	[tilespmem:s24], [sflag:$0x1] =	stream.indirect.gather [spmem:s3], $0x10, s26, s8, $0xb8;
	[tilespmem:$0x1A240] =	vst v63  }
0xb8: {  	s18 =	sld [smem:$0x7F1]  }
0xb9: {  	[tilespmem:s20], [sflag:$0x1] =	stream.indirect.gather [spmem:s3], $0x10, s0, s8, $0xb8;
	[tilespmem:$0x1A240] =	vst v63  }
0xba: {  	s19 =	sld [smem:$0x7F2]  }
0xbb: {  	[tilespmem:s15], [sflag:$0x1] =	stream.indirect.gather [spmem:s3], $0x10, s17, s8, $0xb8;
	[tilespmem:$0x1A240] =	vst v63  }
0xbc: {  	s20 =	sld [smem:$0x7F3]  }
0xbd: {  	[tilespmem:s9], [sflag:$0x1] =	stream.indirect.gather [spmem:s3], $0x10, s18, s8, $0xb8;
	[tilespmem:$0x1A240] =	vst v63  }
0xbe: {  	_ = 	snop  }
0xbf: {  	[tilespmem:s19], [sflag:$0x1] =	stream.indirect.gather [spmem:s3], $0x10, s20, s8, $0xb8;
	[tilespmem:$0x1A240] =	vst v63  }
0xc0: {  	_ =	swait.ge [sflag:s7], $0x800  }
0xc1: {  	[sflag:s7] =	ssyncset.done $0x0  }
0xc2: {  	[sflag:s7] =	ssyncadd.s32 $0xFFFFF800  }
0xc3: {  	_ =	swait.ge [sflag:s7], $0x800  }
0xc4: {  	[sflag:s7] =	ssyncset.done $0x0  }
0xc5: {  	[sflag:s7] =	ssyncadd.s32 $0xFFFFF800  }
0xc6: {  	_ =	swait.ge [sflag:s7], $0x800  }
0xc7: {  	[sflag:s7] =	ssyncset.done $0x0  }
0xc8: {  	[sflag:s7] =	ssyncadd.s32 $0xFFFFF800  }
0xc9: {  	_ =	swait.ge [sflag:s7], $0x800  }
0xca: {  	[sflag:s7] =	ssyncset.done $0x0  }
0xcb: {  	[sflag:s7] =	ssyncadd.s32 $0xFFFFF800  }
0xcc: {  	_ =	swait.ge [sflag:s7], $0x800  }
0xcd: {  	[sflag:s7] =	ssyncset.done $0x0  }
0xce: {  	[sflag:s7] =	ssyncadd.s32 $0xFFFFF800  }
0xcf: {  	_ =	swait.ge [sflag:s7], $0x800  }
0xd0: {  	[sflag:s7] =	ssyncset.done $0x0  }
0xd1: {  	[sflag:s7] =	ssyncadd.s32 $0xFFFFF800  }
0xd2: {  	_ =	swait.ge [sflag:s7], $0x800  }
0xd3: {  	[sflag:s7] =	ssyncset.done $0x0  }
0xd4: {  	[sflag:s7] =	ssyncadd.s32 $0xFFFFF800  }
0xd5: {  	_ =	swait.ge [sflag:s7], $0x800  }
0xd6: {  	s21 =	sld [smem:$0x7F4]  }
0xd7: {  	s22 =	sld [smem:$0x7F5]  }
0xd8: {  	s23 =	sld [smem:$0x7F6]  }
0xd9: {  	s24 =	sld [smem:$0x7F7]  }
0xda: {  	s25 =	sld [smem:$0x7F8]  }
0xdb: {  	[sflag:s7] =	ssyncset.done $0x0;
	s26 =	sld [smem:$0x7F9]  }
0xdc: {  	s0 =	sld [smem:$0x7FA];
	[sflag:s7] =	ssyncadd.s32 $0xFFFFF800  }
0xdd: {  	[tilespmem:s25], [sflag:$0x1] =	stream.indirect.gather [spmem:s3], $0x10, s24, s8, $0xb8;
	[tilespmem:$0x1A240] =	vst v63  }
0xde: {  	s13 =	sld [smem:$0x7FB]  }
0xdf: {  	[tilespmem:s22], [sflag:$0x1] =	stream.indirect.gather [spmem:s3], $0x10, s23, s8, $0xb8;
	[tilespmem:$0x1A240] =	vst v63  }
0xe0: {  	s16 =	sld [smem:$0x7FC]  }
0xe1: {  	[tilespmem:s0], [sflag:$0x1] =	stream.indirect.gather [spmem:s3], $0x10, s26, s8, $0xb8;
	[tilespmem:$0x1A240] =	vst v63  }
0xe2: {  	s17 =	sld [smem:$0x7FD]  }
0xe3: {  	[tilespmem:s13], [sflag:$0x1] =	stream.indirect.gather [spmem:s3], $0x10, s16, s8, $0xb8;
	[tilespmem:$0x1A240] =	vst v63  }
0xe4: {  	_ = 	snop  }
0xe5: {  	[tilespmem:s21], [sflag:$0x1] =	stream.indirect.gather [spmem:s3], $0x10, s17, s8, $0xb8;
	[tilespmem:$0x1A240] =	vst v63  }
0xe6: {  	s18 =	simm.s32 $0xE80;
	s19 =	simm.s32 $0xFC00  }
0xe7: {  	[tilespmem:s19], [sflag:$0x1] =	stream.indirect.gather [spmem:s3], $0x10, s18, s8, $0xb8;
	[tilespmem:$0x1A240] =	vst v63  }
0xe8: {  	s20 =	simm.s32 $0xF00;
	s21 =	simm.s32 $0x10400  }
0xe9: {  	[tilespmem:s21], [sflag:$0x1] =	stream.indirect.gather [spmem:s3], $0x10, s20, s8, $0xb8;
	[tilespmem:$0x1A240] =	vst v63  }
0xea: {  	s22 =	simm.s32 $0xF80;
	s23 =	simm.s32 $0x10C00  }
0xeb: {  	[tilespmem:s23], [sflag:$0x1] =	stream.indirect.gather [spmem:s3], $0x10, s22, s8, $0xb8;
	[tilespmem:$0x1A240] =	vst v63  }
0xec: {  	_ =	swait.ge [sflag:s7], $0x800  }
0xed: {  	[sflag:s7] =	ssyncset.done $0x0  }
0xee: {  	[sflag:s7] =	ssyncadd.s32 $0xFFFFF800  }
0xef: {  	_ =	swait.ge [sflag:s7], $0x800  }
0xf0: {  	[sflag:s7] =	ssyncset.done $0x0  }
0xf1: {  	[sflag:s7] =	ssyncadd.s32 $0xFFFFF800  }
0xf2: {  	_ =	swait.ge [sflag:s7], $0x800  }
0xf3: {  	[sflag:s7] =	ssyncset.done $0x0  }
0xf4: {  	[sflag:s7] =	ssyncadd.s32 $0xFFFFF800  }
0xf5: {  	_ =	swait.ge [sflag:s7], $0x800  }
0xf6: {  	[sflag:s7] =	ssyncset.done $0x0  }
0xf7: {  	[sflag:s7] =	ssyncadd.s32 $0xFFFFF800  }
0xf8: {  	_ =	swait.ge [sflag:s7], $0x800  }
0xf9: {  	[sflag:s7] =	ssyncset.done $0x0  }
0xfa: {  	[sflag:s7] =	ssyncadd.s32 $0xFFFFF800  }
0xfb: {  	_ =	swait.ge [sflag:s7], $0x800  }
0xfc: {  	[sflag:s7] =	ssyncset.done $0x0  }
0xfd: {  	[sflag:s7] =	ssyncadd.s32 $0xFFFFF800  }
0xfe: {  	_ =	swait.ge [sflag:s7], $0x800  }
0xff: {  	[sflag:s7] =	ssyncset.done $0x0  }
0x100: {  	[sflag:s7] =	ssyncadd.s32 $0xFFFFF800  }
0x101: {  	_ =	swait.ge [sflag:s7], $0x800  }
0x102: {  	[sflag:s7] =	ssyncset.done $0x0  }
0x103: {  	s24 =	simm.s32 $0x1000;
	s25 =	simm.s32 $0x11400;
	[sflag:s7] =	ssyncadd.s32 $0xFFFFF800  }
0x104: {  	[tilespmem:s25], [sflag:$0x1] =	stream.indirect.gather [spmem:s3], $0x10, s24, s8, $0xb8;
	[tilespmem:$0x1A240] =	vst v63  }
0x105: {  	s26 =	simm.s32 $0x1080;
	s18 =	simm.s32 $0x11C00  }
0x106: {  	[tilespmem:s18], [sflag:$0x1] =	stream.indirect.gather [spmem:s3], $0x10, s26, s8, $0xb8;
	[tilespmem:$0x1A240] =	vst v63  }
0x107: {  	s1 =	ssub.s32 $0x2, s1;
	s19 =	simm.s32 $0x1100;
	s20 =	simm.s32 $0x12400  }
0x108: {  	[tilespmem:s20], [sflag:$0x1] =	stream.indirect.gather [spmem:s3], $0x10, s19, s8, $0xb8;
	[tilespmem:$0x1A240] =	vst v63  }
0x109: {  	s30 =	sshrl.u32 s1, $0x1;
	s21 =	simm.s32 $0x1180;
	s22 =	simm.s32 $0x12C00  }
0x10a: {  	[tilespmem:s22], [sflag:$0x1] =	stream.indirect.gather [spmem:s3], $0x10, s21, s8, $0xb8;
	[tilespmem:$0x1A240] =	vst v63  }
0x10b: {  	s1 =	ssub.s32 s1, s30;
	s23 =	simm.s32 $0x1200;
	s24 =	simm.s32 $0x13400  }
0x10c: {  	[tilespmem:s24], [sflag:$0x1] =	stream.indirect.gather [spmem:s3], $0x10, s23, s8, $0xb8;
	[tilespmem:$0x1A240] =	vst v63  }
0x10d: {  	s1 =	smax.u32 s1, $0x1;
	s25 =	simm.s32 $0x1280;
	s26 =	simm.s32 $0x13C00  }
0x10e: {  	[tilespmem:s26], [sflag:$0x1] =	stream.indirect.gather [spmem:s3], $0x10, s25, s8, $0xb8;
	[tilespmem:$0x1A240] =	vst v63  }
0x10f: {  	s28 =	simm.s32 $0x1300;
	s29 =	simm.s32 $0x14400;
	p0 =	sne.s32 s1, $0x1  }
0x110: {  	[tilespmem:s29], [sflag:$0x1] =	stream.indirect.gather [spmem:s3], $0x10, s28, s8, $0xb8;
	[tilespmem:$0x1A240] =	vst v63  }
.Ltmp0:
0x111: {  	s31 =	simm.s32 $0x14C00;
	s30 =	simm.s32 $0x1380;
	(pc) =	sbr.rel @!p0 .LBB2_2-.Ltmp0, $4  }
0x112: {  	[tilespmem:s31], [sflag:$0x1] =	stream.indirect.gather [spmem:s3], $0x10, s30, s8, $0xb8;
	[tilespmem:$0x1A240] =	vst v63  }
0x113: {  	_ =	swait.ge [sflag:s7], $0x800  }
0x114: {  	[sflag:s7] =	ssyncset.done $0x0  }
0x115: {  	s1 =	sadd.s32 $0xFFFFFFFF, s1;
	[sflag:s7] =	ssyncadd.s32 $0xFFFFF800  }
.LBB2_1:
0x116: {  	_ =	swait.ge [sflag:s7], $0x800  }
0x117: {  	[sflag:s7] =	ssyncset.done $0x0  }
0x118: {  	[sflag:s7] =	ssyncadd.s32 $0xFFFFF800  }
0x119: {  	_ =	swait.ge [sflag:s7], $0x800  }
0x11a: {  	[sflag:s7] =	ssyncset.done $0x0  }
0x11b: {  	[sflag:s7] =	ssyncadd.s32 $0xFFFFF800  }
0x11c: {  	_ =	swait.ge [sflag:s7], $0x800  }
0x11d: {  	[sflag:s7] =	ssyncset.done $0x0  }
0x11e: {  	[sflag:s7] =	ssyncadd.s32 $0xFFFFF800  }
0x11f: {  	_ =	swait.ge [sflag:s7], $0x800  }
0x120: {  	[sflag:s7] =	ssyncset.done $0x0  }
0x121: {  	[sflag:s7] =	ssyncadd.s32 $0xFFFFF800  }
0x122: {  	_ =	swait.ge [sflag:s7], $0x800  }
0x123: {  	[sflag:s7] =	ssyncset.done $0x0  }
0x124: {  	[sflag:s7] =	ssyncadd.s32 $0xFFFFF800  }
0x125: {  	_ =	swait.ge [sflag:s7], $0x800  }
0x126: {  	[sflag:s7] =	ssyncset.done $0x0  }
0x127: {  	[sflag:s7] =	ssyncadd.s32 $0xFFFFF800  }
0x128: {  	_ =	swait.ge [sflag:s7], $0x800  }
0x129: {  	[sflag:s7] =	ssyncset.done $0x0  }
0x12a: {  	s0 =	rddreg [dreg:$0x6];
	[sflag:s7] =	ssyncadd.s32 $0xFFFFF800  }
0x12b: {  	[hbm4b:s0+s2] =	stream.linear.scatter [tilespmem:s5], [sflag:$0x2], $0x14000, $0x38;
	[tilespmem:$0x1A240] =	vst v63  }
0x12c: {  	_ =	swait.ge [sflag:s4], $0x14000  }
0x12d: {  	[sflag:s4] =	ssyncset.done $0x0  }
0x12e: {  	s14 =	rddreg [dreg:$0x3];
	[sflag:s4] =	ssyncadd.s32 $0xFFFEC000  }
0x12f: {  	[tilespmem:s6], [sflag:$0x2] =	stream.linear.gather [hbm4b:s14+s2], $0x2720, $0x38;
	[tilespmem:$0x1A240] =	vst v63  }
0x130: {  	_ =	swait.ge [sflag:s4], $0x2720  }
0x131: {  	[sflag:s4] =	ssyncset.done $0x0  }
0x132: {  	s15 =	rddreg [dreg:$0x4];
	[sflag:s4] =	ssyncadd.s32 $0xFFFFD8E0  }
0x133: {  	[spmem:s15] =	stream.linear.scatter [tilespmem:s6], [sflag:$0x2], $0x2720, $0x38;
	[tilespmem:$0x1A240] =	vst v63  }
0x134: {  	_ =	swait.ge [sflag:s4], $0x2720  }
0x135: {  	[sflag:s4] =	ssyncset.done $0x0  }
0x136: {  	s16 =	rddreg [dreg:$0x5];
	[sflag:s4] =	ssyncadd.s32 $0xFFFFD8E0  }
0x137: {  	[tilespmem:s2], [sflag:$0x2] =	stream.linear.gather [hbm4b:s16+s2], $0x1400, $0x38;
	[tilespmem:$0x1A240] =	vst v63  }
0x138: {  	_ =	swait.ge [sflag:s4], $0x1400  }
0x139: {  	[sflag:s4] =	ssyncset.done $0x0  }
0x13a: {  	[sflag:s4] =	ssyncadd.s32 $0xFFFFEC00  }
0x13b: {  	[bflag:$0x0] =	sbarrier.arrive $0xFFFF  }
0x13c: {  	s17 =	rddreg [dreg:$0xa]  }
0x13d: {  	s9 =	rddreg [dreg:$0xf]  }
0x13e: {  	s10 =	rddreg [dreg:$0xb]  }
0x13f: {  	s11 =	rddreg [dreg:$0x9]  }
0x140: {  	[tilespmem:s5], [sflag:$0x1] =	stream.indirect.gather [spmem:s3], $0x10, s2, s8, $0xb8;
	[tilespmem:$0x1A240] =	vst v63  }
0x141: {  	s12 =	rddreg [dreg:$0x7]  }
0x142: {  	s13 =	rddreg [dreg:$0xd]  }
0x143: {  	s14 =	rddreg [dreg:$0x8]  }
0x144: {  	[tilespmem:s12], [sflag:$0x1] =	stream.indirect.gather [spmem:s3], $0x10, s8, s8, $0xb8;
	[tilespmem:$0x1A240] =	vst v63  }
0x145: {  	s15 =	rddreg [dreg:$0xc]  }
0x146: {  	[tilespmem:s11], [sflag:$0x1] =	stream.indirect.gather [spmem:s3], $0x10, s14, s8, $0xb8;
	[tilespmem:$0x1A240] =	vst v63  }
0x147: {  	s16 =	rddreg [dreg:$0x10]  }
0x148: {  	[tilespmem:s10], [sflag:$0x1] =	stream.indirect.gather [spmem:s3], $0x10, s17, s8, $0xb8;
	[tilespmem:$0x1A240] =	vst v63  }
0x149: {  	s12 =	rddreg [dreg:$0xe]  }
0x14a: {  	[tilespmem:s13], [sflag:$0x1] =	stream.indirect.gather [spmem:s3], $0x10, s15, s8, $0xb8;
	[tilespmem:$0x1A240] =	vst v63  }
0x14b: {  	s14 =	rddreg [dreg:$0x11]  }
0x14c: {  	[tilespmem:s9], [sflag:$0x1] =	stream.indirect.gather [spmem:s3], $0x10, s12, s8, $0xb8;
	[tilespmem:$0x1A240] =	vst v63  }
0x14d: {  	s17 =	rddreg [dreg:$0x12]  }
0x14e: {  	[tilespmem:s14], [sflag:$0x1] =	stream.indirect.gather [spmem:s3], $0x10, s16, s8, $0xb8;
	[tilespmem:$0x1A240] =	vst v63  }
0x14f: {  	s12 =	rddreg [dreg:$0x13]  }
0x150: {  	[tilespmem:s12], [sflag:$0x1] =	stream.indirect.gather [spmem:s3], $0x10, s17, s8, $0xb8;
	[tilespmem:$0x1A240] =	vst v63  }
0x151: {  	_ =	swait.ge [sflag:s7], $0x800  }
0x152: {  	[sflag:s7] =	ssyncset.done $0x0  }
0x153: {  	[sflag:s7] =	ssyncadd.s32 $0xFFFFF800  }
0x154: {  	_ =	swait.ge [sflag:s7], $0x800  }
0x155: {  	[sflag:s7] =	ssyncset.done $0x0  }
0x156: {  	[sflag:s7] =	ssyncadd.s32 $0xFFFFF800  }
0x157: {  	_ =	swait.ge [sflag:s7], $0x800  }
0x158: {  	[sflag:s7] =	ssyncset.done $0x0  }
0x159: {  	[sflag:s7] =	ssyncadd.s32 $0xFFFFF800  }
0x15a: {  	_ =	swait.ge [sflag:s7], $0x800  }
0x15b: {  	[sflag:s7] =	ssyncset.done $0x0  }
0x15c: {  	[sflag:s7] =	ssyncadd.s32 $0xFFFFF800  }
0x15d: {  	_ =	swait.ge [sflag:s7], $0x800  }
0x15e: {  	[sflag:s7] =	ssyncset.done $0x0  }
0x15f: {  	[sflag:s7] =	ssyncadd.s32 $0xFFFFF800  }
0x160: {  	_ =	swait.ge [sflag:s7], $0x800  }
0x161: {  	[sflag:s7] =	ssyncset.done $0x0  }
0x162: {  	[sflag:s7] =	ssyncadd.s32 $0xFFFFF800  }
0x163: {  	_ =	swait.ge [sflag:s7], $0x800  }
0x164: {  	[sflag:s7] =	ssyncset.done $0x0  }
0x165: {  	[sflag:s7] =	ssyncadd.s32 $0xFFFFF800  }
0x166: {  	_ =	swait.ge [sflag:s7], $0x800  }
0x167: {  	s0 =	rddreg [dreg:$0x1a]  }
0x168: {  	s9 =	sld [smem:$0x7E0]  }
0x169: {  	s10 =	rddreg [dreg:$0x19]  }
0x16a: {  	s11 =	rddreg [dreg:$0x15]  }
0x16b: {  	s12 =	rddreg [dreg:$0x17]  }
0x16c: {  	s13 =	rddreg [dreg:$0x16]  }
0x16d: {  	s14 =	rddreg [dreg:$0x14]  }
0x16e: {  	s15 =	rddreg [dreg:$0x1b]  }
0x16f: {  	[sflag:s7] =	ssyncset.done $0x0;
	s16 =	rddreg [dreg:$0x18]  }
0x170: {  	s17 =	rddreg [dreg:$0x1d];
	[sflag:s7] =	ssyncadd.s32 $0xFFFFF800  }
0x171: {  	[tilespmem:s11], [sflag:$0x1] =	stream.indirect.gather [spmem:s3], $0x10, s14, s8, $0xb8;
	[tilespmem:$0x1A240] =	vst v63  }
0x172: {  	s11 =	rddreg [dreg:$0x1f]  }
0x173: {  	[tilespmem:s12], [sflag:$0x1] =	stream.indirect.gather [spmem:s3], $0x10, s13, s8, $0xb8;
	[tilespmem:$0x1A240] =	vst v63  }
0x174: {  	s14 =	rddreg [dreg:$0x1e]  }
0x175: {  	[tilespmem:s10], [sflag:$0x1] =	stream.indirect.gather [spmem:s3], $0x10, s16, s8, $0xb8;
	[tilespmem:$0x1A240] =	vst v63  }
0x176: {  	s13 =	rddreg [dreg:$0x1c]  }
0x177: {  	[tilespmem:s15], [sflag:$0x1] =	stream.indirect.gather [spmem:s3], $0x10, s0, s8, $0xb8;
	[tilespmem:$0x1A240] =	vst v63  }
0x178: {  	s16 =	sld [smem:$0x7E1]  }
0x179: {  	[tilespmem:s17], [sflag:$0x1] =	stream.indirect.gather [spmem:s3], $0x10, s13, s8, $0xb8;
	[tilespmem:$0x1A240] =	vst v63  }
0x17a: {  	s17 =	sld [smem:$0x7E2]  }
0x17b: {  	[tilespmem:s11], [sflag:$0x1] =	stream.indirect.gather [spmem:s3], $0x10, s14, s8, $0xb8;
	[tilespmem:$0x1A240] =	vst v63  }
0x17c: {  	s13 =	sld [smem:$0x7E3]  }
0x17d: {  	[tilespmem:s9], [sflag:$0x1] =	stream.indirect.gather [spmem:s3], $0x10, s16, s8, $0xb8;
	[tilespmem:$0x1A240] =	vst v63  }
0x17e: {  	_ = 	snop  }
0x17f: {  	[tilespmem:s17], [sflag:$0x1] =	stream.indirect.gather [spmem:s3], $0x10, s13, s8, $0xb8;
	[tilespmem:$0x1A240] =	vst v63  }
0x180: {  	_ =	swait.ge [sflag:s7], $0x800  }
0x181: {  	[sflag:s7] =	ssyncset.done $0x0  }
0x182: {  	[sflag:s7] =	ssyncadd.s32 $0xFFFFF800  }
0x183: {  	_ =	swait.ge [sflag:s7], $0x800  }
0x184: {  	[sflag:s7] =	ssyncset.done $0x0  }
0x185: {  	[sflag:s7] =	ssyncadd.s32 $0xFFFFF800  }
0x186: {  	_ =	swait.ge [sflag:s7], $0x800  }
0x187: {  	[sflag:s7] =	ssyncset.done $0x0  }
0x188: {  	[sflag:s7] =	ssyncadd.s32 $0xFFFFF800  }
0x189: {  	_ =	swait.ge [sflag:s7], $0x800  }
0x18a: {  	[sflag:s7] =	ssyncset.done $0x0  }
0x18b: {  	[sflag:s7] =	ssyncadd.s32 $0xFFFFF800  }
0x18c: {  	_ =	swait.ge [sflag:s7], $0x800  }
0x18d: {  	[sflag:s7] =	ssyncset.done $0x0  }
0x18e: {  	[sflag:s7] =	ssyncadd.s32 $0xFFFFF800  }
0x18f: {  	_ =	swait.ge [sflag:s7], $0x800  }
0x190: {  	[sflag:s7] =	ssyncset.done $0x0  }
0x191: {  	[sflag:s7] =	ssyncadd.s32 $0xFFFFF800  }
0x192: {  	_ =	swait.ge [sflag:s7], $0x800  }
0x193: {  	[sflag:s7] =	ssyncset.done $0x0  }
0x194: {  	[sflag:s7] =	ssyncadd.s32 $0xFFFFF800  }
0x195: {  	_ =	swait.ge [sflag:s7], $0x800  }
0x196: {  	s0 =	sld [smem:$0x7E4]  }
0x197: {  	s9 =	sld [smem:$0x7E5]  }
0x198: {  	s10 =	sld [smem:$0x7E6]  }
0x199: {  	s11 =	sld [smem:$0x7E7]  }
0x19a: {  	s12 =	sld [smem:$0x7E8]  }
0x19b: {  	s13 =	sld [smem:$0x7E9]  }
0x19c: {  	s14 =	sld [smem:$0x7EA]  }
0x19d: {  	s15 =	sld [smem:$0x7EB]  }
0x19e: {  	[sflag:s7] =	ssyncset.done $0x0;
	s16 =	sld [smem:$0x7EC]  }
0x19f: {  	s17 =	sld [smem:$0x7ED];
	[sflag:s7] =	ssyncadd.s32 $0xFFFFF800  }
0x1a0: {  	[tilespmem:s14], [sflag:$0x1] =	stream.indirect.gather [spmem:s3], $0x10, s13, s8, $0xb8;
	[tilespmem:$0x1A240] =	vst v63  }
0x1a1: {  	s13 =	sld [smem:$0x7EE]  }
0x1a2: {  	[tilespmem:s12], [sflag:$0x1] =	stream.indirect.gather [spmem:s3], $0x10, s16, s8, $0xb8;
	[tilespmem:$0x1A240] =	vst v63  }
0x1a3: {  	s14 =	sld [smem:$0x7F0]  }
0x1a4: {  	[tilespmem:s10], [sflag:$0x1] =	stream.indirect.gather [spmem:s3], $0x10, s9, s8, $0xb8;
	[tilespmem:$0x1A240] =	vst v63  }
0x1a5: {  	s12 =	sld [smem:$0x7EF]  }
0x1a6: {  	[tilespmem:s15], [sflag:$0x1] =	stream.indirect.gather [spmem:s3], $0x10, s17, s8, $0xb8;
	[tilespmem:$0x1A240] =	vst v63  }
0x1a7: {  	s16 =	sld [smem:$0x7F2]  }
0x1a8: {  	[tilespmem:s11], [sflag:$0x1] =	stream.indirect.gather [spmem:s3], $0x10, s13, s8, $0xb8;
	[tilespmem:$0x1A240] =	vst v63  }
0x1a9: {  	s15 =	sld [smem:$0x7F1]  }
0x1aa: {  	[tilespmem:s12], [sflag:$0x1] =	stream.indirect.gather [spmem:s3], $0x10, s14, s8, $0xb8;
	[tilespmem:$0x1A240] =	vst v63  }
0x1ab: {  	s17 =	sld [smem:$0x7F3]  }
0x1ac: {  	[tilespmem:s0], [sflag:$0x1] =	stream.indirect.gather [spmem:s3], $0x10, s15, s8, $0xb8;
	[tilespmem:$0x1A240] =	vst v63  }
0x1ad: {  	_ = 	snop  }
0x1ae: {  	[tilespmem:s16], [sflag:$0x1] =	stream.indirect.gather [spmem:s3], $0x10, s17, s8, $0xb8;
	[tilespmem:$0x1A240] =	vst v63  }
0x1af: {  	_ =	swait.ge [sflag:s7], $0x800  }
0x1b0: {  	[sflag:s7] =	ssyncset.done $0x0  }
0x1b1: {  	[sflag:s7] =	ssyncadd.s32 $0xFFFFF800  }
0x1b2: {  	_ =	swait.ge [sflag:s7], $0x800  }
0x1b3: {  	[sflag:s7] =	ssyncset.done $0x0  }
0x1b4: {  	[sflag:s7] =	ssyncadd.s32 $0xFFFFF800  }
0x1b5: {  	_ =	swait.ge [sflag:s7], $0x800  }
0x1b6: {  	[sflag:s7] =	ssyncset.done $0x0  }
0x1b7: {  	[sflag:s7] =	ssyncadd.s32 $0xFFFFF800  }
0x1b8: {  	_ =	swait.ge [sflag:s7], $0x800  }
0x1b9: {  	[sflag:s7] =	ssyncset.done $0x0  }
0x1ba: {  	[sflag:s7] =	ssyncadd.s32 $0xFFFFF800  }
0x1bb: {  	_ =	swait.ge [sflag:s7], $0x800  }
0x1bc: {  	[sflag:s7] =	ssyncset.done $0x0  }
0x1bd: {  	[sflag:s7] =	ssyncadd.s32 $0xFFFFF800  }
0x1be: {  	_ =	swait.ge [sflag:s7], $0x800  }
0x1bf: {  	[sflag:s7] =	ssyncset.done $0x0  }
0x1c0: {  	[sflag:s7] =	ssyncadd.s32 $0xFFFFF800  }
0x1c1: {  	_ =	swait.ge [sflag:s7], $0x800  }
0x1c2: {  	[sflag:s7] =	ssyncset.done $0x0  }
0x1c3: {  	[sflag:s7] =	ssyncadd.s32 $0xFFFFF800  }
0x1c4: {  	_ =	swait.ge [sflag:s7], $0x800  }
0x1c5: {  	s0 =	sld [smem:$0x7F4]  }
0x1c6: {  	s10 =	sld [smem:$0x7F5]  }
0x1c7: {  	s16 =	sld [smem:$0x7F6]  }
0x1c8: {  	s12 =	sld [smem:$0x7F7]  }
0x1c9: {  	s13 =	sld [smem:$0x7F8]  }
0x1ca: {  	[sflag:s7] =	ssyncset.done $0x0;
	s14 =	sld [smem:$0x7F9]  }
0x1cb: {  	s17 =	sld [smem:$0x7FA];
	[sflag:s7] =	ssyncadd.s32 $0xFFFFF800  }
0x1cc: {  	[tilespmem:s13], [sflag:$0x1] =	stream.indirect.gather [spmem:s3], $0x10, s12, s8, $0xb8;
	[tilespmem:$0x1A240] =	vst v63  }
0x1cd: {  	s15 =	sld [smem:$0x7FB]  }
0x1ce: {  	[tilespmem:s10], [sflag:$0x1] =	stream.indirect.gather [spmem:s3], $0x10, s16, s8, $0xb8;
	[tilespmem:$0x1A240] =	vst v63  }
0x1cf: {  	s16 =	sld [smem:$0x7FC]  }
0x1d0: {  	[tilespmem:s17], [sflag:$0x1] =	stream.indirect.gather [spmem:s3], $0x10, s14, s8, $0xb8;
	[tilespmem:$0x1A240] =	vst v63  }
0x1d1: {  	s17 =	sld [smem:$0x7FD]  }
0x1d2: {  	[tilespmem:s15], [sflag:$0x1] =	stream.indirect.gather [spmem:s3], $0x10, s16, s8, $0xb8;
	[tilespmem:$0x1A240] =	vst v63  }
0x1d3: {  	_ = 	snop  }
0x1d4: {  	[tilespmem:s0], [sflag:$0x1] =	stream.indirect.gather [spmem:s3], $0x10, s17, s8, $0xb8;
	[tilespmem:$0x1A240] =	vst v63  }
0x1d5: {  	s9 =	simm.s32 $0xE80;
	s10 =	simm.s32 $0xFC00  }
0x1d6: {  	[tilespmem:s10], [sflag:$0x1] =	stream.indirect.gather [spmem:s3], $0x10, s9, s8, $0xb8;
	[tilespmem:$0x1A240] =	vst v63  }
0x1d7: {  	s11 =	simm.s32 $0xF00;
	s12 =	simm.s32 $0x10400  }
0x1d8: {  	[tilespmem:s12], [sflag:$0x1] =	stream.indirect.gather [spmem:s3], $0x10, s11, s8, $0xb8;
	[tilespmem:$0x1A240] =	vst v63  }
0x1d9: {  	s13 =	simm.s32 $0xF80;
	s14 =	simm.s32 $0x10C00  }
0x1da: {  	[tilespmem:s14], [sflag:$0x1] =	stream.indirect.gather [spmem:s3], $0x10, s13, s8, $0xb8;
	[tilespmem:$0x1A240] =	vst v63  }
0x1db: {  	_ =	swait.ge [sflag:s7], $0x800  }
0x1dc: {  	[sflag:s7] =	ssyncset.done $0x0  }
0x1dd: {  	[sflag:s7] =	ssyncadd.s32 $0xFFFFF800  }
0x1de: {  	_ =	swait.ge [sflag:s7], $0x800  }
0x1df: {  	[sflag:s7] =	ssyncset.done $0x0  }
0x1e0: {  	[sflag:s7] =	ssyncadd.s32 $0xFFFFF800  }
0x1e1: {  	_ =	swait.ge [sflag:s7], $0x800  }
0x1e2: {  	[sflag:s7] =	ssyncset.done $0x0  }
0x1e3: {  	[sflag:s7] =	ssyncadd.s32 $0xFFFFF800  }
0x1e4: {  	_ =	swait.ge [sflag:s7], $0x800  }
0x1e5: {  	[sflag:s7] =	ssyncset.done $0x0  }
0x1e6: {  	[sflag:s7] =	ssyncadd.s32 $0xFFFFF800  }
0x1e7: {  	_ =	swait.ge [sflag:s7], $0x800  }
0x1e8: {  	[sflag:s7] =	ssyncset.done $0x0  }
0x1e9: {  	[sflag:s7] =	ssyncadd.s32 $0xFFFFF800  }
0x1ea: {  	_ =	swait.ge [sflag:s7], $0x800  }
0x1eb: {  	[sflag:s7] =	ssyncset.done $0x0  }
0x1ec: {  	[sflag:s7] =	ssyncadd.s32 $0xFFFFF800  }
0x1ed: {  	_ =	swait.ge [sflag:s7], $0x800  }
0x1ee: {  	[sflag:s7] =	ssyncset.done $0x0  }
0x1ef: {  	[sflag:s7] =	ssyncadd.s32 $0xFFFFF800  }
0x1f0: {  	_ =	swait.ge [sflag:s7], $0x800  }
0x1f1: {  	[sflag:s7] =	ssyncset.done $0x0  }
0x1f2: {  	s15 =	simm.s32 $0x1000;
	s16 =	simm.s32 $0x11400;
	[sflag:s7] =	ssyncadd.s32 $0xFFFFF800  }
0x1f3: {  	[tilespmem:s16], [sflag:$0x1] =	stream.indirect.gather [spmem:s3], $0x10, s15, s8, $0xb8;
	[tilespmem:$0x1A240] =	vst v63  }
0x1f4: {  	s17 =	simm.s32 $0x1080  }
0x1f5: {  	[tilespmem:s18], [sflag:$0x1] =	stream.indirect.gather [spmem:s3], $0x10, s17, s8, $0xb8;
	[tilespmem:$0x1A240] =	vst v63  }
0x1f6: {  	_ = 	snop  }
0x1f7: {  	[tilespmem:s20], [sflag:$0x1] =	stream.indirect.gather [spmem:s3], $0x10, s19, s8, $0xb8;
	[tilespmem:$0x1A240] =	vst v63  }
0x1f8: {  	_ = 	snop  }
0x1f9: {  	[tilespmem:s22], [sflag:$0x1] =	stream.indirect.gather [spmem:s3], $0x10, s21, s8, $0xb8;
	[tilespmem:$0x1A240] =	vst v63  }
0x1fa: {  	_ = 	snop  }
0x1fb: {  	[tilespmem:s24], [sflag:$0x1] =	stream.indirect.gather [spmem:s3], $0x10, s23, s8, $0xb8;
	[tilespmem:$0x1A240] =	vst v63  }
0x1fc: {  	_ = 	snop  }
0x1fd: {  	[tilespmem:s26], [sflag:$0x1] =	stream.indirect.gather [spmem:s3], $0x10, s25, s8, $0xb8;
	[tilespmem:$0x1A240] =	vst v63  }
0x1fe: {  	p0 =	sne.s32 s1, $0x1  }
0x1ff: {  	[tilespmem:s29], [sflag:$0x1] =	stream.indirect.gather [spmem:s3], $0x10, s28, s8, $0xb8;
	[tilespmem:$0x1A240] =	vst v63  }
.Ltmp1:
0x200: {  	_ = 	snop;
	(pc) =	sbr.rel @p0 .LBB2_1-.Ltmp1, $4  }
0x201: {  	[tilespmem:s31], [sflag:$0x1] =	stream.indirect.gather [spmem:s3], $0x10, s30, s8, $0xb8;
	[tilespmem:$0x1A240] =	vst v63  }
0x202: {  	_ =	swait.ge [sflag:s7], $0x800  }
0x203: {  	[sflag:s7] =	ssyncset.done $0x0  }
0x204: {  	s1 =	sadd.s32 $0xFFFFFFFF, s1;
	[sflag:s7] =	ssyncadd.s32 $0xFFFFF800  }
.LBB2_2:
0x205: {  	_ =	swait.ge [sflag:s7], $0x800  }
0x206: {  	[sflag:s7] =	ssyncset.done $0x0  }
0x207: {  	[sflag:s7] =	ssyncadd.s32 $0xFFFFF800  }
0x208: {  	_ =	swait.ge [sflag:s7], $0x800  }
0x209: {  	[sflag:s7] =	ssyncset.done $0x0  }
0x20a: {  	[sflag:s7] =	ssyncadd.s32 $0xFFFFF800  }
0x20b: {  	_ =	swait.ge [sflag:s7], $0x800  }
0x20c: {  	[sflag:s7] =	ssyncset.done $0x0  }
0x20d: {  	[sflag:s7] =	ssyncadd.s32 $0xFFFFF800  }
0x20e: {  	_ =	swait.ge [sflag:s7], $0x800  }
0x20f: {  	[sflag:s7] =	ssyncset.done $0x0  }
0x210: {  	[sflag:s7] =	ssyncadd.s32 $0xFFFFF800  }
0x211: {  	_ =	swait.ge [sflag:s7], $0x800  }
0x212: {  	[sflag:s7] =	ssyncset.done $0x0  }
0x213: {  	[sflag:s7] =	ssyncadd.s32 $0xFFFFF800  }
0x214: {  	_ =	swait.ge [sflag:s7], $0x800  }
0x215: {  	[sflag:s7] =	ssyncset.done $0x0  }
0x216: {  	[sflag:s7] =	ssyncadd.s32 $0xFFFFF800  }
0x217: {  	_ =	swait.ge [sflag:s7], $0x800  }
0x218: {  	[sflag:s7] =	ssyncset.done $0x0  }
0x219: {  	s0 =	rddreg [dreg:$0x6];
	[sflag:s7] =	ssyncadd.s32 $0xFFFFF800  }
0x21a: {  	[hbm4b:s0+s2] =	stream.linear.scatter [tilespmem:s5], [sflag:$0x2], $0x14000, $0x38;
	[tilespmem:$0x1A240] =	vst v63  }
0x21b: {  	_ =	swait.ge [sflag:s4], $0x14000  }
0x21c: {  	[sflag:s4] =	ssyncset.done $0x0  }
0x21d: {  	[sflag:s4] =	ssyncadd.s32 $0xFFFEC000  }
0x21e: {  	_ =	sfence.sel $0x180000  }
0x21f: {  	[bflag:$0x0] =	sbarrier.arrive $0xFFFF  }
0x220: {  	_ =	strace $0x90000050  }
0x221: {  	s31 =	stileid.u32;
	[bflag:$0x2] =	sbarrier.arrive $0xFFFF  }
0x222: {  	p0 =	sne.s32 s31, $0x0;
	s0 =	rddreg [dreg:$0x2]  }
0x223: {  	s0 =	sadd.s32 @!p0 $0x100000, s0  }
0x224: {  	[sflag:s0] =	ssyncadd.tile.s32 @!p0 $0x1;
	_ =	shalt  }
.Lfunc_end2:
_tile_overlayer_lowered:
.L_overlay_start_2:
0x225: {  	(tag) =	ssettag $0x2  }
0x226: {  	s0 =	rddreg [dreg:$0x0];
	s2 =	stileid.u32  }
0x227: {  	s1 =	rddreg [dreg:$0x1];
	p0 =	sne.s32 s2, $0x0  }
0x228: {  	s3 =	rddreg [dreg:$0x2];
	[bflag:$0x3] =	sbarrier.arrive $0xFFFF;
	s2 =	simm.s32 @!p0 $0x1C02  }
0x229: {  	[timem:s3], [sflag:s2] =	dma.local @!p0 [hbm:s0], s1  }
0x22a: {  	s0 =	simm.s32 @!p0 $0x2  }
0x22b: {  	_ =	swait.ge @!p0 [sflag:s0], s1  }
0x22c: {  	s1 =	ssub.s32 @!p0 $0x0, s1;
	[sflag:s0] =	ssyncset.done @!p0 $0x0  }
0x22d: {  	[sflag:s0] =	ssyncadd.s32 @!p0 s1  }
0x22e: {  	[bflag:$0x3] =	sbarrier.arrive $0xFFFF  }
0x22f: {  	_ =	shalt  }

// kernel: kernel.29.cloned.1.call-start
scs
__scs_entry_jumppad:
0x0: {  	(pc) =	sbr.rel $0x88, $3  }
0x1: {  	(tag) =	ssettag $0x0;
	lr =	simm.s32 $0x1  }
0x2: {  	[smem:$0x3F85] =	sst lr;
	_ =	strace $0xD0000000  }
0x3: {  	_ = 	snop  }
0x4: {  	_ = 	snop  }
0x5: {  	_ = 	snop  }
0x6: {  	_ = 	snop  }
0x7: {  	_ = 	snop  }
__scs_overlays_trampoline_lowered:
0x8: {  	[smem:$0x3F94] =	sst s0  }
0x9: {  	[smem:$0x3F95] =	sst s1  }
0xa: {  	[smem:$0x3F96] =	sst s2  }
0xb: {  	[smem:$0x3F97] =	sst s3  }
0xc: {  	[smem:$0x3F98] =	sst s4  }
0xd: {  	[smem:$0x3F99] =	sst s5  }
0xe: {  	[smem:$0x3F9A] =	sst s6  }
0xf: {  	[smem:$0x3F9B] =	sst s7  }
0x10: {  	[smem:$0x3F9C] =	sst s8  }
0x11: {  	[smem:$0x3F9D] =	sst s9;
	s0 =	simm.s32 @!p0 $0x0  }
0x12: {  	s1 =	sld [smem:$0x3F83];
	s0 =	simm.s32 @p0 $0x1  }
0x13: {  	[smem:$0x3F9E] =	sst s0;
	s0 =	simm.s32 @!p1 $0x0  }
0x14: {  	s2 =	sld [smem:$0x3F82];
	s0 =	simm.s32 @p1 $0x1  }
0x15: {  	[smem:$0x3F9F] =	sst s0;
	s0 =	simm.s32 @!p2 $0x0  }
0x16: {  	s3 =	sld [smem:$0x3FDB];
	s0 =	simm.s32 @p2 $0x1  }
0x17: {  	s4 =	simm.s32 $0x1BF5;
	[smem:$0x3FA1] =	sst s0  }
0x18: {  	s0 =	sld [smem:$0x3F84];
	_ =	swait.ge [sflag:s4], $0x0  }
0x19: {  	s7 =	sld [smem:$0x3F85]  }
0x1a: {  	s8 =	sadd.s32 $0xFFFFE003, lr  }
0x1b: {  	s9 =	sadd.s32 $0xFFFFFEF7, lr;
	s5 =	simm.s32 $0xFFFFFFFF;
	p2 =	slt.u32 s8, $0xFFFFF086  }
0x1c: {  	p1 =	slt.u32 s9, $0xF7A;
	s5 =	simm.s32 @!p2 $0x0  }
0x1d: {  	s5 =	simm.s32 @p1 $0x1;
	p0 =	seq.s32 s7, s2  }
0x1e: {  	s7 =	smul.u32 @!p0 $0xF7A, s2;
	p2 =	seq.s32 @!p0 s5, $0x0  }
0x1f: {  	s9 =	smul.u32 $0xF7A, s1;
	s8 =	simm.s32 @!p0 $0x1BF5;
	p2 =	por !p2, p0  }
0x20: {  	[sflag:s8] =	ssyncset.s32 @!p0 $0xFFFFF086;
	s6 =	sadd.s32 @!p0 s3, s7;
	s7 =	simm.s32 @!p0 $0x108  }
0x21: {  	s3 =	sadd.s32 s3, s9;
	s6 =	sadd.s32 @!p0 $0x88, s6;
	s7 =	simm.s32 @p2 $0x1082  }
0x22: {  	[simem:s7], [sflag:s8] =	dma.local @!p0 [hbm:s6], $0xF7A  }
0x23: {  	s9 =	sor.u32 $0xD0000000, s2;
	s6 =	simm.s32 $0x108;
	_ =	swait.ge @!p0 [sflag:s8], $0x0  }
0x24: {  	s3 =	sadd.s32 $0x88, s3;
	s6 =	simm.s32 @!p1 $0x1082;
	[sflag:s4] =	ssyncset.s32 $0xFFFFF086  }
0x25: {  	[simem:s6], [sflag:s4] =	dma.local [hbm:s3], $0xF7A  }
0x26: {  	[smem:$0x3F85] =	sst s1;
	(tag) =	ssettag s2;
	_ =	strace s9  }
0x27: {  	s1 =	sld [smem:$0x3F95]  }
0x28: {  	s2 =	sld [smem:$0x3F96]  }
0x29: {  	s4 =	sld [smem:$0x3F98]  }
0x2a: {  	p0 =	seq.s32 s5, $0x0;
	s5 =	sld [smem:$0x3F99]  }
0x2b: {  	s6 =	sld [smem:$0x3F9A]  }
0x2c: {  	s7 =	sld [smem:$0x3F9B]  }
0x2d: {  	s3 =	simm.s32 $0x108;
	s8 =	sld [smem:$0x3F9C]  }
0x2e: {  	s3 =	simm.s32 @!p0 $0x1082;
	s9 =	sld [smem:$0x3F9D]  }
0x2f: {  	lr =	sadd.s32 s0, s3;
	s0 =	sld [smem:$0x3F94]  }
0x30: {  	s3 =	sld [smem:$0x3F97]  }
0x31: {  	[smem:$0x3FA0] =	sst s10  }
0x32: {  	s10 =	sld [smem:$0x3F9E];
	_ =	sdelay $0x3  }
0x33: {  	p0 =	seq.s32 s10, $0x1;
	s10 =	sld [smem:$0x3FA0];
	_ =	sdelay $0x3  }
0x34: {  	[smem:$0x3FA0] =	sst s10  }
0x35: {  	s10 =	sld [smem:$0x3F9F];
	_ =	sdelay $0x3  }
0x36: {  	p1 =	seq.s32 s10, $0x1;
	s10 =	sld [smem:$0x3FA0];
	_ =	sdelay $0x3  }
0x37: {  	[smem:$0x3FA0] =	sst s10  }
0x38: {  	s10 =	sld [smem:$0x3FA1]  }
0x39: {  	_ = 	snop;
	(pc) =	sbr.ind lr, $3  }
0x3a: {  	_ = 	snop  }
0x3b: {  	_ = 	snop  }
0x3c: {  	p2 =	seq.s32 s10, $0x1;
	s10 =	sld [smem:$0x3FA0]  }
0x3d: {  	_ =	shalt  }
0x3e: {  	_ =	shalt  }
0x3f: {  	_ =	shalt  }
0x40: {  	_ =	shalt  }
0x41: {  	_ =	shalt  }
0x42: {  	_ =	shalt  }
0x43: {  	_ =	shalt  }
0x44: {  	_ =	shalt  }
0x45: {  	_ =	shalt  }
0x46: {  	_ =	shalt  }
0x47: {  	_ =	shalt  }
0x48: {  	_ =	shalt  }
0x49: {  	_ =	shalt  }
0x4a: {  	_ =	shalt  }
0x4b: {  	_ =	shalt  }
0x4c: {  	_ =	shalt  }
0x4d: {  	_ =	shalt  }
0x4e: {  	_ =	shalt  }
0x4f: {  	_ =	shalt  }
0x50: {  	_ =	shalt  }
0x51: {  	_ =	shalt  }
0x52: {  	_ =	shalt  }
0x53: {  	_ =	shalt  }
0x54: {  	_ =	shalt  }
0x55: {  	_ =	shalt  }
0x56: {  	_ =	shalt  }
0x57: {  	_ =	shalt  }
0x58: {  	_ =	shalt  }
0x59: {  	_ =	shalt  }
0x5a: {  	_ =	shalt  }
0x5b: {  	_ =	shalt  }
0x5c: {  	_ =	shalt  }
0x5d: {  	_ =	shalt  }
0x5e: {  	_ =	shalt  }
0x5f: {  	_ =	shalt  }
0x60: {  	_ =	shalt  }
0x61: {  	_ =	shalt  }
0x62: {  	_ =	shalt  }
0x63: {  	_ =	shalt  }
0x64: {  	_ =	shalt  }
0x65: {  	_ =	shalt  }
0x66: {  	_ =	shalt  }
0x67: {  	_ =	shalt  }
0x68: {  	_ =	shalt  }
0x69: {  	_ =	shalt  }
0x6a: {  	_ =	shalt  }
0x6b: {  	_ =	shalt  }
0x6c: {  	_ =	shalt  }
0x6d: {  	_ =	shalt  }
0x6e: {  	_ =	shalt  }
0x6f: {  	_ =	shalt  }
0x70: {  	_ =	shalt  }
0x71: {  	_ =	shalt  }
0x72: {  	_ =	shalt  }
0x73: {  	_ =	shalt  }
0x74: {  	_ =	shalt  }
0x75: {  	_ =	shalt  }
0x76: {  	_ =	shalt  }
0x77: {  	_ =	shalt  }
0x78: {  	_ =	shalt  }
0x79: {  	_ =	shalt  }
0x7a: {  	_ =	shalt  }
0x7b: {  	_ =	shalt  }
0x7c: {  	_ =	shalt  }
0x7d: {  	_ =	shalt  }
0x7e: {  	_ =	shalt  }
0x7f: {  	_ =	shalt  }
0x80: {  	_ =	shalt  }
0x81: {  	_ =	shalt  }
0x82: {  	_ =	shalt  }
0x83: {  	_ =	shalt  }
0x84: {  	_ =	shalt  }
0x85: {  	_ =	shalt  }
0x86: {  	_ =	shalt  }
0x87: {  	_ =	shalt  }
.Lfunc_end0:
.L_simem_size_0:
called_computation.4_lowered:
.L_overlay_start_0:
0x88: {  	s2 =	sld [smem:$0x3FD9]  }
0x89: {  	s3 =	sld [smem:$0x3FFE];
	_ =	sdelay $0x1  }
0x8a: {  	s1 =	srdreg.scid  }
0x8b: {  	s0 =	sand.u32 $0x1, s1  }
0x8c: {  	s16 =	sshll.u32 s0, $0xA;
	s2 =	sadd.s32 s3, s2  }
0x8d: {  	s2 =	sadd.s32 s2, s16  }
0x8e: {  	[smem:$0x3FAC] =	sst s2  }
0x8f: {  	_ = 	snop  }
0x90: {  	(tm) =	ssettm $0x1  }
0x91: {  	s17 =	sld [smem:$0x3FFB];
	_ =	sdelay $0x3  }
0x92: {  	_ =	strace s17  }
0x93: {  	s2 =	sld [smem:$0x3FFC];
	_ =	sdelay $0x3  }
0x94: {  	_ =	strace s2  }
0x95: {  	s2 =	sld [smem:$0x3FFD];
	_ =	sdelay $0x3  }
0x96: {  	_ =	strace s2  }
0x97: {  	_ =	strace $0x8FFFFFFF  }
0x98: {  	s18 =	sld [smem:$0x3FDB];
	_ =	sdelay $0x1  }
0x99: {  	s19 =	simm.s32 $_scs_section_size  }
0x9a: {  	s4 =	simm.s32 $_size__tile_overlayer_lowered;
	s5 =	simm.s32 $_tile_overlayer_lowered  }
0x9b: {  	s22 =	simm.s32 $0x1BFF;
	s21 =	sshll.u32 s5, $0x1;
	s2 =	sadd.s32 s19, s18  }
0x9c: {  	s6 =	simm.s32 $0x0;
	s20 =	sshll.u32 s4, $0x1;
	s4 =	sadd.s32 s21, s2  }
0x9d: {  	[timem:s6], [sflag:s22] =	dma.local [hbm:s4], s20  }
0x9e: {  	_ =	swait.ge [sflag:s22], s20  }
0x9f: {  	s3 =	ssub.s32 $0x0, s20;
	[sflag:s22] =	ssyncset.done $0x0  }
0xa0: {  	[sflag:s22] =	ssyncadd.s32 s3;
	_ =	sdelay $0x1  }
0xa1: {  	s23 =	simm.s32 $0x1B8B  }
0xa2: {  	_ =	swait.ge [sflag:s23], $0x1  }
0xa3: {  	[sflag:s23] =	ssyncset.done $0x0  }
0xa4: {  	s25 =	simm.s32 $0x1B8E;
	s24 =	sld [smem:$0x3FFE];
	[sflag:s23] =	ssyncadd.s32 $0xFFFFFFFF  }
0xa5: {  	s26 =	simm.s32 $execute0_lowered;
	[smem:$0x3FD2] =	sst s25  }
0xa6: {  	s4 =	sshll.u32 s26, $0x1;
	_ =	strace $0x80000052;
	[dreg:$0x1] =	wrdreg $0xFFFFFFFF  }
0xa7: {  	s28 =	simm.s32 $_size_execute0_lowered;
	s2 =	sadd.s32 s2, s4;
	[dreg:$0x0] =	wrdreg $0x0  }
0xa8: {  	s4 =	sshll.u32 s28, $0x1;
	[dreg:$0x2] =	wrdreg s2  }
0xa9: {  	[dreg:$0x3] =	wrdreg s4  }
0xaa: {  	[dreg:$0x4] =	wrdreg $0xC0  }
0xab: {  	_ =	task [dreg:s6], $0x5FFFF  }
0xac: {  	[dreg:$0x1] =	wrdreg $0xFFFFFFFF  }
0xad: {  	[dreg:$0x0] =	wrdreg $0x60  }
0xae: {  	[dreg:$0x2] =	wrdreg s24  }
0xaf: {  	[dreg:$0x3] =	wrdreg $0x17B200  }
0xb0: {  	[dreg:$0x4] =	wrdreg $0x9  }
0xb1: {  	_ =	task.clear_ibuf [dreg:s6], $0x5FFFF;
	_ =	strace $0x90000052  }
0xb2: {  	s29 =	simm.s32 $0x9;
	_ =	strace $0x80000054  }
0xb3: {  	_ =	swait.ge [sflag:s29], $0x1  }
0xb4: {  	[sflag:s29] =	ssyncadd.s32 $0xFFFFFFFF  }
0xb5: {  	_ =	strace $0x90000054  }
0xb6: {  	_ =	sfence  }
0xb7: {  	s30 =	sld [smem:$0x0];
	_ =	sdelay $0x2  }
0xb8: {  	s31 =	sshll.u32 s1, $0xD;
	s1 =	sshrl.u32 s1, $0x2  }
0xb9: {  	s3 =	sand.u32 $0x4000, s31;
	s1 =	sadd.s32 s1, s30  }
0xba: {  	s0 =	sor.u32 s3, s0;
	s1 =	sshll.u32 s1, $0x11  }
0xbb: {  	s0 =	sor.u32 s1, s0  }
0xbc: {  	s0 =	sadd.s32 $0x8F2B, s0  }
0xbd: {  	[sflag:s0] =	ssyncadd.remote.s32 $0x1  }
0xbe: {  	_ =	sfence.sel $0xFFFF  }
0xbf: {  	[dreg:$0x0] =	wrdreg $0xFFFFFFFF;
	(pc) =	sbr.abs _section_cstart, $3  }
0xc0: {  	[dreg:$0x1] =	wrdreg $0xFFFFFFFF  }
0xc1: {  	_ =	task.clear_ibuf [dreg:s6], $0x2FFFF;
	_ =	strace $0x9FFFFFFF  }
0xc2: {  	(tm) =	ssettm $0x7FFFFFFF  }
0xc3: {  	_ =	shalt  }
tec
execute0_lowered:
.L_overlay_start_1:
0x0: {  	(tag) =	ssettag $0x1  }
0x1: {  	s1 =	srdreg.scid  }
0x2: {  	s0 =	stileid.u32;
	s5 =	rddreg [dreg:$0x0]  }
0x3: {  	s2 =	rddreg [dreg:$0x1];
	s8 =	smul.u32 $0x2720, s0  }
0x4: {  	s4 =	sand.u32 $0x1, s1;
	s29 =	sshll.u32 s0, $0x1;
	s9 =	smul.u32 $0x4E4, s0  }
0x5: {  	s3 =	simm.s32 $0x0;
	s1 =	sor.u32 s4, s29;
	s30 =	smul.u32 $0x4E40, s4  }
0x6: {  	s13 =	simm.s32 $0x0;
	[smem:$0x7FF] =	sst s3;
	s6 =	smul.u32 $0x2800, s1  }
0x7: {  	s4 =	ssub.s32 $0x2, s4;
	s7 =	smul.u32 $0x280, s1;
	s1 =	rddreg [dreg:$0x2]  }
0x8: {  	_ =	strace $0x80000053;
	s11 =	sshrl.u32 s8, $0x3;
	s31 =	sshrl.u32 s4, $0x1  }
0x9: {  	s11 =	sadd.s32 s11, s5;
	s10 =	sadd.s32 s6, s5;
	s7 =	sadd.s32 s7, s5  }
0xa: {  	s6 =	sadd.s32 s9, s30;
	s9 =	ssub.s32 s4, s31;
	s4 =	sadd.s32 $0x89400, s11  }
0xb: {  	s11 =	simm.s32 $0x1;
	s12 =	sadd.s32 s6, s5;
	s5 =	sadd.s32 s8, s2  }
0xc: {  	s6 =	sadd.s32 $0x84400, s7;
	s7 =	sadd.s32 $0x8E400, s10;
	s9 =	smax.u32 s9, $0x1  }
0xd: {  	s10 =	simm.s32 $0x15400;
	s8 =	sadd.s32 $0x8200, s12;
	s12 =	simm.s32 $0x80  }
.LBB2_1:
0xe: {  	[tilespmem:s10], [sflag:$0x1] =	stream.linear.gather [hbm4b:s4+s3], $0x2720, $0x38;
	[tilespmem:$0x1A240] =	vst v63  }
0xf: {  	_ =	swait.ge [sflag:s11], $0x2720  }
0x10: {  	[sflag:s11] =	ssyncset.done $0x0  }
0x11: {  	[sflag:s11] =	ssyncadd.s32 $0xFFFFD8E0  }
0x12: {  	[spmem:s5] =	stream.linear.scatter [tilespmem:s10], [sflag:$0x1], $0x2720, $0x38;
	[tilespmem:$0x1A240] =	vst v63  }
0x13: {  	_ =	swait.ge [sflag:s11], $0x2720  }
0x14: {  	[sflag:s11] =	ssyncset.done $0x0  }
0x15: {  	[sflag:s11] =	ssyncadd.s32 $0xFFFFD8E0  }
0x16: {  	[tilespmem:s3], [sflag:$0x1] =	stream.linear.gather [hbm4b:s6+s3], $0x1400, $0x38;
	[tilespmem:$0x1A240] =	vst v63  }
0x17: {  	_ =	swait.ge [sflag:s11], $0x1400  }
0x18: {  	[sflag:s11] =	ssyncset.done $0x0  }
0x19: {  	s14 =	simm.s32 $0x1400;
	[sflag:s11] =	ssyncadd.s32 $0xFFFFEC00  }
0x1a: {  	[tilespmem:s14], [sflag:$0x1] =	stream.linear.gather [hbm4b:s7+s3], $0x14000, $0x38;
	[tilespmem:$0x1A240] =	vst v63  }
0x1b: {  	_ =	swait.ge [sflag:s11], $0x14000  }
0x1c: {  	[sflag:s11] =	ssyncset.done $0x0  }
0x1d: {  	[sflag:s11] =	ssyncadd.s32 $0xFFFEC000  }
0x1e: {  	s15 =	simm.s32 $0x0;
	[bflag:$0x0] =	sbarrier.arrive $0xFFFF  }
0x1f: {  	[spmem:s2] =	stream.indirect.scatter.add.f32 [tilespmem:s14], [sflag:$0x1], $0x10, s15, s12, $0xb8;
	[tilespmem:$0x1A240] =	vst v63  }
0x20: {  	_ =	swait.ge [sflag:s11], $0x800  }
0x21: {  	s15 =	simm.s32 $0x200;
	[sflag:s11] =	ssyncset.done $0x0  }
.LBB2_2:
0x22: {  	s16 =	sshra.s32 s15, $0x2  }
0x23: {  	[sflag:s11] =	ssyncadd.s32 $0xFFFFF800;
	s14 =	sadd.s32 $0x800, s14;
	p0 =	sne.s32 s15, $0x4E00  }
0x24: {  	[spmem:s2] =	stream.indirect.scatter.add.f32 [tilespmem:s14], [sflag:$0x1], $0x10, s16, s12, $0xb8;
	[tilespmem:$0x1A240] =	vst v63  }
.Ltmp0:
0x25: {  	_ = 	snop;
	(pc) =	sbr.rel @p0 .LBB2_2-.Ltmp0, $4  }
0x26: {  	_ = 	snop  }
0x27: {  	s15 =	sadd.s32 $0x200, s15  }
0x28: {  	_ =	swait.ge [sflag:s11], $0x800  }
0x29: {  	[sflag:s11] =	ssyncset.done $0x0  }
0x2a: {  	[sflag:s11] =	ssyncadd.s32 $0xFFFFF800  }
0x2b: {  	[bflag:$0x0] =	sbarrier.arrive $0xFFFF  }
0x2c: {  	[tilespmem:s10], [sflag:$0x1] =	stream.linear.gather [spmem:s5], $0x2720, $0x38;
	[tilespmem:$0x1A240] =	vst v63  }
0x2d: {  	s13 =	sadd.s32 $0x1, s13;
	_ =	swait.ge [sflag:s11], $0x2720  }
0x2e: {  	p0 =	sne.s32 s13, s9;
	[sflag:s11] =	ssyncset.done $0x0  }
.Ltmp1:
0x2f: {  	[sflag:s11] =	ssyncadd.s32 $0xFFFFD8E0;
	(pc) =	sbr.rel @p0 .LBB2_1-.Ltmp1, $4  }
0x30: {  	[hbm4b:s8+s3] =	stream.linear.scatter [tilespmem:s10], [sflag:$0x1], $0x2720, $0x38;
	[tilespmem:$0x1A240] =	vst v63  }
0x31: {  	_ =	swait.ge [sflag:s11], $0x2720  }
0x32: {  	[sflag:s11] =	ssyncset.done $0x0  }
0x33: {  	[sflag:s11] =	ssyncadd.s32 $0xFFFFD8E0  }
0x34: {  	_ =	sfence.sel $0x180000  }
0x35: {  	[bflag:$0x0] =	sbarrier.arrive $0xFFFF  }
0x36: {  	p0 =	sne.s32 s0, $0x0;
	_ =	strace $0x90000053  }
0x37: {  	s0 =	sadd.s32 @!p0 $0x100000, s1;
	[bflag:$0x2] =	sbarrier.arrive $0xFFFF  }
0x38: {  	[sflag:s0] =	ssyncadd.tile.s32 @!p0 $0x1;
	_ =	shalt  }
.Lfunc_end2:
_tile_overlayer_lowered:
.L_overlay_start_2:
0x39: {  	(tag) =	ssettag $0x2  }
0x3a: {  	s0 =	rddreg [dreg:$0x0];
	s2 =	stileid.u32  }
0x3b: {  	s1 =	rddreg [dreg:$0x1];
	p0 =	sne.s32 s2, $0x0  }
0x3c: {  	s3 =	rddreg [dreg:$0x2];
	[bflag:$0x3] =	sbarrier.arrive $0xFFFF;
	s2 =	simm.s32 @!p0 $0x1C01  }
0x3d: {  	[timem:s3], [sflag:s2] =	dma.local @!p0 [hbm:s0], s1  }
0x3e: {  	s0 =	simm.s32 @!p0 $0x1  }
0x3f: {  	_ =	swait.ge @!p0 [sflag:s0], s1  }
0x40: {  	s1 =	ssub.s32 @!p0 $0x0, s1;
	[sflag:s0] =	ssyncset.done @!p0 $0x0  }
0x41: {  	[sflag:s0] =	ssyncadd.s32 @!p0 s1  }
0x42: {  	[bflag:$0x3] =	sbarrier.arrive $0xFFFF  }
0x43: {  	_ =	shalt  }

// kernel: kernel.32.cloned.1.call-start
scs
__scs_entry_jumppad:
0x0: {  	(pc) =	sbr.rel $0x88, $3  }
0x1: {  	(tag) =	ssettag $0x0;
	lr =	simm.s32 $0x1  }
0x2: {  	[smem:$0x3F85] =	sst lr;
	_ =	strace $0xD0000000  }
0x3: {  	_ = 	snop  }
0x4: {  	_ = 	snop  }
0x5: {  	_ = 	snop  }
0x6: {  	_ = 	snop  }
0x7: {  	_ = 	snop  }
__scs_overlays_trampoline_lowered:
0x8: {  	[smem:$0x3F94] =	sst s0  }
0x9: {  	[smem:$0x3F95] =	sst s1  }
0xa: {  	[smem:$0x3F96] =	sst s2  }
0xb: {  	[smem:$0x3F97] =	sst s3  }
0xc: {  	[smem:$0x3F98] =	sst s4  }
0xd: {  	[smem:$0x3F99] =	sst s5  }
0xe: {  	[smem:$0x3F9A] =	sst s6  }
0xf: {  	[smem:$0x3F9B] =	sst s7  }
0x10: {  	[smem:$0x3F9C] =	sst s8  }
0x11: {  	[smem:$0x3F9D] =	sst s9;
	s0 =	simm.s32 @!p0 $0x0  }
0x12: {  	s1 =	sld [smem:$0x3F83];
	s0 =	simm.s32 @p0 $0x1  }
0x13: {  	[smem:$0x3F9E] =	sst s0;
	s0 =	simm.s32 @!p1 $0x0  }
0x14: {  	s2 =	sld [smem:$0x3F82];
	s0 =	simm.s32 @p1 $0x1  }
0x15: {  	[smem:$0x3F9F] =	sst s0;
	s0 =	simm.s32 @!p2 $0x0  }
0x16: {  	s3 =	sld [smem:$0x3FDB];
	s0 =	simm.s32 @p2 $0x1  }
0x17: {  	s4 =	simm.s32 $0x1BF5;
	[smem:$0x3FA1] =	sst s0  }
0x18: {  	s0 =	sld [smem:$0x3F84];
	_ =	swait.ge [sflag:s4], $0x0  }
0x19: {  	s7 =	sld [smem:$0x3F85]  }
0x1a: {  	s8 =	sadd.s32 $0xFFFFE003, lr  }
0x1b: {  	s9 =	sadd.s32 $0xFFFFFEF7, lr;
	s5 =	simm.s32 $0xFFFFFFFF;
	p2 =	slt.u32 s8, $0xFFFFF086  }
0x1c: {  	p1 =	slt.u32 s9, $0xF7A;
	s5 =	simm.s32 @!p2 $0x0  }
0x1d: {  	s5 =	simm.s32 @p1 $0x1;
	p0 =	seq.s32 s7, s2  }
0x1e: {  	s7 =	smul.u32 @!p0 $0xF7A, s2;
	p2 =	seq.s32 @!p0 s5, $0x0  }
0x1f: {  	s9 =	smul.u32 $0xF7A, s1;
	s8 =	simm.s32 @!p0 $0x1BF5;
	p2 =	por !p2, p0  }
0x20: {  	[sflag:s8] =	ssyncset.s32 @!p0 $0xFFFFF086;
	s6 =	sadd.s32 @!p0 s3, s7;
	s7 =	simm.s32 @!p0 $0x108  }
0x21: {  	s3 =	sadd.s32 s3, s9;
	s6 =	sadd.s32 @!p0 $0x88, s6;
	s7 =	simm.s32 @p2 $0x1082  }
0x22: {  	[simem:s7], [sflag:s8] =	dma.local @!p0 [hbm:s6], $0xF7A  }
0x23: {  	s9 =	sor.u32 $0xD0000000, s2;
	s6 =	simm.s32 $0x108;
	_ =	swait.ge @!p0 [sflag:s8], $0x0  }
0x24: {  	s3 =	sadd.s32 $0x88, s3;
	s6 =	simm.s32 @!p1 $0x1082;
	[sflag:s4] =	ssyncset.s32 $0xFFFFF086  }
0x25: {  	[simem:s6], [sflag:s4] =	dma.local [hbm:s3], $0xF7A  }
0x26: {  	[smem:$0x3F85] =	sst s1;
	(tag) =	ssettag s2;
	_ =	strace s9  }
0x27: {  	s1 =	sld [smem:$0x3F95]  }
0x28: {  	s2 =	sld [smem:$0x3F96]  }
0x29: {  	s4 =	sld [smem:$0x3F98]  }
0x2a: {  	p0 =	seq.s32 s5, $0x0;
	s5 =	sld [smem:$0x3F99]  }
0x2b: {  	s6 =	sld [smem:$0x3F9A]  }
0x2c: {  	s7 =	sld [smem:$0x3F9B]  }
0x2d: {  	s3 =	simm.s32 $0x108;
	s8 =	sld [smem:$0x3F9C]  }
0x2e: {  	s3 =	simm.s32 @!p0 $0x1082;
	s9 =	sld [smem:$0x3F9D]  }
0x2f: {  	lr =	sadd.s32 s0, s3;
	s0 =	sld [smem:$0x3F94]  }
0x30: {  	s3 =	sld [smem:$0x3F97]  }
0x31: {  	[smem:$0x3FA0] =	sst s10  }
0x32: {  	s10 =	sld [smem:$0x3F9E];
	_ =	sdelay $0x3  }
0x33: {  	p0 =	seq.s32 s10, $0x1;
	s10 =	sld [smem:$0x3FA0];
	_ =	sdelay $0x3  }
0x34: {  	[smem:$0x3FA0] =	sst s10  }
0x35: {  	s10 =	sld [smem:$0x3F9F];
	_ =	sdelay $0x3  }
0x36: {  	p1 =	seq.s32 s10, $0x1;
	s10 =	sld [smem:$0x3FA0];
	_ =	sdelay $0x3  }
0x37: {  	[smem:$0x3FA0] =	sst s10  }
0x38: {  	s10 =	sld [smem:$0x3FA1]  }
0x39: {  	_ = 	snop;
	(pc) =	sbr.ind lr, $3  }
0x3a: {  	_ = 	snop  }
0x3b: {  	_ = 	snop  }
0x3c: {  	p2 =	seq.s32 s10, $0x1;
	s10 =	sld [smem:$0x3FA0]  }
0x3d: {  	_ =	shalt  }
0x3e: {  	_ =	shalt  }
0x3f: {  	_ =	shalt  }
0x40: {  	_ =	shalt  }
0x41: {  	_ =	shalt  }
0x42: {  	_ =	shalt  }
0x43: {  	_ =	shalt  }
0x44: {  	_ =	shalt  }
0x45: {  	_ =	shalt  }
0x46: {  	_ =	shalt  }
0x47: {  	_ =	shalt  }
0x48: {  	_ =	shalt  }
0x49: {  	_ =	shalt  }
0x4a: {  	_ =	shalt  }
0x4b: {  	_ =	shalt  }
0x4c: {  	_ =	shalt  }
0x4d: {  	_ =	shalt  }
0x4e: {  	_ =	shalt  }
0x4f: {  	_ =	shalt  }
0x50: {  	_ =	shalt  }
0x51: {  	_ =	shalt  }
0x52: {  	_ =	shalt  }
0x53: {  	_ =	shalt  }
0x54: {  	_ =	shalt  }
0x55: {  	_ =	shalt  }
0x56: {  	_ =	shalt  }
0x57: {  	_ =	shalt  }
0x58: {  	_ =	shalt  }
0x59: {  	_ =	shalt  }
0x5a: {  	_ =	shalt  }
0x5b: {  	_ =	shalt  }
0x5c: {  	_ =	shalt  }
0x5d: {  	_ =	shalt  }
0x5e: {  	_ =	shalt  }
0x5f: {  	_ =	shalt  }
0x60: {  	_ =	shalt  }
0x61: {  	_ =	shalt  }
0x62: {  	_ =	shalt  }
0x63: {  	_ =	shalt  }
0x64: {  	_ =	shalt  }
0x65: {  	_ =	shalt  }
0x66: {  	_ =	shalt  }
0x67: {  	_ =	shalt  }
0x68: {  	_ =	shalt  }
0x69: {  	_ =	shalt  }
0x6a: {  	_ =	shalt  }
0x6b: {  	_ =	shalt  }
0x6c: {  	_ =	shalt  }
0x6d: {  	_ =	shalt  }
0x6e: {  	_ =	shalt  }
0x6f: {  	_ =	shalt  }
0x70: {  	_ =	shalt  }
0x71: {  	_ =	shalt  }
0x72: {  	_ =	shalt  }
0x73: {  	_ =	shalt  }
0x74: {  	_ =	shalt  }
0x75: {  	_ =	shalt  }
0x76: {  	_ =	shalt  }
0x77: {  	_ =	shalt  }
0x78: {  	_ =	shalt  }
0x79: {  	_ =	shalt  }
0x7a: {  	_ =	shalt  }
0x7b: {  	_ =	shalt  }
0x7c: {  	_ =	shalt  }
0x7d: {  	_ =	shalt  }
0x7e: {  	_ =	shalt  }
0x7f: {  	_ =	shalt  }
0x80: {  	_ =	shalt  }
0x81: {  	_ =	shalt  }
0x82: {  	_ =	shalt  }
0x83: {  	_ =	shalt  }
0x84: {  	_ =	shalt  }
0x85: {  	_ =	shalt  }
0x86: {  	_ =	shalt  }
0x87: {  	_ =	shalt  }
.Lfunc_end0:
.L_simem_size_0:
called_computation.5_lowered:
.L_overlay_start_0:
0x88: {  	s2 =	sld [smem:$0x3FD9]  }
0x89: {  	s3 =	sld [smem:$0x3FFE];
	_ =	sdelay $0x1  }
0x8a: {  	s1 =	srdreg.scid  }
0x8b: {  	s0 =	sand.u32 $0x1, s1  }
0x8c: {  	s16 =	sshll.u32 s0, $0xA;
	s2 =	sadd.s32 s3, s2  }
0x8d: {  	s2 =	sadd.s32 s2, s16  }
0x8e: {  	[smem:$0x3FAC] =	sst s2  }
0x8f: {  	_ = 	snop  }
0x90: {  	(tm) =	ssettm $0x1  }
0x91: {  	s17 =	sld [smem:$0x3FFB];
	_ =	sdelay $0x3  }
0x92: {  	_ =	strace s17  }
0x93: {  	s2 =	sld [smem:$0x3FFC];
	_ =	sdelay $0x3  }
0x94: {  	_ =	strace s2  }
0x95: {  	s2 =	sld [smem:$0x3FFD];
	_ =	sdelay $0x3  }
0x96: {  	_ =	strace s2  }
0x97: {  	_ =	strace $0x8FFFFFFF  }
0x98: {  	s18 =	sld [smem:$0x3FDB];
	_ =	sdelay $0x1  }
0x99: {  	s19 =	simm.s32 $_scs_section_size  }
0x9a: {  	s4 =	simm.s32 $_size__tile_overlayer_lowered;
	s5 =	simm.s32 $_tile_overlayer_lowered  }
0x9b: {  	s22 =	simm.s32 $0x1BFF;
	s21 =	sshll.u32 s5, $0x1;
	s2 =	sadd.s32 s19, s18  }
0x9c: {  	s6 =	simm.s32 $0x0;
	s20 =	sshll.u32 s4, $0x1;
	s4 =	sadd.s32 s21, s2  }
0x9d: {  	[timem:s6], [sflag:s22] =	dma.local [hbm:s4], s20  }
0x9e: {  	_ =	swait.ge [sflag:s22], s20  }
0x9f: {  	s3 =	ssub.s32 $0x0, s20;
	[sflag:s22] =	ssyncset.done $0x0  }
0xa0: {  	[sflag:s22] =	ssyncadd.s32 s3;
	_ =	sdelay $0x1  }
0xa1: {  	s23 =	simm.s32 $0x1B8B  }
0xa2: {  	_ =	swait.ge [sflag:s23], $0x1  }
0xa3: {  	[sflag:s23] =	ssyncset.done $0x0  }
0xa4: {  	s25 =	simm.s32 $0x1B8E;
	s24 =	sld [smem:$0x3FFE];
	[sflag:s23] =	ssyncadd.s32 $0xFFFFFFFF  }
0xa5: {  	s26 =	simm.s32 $execute0_lowered;
	[smem:$0x3FD2] =	sst s25  }
0xa6: {  	s4 =	sshll.u32 s26, $0x1;
	_ =	strace $0x80000055;
	[dreg:$0x1] =	wrdreg $0xFFFFFFFF  }
0xa7: {  	s28 =	simm.s32 $_size_execute0_lowered;
	s2 =	sadd.s32 s2, s4;
	[dreg:$0x0] =	wrdreg $0x0  }
0xa8: {  	s4 =	sshll.u32 s28, $0x1;
	[dreg:$0x2] =	wrdreg s2  }
0xa9: {  	[dreg:$0x3] =	wrdreg s4  }
0xaa: {  	[dreg:$0x4] =	wrdreg $0xC0  }
0xab: {  	_ =	task [dreg:s6], $0x5FFFF  }
0xac: {  	[dreg:$0x1] =	wrdreg $0xFFFFFFFF  }
0xad: {  	[dreg:$0x0] =	wrdreg $0x60  }
0xae: {  	[dreg:$0x2] =	wrdreg s24  }
0xaf: {  	[dreg:$0x3] =	wrdreg $0x17B200  }
0xb0: {  	[dreg:$0x4] =	wrdreg $0x9  }
0xb1: {  	_ =	task.clear_ibuf [dreg:s6], $0x5FFFF;
	_ =	strace $0x90000055  }
0xb2: {  	s29 =	simm.s32 $0x9;
	_ =	strace $0x80000057  }
0xb3: {  	_ =	swait.ge [sflag:s29], $0x1  }
0xb4: {  	[sflag:s29] =	ssyncadd.s32 $0xFFFFFFFF  }
0xb5: {  	_ =	strace $0x90000057  }
0xb6: {  	_ =	sfence  }
0xb7: {  	s30 =	sld [smem:$0x0];
	_ =	sdelay $0x2  }
0xb8: {  	s31 =	sshll.u32 s1, $0xD;
	s1 =	sshrl.u32 s1, $0x2  }
0xb9: {  	s3 =	sand.u32 $0x4000, s31;
	s1 =	sadd.s32 s1, s30  }
0xba: {  	s0 =	sor.u32 s3, s0;
	s1 =	sshll.u32 s1, $0x11  }
0xbb: {  	s0 =	sor.u32 s1, s0  }
0xbc: {  	s0 =	sadd.s32 $0x8F2B, s0  }
0xbd: {  	[sflag:s0] =	ssyncadd.remote.s32 $0x1  }
0xbe: {  	_ =	sfence.sel $0xFFFF  }
0xbf: {  	[dreg:$0x0] =	wrdreg $0xFFFFFFFF;
	(pc) =	sbr.abs _section_cstart, $3  }
0xc0: {  	[dreg:$0x1] =	wrdreg $0xFFFFFFFF  }
0xc1: {  	_ =	task.clear_ibuf [dreg:s6], $0x2FFFF;
	_ =	strace $0x9FFFFFFF  }
0xc2: {  	(tm) =	ssettm $0x7FFFFFFF  }
0xc3: {  	_ =	shalt  }
tec
execute0_lowered:
.L_overlay_start_1:
0x0: {  	(tag) =	ssettag $0x1  }
0x1: {  	s4 =	rddreg [dreg:$0x0]  }
0x2: {  	s3 =	rddreg [dreg:$0x1];
	s2 =	simm.s32 $0x0  }
0x3: {  	s14 =	simm.s32 $0x1C00;
	[smem:$0x7FF] =	sst s2  }
0x4: {  	s15 =	simm.s32 $0x100;
	_ =	strace $0x80000056;
	[dreg:$0x7] =	wrdreg s14  }
0x5: {  	s16 =	simm.s32 $0x2400;
	[dreg:$0x8] =	wrdreg s15  }
0x6: {  	s17 =	simm.s32 $0x180;
	[dreg:$0x9] =	wrdreg s16  }
0x7: {  	s18 =	simm.s32 $0x2C00;
	[dreg:$0xa] =	wrdreg s17  }
0x8: {  	s19 =	simm.s32 $0x200;
	[dreg:$0xb] =	wrdreg s18  }
0x9: {  	s20 =	simm.s32 $0x3400;
	[dreg:$0xc] =	wrdreg s19  }
0xa: {  	s21 =	simm.s32 $0x280;
	[dreg:$0xd] =	wrdreg s20  }
0xb: {  	s22 =	simm.s32 $0x3C00;
	[dreg:$0xe] =	wrdreg s21  }
0xc: {  	s23 =	simm.s32 $0x300;
	[dreg:$0xf] =	wrdreg s22  }
0xd: {  	s24 =	simm.s32 $0x4400;
	[dreg:$0x10] =	wrdreg s23  }
0xe: {  	s0 =	stileid.u32;
	s25 =	simm.s32 $0x380;
	[dreg:$0x11] =	wrdreg s24  }
0xf: {  	s26 =	simm.s32 $0x4C00;
	s5 =	smul.u32 $0x2720, s0;
	[dreg:$0x12] =	wrdreg s25  }
0x10: {  	s6 =	sshll.u32 s0, $0x1;
	s0 =	simm.s32 $0x400;
	[dreg:$0x13] =	wrdreg s26  }
0x11: {  	s9 =	simm.s32 $0x6400;
	[dreg:$0x14] =	wrdreg s0  }
0x12: {  	s10 =	simm.s32 $0x580;
	[dreg:$0x19] =	wrdreg s9  }
0x13: {  	s11 =	simm.s32 $0x6C00;
	[dreg:$0x1a] =	wrdreg s10  }
0x14: {  	s12 =	simm.s32 $0x600;
	[dreg:$0x1b] =	wrdreg s11  }
0x15: {  	[dreg:$0x1c] =	wrdreg s12;
	s14 =	simm.s32 $0x680  }
0x16: {  	s15 =	simm.s32 $0x7C00;
	[dreg:$0x1e] =	wrdreg s14  }
0x17: {  	s16 =	simm.s32 $0x700;
	[dreg:$0x1f] =	wrdreg s15  }
0x18: {  	s17 =	simm.s32 $0x8400;
	[smem:$0x7E1] =	sst s16  }
0x19: {  	s18 =	simm.s32 $0x780;
	[smem:$0x7E0] =	sst s17  }
0x1a: {  	s19 =	simm.s32 $0x8C00;
	[smem:$0x7E3] =	sst s18  }
0x1b: {  	s20 =	simm.s32 $0x800;
	[smem:$0x7E2] =	sst s19  }
0x1c: {  	s21 =	simm.s32 $0x9400;
	[smem:$0x7E9] =	sst s20  }
0x1d: {  	s22 =	simm.s32 $0x880;
	[smem:$0x7EA] =	sst s21  }
0x1e: {  	s23 =	simm.s32 $0x9C00;
	[smem:$0x7EC] =	sst s22  }
0x1f: {  	s24 =	simm.s32 $0x900;
	[smem:$0x7E8] =	sst s23  }
0x20: {  	s25 =	simm.s32 $0xA400;
	[smem:$0x7E5] =	sst s24  }
0x21: {  	s26 =	simm.s32 $0x980;
	[smem:$0x7E6] =	sst s25  }
0x22: {  	s0 =	simm.s32 $0xAC00;
	[smem:$0x7ED] =	sst s26  }
0x23: {  	s9 =	simm.s32 $0xB00;
	[smem:$0x7EB] =	sst s0  }
0x24: {  	s10 =	simm.s32 $0xC400;
	[smem:$0x7F1] =	sst s9  }
0x25: {  	s11 =	simm.s32 $0xB80;
	[smem:$0x7E4] =	sst s10  }
0x26: {  	s12 =	simm.s32 $0xCC00;
	[smem:$0x7F3] =	sst s11  }
0x27: {  	s7 =	sshrl.u32 s5, $0x3;
	s5 =	sadd.s32 s5, s3;
	[smem:$0x7F2] =	sst s12  }
0x28: {  	s14 =	simm.s32 $0xD400;
	[dreg:$0x4] =	wrdreg s5  }
0x29: {  	s15 =	simm.s32 $0xC80;
	[smem:$0x7F8] =	sst s14  }
0x2a: {  	s16 =	simm.s32 $0xDC00;
	[smem:$0x7F6] =	sst s15  }
0x2b: {  	s17 =	simm.s32 $0xD00;
	[smem:$0x7F5] =	sst s16  }
0x2c: {  	s1 =	srdreg.scid;
	s18 =	simm.s32 $0xE400;
	[smem:$0x7F9] =	sst s17  }
0x2d: {  	s1 =	sand.u32 $0x1, s1;
	s19 =	simm.s32 $0xD80;
	[smem:$0x7FA] =	sst s18  }
0x2e: {  	s6 =	sor.u32 s1, s6;
	s20 =	simm.s32 $0xEC00;
	[smem:$0x7FC] =	sst s19  }
0x2f: {  	s8 =	smul.u32 $0x280, s6;
	s21 =	simm.s32 $0xE00;
	[smem:$0x7FB] =	sst s20  }
0x30: {  	s6 =	smul.u32 $0x2800, s6;
	s23 =	simm.s32 $0xF400;
	[smem:$0x7FD] =	sst s21  }
0x31: {  	s7 =	sadd.s32 s7, s4;
	s5 =	simm.s32 $0x5400;
	[smem:$0x7F4] =	sst s23  }
0x32: {  	s7 =	sadd.s32 $0x12000, s7;
	s8 =	sadd.s32 s8, s4;
	[dreg:$0x15] =	wrdreg s5  }
0x33: {  	s4 =	sadd.s32 s6, s4;
	s6 =	simm.s32 $0x480;
	[dreg:$0x3] =	wrdreg s7  }
0x34: {  	s5 =	simm.s32 $0xA00;
	[dreg:$0x16] =	wrdreg s6  }
0x35: {  	s13 =	sadd.s32 $0x2F400, s8;
	[smem:$0x7EE] =	sst s5  }
0x36: {  	s4 =	sadd.s32 $0x34400, s4;
	[dreg:$0x5] =	wrdreg s13  }
0x37: {  	s7 =	simm.s32 $0x5C00;
	[dreg:$0x6] =	wrdreg s4  }
0x38: {  	s8 =	simm.s32 $0x500;
	[dreg:$0x17] =	wrdreg s7  }
0x39: {  	s6 =	simm.s32 $0xB400;
	[dreg:$0x18] =	wrdreg s8  }
0x3a: {  	[smem:$0x7E7] =	sst s6  }
0x3b: {  	s13 =	simm.s32 $0x7400;
	s22 =	rddreg [dreg:$0x3]  }
0x3c: {  	s7 =	simm.s32 $0xA80;
	[dreg:$0x1d] =	wrdreg s13  }
0x3d: {  	s8 =	simm.s32 $0xBC00;
	[smem:$0x7F0] =	sst s7  }
0x3e: {  	s6 =	simm.s32 $0x15400;
	[smem:$0x7EF] =	sst s8;
	s13 =	simm.s32 $0xC00  }
0x3f: {  	[tilespmem:s6], [sflag:$0x2] =	stream.linear.gather [hbm4b:s22+s2], $0x2720, $0x38;
	[tilespmem:$0x1A240] =	vst v63  }
0x40: {  	s4 =	simm.s32 $0x2;
	[smem:$0x7F7] =	sst s13  }
0x41: {  	_ =	swait.ge [sflag:s4], $0x2720  }
0x42: {  	[sflag:s4] =	ssyncset.done $0x0  }
0x43: {  	s24 =	rddreg [dreg:$0x4];
	[sflag:s4] =	ssyncadd.s32 $0xFFFFD8E0  }
0x44: {  	[spmem:s24] =	stream.linear.scatter [tilespmem:s6], [sflag:$0x2], $0x2720, $0x38;
	[tilespmem:$0x1A240] =	vst v63  }
0x45: {  	_ =	swait.ge [sflag:s4], $0x2720  }
0x46: {  	[sflag:s4] =	ssyncset.done $0x0  }
0x47: {  	s25 =	rddreg [dreg:$0x5];
	[sflag:s4] =	ssyncadd.s32 $0xFFFFD8E0  }
0x48: {  	[tilespmem:s2], [sflag:$0x2] =	stream.linear.gather [hbm4b:s25+s2], $0x1400, $0x38;
	[tilespmem:$0x1A240] =	vst v63  }
0x49: {  	_ =	swait.ge [sflag:s4], $0x1400  }
0x4a: {  	[sflag:s4] =	ssyncset.done $0x0  }
0x4b: {  	[sflag:s4] =	ssyncadd.s32 $0xFFFFEC00  }
0x4c: {  	[bflag:$0x0] =	sbarrier.arrive $0xFFFF  }
0x4d: {  	s26 =	rddreg [dreg:$0xa]  }
0x4e: {  	s9 =	rddreg [dreg:$0xf]  }
0x4f: {  	s10 =	rddreg [dreg:$0xb]  }
0x50: {  	s5 =	simm.s32 $0x1400;
	s8 =	simm.s32 $0x80;
	s11 =	rddreg [dreg:$0x9]  }
0x51: {  	[tilespmem:s5], [sflag:$0x1] =	stream.indirect.gather [spmem:s3], $0x10, s2, s8, $0xb8;
	[tilespmem:$0x1A240] =	vst v63  }
0x52: {  	s12 =	rddreg [dreg:$0x7]  }
0x53: {  	s13 =	rddreg [dreg:$0xd]  }
0x54: {  	s14 =	rddreg [dreg:$0x8]  }
0x55: {  	[tilespmem:s12], [sflag:$0x1] =	stream.indirect.gather [spmem:s3], $0x10, s8, s8, $0xb8;
	[tilespmem:$0x1A240] =	vst v63  }
0x56: {  	s15 =	rddreg [dreg:$0xc]  }
0x57: {  	[tilespmem:s11], [sflag:$0x1] =	stream.indirect.gather [spmem:s3], $0x10, s14, s8, $0xb8;
	[tilespmem:$0x1A240] =	vst v63  }
0x58: {  	s0 =	rddreg [dreg:$0xe]  }
0x59: {  	[tilespmem:s10], [sflag:$0x1] =	stream.indirect.gather [spmem:s3], $0x10, s26, s8, $0xb8;
	[tilespmem:$0x1A240] =	vst v63  }
0x5a: {  	s16 =	rddreg [dreg:$0x10]  }
0x5b: {  	[tilespmem:s13], [sflag:$0x1] =	stream.indirect.gather [spmem:s3], $0x10, s15, s8, $0xb8;
	[tilespmem:$0x1A240] =	vst v63  }
0x5c: {  	s17 =	rddreg [dreg:$0x12]  }
0x5d: {  	[tilespmem:s9], [sflag:$0x1] =	stream.indirect.gather [spmem:s3], $0x10, s0, s8, $0xb8;
	[tilespmem:$0x1A240] =	vst v63  }
0x5e: {  	s14 =	rddreg [dreg:$0x11]  }
0x5f: {  	[tilespmem:s14], [sflag:$0x1] =	stream.indirect.gather [spmem:s3], $0x10, s16, s8, $0xb8;
	[tilespmem:$0x1A240] =	vst v63  }
0x60: {  	s7 =	simm.s32 $0x1;
	s18 =	rddreg [dreg:$0x13]  }
0x61: {  	[tilespmem:s18], [sflag:$0x1] =	stream.indirect.gather [spmem:s3], $0x10, s17, s8, $0xb8;
	[tilespmem:$0x1A240] =	vst v63  }
0x62: {  	_ =	swait.ge [sflag:s7], $0x800  }
0x63: {  	[sflag:s7] =	ssyncset.done $0x0  }
0x64: {  	[sflag:s7] =	ssyncadd.s32 $0xFFFFF800  }
0x65: {  	_ =	swait.ge [sflag:s7], $0x800  }
0x66: {  	[sflag:s7] =	ssyncset.done $0x0  }
0x67: {  	[sflag:s7] =	ssyncadd.s32 $0xFFFFF800  }
0x68: {  	_ =	swait.ge [sflag:s7], $0x800  }
0x69: {  	[sflag:s7] =	ssyncset.done $0x0  }
0x6a: {  	[sflag:s7] =	ssyncadd.s32 $0xFFFFF800  }
0x6b: {  	_ =	swait.ge [sflag:s7], $0x800  }
0x6c: {  	[sflag:s7] =	ssyncset.done $0x0  }
0x6d: {  	[sflag:s7] =	ssyncadd.s32 $0xFFFFF800  }
0x6e: {  	_ =	swait.ge [sflag:s7], $0x800  }
0x6f: {  	[sflag:s7] =	ssyncset.done $0x0  }
0x70: {  	[sflag:s7] =	ssyncadd.s32 $0xFFFFF800  }
0x71: {  	_ =	swait.ge [sflag:s7], $0x800  }
0x72: {  	[sflag:s7] =	ssyncset.done $0x0  }
0x73: {  	[sflag:s7] =	ssyncadd.s32 $0xFFFFF800  }
0x74: {  	_ =	swait.ge [sflag:s7], $0x800  }
0x75: {  	[sflag:s7] =	ssyncset.done $0x0  }
0x76: {  	[sflag:s7] =	ssyncadd.s32 $0xFFFFF800  }
0x77: {  	_ =	swait.ge [sflag:s7], $0x800  }
0x78: {  	s19 =	rddreg [dreg:$0x1a]  }
0x79: {  	s20 =	sld [smem:$0x7E0]  }
0x7a: {  	s21 =	rddreg [dreg:$0x19]  }
0x7b: {  	s22 =	rddreg [dreg:$0x15]  }
0x7c: {  	s23 =	rddreg [dreg:$0x17]  }
0x7d: {  	s24 =	rddreg [dreg:$0x16]  }
0x7e: {  	s25 =	rddreg [dreg:$0x14]  }
0x7f: {  	s16 =	rddreg [dreg:$0x1b]  }
0x80: {  	[sflag:s7] =	ssyncset.done $0x0;
	s17 =	rddreg [dreg:$0x18]  }
0x81: {  	s18 =	rddreg [dreg:$0x1d];
	[sflag:s7] =	ssyncadd.s32 $0xFFFFF800  }
0x82: {  	[tilespmem:s22], [sflag:$0x1] =	stream.indirect.gather [spmem:s3], $0x10, s25, s8, $0xb8;
	[tilespmem:$0x1A240] =	vst v63  }
0x83: {  	s26 =	rddreg [dreg:$0x1f]  }
0x84: {  	[tilespmem:s23], [sflag:$0x1] =	stream.indirect.gather [spmem:s3], $0x10, s24, s8, $0xb8;
	[tilespmem:$0x1A240] =	vst v63  }
0x85: {  	s0 =	rddreg [dreg:$0x1c]  }
0x86: {  	[tilespmem:s21], [sflag:$0x1] =	stream.indirect.gather [spmem:s3], $0x10, s17, s8, $0xb8;
	[tilespmem:$0x1A240] =	vst v63  }
0x87: {  	s14 =	rddreg [dreg:$0x1e]  }
0x88: {  	[tilespmem:s16], [sflag:$0x1] =	stream.indirect.gather [spmem:s3], $0x10, s19, s8, $0xb8;
	[tilespmem:$0x1A240] =	vst v63  }
0x89: {  	s15 =	sld [smem:$0x7E1]  }
0x8a: {  	[tilespmem:s18], [sflag:$0x1] =	stream.indirect.gather [spmem:s3], $0x10, s0, s8, $0xb8;
	[tilespmem:$0x1A240] =	vst v63  }
0x8b: {  	s17 =	sld [smem:$0x7E3]  }
0x8c: {  	[tilespmem:s26], [sflag:$0x1] =	stream.indirect.gather [spmem:s3], $0x10, s14, s8, $0xb8;
	[tilespmem:$0x1A240] =	vst v63  }
0x8d: {  	s16 =	sld [smem:$0x7E2]  }
0x8e: {  	[tilespmem:s20], [sflag:$0x1] =	stream.indirect.gather [spmem:s3], $0x10, s15, s8, $0xb8;
	[tilespmem:$0x1A240] =	vst v63  }
0x8f: {  	_ = 	snop  }
0x90: {  	[tilespmem:s16], [sflag:$0x1] =	stream.indirect.gather [spmem:s3], $0x10, s17, s8, $0xb8;
	[tilespmem:$0x1A240] =	vst v63  }
0x91: {  	_ =	swait.ge [sflag:s7], $0x800  }
0x92: {  	[sflag:s7] =	ssyncset.done $0x0  }
0x93: {  	[sflag:s7] =	ssyncadd.s32 $0xFFFFF800  }
0x94: {  	_ =	swait.ge [sflag:s7], $0x800  }
0x95: {  	[sflag:s7] =	ssyncset.done $0x0  }
0x96: {  	[sflag:s7] =	ssyncadd.s32 $0xFFFFF800  }
0x97: {  	_ =	swait.ge [sflag:s7], $0x800  }
0x98: {  	[sflag:s7] =	ssyncset.done $0x0  }
0x99: {  	[sflag:s7] =	ssyncadd.s32 $0xFFFFF800  }
0x9a: {  	_ =	swait.ge [sflag:s7], $0x800  }
0x9b: {  	[sflag:s7] =	ssyncset.done $0x0  }
0x9c: {  	[sflag:s7] =	ssyncadd.s32 $0xFFFFF800  }
0x9d: {  	_ =	swait.ge [sflag:s7], $0x800  }
0x9e: {  	[sflag:s7] =	ssyncset.done $0x0  }
0x9f: {  	[sflag:s7] =	ssyncadd.s32 $0xFFFFF800  }
0xa0: {  	_ =	swait.ge [sflag:s7], $0x800  }
0xa1: {  	[sflag:s7] =	ssyncset.done $0x0  }
0xa2: {  	[sflag:s7] =	ssyncadd.s32 $0xFFFFF800  }
0xa3: {  	_ =	swait.ge [sflag:s7], $0x800  }
0xa4: {  	[sflag:s7] =	ssyncset.done $0x0  }
0xa5: {  	[sflag:s7] =	ssyncadd.s32 $0xFFFFF800  }
0xa6: {  	_ =	swait.ge [sflag:s7], $0x800  }
0xa7: {  	s9 =	sld [smem:$0x7E4]  }
0xa8: {  	s18 =	sld [smem:$0x7E5]  }
0xa9: {  	s19 =	sld [smem:$0x7E6]  }
0xaa: {  	s20 =	sld [smem:$0x7E7]  }
0xab: {  	s21 =	sld [smem:$0x7E8]  }
0xac: {  	s22 =	sld [smem:$0x7E9]  }
0xad: {  	s23 =	sld [smem:$0x7EA]  }
0xae: {  	s24 =	sld [smem:$0x7EB]  }
0xaf: {  	[sflag:s7] =	ssyncset.done $0x0;
	s25 =	sld [smem:$0x7EC]  }
0xb0: {  	s26 =	sld [smem:$0x7ED];
	[sflag:s7] =	ssyncadd.s32 $0xFFFFF800  }
0xb1: {  	[tilespmem:s23], [sflag:$0x1] =	stream.indirect.gather [spmem:s3], $0x10, s22, s8, $0xb8;
	[tilespmem:$0x1A240] =	vst v63  }
0xb2: {  	s0 =	sld [smem:$0x7EE]  }
0xb3: {  	[tilespmem:s21], [sflag:$0x1] =	stream.indirect.gather [spmem:s3], $0x10, s25, s8, $0xb8;
	[tilespmem:$0x1A240] =	vst v63  }
0xb4: {  	s15 =	sld [smem:$0x7EF]  }
0xb5: {  	[tilespmem:s19], [sflag:$0x1] =	stream.indirect.gather [spmem:s3], $0x10, s18, s8, $0xb8;
	[tilespmem:$0x1A240] =	vst v63  }
0xb6: {  	s17 =	sld [smem:$0x7F0]  }
0xb7: {  	[tilespmem:s24], [sflag:$0x1] =	stream.indirect.gather [spmem:s3], $0x10, s26, s8, $0xb8;
	[tilespmem:$0x1A240] =	vst v63  }
0xb8: {  	s18 =	sld [smem:$0x7F1]  }
0xb9: {  	[tilespmem:s20], [sflag:$0x1] =	stream.indirect.gather [spmem:s3], $0x10, s0, s8, $0xb8;
	[tilespmem:$0x1A240] =	vst v63  }
0xba: {  	s19 =	sld [smem:$0x7F2]  }
0xbb: {  	[tilespmem:s15], [sflag:$0x1] =	stream.indirect.gather [spmem:s3], $0x10, s17, s8, $0xb8;
	[tilespmem:$0x1A240] =	vst v63  }
0xbc: {  	s20 =	sld [smem:$0x7F3]  }
0xbd: {  	[tilespmem:s9], [sflag:$0x1] =	stream.indirect.gather [spmem:s3], $0x10, s18, s8, $0xb8;
	[tilespmem:$0x1A240] =	vst v63  }
0xbe: {  	_ = 	snop  }
0xbf: {  	[tilespmem:s19], [sflag:$0x1] =	stream.indirect.gather [spmem:s3], $0x10, s20, s8, $0xb8;
	[tilespmem:$0x1A240] =	vst v63  }
0xc0: {  	_ =	swait.ge [sflag:s7], $0x800  }
0xc1: {  	[sflag:s7] =	ssyncset.done $0x0  }
0xc2: {  	[sflag:s7] =	ssyncadd.s32 $0xFFFFF800  }
0xc3: {  	_ =	swait.ge [sflag:s7], $0x800  }
0xc4: {  	[sflag:s7] =	ssyncset.done $0x0  }
0xc5: {  	[sflag:s7] =	ssyncadd.s32 $0xFFFFF800  }
0xc6: {  	_ =	swait.ge [sflag:s7], $0x800  }
0xc7: {  	[sflag:s7] =	ssyncset.done $0x0  }
0xc8: {  	[sflag:s7] =	ssyncadd.s32 $0xFFFFF800  }
0xc9: {  	_ =	swait.ge [sflag:s7], $0x800  }
0xca: {  	[sflag:s7] =	ssyncset.done $0x0  }
0xcb: {  	[sflag:s7] =	ssyncadd.s32 $0xFFFFF800  }
0xcc: {  	_ =	swait.ge [sflag:s7], $0x800  }
0xcd: {  	[sflag:s7] =	ssyncset.done $0x0  }
0xce: {  	[sflag:s7] =	ssyncadd.s32 $0xFFFFF800  }
0xcf: {  	_ =	swait.ge [sflag:s7], $0x800  }
0xd0: {  	[sflag:s7] =	ssyncset.done $0x0  }
0xd1: {  	[sflag:s7] =	ssyncadd.s32 $0xFFFFF800  }
0xd2: {  	_ =	swait.ge [sflag:s7], $0x800  }
0xd3: {  	[sflag:s7] =	ssyncset.done $0x0  }
0xd4: {  	[sflag:s7] =	ssyncadd.s32 $0xFFFFF800  }
0xd5: {  	_ =	swait.ge [sflag:s7], $0x800  }
0xd6: {  	s21 =	sld [smem:$0x7F4]  }
0xd7: {  	s22 =	sld [smem:$0x7F5]  }
0xd8: {  	s23 =	sld [smem:$0x7F6]  }
0xd9: {  	s24 =	sld [smem:$0x7F7]  }
0xda: {  	s25 =	sld [smem:$0x7F8]  }
0xdb: {  	[sflag:s7] =	ssyncset.done $0x0;
	s26 =	sld [smem:$0x7F9]  }
0xdc: {  	s0 =	sld [smem:$0x7FA];
	[sflag:s7] =	ssyncadd.s32 $0xFFFFF800  }
0xdd: {  	[tilespmem:s25], [sflag:$0x1] =	stream.indirect.gather [spmem:s3], $0x10, s24, s8, $0xb8;
	[tilespmem:$0x1A240] =	vst v63  }
0xde: {  	s13 =	sld [smem:$0x7FB]  }
0xdf: {  	[tilespmem:s22], [sflag:$0x1] =	stream.indirect.gather [spmem:s3], $0x10, s23, s8, $0xb8;
	[tilespmem:$0x1A240] =	vst v63  }
0xe0: {  	s16 =	sld [smem:$0x7FC]  }
0xe1: {  	[tilespmem:s0], [sflag:$0x1] =	stream.indirect.gather [spmem:s3], $0x10, s26, s8, $0xb8;
	[tilespmem:$0x1A240] =	vst v63  }
0xe2: {  	s17 =	sld [smem:$0x7FD]  }
0xe3: {  	[tilespmem:s13], [sflag:$0x1] =	stream.indirect.gather [spmem:s3], $0x10, s16, s8, $0xb8;
	[tilespmem:$0x1A240] =	vst v63  }
0xe4: {  	_ = 	snop  }
0xe5: {  	[tilespmem:s21], [sflag:$0x1] =	stream.indirect.gather [spmem:s3], $0x10, s17, s8, $0xb8;
	[tilespmem:$0x1A240] =	vst v63  }
0xe6: {  	s18 =	simm.s32 $0xE80;
	s19 =	simm.s32 $0xFC00  }
0xe7: {  	[tilespmem:s19], [sflag:$0x1] =	stream.indirect.gather [spmem:s3], $0x10, s18, s8, $0xb8;
	[tilespmem:$0x1A240] =	vst v63  }
0xe8: {  	s20 =	simm.s32 $0xF00;
	s21 =	simm.s32 $0x10400  }
0xe9: {  	[tilespmem:s21], [sflag:$0x1] =	stream.indirect.gather [spmem:s3], $0x10, s20, s8, $0xb8;
	[tilespmem:$0x1A240] =	vst v63  }
0xea: {  	s22 =	simm.s32 $0xF80;
	s23 =	simm.s32 $0x10C00  }
0xeb: {  	[tilespmem:s23], [sflag:$0x1] =	stream.indirect.gather [spmem:s3], $0x10, s22, s8, $0xb8;
	[tilespmem:$0x1A240] =	vst v63  }
0xec: {  	_ =	swait.ge [sflag:s7], $0x800  }
0xed: {  	[sflag:s7] =	ssyncset.done $0x0  }
0xee: {  	[sflag:s7] =	ssyncadd.s32 $0xFFFFF800  }
0xef: {  	_ =	swait.ge [sflag:s7], $0x800  }
0xf0: {  	[sflag:s7] =	ssyncset.done $0x0  }
0xf1: {  	[sflag:s7] =	ssyncadd.s32 $0xFFFFF800  }
0xf2: {  	_ =	swait.ge [sflag:s7], $0x800  }
0xf3: {  	[sflag:s7] =	ssyncset.done $0x0  }
0xf4: {  	[sflag:s7] =	ssyncadd.s32 $0xFFFFF800  }
0xf5: {  	_ =	swait.ge [sflag:s7], $0x800  }
0xf6: {  	[sflag:s7] =	ssyncset.done $0x0  }
0xf7: {  	[sflag:s7] =	ssyncadd.s32 $0xFFFFF800  }
0xf8: {  	_ =	swait.ge [sflag:s7], $0x800  }
0xf9: {  	[sflag:s7] =	ssyncset.done $0x0  }
0xfa: {  	[sflag:s7] =	ssyncadd.s32 $0xFFFFF800  }
0xfb: {  	_ =	swait.ge [sflag:s7], $0x800  }
0xfc: {  	[sflag:s7] =	ssyncset.done $0x0  }
0xfd: {  	[sflag:s7] =	ssyncadd.s32 $0xFFFFF800  }
0xfe: {  	_ =	swait.ge [sflag:s7], $0x800  }
0xff: {  	[sflag:s7] =	ssyncset.done $0x0  }
0x100: {  	[sflag:s7] =	ssyncadd.s32 $0xFFFFF800  }
0x101: {  	_ =	swait.ge [sflag:s7], $0x800  }
0x102: {  	[sflag:s7] =	ssyncset.done $0x0  }
0x103: {  	s24 =	simm.s32 $0x1000;
	s25 =	simm.s32 $0x11400;
	[sflag:s7] =	ssyncadd.s32 $0xFFFFF800  }
0x104: {  	[tilespmem:s25], [sflag:$0x1] =	stream.indirect.gather [spmem:s3], $0x10, s24, s8, $0xb8;
	[tilespmem:$0x1A240] =	vst v63  }
0x105: {  	s26 =	simm.s32 $0x1080;
	s18 =	simm.s32 $0x11C00  }
0x106: {  	[tilespmem:s18], [sflag:$0x1] =	stream.indirect.gather [spmem:s3], $0x10, s26, s8, $0xb8;
	[tilespmem:$0x1A240] =	vst v63  }
0x107: {  	s1 =	ssub.s32 $0x2, s1;
	s19 =	simm.s32 $0x1100;
	s20 =	simm.s32 $0x12400  }
0x108: {  	[tilespmem:s20], [sflag:$0x1] =	stream.indirect.gather [spmem:s3], $0x10, s19, s8, $0xb8;
	[tilespmem:$0x1A240] =	vst v63  }
0x109: {  	s30 =	sshrl.u32 s1, $0x1;
	s21 =	simm.s32 $0x1180;
	s22 =	simm.s32 $0x12C00  }
0x10a: {  	[tilespmem:s22], [sflag:$0x1] =	stream.indirect.gather [spmem:s3], $0x10, s21, s8, $0xb8;
	[tilespmem:$0x1A240] =	vst v63  }
0x10b: {  	s1 =	ssub.s32 s1, s30;
	s23 =	simm.s32 $0x1200;
	s24 =	simm.s32 $0x13400  }
0x10c: {  	[tilespmem:s24], [sflag:$0x1] =	stream.indirect.gather [spmem:s3], $0x10, s23, s8, $0xb8;
	[tilespmem:$0x1A240] =	vst v63  }
0x10d: {  	s1 =	smax.u32 s1, $0x1;
	s25 =	simm.s32 $0x1280;
	s26 =	simm.s32 $0x13C00  }
0x10e: {  	[tilespmem:s26], [sflag:$0x1] =	stream.indirect.gather [spmem:s3], $0x10, s25, s8, $0xb8;
	[tilespmem:$0x1A240] =	vst v63  }
0x10f: {  	s28 =	simm.s32 $0x1300;
	s29 =	simm.s32 $0x14400;
	p0 =	sne.s32 s1, $0x1  }
0x110: {  	[tilespmem:s29], [sflag:$0x1] =	stream.indirect.gather [spmem:s3], $0x10, s28, s8, $0xb8;
	[tilespmem:$0x1A240] =	vst v63  }
.Ltmp0:
0x111: {  	s31 =	simm.s32 $0x14C00;
	s30 =	simm.s32 $0x1380;
	(pc) =	sbr.rel @!p0 .LBB2_2-.Ltmp0, $4  }
0x112: {  	[tilespmem:s31], [sflag:$0x1] =	stream.indirect.gather [spmem:s3], $0x10, s30, s8, $0xb8;
	[tilespmem:$0x1A240] =	vst v63  }
0x113: {  	_ =	swait.ge [sflag:s7], $0x800  }
0x114: {  	[sflag:s7] =	ssyncset.done $0x0  }
0x115: {  	s1 =	sadd.s32 $0xFFFFFFFF, s1;
	[sflag:s7] =	ssyncadd.s32 $0xFFFFF800  }
.LBB2_1:
0x116: {  	_ =	swait.ge [sflag:s7], $0x800  }
0x117: {  	[sflag:s7] =	ssyncset.done $0x0  }
0x118: {  	[sflag:s7] =	ssyncadd.s32 $0xFFFFF800  }
0x119: {  	_ =	swait.ge [sflag:s7], $0x800  }
0x11a: {  	[sflag:s7] =	ssyncset.done $0x0  }
0x11b: {  	[sflag:s7] =	ssyncadd.s32 $0xFFFFF800  }
0x11c: {  	_ =	swait.ge [sflag:s7], $0x800  }
0x11d: {  	[sflag:s7] =	ssyncset.done $0x0  }
0x11e: {  	[sflag:s7] =	ssyncadd.s32 $0xFFFFF800  }
0x11f: {  	_ =	swait.ge [sflag:s7], $0x800  }
0x120: {  	[sflag:s7] =	ssyncset.done $0x0  }
0x121: {  	[sflag:s7] =	ssyncadd.s32 $0xFFFFF800  }
0x122: {  	_ =	swait.ge [sflag:s7], $0x800  }
0x123: {  	[sflag:s7] =	ssyncset.done $0x0  }
0x124: {  	[sflag:s7] =	ssyncadd.s32 $0xFFFFF800  }
0x125: {  	_ =	swait.ge [sflag:s7], $0x800  }
0x126: {  	[sflag:s7] =	ssyncset.done $0x0  }
0x127: {  	[sflag:s7] =	ssyncadd.s32 $0xFFFFF800  }
0x128: {  	_ =	swait.ge [sflag:s7], $0x800  }
0x129: {  	[sflag:s7] =	ssyncset.done $0x0  }
0x12a: {  	s0 =	rddreg [dreg:$0x6];
	[sflag:s7] =	ssyncadd.s32 $0xFFFFF800  }
0x12b: {  	[hbm4b:s0+s2] =	stream.linear.scatter [tilespmem:s5], [sflag:$0x2], $0x14000, $0x38;
	[tilespmem:$0x1A240] =	vst v63  }
0x12c: {  	_ =	swait.ge [sflag:s4], $0x14000  }
0x12d: {  	[sflag:s4] =	ssyncset.done $0x0  }
0x12e: {  	s14 =	rddreg [dreg:$0x3];
	[sflag:s4] =	ssyncadd.s32 $0xFFFEC000  }
0x12f: {  	[tilespmem:s6], [sflag:$0x2] =	stream.linear.gather [hbm4b:s14+s2], $0x2720, $0x38;
	[tilespmem:$0x1A240] =	vst v63  }
0x130: {  	_ =	swait.ge [sflag:s4], $0x2720  }
0x131: {  	[sflag:s4] =	ssyncset.done $0x0  }
0x132: {  	s15 =	rddreg [dreg:$0x4];
	[sflag:s4] =	ssyncadd.s32 $0xFFFFD8E0  }
0x133: {  	[spmem:s15] =	stream.linear.scatter [tilespmem:s6], [sflag:$0x2], $0x2720, $0x38;
	[tilespmem:$0x1A240] =	vst v63  }
0x134: {  	_ =	swait.ge [sflag:s4], $0x2720  }
0x135: {  	[sflag:s4] =	ssyncset.done $0x0  }
0x136: {  	s16 =	rddreg [dreg:$0x5];
	[sflag:s4] =	ssyncadd.s32 $0xFFFFD8E0  }
0x137: {  	[tilespmem:s2], [sflag:$0x2] =	stream.linear.gather [hbm4b:s16+s2], $0x1400, $0x38;
	[tilespmem:$0x1A240] =	vst v63  }
0x138: {  	_ =	swait.ge [sflag:s4], $0x1400  }
0x139: {  	[sflag:s4] =	ssyncset.done $0x0  }
0x13a: {  	[sflag:s4] =	ssyncadd.s32 $0xFFFFEC00  }
0x13b: {  	[bflag:$0x0] =	sbarrier.arrive $0xFFFF  }
0x13c: {  	s17 =	rddreg [dreg:$0xa]  }
0x13d: {  	s9 =	rddreg [dreg:$0xf]  }
0x13e: {  	s10 =	rddreg [dreg:$0xb]  }
0x13f: {  	s11 =	rddreg [dreg:$0x9]  }
0x140: {  	[tilespmem:s5], [sflag:$0x1] =	stream.indirect.gather [spmem:s3], $0x10, s2, s8, $0xb8;
	[tilespmem:$0x1A240] =	vst v63  }
0x141: {  	s12 =	rddreg [dreg:$0x7]  }
0x142: {  	s13 =	rddreg [dreg:$0xd]  }
0x143: {  	s14 =	rddreg [dreg:$0x8]  }
0x144: {  	[tilespmem:s12], [sflag:$0x1] =	stream.indirect.gather [spmem:s3], $0x10, s8, s8, $0xb8;
	[tilespmem:$0x1A240] =	vst v63  }
0x145: {  	s15 =	rddreg [dreg:$0xc]  }
0x146: {  	[tilespmem:s11], [sflag:$0x1] =	stream.indirect.gather [spmem:s3], $0x10, s14, s8, $0xb8;
	[tilespmem:$0x1A240] =	vst v63  }
0x147: {  	s16 =	rddreg [dreg:$0x10]  }
0x148: {  	[tilespmem:s10], [sflag:$0x1] =	stream.indirect.gather [spmem:s3], $0x10, s17, s8, $0xb8;
	[tilespmem:$0x1A240] =	vst v63  }
0x149: {  	s12 =	rddreg [dreg:$0xe]  }
0x14a: {  	[tilespmem:s13], [sflag:$0x1] =	stream.indirect.gather [spmem:s3], $0x10, s15, s8, $0xb8;
	[tilespmem:$0x1A240] =	vst v63  }
0x14b: {  	s14 =	rddreg [dreg:$0x11]  }
0x14c: {  	[tilespmem:s9], [sflag:$0x1] =	stream.indirect.gather [spmem:s3], $0x10, s12, s8, $0xb8;
	[tilespmem:$0x1A240] =	vst v63  }
0x14d: {  	s17 =	rddreg [dreg:$0x12]  }
0x14e: {  	[tilespmem:s14], [sflag:$0x1] =	stream.indirect.gather [spmem:s3], $0x10, s16, s8, $0xb8;
	[tilespmem:$0x1A240] =	vst v63  }
0x14f: {  	s12 =	rddreg [dreg:$0x13]  }
0x150: {  	[tilespmem:s12], [sflag:$0x1] =	stream.indirect.gather [spmem:s3], $0x10, s17, s8, $0xb8;
	[tilespmem:$0x1A240] =	vst v63  }
0x151: {  	_ =	swait.ge [sflag:s7], $0x800  }
0x152: {  	[sflag:s7] =	ssyncset.done $0x0  }
0x153: {  	[sflag:s7] =	ssyncadd.s32 $0xFFFFF800  }
0x154: {  	_ =	swait.ge [sflag:s7], $0x800  }
0x155: {  	[sflag:s7] =	ssyncset.done $0x0  }
0x156: {  	[sflag:s7] =	ssyncadd.s32 $0xFFFFF800  }
0x157: {  	_ =	swait.ge [sflag:s7], $0x800  }
0x158: {  	[sflag:s7] =	ssyncset.done $0x0  }
0x159: {  	[sflag:s7] =	ssyncadd.s32 $0xFFFFF800  }
0x15a: {  	_ =	swait.ge [sflag:s7], $0x800  }
0x15b: {  	[sflag:s7] =	ssyncset.done $0x0  }
0x15c: {  	[sflag:s7] =	ssyncadd.s32 $0xFFFFF800  }
0x15d: {  	_ =	swait.ge [sflag:s7], $0x800  }
0x15e: {  	[sflag:s7] =	ssyncset.done $0x0  }
0x15f: {  	[sflag:s7] =	ssyncadd.s32 $0xFFFFF800  }
0x160: {  	_ =	swait.ge [sflag:s7], $0x800  }
0x161: {  	[sflag:s7] =	ssyncset.done $0x0  }
0x162: {  	[sflag:s7] =	ssyncadd.s32 $0xFFFFF800  }
0x163: {  	_ =	swait.ge [sflag:s7], $0x800  }
0x164: {  	[sflag:s7] =	ssyncset.done $0x0  }
0x165: {  	[sflag:s7] =	ssyncadd.s32 $0xFFFFF800  }
0x166: {  	_ =	swait.ge [sflag:s7], $0x800  }
0x167: {  	s0 =	rddreg [dreg:$0x1a]  }
0x168: {  	s9 =	sld [smem:$0x7E0]  }
0x169: {  	s10 =	rddreg [dreg:$0x19]  }
0x16a: {  	s11 =	rddreg [dreg:$0x15]  }
0x16b: {  	s12 =	rddreg [dreg:$0x17]  }
0x16c: {  	s13 =	rddreg [dreg:$0x16]  }
0x16d: {  	s14 =	rddreg [dreg:$0x14]  }
0x16e: {  	s15 =	rddreg [dreg:$0x1b]  }
0x16f: {  	[sflag:s7] =	ssyncset.done $0x0;
	s16 =	rddreg [dreg:$0x18]  }
0x170: {  	s17 =	rddreg [dreg:$0x1d];
	[sflag:s7] =	ssyncadd.s32 $0xFFFFF800  }
0x171: {  	[tilespmem:s11], [sflag:$0x1] =	stream.indirect.gather [spmem:s3], $0x10, s14, s8, $0xb8;
	[tilespmem:$0x1A240] =	vst v63  }
0x172: {  	s11 =	rddreg [dreg:$0x1f]  }
0x173: {  	[tilespmem:s12], [sflag:$0x1] =	stream.indirect.gather [spmem:s3], $0x10, s13, s8, $0xb8;
	[tilespmem:$0x1A240] =	vst v63  }
0x174: {  	s14 =	rddreg [dreg:$0x1e]  }
0x175: {  	[tilespmem:s10], [sflag:$0x1] =	stream.indirect.gather [spmem:s3], $0x10, s16, s8, $0xb8;
	[tilespmem:$0x1A240] =	vst v63  }
0x176: {  	s13 =	rddreg [dreg:$0x1c]  }
0x177: {  	[tilespmem:s15], [sflag:$0x1] =	stream.indirect.gather [spmem:s3], $0x10, s0, s8, $0xb8;
	[tilespmem:$0x1A240] =	vst v63  }
0x178: {  	s16 =	sld [smem:$0x7E1]  }
0x179: {  	[tilespmem:s17], [sflag:$0x1] =	stream.indirect.gather [spmem:s3], $0x10, s13, s8, $0xb8;
	[tilespmem:$0x1A240] =	vst v63  }
0x17a: {  	s17 =	sld [smem:$0x7E2]  }
0x17b: {  	[tilespmem:s11], [sflag:$0x1] =	stream.indirect.gather [spmem:s3], $0x10, s14, s8, $0xb8;
	[tilespmem:$0x1A240] =	vst v63  }
0x17c: {  	s13 =	sld [smem:$0x7E3]  }
0x17d: {  	[tilespmem:s9], [sflag:$0x1] =	stream.indirect.gather [spmem:s3], $0x10, s16, s8, $0xb8;
	[tilespmem:$0x1A240] =	vst v63  }
0x17e: {  	_ = 	snop  }
0x17f: {  	[tilespmem:s17], [sflag:$0x1] =	stream.indirect.gather [spmem:s3], $0x10, s13, s8, $0xb8;
	[tilespmem:$0x1A240] =	vst v63  }
0x180: {  	_ =	swait.ge [sflag:s7], $0x800  }
0x181: {  	[sflag:s7] =	ssyncset.done $0x0  }
0x182: {  	[sflag:s7] =	ssyncadd.s32 $0xFFFFF800  }
0x183: {  	_ =	swait.ge [sflag:s7], $0x800  }
0x184: {  	[sflag:s7] =	ssyncset.done $0x0  }
0x185: {  	[sflag:s7] =	ssyncadd.s32 $0xFFFFF800  }
0x186: {  	_ =	swait.ge [sflag:s7], $0x800  }
0x187: {  	[sflag:s7] =	ssyncset.done $0x0  }
0x188: {  	[sflag:s7] =	ssyncadd.s32 $0xFFFFF800  }
0x189: {  	_ =	swait.ge [sflag:s7], $0x800  }
0x18a: {  	[sflag:s7] =	ssyncset.done $0x0  }
0x18b: {  	[sflag:s7] =	ssyncadd.s32 $0xFFFFF800  }
0x18c: {  	_ =	swait.ge [sflag:s7], $0x800  }
0x18d: {  	[sflag:s7] =	ssyncset.done $0x0  }
0x18e: {  	[sflag:s7] =	ssyncadd.s32 $0xFFFFF800  }
0x18f: {  	_ =	swait.ge [sflag:s7], $0x800  }
0x190: {  	[sflag:s7] =	ssyncset.done $0x0  }
0x191: {  	[sflag:s7] =	ssyncadd.s32 $0xFFFFF800  }
0x192: {  	_ =	swait.ge [sflag:s7], $0x800  }
0x193: {  	[sflag:s7] =	ssyncset.done $0x0  }
0x194: {  	[sflag:s7] =	ssyncadd.s32 $0xFFFFF800  }
0x195: {  	_ =	swait.ge [sflag:s7], $0x800  }
0x196: {  	s0 =	sld [smem:$0x7E4]  }
0x197: {  	s9 =	sld [smem:$0x7E5]  }
0x198: {  	s10 =	sld [smem:$0x7E6]  }
0x199: {  	s11 =	sld [smem:$0x7E7]  }
0x19a: {  	s12 =	sld [smem:$0x7E8]  }
0x19b: {  	s13 =	sld [smem:$0x7E9]  }
0x19c: {  	s14 =	sld [smem:$0x7EA]  }
0x19d: {  	s15 =	sld [smem:$0x7EB]  }
0x19e: {  	[sflag:s7] =	ssyncset.done $0x0;
	s16 =	sld [smem:$0x7EC]  }
0x19f: {  	s17 =	sld [smem:$0x7ED];
	[sflag:s7] =	ssyncadd.s32 $0xFFFFF800  }
0x1a0: {  	[tilespmem:s14], [sflag:$0x1] =	stream.indirect.gather [spmem:s3], $0x10, s13, s8, $0xb8;
	[tilespmem:$0x1A240] =	vst v63  }
0x1a1: {  	s13 =	sld [smem:$0x7EE]  }
0x1a2: {  	[tilespmem:s12], [sflag:$0x1] =	stream.indirect.gather [spmem:s3], $0x10, s16, s8, $0xb8;
	[tilespmem:$0x1A240] =	vst v63  }
0x1a3: {  	s14 =	sld [smem:$0x7F0]  }
0x1a4: {  	[tilespmem:s10], [sflag:$0x1] =	stream.indirect.gather [spmem:s3], $0x10, s9, s8, $0xb8;
	[tilespmem:$0x1A240] =	vst v63  }
0x1a5: {  	s12 =	sld [smem:$0x7EF]  }
0x1a6: {  	[tilespmem:s15], [sflag:$0x1] =	stream.indirect.gather [spmem:s3], $0x10, s17, s8, $0xb8;
	[tilespmem:$0x1A240] =	vst v63  }
0x1a7: {  	s16 =	sld [smem:$0x7F2]  }
0x1a8: {  	[tilespmem:s11], [sflag:$0x1] =	stream.indirect.gather [spmem:s3], $0x10, s13, s8, $0xb8;
	[tilespmem:$0x1A240] =	vst v63  }
0x1a9: {  	s15 =	sld [smem:$0x7F1]  }
0x1aa: {  	[tilespmem:s12], [sflag:$0x1] =	stream.indirect.gather [spmem:s3], $0x10, s14, s8, $0xb8;
	[tilespmem:$0x1A240] =	vst v63  }
0x1ab: {  	s17 =	sld [smem:$0x7F3]  }
0x1ac: {  	[tilespmem:s0], [sflag:$0x1] =	stream.indirect.gather [spmem:s3], $0x10, s15, s8, $0xb8;
	[tilespmem:$0x1A240] =	vst v63  }
0x1ad: {  	_ = 	snop  }
0x1ae: {  	[tilespmem:s16], [sflag:$0x1] =	stream.indirect.gather [spmem:s3], $0x10, s17, s8, $0xb8;
	[tilespmem:$0x1A240] =	vst v63  }
0x1af: {  	_ =	swait.ge [sflag:s7], $0x800  }
0x1b0: {  	[sflag:s7] =	ssyncset.done $0x0  }
0x1b1: {  	[sflag:s7] =	ssyncadd.s32 $0xFFFFF800  }
0x1b2: {  	_ =	swait.ge [sflag:s7], $0x800  }
0x1b3: {  	[sflag:s7] =	ssyncset.done $0x0  }
0x1b4: {  	[sflag:s7] =	ssyncadd.s32 $0xFFFFF800  }
0x1b5: {  	_ =	swait.ge [sflag:s7], $0x800  }
0x1b6: {  	[sflag:s7] =	ssyncset.done $0x0  }
0x1b7: {  	[sflag:s7] =	ssyncadd.s32 $0xFFFFF800  }
0x1b8: {  	_ =	swait.ge [sflag:s7], $0x800  }
0x1b9: {  	[sflag:s7] =	ssyncset.done $0x0  }
0x1ba: {  	[sflag:s7] =	ssyncadd.s32 $0xFFFFF800  }
0x1bb: {  	_ =	swait.ge [sflag:s7], $0x800  }
0x1bc: {  	[sflag:s7] =	ssyncset.done $0x0  }
0x1bd: {  	[sflag:s7] =	ssyncadd.s32 $0xFFFFF800  }
0x1be: {  	_ =	swait.ge [sflag:s7], $0x800  }
0x1bf: {  	[sflag:s7] =	ssyncset.done $0x0  }
0x1c0: {  	[sflag:s7] =	ssyncadd.s32 $0xFFFFF800  }
0x1c1: {  	_ =	swait.ge [sflag:s7], $0x800  }
0x1c2: {  	[sflag:s7] =	ssyncset.done $0x0  }
0x1c3: {  	[sflag:s7] =	ssyncadd.s32 $0xFFFFF800  }
0x1c4: {  	_ =	swait.ge [sflag:s7], $0x800  }
0x1c5: {  	s0 =	sld [smem:$0x7F4]  }
0x1c6: {  	s10 =	sld [smem:$0x7F5]  }
0x1c7: {  	s16 =	sld [smem:$0x7F6]  }
0x1c8: {  	s12 =	sld [smem:$0x7F7]  }
0x1c9: {  	s13 =	sld [smem:$0x7F8]  }
0x1ca: {  	[sflag:s7] =	ssyncset.done $0x0;
	s14 =	sld [smem:$0x7F9]  }
0x1cb: {  	s17 =	sld [smem:$0x7FA];
	[sflag:s7] =	ssyncadd.s32 $0xFFFFF800  }
0x1cc: {  	[tilespmem:s13], [sflag:$0x1] =	stream.indirect.gather [spmem:s3], $0x10, s12, s8, $0xb8;
	[tilespmem:$0x1A240] =	vst v63  }
0x1cd: {  	s15 =	sld [smem:$0x7FB]  }
0x1ce: {  	[tilespmem:s10], [sflag:$0x1] =	stream.indirect.gather [spmem:s3], $0x10, s16, s8, $0xb8;
	[tilespmem:$0x1A240] =	vst v63  }
0x1cf: {  	s16 =	sld [smem:$0x7FC]  }
0x1d0: {  	[tilespmem:s17], [sflag:$0x1] =	stream.indirect.gather [spmem:s3], $0x10, s14, s8, $0xb8;
	[tilespmem:$0x1A240] =	vst v63  }
0x1d1: {  	s17 =	sld [smem:$0x7FD]  }
0x1d2: {  	[tilespmem:s15], [sflag:$0x1] =	stream.indirect.gather [spmem:s3], $0x10, s16, s8, $0xb8;
	[tilespmem:$0x1A240] =	vst v63  }
0x1d3: {  	_ = 	snop  }
0x1d4: {  	[tilespmem:s0], [sflag:$0x1] =	stream.indirect.gather [spmem:s3], $0x10, s17, s8, $0xb8;
	[tilespmem:$0x1A240] =	vst v63  }
0x1d5: {  	s9 =	simm.s32 $0xE80;
	s10 =	simm.s32 $0xFC00  }
0x1d6: {  	[tilespmem:s10], [sflag:$0x1] =	stream.indirect.gather [spmem:s3], $0x10, s9, s8, $0xb8;
	[tilespmem:$0x1A240] =	vst v63  }
0x1d7: {  	s11 =	simm.s32 $0xF00;
	s12 =	simm.s32 $0x10400  }
0x1d8: {  	[tilespmem:s12], [sflag:$0x1] =	stream.indirect.gather [spmem:s3], $0x10, s11, s8, $0xb8;
	[tilespmem:$0x1A240] =	vst v63  }
0x1d9: {  	s13 =	simm.s32 $0xF80;
	s14 =	simm.s32 $0x10C00  }
0x1da: {  	[tilespmem:s14], [sflag:$0x1] =	stream.indirect.gather [spmem:s3], $0x10, s13, s8, $0xb8;
	[tilespmem:$0x1A240] =	vst v63  }
0x1db: {  	_ =	swait.ge [sflag:s7], $0x800  }
0x1dc: {  	[sflag:s7] =	ssyncset.done $0x0  }
0x1dd: {  	[sflag:s7] =	ssyncadd.s32 $0xFFFFF800  }
0x1de: {  	_ =	swait.ge [sflag:s7], $0x800  }
0x1df: {  	[sflag:s7] =	ssyncset.done $0x0  }
0x1e0: {  	[sflag:s7] =	ssyncadd.s32 $0xFFFFF800  }
0x1e1: {  	_ =	swait.ge [sflag:s7], $0x800  }
0x1e2: {  	[sflag:s7] =	ssyncset.done $0x0  }
0x1e3: {  	[sflag:s7] =	ssyncadd.s32 $0xFFFFF800  }
0x1e4: {  	_ =	swait.ge [sflag:s7], $0x800  }
0x1e5: {  	[sflag:s7] =	ssyncset.done $0x0  }
0x1e6: {  	[sflag:s7] =	ssyncadd.s32 $0xFFFFF800  }
0x1e7: {  	_ =	swait.ge [sflag:s7], $0x800  }
0x1e8: {  	[sflag:s7] =	ssyncset.done $0x0  }
0x1e9: {  	[sflag:s7] =	ssyncadd.s32 $0xFFFFF800  }
0x1ea: {  	_ =	swait.ge [sflag:s7], $0x800  }
0x1eb: {  	[sflag:s7] =	ssyncset.done $0x0  }
0x1ec: {  	[sflag:s7] =	ssyncadd.s32 $0xFFFFF800  }
0x1ed: {  	_ =	swait.ge [sflag:s7], $0x800  }
0x1ee: {  	[sflag:s7] =	ssyncset.done $0x0  }
0x1ef: {  	[sflag:s7] =	ssyncadd.s32 $0xFFFFF800  }
0x1f0: {  	_ =	swait.ge [sflag:s7], $0x800  }
0x1f1: {  	[sflag:s7] =	ssyncset.done $0x0  }
0x1f2: {  	s15 =	simm.s32 $0x1000;
	s16 =	simm.s32 $0x11400;
	[sflag:s7] =	ssyncadd.s32 $0xFFFFF800  }
0x1f3: {  	[tilespmem:s16], [sflag:$0x1] =	stream.indirect.gather [spmem:s3], $0x10, s15, s8, $0xb8;
	[tilespmem:$0x1A240] =	vst v63  }
0x1f4: {  	s17 =	simm.s32 $0x1080  }
0x1f5: {  	[tilespmem:s18], [sflag:$0x1] =	stream.indirect.gather [spmem:s3], $0x10, s17, s8, $0xb8;
	[tilespmem:$0x1A240] =	vst v63  }
0x1f6: {  	_ = 	snop  }
0x1f7: {  	[tilespmem:s20], [sflag:$0x1] =	stream.indirect.gather [spmem:s3], $0x10, s19, s8, $0xb8;
	[tilespmem:$0x1A240] =	vst v63  }
0x1f8: {  	_ = 	snop  }
0x1f9: {  	[tilespmem:s22], [sflag:$0x1] =	stream.indirect.gather [spmem:s3], $0x10, s21, s8, $0xb8;
	[tilespmem:$0x1A240] =	vst v63  }
0x1fa: {  	_ = 	snop  }
0x1fb: {  	[tilespmem:s24], [sflag:$0x1] =	stream.indirect.gather [spmem:s3], $0x10, s23, s8, $0xb8;
	[tilespmem:$0x1A240] =	vst v63  }
0x1fc: {  	_ = 	snop  }
0x1fd: {  	[tilespmem:s26], [sflag:$0x1] =	stream.indirect.gather [spmem:s3], $0x10, s25, s8, $0xb8;
	[tilespmem:$0x1A240] =	vst v63  }
0x1fe: {  	p0 =	sne.s32 s1, $0x1  }
0x1ff: {  	[tilespmem:s29], [sflag:$0x1] =	stream.indirect.gather [spmem:s3], $0x10, s28, s8, $0xb8;
	[tilespmem:$0x1A240] =	vst v63  }
.Ltmp1:
0x200: {  	_ = 	snop;
	(pc) =	sbr.rel @p0 .LBB2_1-.Ltmp1, $4  }
0x201: {  	[tilespmem:s31], [sflag:$0x1] =	stream.indirect.gather [spmem:s3], $0x10, s30, s8, $0xb8;
	[tilespmem:$0x1A240] =	vst v63  }
0x202: {  	_ =	swait.ge [sflag:s7], $0x800  }
0x203: {  	[sflag:s7] =	ssyncset.done $0x0  }
0x204: {  	s1 =	sadd.s32 $0xFFFFFFFF, s1;
	[sflag:s7] =	ssyncadd.s32 $0xFFFFF800  }
.LBB2_2:
0x205: {  	_ =	swait.ge [sflag:s7], $0x800  }
0x206: {  	[sflag:s7] =	ssyncset.done $0x0  }
0x207: {  	[sflag:s7] =	ssyncadd.s32 $0xFFFFF800  }
0x208: {  	_ =	swait.ge [sflag:s7], $0x800  }
0x209: {  	[sflag:s7] =	ssyncset.done $0x0  }
0x20a: {  	[sflag:s7] =	ssyncadd.s32 $0xFFFFF800  }
0x20b: {  	_ =	swait.ge [sflag:s7], $0x800  }
0x20c: {  	[sflag:s7] =	ssyncset.done $0x0  }
0x20d: {  	[sflag:s7] =	ssyncadd.s32 $0xFFFFF800  }
0x20e: {  	_ =	swait.ge [sflag:s7], $0x800  }
0x20f: {  	[sflag:s7] =	ssyncset.done $0x0  }
0x210: {  	[sflag:s7] =	ssyncadd.s32 $0xFFFFF800  }
0x211: {  	_ =	swait.ge [sflag:s7], $0x800  }
0x212: {  	[sflag:s7] =	ssyncset.done $0x0  }
0x213: {  	[sflag:s7] =	ssyncadd.s32 $0xFFFFF800  }
0x214: {  	_ =	swait.ge [sflag:s7], $0x800  }
0x215: {  	[sflag:s7] =	ssyncset.done $0x0  }
0x216: {  	[sflag:s7] =	ssyncadd.s32 $0xFFFFF800  }
0x217: {  	_ =	swait.ge [sflag:s7], $0x800  }
0x218: {  	[sflag:s7] =	ssyncset.done $0x0  }
0x219: {  	s0 =	rddreg [dreg:$0x6];
	[sflag:s7] =	ssyncadd.s32 $0xFFFFF800  }
0x21a: {  	[hbm4b:s0+s2] =	stream.linear.scatter [tilespmem:s5], [sflag:$0x2], $0x14000, $0x38;
	[tilespmem:$0x1A240] =	vst v63  }
0x21b: {  	_ =	swait.ge [sflag:s4], $0x14000  }
0x21c: {  	[sflag:s4] =	ssyncset.done $0x0  }
0x21d: {  	[sflag:s4] =	ssyncadd.s32 $0xFFFEC000  }
0x21e: {  	_ =	sfence.sel $0x180000  }
0x21f: {  	[bflag:$0x0] =	sbarrier.arrive $0xFFFF  }
0x220: {  	_ =	strace $0x90000056  }
0x221: {  	s31 =	stileid.u32;
	[bflag:$0x2] =	sbarrier.arrive $0xFFFF  }
0x222: {  	p0 =	sne.s32 s31, $0x0;
	s0 =	rddreg [dreg:$0x2]  }
0x223: {  	s0 =	sadd.s32 @!p0 $0x100000, s0  }
0x224: {  	[sflag:s0] =	ssyncadd.tile.s32 @!p0 $0x1;
	_ =	shalt  }
.Lfunc_end2:
_tile_overlayer_lowered:
.L_overlay_start_2:
0x225: {  	(tag) =	ssettag $0x2  }
0x226: {  	s0 =	rddreg [dreg:$0x0];
	s2 =	stileid.u32  }
0x227: {  	s1 =	rddreg [dreg:$0x1];
	p0 =	sne.s32 s2, $0x0  }
0x228: {  	s3 =	rddreg [dreg:$0x2];
	[bflag:$0x3] =	sbarrier.arrive $0xFFFF;
	s2 =	simm.s32 @!p0 $0x1C02  }
0x229: {  	[timem:s3], [sflag:s2] =	dma.local @!p0 [hbm:s0], s1  }
0x22a: {  	s0 =	simm.s32 @!p0 $0x2  }
0x22b: {  	_ =	swait.ge @!p0 [sflag:s0], s1  }
0x22c: {  	s1 =	ssub.s32 @!p0 $0x0, s1;
	[sflag:s0] =	ssyncset.done @!p0 $0x0  }
0x22d: {  	[sflag:s0] =	ssyncadd.s32 @!p0 s1  }
0x22e: {  	[bflag:$0x3] =	sbarrier.arrive $0xFFFF  }
0x22f: {  	_ =	shalt  }

// kernel: kernel.35.cloned.1.call-start
scs
__scs_entry_jumppad:
0x0: {  	(pc) =	sbr.rel $0x88, $3  }
0x1: {  	(tag) =	ssettag $0x0;
	lr =	simm.s32 $0x1  }
0x2: {  	[smem:$0x3F85] =	sst lr;
	_ =	strace $0xD0000000  }
0x3: {  	_ = 	snop  }
0x4: {  	_ = 	snop  }
0x5: {  	_ = 	snop  }
0x6: {  	_ = 	snop  }
0x7: {  	_ = 	snop  }
__scs_overlays_trampoline_lowered:
0x8: {  	[smem:$0x3F94] =	sst s0  }
0x9: {  	[smem:$0x3F95] =	sst s1  }
0xa: {  	[smem:$0x3F96] =	sst s2  }
0xb: {  	[smem:$0x3F97] =	sst s3  }
0xc: {  	[smem:$0x3F98] =	sst s4  }
0xd: {  	[smem:$0x3F99] =	sst s5  }
0xe: {  	[smem:$0x3F9A] =	sst s6  }
0xf: {  	[smem:$0x3F9B] =	sst s7  }
0x10: {  	[smem:$0x3F9C] =	sst s8  }
0x11: {  	[smem:$0x3F9D] =	sst s9;
	s0 =	simm.s32 @!p0 $0x0  }
0x12: {  	s1 =	sld [smem:$0x3F83];
	s0 =	simm.s32 @p0 $0x1  }
0x13: {  	[smem:$0x3F9E] =	sst s0;
	s0 =	simm.s32 @!p1 $0x0  }
0x14: {  	s2 =	sld [smem:$0x3F82];
	s0 =	simm.s32 @p1 $0x1  }
0x15: {  	[smem:$0x3F9F] =	sst s0;
	s0 =	simm.s32 @!p2 $0x0  }
0x16: {  	s3 =	sld [smem:$0x3FDB];
	s0 =	simm.s32 @p2 $0x1  }
0x17: {  	s4 =	simm.s32 $0x1BF5;
	[smem:$0x3FA1] =	sst s0  }
0x18: {  	s0 =	sld [smem:$0x3F84];
	_ =	swait.ge [sflag:s4], $0x0  }
0x19: {  	s7 =	sld [smem:$0x3F85]  }
0x1a: {  	s8 =	sadd.s32 $0xFFFFE003, lr  }
0x1b: {  	s9 =	sadd.s32 $0xFFFFFEF7, lr;
	s5 =	simm.s32 $0xFFFFFFFF;
	p2 =	slt.u32 s8, $0xFFFFF086  }
0x1c: {  	p1 =	slt.u32 s9, $0xF7A;
	s5 =	simm.s32 @!p2 $0x0  }
0x1d: {  	s5 =	simm.s32 @p1 $0x1;
	p0 =	seq.s32 s7, s2  }
0x1e: {  	s7 =	smul.u32 @!p0 $0xF7A, s2;
	p2 =	seq.s32 @!p0 s5, $0x0  }
0x1f: {  	s9 =	smul.u32 $0xF7A, s1;
	s8 =	simm.s32 @!p0 $0x1BF5;
	p2 =	por !p2, p0  }
0x20: {  	[sflag:s8] =	ssyncset.s32 @!p0 $0xFFFFF086;
	s6 =	sadd.s32 @!p0 s3, s7;
	s7 =	simm.s32 @!p0 $0x108  }
0x21: {  	s3 =	sadd.s32 s3, s9;
	s6 =	sadd.s32 @!p0 $0x88, s6;
	s7 =	simm.s32 @p2 $0x1082  }
0x22: {  	[simem:s7], [sflag:s8] =	dma.local @!p0 [hbm:s6], $0xF7A  }
0x23: {  	s9 =	sor.u32 $0xD0000000, s2;
	s6 =	simm.s32 $0x108;
	_ =	swait.ge @!p0 [sflag:s8], $0x0  }
0x24: {  	s3 =	sadd.s32 $0x88, s3;
	s6 =	simm.s32 @!p1 $0x1082;
	[sflag:s4] =	ssyncset.s32 $0xFFFFF086  }
0x25: {  	[simem:s6], [sflag:s4] =	dma.local [hbm:s3], $0xF7A  }
0x26: {  	[smem:$0x3F85] =	sst s1;
	(tag) =	ssettag s2;
	_ =	strace s9  }
0x27: {  	s1 =	sld [smem:$0x3F95]  }
0x28: {  	s2 =	sld [smem:$0x3F96]  }
0x29: {  	s4 =	sld [smem:$0x3F98]  }
0x2a: {  	p0 =	seq.s32 s5, $0x0;
	s5 =	sld [smem:$0x3F99]  }
0x2b: {  	s6 =	sld [smem:$0x3F9A]  }
0x2c: {  	s7 =	sld [smem:$0x3F9B]  }
0x2d: {  	s3 =	simm.s32 $0x108;
	s8 =	sld [smem:$0x3F9C]  }
0x2e: {  	s3 =	simm.s32 @!p0 $0x1082;
	s9 =	sld [smem:$0x3F9D]  }
0x2f: {  	lr =	sadd.s32 s0, s3;
	s0 =	sld [smem:$0x3F94]  }
0x30: {  	s3 =	sld [smem:$0x3F97]  }
0x31: {  	[smem:$0x3FA0] =	sst s10  }
0x32: {  	s10 =	sld [smem:$0x3F9E];
	_ =	sdelay $0x3  }
0x33: {  	p0 =	seq.s32 s10, $0x1;
	s10 =	sld [smem:$0x3FA0];
	_ =	sdelay $0x3  }
0x34: {  	[smem:$0x3FA0] =	sst s10  }
0x35: {  	s10 =	sld [smem:$0x3F9F];
	_ =	sdelay $0x3  }
0x36: {  	p1 =	seq.s32 s10, $0x1;
	s10 =	sld [smem:$0x3FA0];
	_ =	sdelay $0x3  }
0x37: {  	[smem:$0x3FA0] =	sst s10  }
0x38: {  	s10 =	sld [smem:$0x3FA1]  }
0x39: {  	_ = 	snop;
	(pc) =	sbr.ind lr, $3  }
0x3a: {  	_ = 	snop  }
0x3b: {  	_ = 	snop  }
0x3c: {  	p2 =	seq.s32 s10, $0x1;
	s10 =	sld [smem:$0x3FA0]  }
0x3d: {  	_ =	shalt  }
0x3e: {  	_ =	shalt  }
0x3f: {  	_ =	shalt  }
0x40: {  	_ =	shalt  }
0x41: {  	_ =	shalt  }
0x42: {  	_ =	shalt  }
0x43: {  	_ =	shalt  }
0x44: {  	_ =	shalt  }
0x45: {  	_ =	shalt  }
0x46: {  	_ =	shalt  }
0x47: {  	_ =	shalt  }
0x48: {  	_ =	shalt  }
0x49: {  	_ =	shalt  }
0x4a: {  	_ =	shalt  }
0x4b: {  	_ =	shalt  }
0x4c: {  	_ =	shalt  }
0x4d: {  	_ =	shalt  }
0x4e: {  	_ =	shalt  }
0x4f: {  	_ =	shalt  }
0x50: {  	_ =	shalt  }
0x51: {  	_ =	shalt  }
0x52: {  	_ =	shalt  }
0x53: {  	_ =	shalt  }
0x54: {  	_ =	shalt  }
0x55: {  	_ =	shalt  }
0x56: {  	_ =	shalt  }
0x57: {  	_ =	shalt  }
0x58: {  	_ =	shalt  }
0x59: {  	_ =	shalt  }
0x5a: {  	_ =	shalt  }
0x5b: {  	_ =	shalt  }
0x5c: {  	_ =	shalt  }
0x5d: {  	_ =	shalt  }
0x5e: {  	_ =	shalt  }
0x5f: {  	_ =	shalt  }
0x60: {  	_ =	shalt  }
0x61: {  	_ =	shalt  }
0x62: {  	_ =	shalt  }
0x63: {  	_ =	shalt  }
0x64: {  	_ =	shalt  }
0x65: {  	_ =	shalt  }
0x66: {  	_ =	shalt  }
0x67: {  	_ =	shalt  }
0x68: {  	_ =	shalt  }
0x69: {  	_ =	shalt  }
0x6a: {  	_ =	shalt  }
0x6b: {  	_ =	shalt  }
0x6c: {  	_ =	shalt  }
0x6d: {  	_ =	shalt  }
0x6e: {  	_ =	shalt  }
0x6f: {  	_ =	shalt  }
0x70: {  	_ =	shalt  }
0x71: {  	_ =	shalt  }
0x72: {  	_ =	shalt  }
0x73: {  	_ =	shalt  }
0x74: {  	_ =	shalt  }
0x75: {  	_ =	shalt  }
0x76: {  	_ =	shalt  }
0x77: {  	_ =	shalt  }
0x78: {  	_ =	shalt  }
0x79: {  	_ =	shalt  }
0x7a: {  	_ =	shalt  }
0x7b: {  	_ =	shalt  }
0x7c: {  	_ =	shalt  }
0x7d: {  	_ =	shalt  }
0x7e: {  	_ =	shalt  }
0x7f: {  	_ =	shalt  }
0x80: {  	_ =	shalt  }
0x81: {  	_ =	shalt  }
0x82: {  	_ =	shalt  }
0x83: {  	_ =	shalt  }
0x84: {  	_ =	shalt  }
0x85: {  	_ =	shalt  }
0x86: {  	_ =	shalt  }
0x87: {  	_ =	shalt  }
.Lfunc_end0:
.L_simem_size_0:
called_computation.6_lowered:
.L_overlay_start_0:
0x88: {  	s2 =	sld [smem:$0x3FD9]  }
0x89: {  	s3 =	sld [smem:$0x3FFE];
	_ =	sdelay $0x1  }
0x8a: {  	s1 =	srdreg.scid  }
0x8b: {  	s0 =	sand.u32 $0x1, s1  }
0x8c: {  	s16 =	sshll.u32 s0, $0xA;
	s2 =	sadd.s32 s3, s2  }
0x8d: {  	s2 =	sadd.s32 s2, s16  }
0x8e: {  	[smem:$0x3FAC] =	sst s2  }
0x8f: {  	_ = 	snop  }
0x90: {  	(tm) =	ssettm $0x1  }
0x91: {  	s17 =	sld [smem:$0x3FFB];
	_ =	sdelay $0x3  }
0x92: {  	_ =	strace s17  }
0x93: {  	s2 =	sld [smem:$0x3FFC];
	_ =	sdelay $0x3  }
0x94: {  	_ =	strace s2  }
0x95: {  	s2 =	sld [smem:$0x3FFD];
	_ =	sdelay $0x3  }
0x96: {  	_ =	strace s2  }
0x97: {  	_ =	strace $0x8FFFFFFF  }
0x98: {  	s18 =	sld [smem:$0x3FDB];
	_ =	sdelay $0x1  }
0x99: {  	s19 =	simm.s32 $_scs_section_size  }
0x9a: {  	s4 =	simm.s32 $_size__tile_overlayer_lowered;
	s5 =	simm.s32 $_tile_overlayer_lowered  }
0x9b: {  	s22 =	simm.s32 $0x1BFF;
	s21 =	sshll.u32 s5, $0x1;
	s2 =	sadd.s32 s19, s18  }
0x9c: {  	s6 =	simm.s32 $0x0;
	s20 =	sshll.u32 s4, $0x1;
	s4 =	sadd.s32 s21, s2  }
0x9d: {  	[timem:s6], [sflag:s22] =	dma.local [hbm:s4], s20  }
0x9e: {  	_ =	swait.ge [sflag:s22], s20  }
0x9f: {  	s3 =	ssub.s32 $0x0, s20;
	[sflag:s22] =	ssyncset.done $0x0  }
0xa0: {  	[sflag:s22] =	ssyncadd.s32 s3;
	_ =	sdelay $0x1  }
0xa1: {  	s23 =	simm.s32 $0x1B8B  }
0xa2: {  	_ =	swait.ge [sflag:s23], $0x1  }
0xa3: {  	[sflag:s23] =	ssyncset.done $0x0  }
0xa4: {  	s25 =	simm.s32 $0x1B8E;
	s24 =	sld [smem:$0x3FFE];
	[sflag:s23] =	ssyncadd.s32 $0xFFFFFFFF  }
0xa5: {  	s26 =	simm.s32 $execute0_lowered;
	[smem:$0x3FD2] =	sst s25  }
0xa6: {  	s4 =	sshll.u32 s26, $0x1;
	_ =	strace $0x80000058;
	[dreg:$0x1] =	wrdreg $0xFFFFFFFF  }
0xa7: {  	s28 =	simm.s32 $_size_execute0_lowered;
	s2 =	sadd.s32 s2, s4;
	[dreg:$0x0] =	wrdreg $0x0  }
0xa8: {  	s4 =	sshll.u32 s28, $0x1;
	[dreg:$0x2] =	wrdreg s2  }
0xa9: {  	[dreg:$0x3] =	wrdreg s4  }
0xaa: {  	[dreg:$0x4] =	wrdreg $0xC0  }
0xab: {  	_ =	task [dreg:s6], $0x5FFFF  }
0xac: {  	[dreg:$0x1] =	wrdreg $0xFFFFFFFF  }
0xad: {  	[dreg:$0x0] =	wrdreg $0x60  }
0xae: {  	[dreg:$0x2] =	wrdreg s24  }
0xaf: {  	[dreg:$0x3] =	wrdreg $0x17B200  }
0xb0: {  	[dreg:$0x4] =	wrdreg $0x9  }
0xb1: {  	_ =	task.clear_ibuf [dreg:s6], $0x5FFFF;
	_ =	strace $0x90000058  }
0xb2: {  	s29 =	simm.s32 $0x9;
	_ =	strace $0x8000005A  }
0xb3: {  	_ =	swait.ge [sflag:s29], $0x1  }
0xb4: {  	[sflag:s29] =	ssyncadd.s32 $0xFFFFFFFF  }
0xb5: {  	_ =	strace $0x9000005A  }
0xb6: {  	_ =	sfence  }
0xb7: {  	s30 =	sld [smem:$0x0];
	_ =	sdelay $0x2  }
0xb8: {  	s31 =	sshll.u32 s1, $0xD;
	s1 =	sshrl.u32 s1, $0x2  }
0xb9: {  	s3 =	sand.u32 $0x4000, s31;
	s1 =	sadd.s32 s1, s30  }
0xba: {  	s0 =	sor.u32 s3, s0;
	s1 =	sshll.u32 s1, $0x11  }
0xbb: {  	s0 =	sor.u32 s1, s0  }
0xbc: {  	s0 =	sadd.s32 $0x8F2B, s0  }
0xbd: {  	[sflag:s0] =	ssyncadd.remote.s32 $0x1  }
0xbe: {  	_ =	sfence.sel $0xFFFF  }
0xbf: {  	[dreg:$0x0] =	wrdreg $0xFFFFFFFF;
	(pc) =	sbr.abs _section_cstart, $3  }
0xc0: {  	[dreg:$0x1] =	wrdreg $0xFFFFFFFF  }
0xc1: {  	_ =	task.clear_ibuf [dreg:s6], $0x2FFFF;
	_ =	strace $0x9FFFFFFF  }
0xc2: {  	(tm) =	ssettm $0x7FFFFFFF  }
0xc3: {  	_ =	shalt  }
tec
execute0_lowered:
.L_overlay_start_1:
0x0: {  	(tag) =	ssettag $0x1  }
0x1: {  	s1 =	srdreg.scid  }
0x2: {  	s0 =	stileid.u32;
	s5 =	rddreg [dreg:$0x0]  }
0x3: {  	s2 =	rddreg [dreg:$0x1];
	s8 =	smul.u32 $0x2720, s0  }
0x4: {  	s4 =	sand.u32 $0x1, s1;
	s29 =	sshll.u32 s0, $0x1;
	s9 =	smul.u32 $0x4E4, s0  }
0x5: {  	s3 =	simm.s32 $0x0;
	s1 =	sor.u32 s4, s29;
	s30 =	smul.u32 $0x4E40, s4  }
0x6: {  	s13 =	simm.s32 $0x0;
	[smem:$0x7FF] =	sst s3;
	s6 =	smul.u32 $0x2800, s1  }
0x7: {  	s4 =	ssub.s32 $0x2, s4;
	s7 =	smul.u32 $0x280, s1;
	s1 =	rddreg [dreg:$0x2]  }
0x8: {  	_ =	strace $0x80000059;
	s11 =	sshrl.u32 s8, $0x3;
	s31 =	sshrl.u32 s4, $0x1  }
0x9: {  	s11 =	sadd.s32 s11, s5;
	s10 =	sadd.s32 s6, s5;
	s7 =	sadd.s32 s7, s5  }
0xa: {  	s6 =	sadd.s32 s9, s30;
	s9 =	ssub.s32 s4, s31;
	s4 =	sadd.s32 $0x89400, s11  }
0xb: {  	s11 =	simm.s32 $0x1;
	s12 =	sadd.s32 s6, s5;
	s5 =	sadd.s32 s8, s2  }
0xc: {  	s6 =	sadd.s32 $0x84400, s7;
	s7 =	sadd.s32 $0x8E400, s10;
	s9 =	smax.u32 s9, $0x1  }
0xd: {  	s10 =	simm.s32 $0x15400;
	s8 =	sadd.s32 $0x3200, s12;
	s12 =	simm.s32 $0x80  }
.LBB2_1:
0xe: {  	[tilespmem:s10], [sflag:$0x1] =	stream.linear.gather [hbm4b:s4+s3], $0x2720, $0x38;
	[tilespmem:$0x1A240] =	vst v63  }
0xf: {  	_ =	swait.ge [sflag:s11], $0x2720  }
0x10: {  	[sflag:s11] =	ssyncset.done $0x0  }
0x11: {  	[sflag:s11] =	ssyncadd.s32 $0xFFFFD8E0  }
0x12: {  	[spmem:s5] =	stream.linear.scatter [tilespmem:s10], [sflag:$0x1], $0x2720, $0x38;
	[tilespmem:$0x1A240] =	vst v63  }
0x13: {  	_ =	swait.ge [sflag:s11], $0x2720  }
0x14: {  	[sflag:s11] =	ssyncset.done $0x0  }
0x15: {  	[sflag:s11] =	ssyncadd.s32 $0xFFFFD8E0  }
0x16: {  	[tilespmem:s3], [sflag:$0x1] =	stream.linear.gather [hbm4b:s6+s3], $0x1400, $0x38;
	[tilespmem:$0x1A240] =	vst v63  }
0x17: {  	_ =	swait.ge [sflag:s11], $0x1400  }
0x18: {  	[sflag:s11] =	ssyncset.done $0x0  }
0x19: {  	s14 =	simm.s32 $0x1400;
	[sflag:s11] =	ssyncadd.s32 $0xFFFFEC00  }
0x1a: {  	[tilespmem:s14], [sflag:$0x1] =	stream.linear.gather [hbm4b:s7+s3], $0x14000, $0x38;
	[tilespmem:$0x1A240] =	vst v63  }
0x1b: {  	_ =	swait.ge [sflag:s11], $0x14000  }
0x1c: {  	[sflag:s11] =	ssyncset.done $0x0  }
0x1d: {  	[sflag:s11] =	ssyncadd.s32 $0xFFFEC000  }
0x1e: {  	s15 =	simm.s32 $0x0;
	[bflag:$0x0] =	sbarrier.arrive $0xFFFF  }
0x1f: {  	[spmem:s2] =	stream.indirect.scatter.add.f32 [tilespmem:s14], [sflag:$0x1], $0x10, s15, s12, $0xb8;
	[tilespmem:$0x1A240] =	vst v63  }
0x20: {  	_ =	swait.ge [sflag:s11], $0x800  }
0x21: {  	s15 =	simm.s32 $0x200;
	[sflag:s11] =	ssyncset.done $0x0  }
.LBB2_2:
0x22: {  	s16 =	sshra.s32 s15, $0x2  }
0x23: {  	[sflag:s11] =	ssyncadd.s32 $0xFFFFF800;
	s14 =	sadd.s32 $0x800, s14;
	p0 =	sne.s32 s15, $0x4E00  }
0x24: {  	[spmem:s2] =	stream.indirect.scatter.add.f32 [tilespmem:s14], [sflag:$0x1], $0x10, s16, s12, $0xb8;
	[tilespmem:$0x1A240] =	vst v63  }
.Ltmp0:
0x25: {  	_ = 	snop;
	(pc) =	sbr.rel @p0 .LBB2_2-.Ltmp0, $4  }
0x26: {  	_ = 	snop  }
0x27: {  	s15 =	sadd.s32 $0x200, s15  }
0x28: {  	_ =	swait.ge [sflag:s11], $0x800  }
0x29: {  	[sflag:s11] =	ssyncset.done $0x0  }
0x2a: {  	[sflag:s11] =	ssyncadd.s32 $0xFFFFF800  }
0x2b: {  	[bflag:$0x0] =	sbarrier.arrive $0xFFFF  }
0x2c: {  	[tilespmem:s10], [sflag:$0x1] =	stream.linear.gather [spmem:s5], $0x2720, $0x38;
	[tilespmem:$0x1A240] =	vst v63  }
0x2d: {  	s13 =	sadd.s32 $0x1, s13;
	_ =	swait.ge [sflag:s11], $0x2720  }
0x2e: {  	p0 =	sne.s32 s13, s9;
	[sflag:s11] =	ssyncset.done $0x0  }
.Ltmp1:
0x2f: {  	[sflag:s11] =	ssyncadd.s32 $0xFFFFD8E0;
	(pc) =	sbr.rel @p0 .LBB2_1-.Ltmp1, $4  }
0x30: {  	[hbm4b:s8+s3] =	stream.linear.scatter [tilespmem:s10], [sflag:$0x1], $0x2720, $0x38;
	[tilespmem:$0x1A240] =	vst v63  }
0x31: {  	_ =	swait.ge [sflag:s11], $0x2720  }
0x32: {  	[sflag:s11] =	ssyncset.done $0x0  }
0x33: {  	[sflag:s11] =	ssyncadd.s32 $0xFFFFD8E0  }
0x34: {  	_ =	sfence.sel $0x180000  }
0x35: {  	[bflag:$0x0] =	sbarrier.arrive $0xFFFF  }
0x36: {  	p0 =	sne.s32 s0, $0x0;
	_ =	strace $0x90000059  }
0x37: {  	s0 =	sadd.s32 @!p0 $0x100000, s1;
	[bflag:$0x2] =	sbarrier.arrive $0xFFFF  }
0x38: {  	[sflag:s0] =	ssyncadd.tile.s32 @!p0 $0x1;
	_ =	shalt  }
.Lfunc_end2:
_tile_overlayer_lowered:
.L_overlay_start_2:
0x39: {  	(tag) =	ssettag $0x2  }
0x3a: {  	s0 =	rddreg [dreg:$0x0];
	s2 =	stileid.u32  }
0x3b: {  	s1 =	rddreg [dreg:$0x1];
	p0 =	sne.s32 s2, $0x0  }
0x3c: {  	s3 =	rddreg [dreg:$0x2];
	[bflag:$0x3] =	sbarrier.arrive $0xFFFF;
	s2 =	simm.s32 @!p0 $0x1C01  }
0x3d: {  	[timem:s3], [sflag:s2] =	dma.local @!p0 [hbm:s0], s1  }
0x3e: {  	s0 =	simm.s32 @!p0 $0x1  }
0x3f: {  	_ =	swait.ge @!p0 [sflag:s0], s1  }
0x40: {  	s1 =	ssub.s32 @!p0 $0x0, s1;
	[sflag:s0] =	ssyncset.done @!p0 $0x0  }
0x41: {  	[sflag:s0] =	ssyncadd.s32 @!p0 s1  }
0x42: {  	[bflag:$0x3] =	sbarrier.arrive $0xFFFF  }
0x43: {  	_ =	shalt  }

</sc_bundles>
